<compile_context>
chip_gen: v7x
topology: tpu7x:2x2x1
jax: 0.10.2.dev20260603
libtpu: 0.0.44.dev20260713+nightly
codegen_flags: <defaults>
</compile_context>

<pallas_src>
import dataclasses

import jax
import jax.numpy as jnp
from jax import lax
from jax.experimental import pallas as pl
from jax.experimental.pallas import tpu as pltpu
from jax.experimental.pallas import tpu_sc as plsc

N = 50000
E = 800000
G = 128
NP = 50176
NB = NP // 512
EP = 819200
ROWS_T = NP // 16
F32 = jnp.float32
I32 = jnp.int32
HIGHEST = lax.Precision.HIGHEST


def _dot(a, b):
    return lax.dot_general(a, b, (((1,), (0,)), ((), ())),
                           precision=HIGHEST, preferred_element_type=F32)


def _k1_body(x_ref, m1w_ref, t1_ref, m1o_ref, msc):
    i = pl.program_id(0)
    t = _dot(x_ref[...], m1w_ref[...])
    t1_ref[...] = t
    bm = jnp.broadcast_to(jnp.max(t, axis=0, keepdims=True), (8, 16))

    @pl.when(i == 0)
    def _():
        msc[...] = bm

    msc[...] = jnp.maximum(msc[...], bm)

    @pl.when(i == NB - 1)
    def _():
        sc = msc[...]
        z = sc[:, 5:9] + sc[:, 9:13]
        m = jnp.maximum(z, 0.2 * z)
        m1o_ref[...] = jnp.concatenate([m, jnp.zeros((8, 12), F32)], axis=1)


def _k2_body(t1_hbm, src_hbm, dst_hbm, m1_hbm, z16_hbm,
             outa_hbm, outb_hbm,
             srows, drows, pay, sidx, didx, mbuf, acc):
    c = lax.axis_index("c")
    s = lax.axis_index("s")
    pltpu.sync_copy(z16_hbm.at[pl.ds(s * ROWS_T, ROWS_T)],
                    acc.at[pl.ds(s * ROWS_T, ROWS_T)])
    pltpu.sync_copy(m1_hbm, mbuf)
    z16v = jnp.zeros((16,), F32)
    iota = lax.iota(I32, 16)

    @pl.loop(0, 128, step=16)
    def _(j):
        rows = iota + j
        for col in range(12, 16):
            plsc.store_scatter(pay, [rows, jnp.full((16,), col, I32)], z16v)

    plsc.subcore_barrier()

    mrow = mbuf[0]
    coff2 = c * 2
    ebase = s * (EP // 16)

    @pl.loop(0, EP // 16, step=128)
    def _(off):
        eb = ebase + off
        pltpu.sync_copy(src_hbm.at[pl.ds(eb, 128)], sidx)
        pltpu.sync_copy(dst_hbm.at[pl.ds(eb, 128)], didx)
        pltpu.sync_copy(t1_hbm.at[sidx], srows)
        pltpu.sync_copy(t1_hbm.at[didx], drows)

        @pl.loop(0, 128, step=16)
        def _(j):
            rows = iota + j
            xk = [plsc.load_gather(srows, [rows, jnp.full((16,), k, I32)])
                  for k in range(5)]
            for hh in range(2):
                hcol = jnp.full((16,), 5 + hh, I32) + coff2
                a = plsc.load_gather(srows, [rows, hcol])
                d = plsc.load_gather(drows, [rows, hcol + 4])
                z = a + d
                mh = jnp.where(c == 0, mrow[hh], mrow[2 + hh])
                ex = jnp.exp(jnp.maximum(z, 0.2 * z) - mh)
                plsc.store_scatter(pay, [rows, jnp.full((16,), hh, I32)], ex)
                for k in range(5):
                    plsc.store_scatter(
                        pay, [rows, jnp.full((16,), 2 + hh * 5 + k, I32)],
                        ex * xk[k])

        pltpu.sync_copy(pay, acc.at[didx], add=True)

    plsc.subcore_barrier()

    @pl.when(c == 0)
    def _():
        pltpu.sync_copy(acc.at[pl.ds(s * ROWS_T, ROWS_T)],
                        outa_hbm.at[pl.ds(s * ROWS_T, ROWS_T)])

    @pl.when(c == 1)
    def _():
        pltpu.sync_copy(acc.at[pl.ds(s * ROWS_T, ROWS_T)],
                        outb_hbm.at[pl.ds(s * ROWS_T, ROWS_T)])


def _k3_body(a_ref, t1_ref, m1_ref, wb_ref, b1_ref, w2x_ref,
             pkt_ref, sad_ref, h2_ref, m2o_ref, msc):
    i = pl.program_id(0)
    A = a_ref[...]
    den1 = jnp.concatenate([A[:, 0:2], A[:, 16:18]], axis=1)
    U = jnp.concatenate([A[:, 2:12], A[:, 18:28]], axis=1)
    t1 = t1_ref[...]
    xb = t1[:, 0:5]
    s1 = t1[:, 5:9]
    d1 = t1[:, 9:13]
    m1v = m1_ref[...][0:1, 0:4]
    z = s1 + d1
    exs = jnp.exp(jnp.maximum(z, 0.2 * z) - m1v)
    den = den1 + exs
    parts = []
    for h in range(4):
        Uh = U[:, h * 5:(h + 1) * 5] + exs[:, h:h + 1] * xb
        parts.append(Uh / den[:, h:h + 1])
    Up = jnp.concatenate(parts + [jnp.zeros((512, 12), F32)], axis=1)
    out1 = _dot(Up, wb_ref[...]) + b1_ref[...][0:1, :]
    hin = jnp.maximum(out1, 0.0)
    h2x = _dot(hin, w2x_ref[...])
    h2 = h2x[:, 0:64]
    as2 = h2x[:, 64:65]
    ad2 = h2x[:, 65:66]
    h2_ref[...] = h2
    as_u = lax.bitcast_convert_type(
        as2.astype(jnp.bfloat16), jnp.uint16).astype(jnp.uint32)
    ad_u = lax.bitcast_convert_type(
        ad2.astype(jnp.bfloat16), jnp.uint16).astype(jnp.uint32)
    pkt_ref[...] = ((as_u << 16) | ad_u).astype(I32)
    sad_ref[...] = jnp.concatenate(
        [as2, ad2, jnp.zeros((512, 14), F32)], axis=1)

    mx = jnp.max(h2x[:, 64:66], axis=0, keepdims=True)
    bm = jnp.broadcast_to(
        jnp.concatenate([mx, jnp.zeros((1, 14), F32)], axis=1), (8, 16))

    @pl.when(i == 0)
    def _():
        msc[...] = bm

    msc[...] = jnp.maximum(msc[...], bm)

    @pl.when(i == NB - 1)
    def _():
        sc = msc[...]
        zz = sc[0:1, 0:1] + sc[0:1, 1:2]
        m2 = jnp.maximum(zz, 0.2 * zz)
        m2o_ref[...] = jnp.broadcast_to(m2, (8, 16))


def _k4_body(tq_hbm, src_hbm, dst_hbm, as2_hbm, ad2_hbm, m2_hbm, z8_hbm,
             outa_hbm, outb_hbm,
             srows, pay, sidx, didx, mbuf, as2v, ad2v, acc):
    c = lax.axis_index("c")
    s = lax.axis_index("s")
    pltpu.sync_copy(as2_hbm, as2v)
    pltpu.sync_copy(ad2_hbm, ad2v)
    pltpu.sync_copy(m2_hbm, mbuf)
    pltpu.sync_copy(z8_hbm.at[pl.ds(s * ROWS_T, ROWS_T)],
                    acc.at[pl.ds(s * ROWS_T, ROWS_T)])
    plsc.subcore_barrier()

    iota = lax.iota(I32, 16)
    ebase = s * (EP // 16)
    m2s = mbuf[0][0]
    cbase = c * 8

    @pl.loop(0, EP // 16, step=128)
    def _(off):
        eb = ebase + off
        pltpu.sync_copy(src_hbm.at[pl.ds(eb, 128)], sidx)
        pltpu.sync_copy(dst_hbm.at[pl.ds(eb, 128)], didx)
        pltpu.sync_copy(tq_hbm.at[sidx], srows)

        @pl.loop(0, 128, step=16)
        def _(j):
            rows = iota + j
            si = sidx[pl.ds(j, 16)]
            di = didx[pl.ds(j, 16)]
            as2 = plsc.load_gather(as2v, [si >> 4, si & 15])
            ad2 = plsc.load_gather(ad2v, [di >> 4, di & 15])
            z = as2 + ad2
            ex = jnp.exp(jnp.maximum(z, 0.2 * z) - m2s)
            for k in range(8):
                hk = plsc.load_gather(
                    srows, [rows, jnp.full((16,), k, I32) + cbase])
                plsc.store_scatter(pay, [rows, jnp.full((16,), k, I32)],
                                   ex * hk)

        pltpu.sync_copy(pay, acc.at[didx], add=True)

    plsc.subcore_barrier()

    @pl.when(c == 0)
    def _():
        pltpu.sync_copy(acc.at[pl.ds(s * ROWS_T, ROWS_T)],
                        outa_hbm.at[pl.ds(s * ROWS_T, ROWS_T)])

    @pl.when(c == 1)
    def _():
        pltpu.sync_copy(acc.at[pl.ds(s * ROWS_T, ROWS_T)],
                        outb_hbm.at[pl.ds(s * ROWS_T, ROWS_T)])


def _k5_body(u_ref, den_ref, h2_ref, sad_ref,
             m2_ref, b2_ref, bat_ref, lw_ref, lb_ref, res_ref, ps):
    i = pl.program_id(0)
    m2v = m2_ref[...][0:1, 0:1]
    sad = sad_ref[...]
    as2 = sad[:, 0:1]
    ad2 = sad[:, 1:2]
    z = as2 + ad2
    exs = jnp.exp(jnp.maximum(z, 0.2 * z) - m2v)
    den = den_ref[...] + exs
    U = u_ref[...] + exs * h2_ref[...]
    hf = jnp.maximum(U / den + b2_ref[...][0:1, :], 0.0)
    b = bat_ref[...]
    oh = (lax.broadcasted_iota(I32, (512, 128), 1) == b).astype(F32)
    hfx = jnp.concatenate([hf, jnp.ones((512, 8), F32)], axis=1)
    contrib = lax.dot_general(oh, hfx, (((0,), (0,)), ((), ())),
                              precision=HIGHEST, preferred_element_type=F32)

    @pl.when(i == 0)
    def _():
        ps[...] = jnp.zeros((128, 72), F32)

    ps[...] = ps[...] + contrib

    @pl.when(i == NB - 1)
    def _():
        acc = ps[...]
        pooled = acc[:, 0:64] / jnp.maximum(acc[:, 64:65], 1.0)
        res_ref[...] = _dot(pooled, lw_ref[...]) + lb_ref[...][0:1, :]


def kernel(x, edge_index, batch, W1, a1_src, a1_dst, b1,
           W2, a2_src, a2_dst, b2, linW, linb):
    W1r = W1.reshape(5, 4, 64)
    vs1 = jnp.einsum('khc,hc->kh', W1r, a1_src)
    vd1 = jnp.einsum('khc,hc->kh', W1r, a1_dst)
    M1 = jnp.zeros((8, 16), F32)
    M1 = M1.at[:5, :5].set(jnp.eye(5, dtype=F32))
    M1 = M1.at[:5, 5:9].set(vs1)
    M1 = M1.at[:5, 9:13].set(vd1)
    Wbig = jnp.zeros((32, 256), F32)
    for h in range(4):
        Wbig = Wbig.at[h * 5:(h + 1) * 5, h * 64:(h + 1) * 64].set(W1r[:, h, :])
    W2x = jnp.concatenate(
        [W2, (W2 @ a2_src[0])[:, None], (W2 @ a2_dst[0])[:, None],
         jnp.zeros((256, 62), F32)], axis=1)
    b1m = jnp.broadcast_to(b1, (8, 256))
    b2m = jnp.broadcast_to(b2, (8, 64))
    linWp = jnp.concatenate([linW, jnp.zeros((64, 126), F32)], axis=1)
    linbm = jnp.broadcast_to(jnp.pad(linb, (0, 126)), (8, 128))

    x2 = jnp.pad(x, ((0, NP - N), (0, 3)))
    srcp = jnp.concatenate(
        [edge_index[0].astype(I32), jnp.full((EP - E,), N, I32)])
    dstp = jnp.concatenate(
        [edge_index[1].astype(I32), jnp.full((EP - E,), N, I32)])
    batc = jnp.concatenate(
        [batch.astype(I32), jnp.full((NP - N,), G, I32)]).reshape(NP, 1)
    z16 = jnp.zeros((NP, 16), F32)
    z8 = jnp.zeros((NP, 8), F32)

    cst = lambda shape: pl.BlockSpec(shape, lambda i: (0, 0))
    blk = lambda shape: pl.BlockSpec(shape, lambda i: (i, 0))
    mesh = plsc.VectorSubcoreMesh(core_axis_name="c", subcore_axis_name="s",
                                  num_cores=2, num_subcores=16)
    sc_params = pltpu.CompilerParams()
    if "needs_layout_passes" in pltpu.CompilerParams.__dataclass_fields__:
        sc_params = dataclasses.replace(sc_params, needs_layout_passes=False)
    if "use_tc_tiling_on_sc" in pltpu.CompilerParams.__dataclass_fields__:
        sc_params = dataclasses.replace(sc_params, use_tc_tiling_on_sc=False)
    sds = jax.ShapeDtypeStruct

    T1, m1 = pl.pallas_call(
        _k1_body,
        grid=(NB,),
        in_specs=[pl.BlockSpec((512, 8), lambda i: (i, 0)),
                  pl.BlockSpec((8, 16), lambda i: (0, 0))],
        out_specs=[pl.BlockSpec((512, 16), lambda i: (i, 0)),
                   pl.BlockSpec((8, 16), lambda i: (0, 0))],
        out_shape=[sds((NP, 16), F32), sds((8, 16), F32)],
        scratch_shapes=[pltpu.VMEM((8, 16), F32)],
    )(x2, M1)

    t1sc = jnp.pad(T1[:, 0:13], ((0, 0), (0, 3)))
    m1sc = jnp.pad(m1[:, 0:4], ((0, 0), (0, 12)))

    acc1a, acc1b = pl.kernel(
        _k2_body,
        out_type=(sds((NP, 16), F32), sds((NP, 16), F32)),
        mesh=mesh,
        scratch_types=[
            pltpu.VMEM((128, 16), F32),
            pltpu.VMEM((128, 16), F32),
            pltpu.VMEM((128, 16), F32),
            pltpu.VMEM((128,), I32),
            pltpu.VMEM((128,), I32),
            pltpu.VMEM((8, 16), F32),
            pltpu.VMEM_SHARED((NP, 16), F32),
        ],
        compiler_params=sc_params,
    )(t1sc, srcp, dstp, m1sc, z16)

    A1 = jnp.concatenate([acc1a, acc1b], axis=1)

    pktc, sad, h2f, m2 = pl.pallas_call(
        _k3_body,
        grid=(NB,),
        in_specs=[blk((512, 32)), blk((512, 16)),
                  cst((8, 16)), cst((32, 256)), cst((8, 256)), cst((256, 128))],
        out_specs=[blk((512, 1)), blk((512, 16)),
                   blk((512, 64)), cst((8, 16))],
        out_shape=[sds((NP, 1), I32), sds((NP, 16), F32),
                   sds((NP, 64), F32), sds((8, 16), F32)],
        scratch_shapes=[pltpu.VMEM((8, 16), F32)],
    )(A1, T1, m1, Wbig, b1m, W2x)

    tq = h2f[:, 0:16]
    as2t = sad[:, 0].reshape(ROWS_T, 16)
    ad2t = sad[:, 1].reshape(ROWS_T, 16)
    m2sc = jnp.pad(m2[:, 0:1], ((0, 0), (0, 15)))

    q0a, q0b = pl.kernel(
        _k4_body,
        out_type=(sds((NP, 8), F32), sds((NP, 8), F32)),
        mesh=mesh,
        scratch_types=[
            pltpu.VMEM((128, 16), F32),
            pltpu.VMEM((128, 8), F32),
            pltpu.VMEM((128,), I32),
            pltpu.VMEM((128,), I32),
            pltpu.VMEM((8, 16), F32),
            pltpu.VMEM((ROWS_T, 16), F32),
            pltpu.VMEM((ROWS_T, 16), F32),
            pltpu.VMEM_SHARED((NP, 8), F32),
        ],
        compiler_params=sc_params,
    )(tq, srcp, dstp, as2t, ad2t, m2sc, z8)

    src_r = edge_index[0].astype(I32)
    dst_r = edge_index[1].astype(I32)
    as2b = sad[:N, 0]
    ad2b = sad[:N, 1]
    m2s = m2[0, 0]
    zt = as2b[src_r] + ad2b[dst_r]
    ex_t = jnp.exp(jnp.maximum(zt, 0.2 * zt) - m2s)
    u_hi = jax.ops.segment_sum(ex_t[:, None] * h2f[src_r, 16:64], dst_r,
                               num_segments=N)
    u_hi = jnp.pad(u_hi, ((0, NP - N), (0, 0)))
    den_t = jax.ops.segment_sum(ex_t, dst_r, num_segments=N)

    den2c = jnp.pad(den_t, (0, NP - N)).reshape(NP, 1)
    U4 = jnp.concatenate([q0a, q0b, u_hi], axis=1)

    res = pl.pallas_call(
        _k5_body,
        grid=(NB,),
        in_specs=[blk((512, 64)), blk((512, 1)), blk((512, 64)),
                  blk((512, 16)), cst((8, 16)), cst((8, 64)),
                  blk((512, 1)), cst((64, 128)), cst((8, 128))],
        out_specs=pl.BlockSpec((128, 128), lambda i: (0, 0)),
        out_shape=sds((128, 128), F32),
        scratch_shapes=[pltpu.VMEM((128, 72), F32)],
    )(U4, den2c, h2f, sad, m2, b2m, batc, linWp, linbm)

    return res[:, :2]

# --- scband reference (transcript-rebuilt; emitter-appended) ---
"""Pipeline reference for scband-gatdetector-25924422598990 (READ-ONLY COPY).

The authoritative reference and input builder live on the scoring server;
editing this copy changes nothing except your own understanding.
"""

import jax, jax.numpy as jnp
import numpy as np

N = 50000
E = 800000
G = 128

def gat_conv(x, edge_index, W, a_src, a_dst, b, heads, ch, concat):
    n = x.shape[0]
    loop = jnp.arange(n, dtype=edge_index.dtype)
    src = jnp.concatenate([edge_index[0], loop])
    dst = jnp.concatenate([edge_index[1], loop])
    h = (x @ W).reshape(n, heads, ch)
    alpha_s = (h * a_src).sum(-1)
    alpha_d = (h * a_dst).sum(-1)
    e = alpha_s[src] + alpha_d[dst]
    e = jnp.where(e > 0, e, 0.2 * e)
    emax = jax.lax.stop_gradient(jax.ops.segment_max(e, dst, num_segments=n))
    ex = jnp.exp(e - emax[dst])
    den = jax.ops.segment_sum(ex, dst, num_segments=n)
    alpha = ex / (den[dst] + 1e-16)
    out = jax.ops.segment_sum(h[src] * alpha[:, :, None], dst, num_segments=n)
    if concat:
        out = out.reshape(n, heads * ch)
    else:
        out = out.mean(axis=1)
    return out + b

def setup_inputs(seed: int = 0):
    key = jax.random.key(seed)
    ks = jax.random.split(key, 12)
    x = jax.random.normal(ks[0], (N, 5), dtype=jnp.float32)
    edge_index = jax.random.randint(ks[1], (2, E), 0, N)
    batch = jnp.sort(jax.random.randint(ks[2], (N,), 0, G))
    W1 = jax.random.normal(ks[3], (5, 256), dtype=jnp.float32) * 0.1
    a1_src = jax.random.normal(ks[4], (4, 64), dtype=jnp.float32) * 0.1
    a1_dst = jax.random.normal(ks[5], (4, 64), dtype=jnp.float32) * 0.1
    b1 = jnp.zeros((256,), dtype=jnp.float32)
    W2 = jax.random.normal(ks[6], (256, 64), dtype=jnp.float32) * 0.1
    a2_src = jax.random.normal(ks[7], (1, 64), dtype=jnp.float32) * 0.1
    a2_dst = jax.random.normal(ks[8], (1, 64), dtype=jnp.float32) * 0.1
    b2 = jnp.zeros((64,), dtype=jnp.float32)
    linW = jax.random.normal(ks[9], (64, 2), dtype=jnp.float32) * 0.1
    linb = jnp.zeros((2,), dtype=jnp.float32)
    return {"x": x, "edge_index": edge_index, "batch": batch, "W1": W1, "a1_src": a1_src, "a1_dst": a1_dst, "b1": b1, "W2": W2, "a2_src": a2_src, "a2_dst": a2_dst, "b2": b2, "linW": linW, "linb": linb}

def reference(x, edge_index, batch, W1, a1_src, a1_dst, b1, W2, a2_src, a2_dst, b2, linW, linb):
    h = jax.nn.relu(gat_conv(x, edge_index, W1, a1_src, a1_dst, b1, 4, 64, True))
    h = jax.nn.relu(gat_conv(h, edge_index, W2, a2_src, a2_dst, b2, 1, 64, False))
    sums = jax.ops.segment_sum(h, batch, num_segments=G)
    cnt = jax.ops.segment_sum(jnp.ones((h.shape[0],), dtype=jnp.float32), batch, num_segments=G)
    pooled = sums / jnp.maximum(cnt, 1.0)[:, None]
    return pooled @ linW + linb

if __name__ == "__main__":
    import jax
    _d = setup_inputs()
    print(jax.jit(kernel)(*tuple(_d.values())))

</pallas_src>

<mosaic_0001>
#map = affine_map<(d0, d1) -> (0, 0)>
#map1 = affine_map<(d0, d1) -> (0)>
module attributes {stable_mosaic.version = 14 : i64} {
  func.func @_k4_body(%arg0: i32, %arg1: i32, %arg2: memref<50176x16xf32, #tpu.memory_space<hbm>>, %arg3: memref<819200xi32, #tpu.memory_space<hbm>>, %arg4: memref<819200xi32, #tpu.memory_space<hbm>>, %arg5: memref<3136x16xf32, #tpu.memory_space<hbm>>, %arg6: memref<3136x16xf32, #tpu.memory_space<hbm>>, %arg7: memref<8x16xf32, #tpu.memory_space<hbm>>, %arg8: memref<50176x8xf32, #tpu.memory_space<hbm>>, %arg9: memref<50176x8xf32, #tpu.memory_space<hbm>>, %arg10: memref<50176x8xf32, #tpu.memory_space<hbm>>, %arg11: memref<128x16xf32, #tpu.memory_space<vmem>>, %arg12: memref<128x8xf32, #tpu.memory_space<vmem>>, %arg13: memref<128xi32, #tpu.memory_space<vmem>>, %arg14: memref<128xi32, #tpu.memory_space<vmem>>, %arg15: memref<8x16xf32, #tpu.memory_space<vmem>>, %arg16: memref<3136x16xf32, #tpu.memory_space<vmem>>, %arg17: memref<3136x16xf32, #tpu.memory_space<vmem>>, %arg18: memref<50176x8xf32, #tpu.memory_space<vmem_shared>>) attributes {dimension_semantics = [#tpu.dimension_semantics<core_parallel>, #tpu.dimension_semantics<subcore_parallel>], iteration_bounds = array<i64: 2, 16>, scalar_prefetch = 0 : i64, scratch_operands = 8 : i64, tpu.core_type = #tpu.core_type<sc_vector_subcore>, window_params = [{transform_indices = #map}, {transform_indices = #map1}, {transform_indices = #map1}, {transform_indices = #map}, {transform_indices = #map}, {transform_indices = #map}, {transform_indices = #map}, {transform_indices = #map}, {transform_indices = #map}]} {
    "tpu.region"() ({
      %run_scoped3A = tpu.sem_alloc : memref<!tpu.dma_semaphore, #tpu.memory_space<semaphore_mem>>
      tpu.enqueue_dma source(%arg5 : memref<3136x16xf32, #tpu.memory_space<hbm>>) target(%arg16 : memref<3136x16xf32, #tpu.memory_space<vmem>>) target_semaphore(%run_scoped3A : memref<!tpu.dma_semaphore, #tpu.memory_space<semaphore_mem>>)
      tpu.wait_dma2 semaphore(%run_scoped3A : memref<!tpu.dma_semaphore, #tpu.memory_space<semaphore_mem>>) src(%arg5 : memref<3136x16xf32, #tpu.memory_space<hbm>>) dst(%arg16 : memref<3136x16xf32, #tpu.memory_space<vmem>>)
      tpu.yield
    }) : () -> ()
    "tpu.region"() ({
      %run_scoped3A = tpu.sem_alloc : memref<!tpu.dma_semaphore, #tpu.memory_space<semaphore_mem>>
      tpu.enqueue_dma source(%arg6 : memref<3136x16xf32, #tpu.memory_space<hbm>>) target(%arg17 : memref<3136x16xf32, #tpu.memory_space<vmem>>) target_semaphore(%run_scoped3A : memref<!tpu.dma_semaphore, #tpu.memory_space<semaphore_mem>>)
      tpu.wait_dma2 semaphore(%run_scoped3A : memref<!tpu.dma_semaphore, #tpu.memory_space<semaphore_mem>>) src(%arg6 : memref<3136x16xf32, #tpu.memory_space<hbm>>) dst(%arg17 : memref<3136x16xf32, #tpu.memory_space<vmem>>)
      tpu.yield
    }) : () -> ()
    "tpu.region"() ({
      %run_scoped3A = tpu.sem_alloc : memref<!tpu.dma_semaphore, #tpu.memory_space<semaphore_mem>>
      tpu.enqueue_dma source(%arg7 : memref<8x16xf32, #tpu.memory_space<hbm>>) target(%arg15 : memref<8x16xf32, #tpu.memory_space<vmem>>) target_semaphore(%run_scoped3A : memref<!tpu.dma_semaphore, #tpu.memory_space<semaphore_mem>>)
      tpu.wait_dma2 semaphore(%run_scoped3A : memref<!tpu.dma_semaphore, #tpu.memory_space<semaphore_mem>>) src(%arg7 : memref<8x16xf32, #tpu.memory_space<hbm>>) dst(%arg15 : memref<8x16xf32, #tpu.memory_space<vmem>>)
      tpu.yield
    }) : () -> ()
    %mul3A = arith.constant 3136 : i32
    %mul3A_0 = arith.muli %arg1, %mul3A : i32
    %mul3A_1 = arith.constant 3136 : i32
    %mul3A_2 = arith.muli %arg1, %mul3A_1 : i32
    "tpu.region"() ({
      %run_scoped3A = tpu.sem_alloc : memref<!tpu.dma_semaphore, #tpu.memory_space<semaphore_mem>>
      %dma_start3A = arith.constant 0 : i32
      %dma_start3A_22 = tpu.memref_slice %arg18[%mul3A_2, %dma_start3A] : memref<50176x8xf32, #tpu.memory_space<vmem_shared>> -> memref<3136x8xf32, #tpu.memory_space<vmem_shared>>
      %dma_start3A_23 = arith.constant 0 : i32
      %dma_start3A_24 = tpu.memref_slice %arg8[%mul3A_0, %dma_start3A_23] : memref<50176x8xf32, #tpu.memory_space<hbm>> -> memref<3136x8xf32, #tpu.memory_space<hbm>>
      tpu.enqueue_dma source(%dma_start3A_24 : memref<3136x8xf32, #tpu.memory_space<hbm>>) target(%dma_start3A_22 : memref<3136x8xf32, #tpu.memory_space<vmem_shared>>) target_semaphore(%run_scoped3A : memref<!tpu.dma_semaphore, #tpu.memory_space<semaphore_mem>>)
      %dma_wait3A = arith.constant 0 : i32
      %dma_wait3A_25 = tpu.memref_slice %arg18[%mul3A_2, %dma_wait3A] : memref<50176x8xf32, #tpu.memory_space<vmem_shared>> -> memref<3136x8xf32, #tpu.memory_space<vmem_shared>>
      %dma_wait3A_26 = arith.constant 0 : i32
      %dma_wait3A_27 = tpu.memref_slice %arg8[%mul3A_0, %dma_wait3A_26] : memref<50176x8xf32, #tpu.memory_space<hbm>> -> memref<3136x8xf32, #tpu.memory_space<hbm>>
      tpu.wait_dma2 semaphore(%run_scoped3A : memref<!tpu.dma_semaphore, #tpu.memory_space<semaphore_mem>>) src(%dma_wait3A_27 : memref<3136x8xf32, #tpu.memory_space<hbm>>) dst(%dma_wait3A_25 : memref<3136x8xf32, #tpu.memory_space<vmem_shared>>)
      tpu.yield
    }) : () -> ()
    %barrier3A = arith.constant 0 : index
    tpu.barrier barrier_id(%barrier3A)
    %iota3A = tpu.iota {dimensions = array<i32: 0>} : vector<16xi32>
    %mul3A_3 = arith.constant 51200 : i32
    %mul3A_4 = arith.muli %arg1, %mul3A_3 : i32
    %get3A = arith.constant 0 : i32
    %get3A_5 = arith.index_cast %get3A : i32 to index
    %get3A_6 = arith.constant 0 : index
    %get3A_7 = tpu.vector_load %arg15[%get3A_5, %get3A_6] {strides = array<i32>} : memref<8x16xf32, #tpu.memory_space<vmem>>, vector<16xf32>,
    %slice3A = vector.extract_strided_slice %get3A_7 {offsets = [0], sizes = [1], strides = [1]} : vector<16xf32> to vector<1xf32>
    %squeeze3A = vector.extract %slice3A[0] : f32 from vector<1xf32>
    %mul3A_8 = arith.constant 8 : i32
    %mul3A_9 = arith.muli %arg0, %mul3A_8 : i32
    %scan3A = arith.constant 0 : i32
    %scan3A_10 = arith.constant 400 : i32
    %scan3A_11 = arith.addi %scan3A, %scan3A_10 : i32
    %scan3A_12 = arith.constant 1 : i32
    scf.for %scan3A_22 = %scan3A to %scan3A_11 step %scan3A_12  : i32 {
      %mul3A_23 = arith.constant 128 : i32
      %mul3A_24 = arith.muli %scan3A_22, %mul3A_23 : i32
      %add3A = arith.constant 0 : i32
      %add3A_25 = arith.addi %add3A, %mul3A_24 : i32
      %add3A_26 = arith.addi %mul3A_4, %add3A_25 : i32
      "tpu.region"() ({
        %run_scoped3A = tpu.sem_alloc : memref<!tpu.dma_semaphore, #tpu.memory_space<semaphore_mem>>
        %dma_start3A = tpu.memref_slice %arg3[%add3A_26] : memref<819200xi32, #tpu.memory_space<hbm>> -> memref<128xi32, #tpu.memory_space<hbm>>
        %dma_start3A_32 = tpu.memref_slice %arg3[%add3A_26] : memref<819200xi32, #tpu.memory_space<hbm>> -> memref<128xi32, #tpu.memory_space<hbm>>
        tpu.enqueue_dma source(%dma_start3A_32 : memref<128xi32, #tpu.memory_space<hbm>>) target(%arg13 : memref<128xi32, #tpu.memory_space<vmem>>) target_semaphore(%run_scoped3A : memref<!tpu.dma_semaphore, #tpu.memory_space<semaphore_mem>>)
        %dma_wait3A = tpu.memref_slice %arg3[%add3A_26] : memref<819200xi32, #tpu.memory_space<hbm>> -> memref<128xi32, #tpu.memory_space<hbm>>
        %dma_wait3A_33 = tpu.memref_slice %arg3[%add3A_26] : memref<819200xi32, #tpu.memory_space<hbm>> -> memref<128xi32, #tpu.memory_space<hbm>>
        tpu.wait_dma2 semaphore(%run_scoped3A : memref<!tpu.dma_semaphore, #tpu.memory_space<semaphore_mem>>) src(%dma_wait3A_33 : memref<128xi32, #tpu.memory_space<hbm>>) dst(%arg13 : memref<128xi32, #tpu.memory_space<vmem>>)
        tpu.yield
      }) : () -> ()
      "tpu.region"() ({
        %run_scoped3A = tpu.sem_alloc : memref<!tpu.dma_semaphore, #tpu.memory_space<semaphore_mem>>
        %dma_start3A = tpu.memref_slice %arg4[%add3A_26] : memref<819200xi32, #tpu.memory_space<hbm>> -> memref<128xi32, #tpu.memory_space<hbm>>
        %dma_start3A_32 = tpu.memref_slice %arg4[%add3A_26] : memref<819200xi32, #tpu.memory_space<hbm>> -> memref<128xi32, #tpu.memory_space<hbm>>
        tpu.enqueue_dma source(%dma_start3A_32 : memref<128xi32, #tpu.memory_space<hbm>>) target(%arg14 : memref<128xi32, #tpu.memory_space<vmem>>) target_semaphore(%run_scoped3A : memref<!tpu.dma_semaphore, #tpu.memory_space<semaphore_mem>>)
        %dma_wait3A = tpu.memref_slice %arg4[%add3A_26] : memref<819200xi32, #tpu.memory_space<hbm>> -> memref<128xi32, #tpu.memory_space<hbm>>
        %dma_wait3A_33 = tpu.memref_slice %arg4[%add3A_26] : memref<819200xi32, #tpu.memory_space<hbm>> -> memref<128xi32, #tpu.memory_space<hbm>>
        tpu.wait_dma2 semaphore(%run_scoped3A : memref<!tpu.dma_semaphore, #tpu.memory_space<semaphore_mem>>) src(%dma_wait3A_33 : memref<128xi32, #tpu.memory_space<hbm>>) dst(%arg14 : memref<128xi32, #tpu.memory_space<vmem>>)
        tpu.yield
      }) : () -> ()
      "tpu.region"() ({
        %run_scoped3A = tpu.sem_alloc : memref<!tpu.dma_semaphore, #tpu.memory_space<semaphore_mem>>
        %dma_start3A = arith.constant 0 : i32
        %dma_start3A_32 = arith.constant 0 : i32
        %dma_start3A_33 = tpu.memref_slice %arg2[%dma_start3A, %dma_start3A_32] : memref<50176x16xf32, #tpu.memory_space<hbm>> -> memref<50176x16xf32, #tpu.memory_space<hbm>>
        tpu.enqueue_indirect_dma source(%dma_start3A_33 : memref<50176x16xf32, #tpu.memory_space<hbm>>) target(%arg11 : memref<128x16xf32, #tpu.memory_space<vmem>>) offsets(%arg13 : memref<128xi32, #tpu.memory_space<vmem>>) semaphore(%run_scoped3A : memref<!tpu.dma_semaphore, #tpu.memory_space<semaphore_mem>>)
        %dma_wait3A = arith.constant 0 : i32
        %dma_wait3A_34 = arith.constant 0 : i32
        %dma_wait3A_35 = tpu.memref_slice %arg2[%dma_wait3A, %dma_wait3A_34] : memref<50176x16xf32, #tpu.memory_space<hbm>> -> memref<50176x16xf32, #tpu.memory_space<hbm>>
        tpu.wait_indirect_dma semaphore(%run_scoped3A : memref<!tpu.dma_semaphore, #tpu.memory_space<semaphore_mem>>) src(%dma_wait3A_35 : memref<50176x16xf32, #tpu.memory_space<hbm>>) dst(%arg11 : memref<128x16xf32, #tpu.memory_space<vmem>>)
        tpu.yield
      }) : () -> ()
      %scan3A_27 = arith.constant 0 : i32
      %scan3A_28 = arith.constant 8 : i32
      %scan3A_29 = arith.addi %scan3A_27, %scan3A_28 : i32
      %scan3A_30 = arith.constant 1 : i32
      scf.for %scan3A_32 = %scan3A_27 to %scan3A_29 step %scan3A_30  : i32 {
        %mul3A_33 = arith.constant 16 : i32
        %mul3A_34 = arith.muli %scan3A_32, %mul3A_33 : i32
        %add3A_35 = arith.constant 0 : i32
        %add3A_36 = arith.addi %add3A_35, %mul3A_34 : i32
        %add3A_37 = vector.broadcast %add3A_36 : i32 to vector<16xi32>
        %add3A_38 = arith.addi %iota3A, %add3A_37 : vector<16xi32>
        %get3A_39 = arith.index_cast %add3A_36 : i32 to index
        %get3A_40 = tpu.vector_load %arg13[%get3A_39] {strides = array<i32>} : memref<128xi32, #tpu.memory_space<vmem>>, vector<16xi32>,
        %get3A_41 = arith.index_cast %add3A_36 : i32 to index
        %get3A_42 = tpu.vector_load %arg14[%get3A_41] {strides = array<i32>} : memref<128xi32, #tpu.memory_space<vmem>>, vector<16xi32>,
        %shift_right_arithmetic3A = arith.constant 4 : i32
        %shift_right_arithmetic3A_43 = vector.broadcast %shift_right_arithmetic3A : i32 to vector<16xi32>
        %shift_right_arithmetic3A_44 = arith.shrsi %get3A_40, %shift_right_arithmetic3A_43 : vector<16xi32>
        %and3A = arith.constant 15 : i32
        %and3A_45 = vector.broadcast %and3A : i32 to vector<16xi32>
        %and3A_46 = arith.andi %get3A_40, %and3A_45 : vector<16xi32>
        %gather3A = tpu.vector_load_idx %arg16[%shift_right_arithmetic3A_44, %and3A_46] : memref<3136x16xf32, #tpu.memory_space<vmem>>[vector<16xi32>, vector<16xi32>], vector<16xf32>,
        %shift_right_arithmetic3A_47 = arith.constant 4 : i32
        %shift_right_arithmetic3A_48 = vector.broadcast %shift_right_arithmetic3A_47 : i32 to vector<16xi32>
        %shift_right_arithmetic3A_49 = arith.shrsi %get3A_42, %shift_right_arithmetic3A_48 : vector<16xi32>
        %and3A_50 = arith.constant 15 : i32
        %and3A_51 = vector.broadcast %and3A_50 : i32 to vector<16xi32>
        %and3A_52 = arith.andi %get3A_42, %and3A_51 : vector<16xi32>
        %gather3A_53 = tpu.vector_load_idx %arg17[%shift_right_arithmetic3A_49, %and3A_52] : memref<3136x16xf32, #tpu.memory_space<vmem>>[vector<16xi32>, vector<16xi32>], vector<16xf32>,
        %add3A_54 = arith.addf %gather3A, %gather3A_53 : vector<16xf32>
        %mul3A_55 = arith.constant 2.000000e-01 : f32
        %mul3A_56 = vector.broadcast %mul3A_55 : f32 to vector<16xf32>
        %mul3A_57 = arith.mulf %mul3A_56, %add3A_54 : vector<16xf32>
        %max3A = arith.maximumf %add3A_54, %mul3A_57 : vector<16xf32>
        %sub3A = vector.broadcast %squeeze3A : f32 to vector<16xf32>
        %sub3A_58 = arith.subf %max3A, %sub3A : vector<16xf32>
        %exp3A = math.exp %sub3A_58 : vector<16xf32>
        %broadcast_in_dim3A = arith.constant 0 : i32
        %broadcast_in_dim3A_59 = vector.broadcast %broadcast_in_dim3A : i32 to vector<16xi32>
        %add3A_60 = vector.broadcast %mul3A_9 : i32 to vector<16xi32>
        %add3A_61 = arith.addi %broadcast_in_dim3A_59, %add3A_60 : vector<16xi32>
        %gather3A_62 = tpu.vector_load_idx %arg11[%add3A_38, %add3A_61] : memref<128x16xf32, #tpu.memory_space<vmem>>[vector<16xi32>, vector<16xi32>], vector<16xf32>,
        %broadcast_in_dim3A_63 = arith.constant 0 : i32
        %broadcast_in_dim3A_64 = vector.broadcast %broadcast_in_dim3A_63 : i32 to vector<16xi32>
        %mul3A_65 = arith.mulf %exp3A, %gather3A_62 : vector<16xf32>
        tpu.vector_store_idx %arg12[%add3A_38, %broadcast_in_dim3A_64], %mul3A_65 : memref<128x8xf32, #tpu.memory_space<vmem>>[vector<16xi32>, vector<16xi32>], vector<16xf32>,
        %broadcast_in_dim3A_66 = arith.constant 1 : i32
        %broadcast_in_dim3A_67 = vector.broadcast %broadcast_in_dim3A_66 : i32 to vector<16xi32>
        %add3A_68 = vector.broadcast %mul3A_9 : i32 to vector<16xi32>
        %add3A_69 = arith.addi %broadcast_in_dim3A_67, %add3A_68 : vector<16xi32>
        %gather3A_70 = tpu.vector_load_idx %arg11[%add3A_38, %add3A_69] : memref<128x16xf32, #tpu.memory_space<vmem>>[vector<16xi32>, vector<16xi32>], vector<16xf32>,
        %broadcast_in_dim3A_71 = arith.constant 1 : i32
        %broadcast_in_dim3A_72 = vector.broadcast %broadcast_in_dim3A_71 : i32 to vector<16xi32>
        %mul3A_73 = arith.mulf %exp3A, %gather3A_70 : vector<16xf32>
        tpu.vector_store_idx %arg12[%add3A_38, %broadcast_in_dim3A_72], %mul3A_73 : memref<128x8xf32, #tpu.memory_space<vmem>>[vector<16xi32>, vector<16xi32>], vector<16xf32>,
        %broadcast_in_dim3A_74 = arith.constant 2 : i32
        %broadcast_in_dim3A_75 = vector.broadcast %broadcast_in_dim3A_74 : i32 to vector<16xi32>
        %add3A_76 = vector.broadcast %mul3A_9 : i32 to vector<16xi32>
        %add3A_77 = arith.addi %broadcast_in_dim3A_75, %add3A_76 : vector<16xi32>
        %gather3A_78 = tpu.vector_load_idx %arg11[%add3A_38, %add3A_77] : memref<128x16xf32, #tpu.memory_space<vmem>>[vector<16xi32>, vector<16xi32>], vector<16xf32>,
        %broadcast_in_dim3A_79 = arith.constant 2 : i32
        %broadcast_in_dim3A_80 = vector.broadcast %broadcast_in_dim3A_79 : i32 to vector<16xi32>
        %mul3A_81 = arith.mulf %exp3A, %gather3A_78 : vector<16xf32>
        tpu.vector_store_idx %arg12[%add3A_38, %broadcast_in_dim3A_80], %mul3A_81 : memref<128x8xf32, #tpu.memory_space<vmem>>[vector<16xi32>, vector<16xi32>], vector<16xf32>,
        %broadcast_in_dim3A_82 = arith.constant 3 : i32
        %broadcast_in_dim3A_83 = vector.broadcast %broadcast_in_dim3A_82 : i32 to vector<16xi32>
        %add3A_84 = vector.broadcast %mul3A_9 : i32 to vector<16xi32>
        %add3A_85 = arith.addi %broadcast_in_dim3A_83, %add3A_84 : vector<16xi32>
        %gather3A_86 = tpu.vector_load_idx %arg11[%add3A_38, %add3A_85] : memref<128x16xf32, #tpu.memory_space<vmem>>[vector<16xi32>, vector<16xi32>], vector<16xf32>,
        %broadcast_in_dim3A_87 = arith.constant 3 : i32
        %broadcast_in_dim3A_88 = vector.broadcast %broadcast_in_dim3A_87 : i32 to vector<16xi32>
        %mul3A_89 = arith.mulf %exp3A, %gather3A_86 : vector<16xf32>
        tpu.vector_store_idx %arg12[%add3A_38, %broadcast_in_dim3A_88], %mul3A_89 : memref<128x8xf32, #tpu.memory_space<vmem>>[vector<16xi32>, vector<16xi32>], vector<16xf32>,
        %broadcast_in_dim3A_90 = arith.constant 4 : i32
        %broadcast_in_dim3A_91 = vector.broadcast %broadcast_in_dim3A_90 : i32 to vector<16xi32>
        %add3A_92 = vector.broadcast %mul3A_9 : i32 to vector<16xi32>
        %add3A_93 = arith.addi %broadcast_in_dim3A_91, %add3A_92 : vector<16xi32>
        %gather3A_94 = tpu.vector_load_idx %arg11[%add3A_38, %add3A_93] : memref<128x16xf32, #tpu.memory_space<vmem>>[vector<16xi32>, vector<16xi32>], vector<16xf32>,
        %broadcast_in_dim3A_95 = arith.constant 4 : i32
        %broadcast_in_dim3A_96 = vector.broadcast %broadcast_in_dim3A_95 : i32 to vector<16xi32>
        %mul3A_97 = arith.mulf %exp3A, %gather3A_94 : vector<16xf32>
        tpu.vector_store_idx %arg12[%add3A_38, %broadcast_in_dim3A_96], %mul3A_97 : memref<128x8xf32, #tpu.memory_space<vmem>>[vector<16xi32>, vector<16xi32>], vector<16xf32>,
        %broadcast_in_dim3A_98 = arith.constant 5 : i32
        %broadcast_in_dim3A_99 = vector.broadcast %broadcast_in_dim3A_98 : i32 to vector<16xi32>
        %add3A_100 = vector.broadcast %mul3A_9 : i32 to vector<16xi32>
        %add3A_101 = arith.addi %broadcast_in_dim3A_99, %add3A_100 : vector<16xi32>
        %gather3A_102 = tpu.vector_load_idx %arg11[%add3A_38, %add3A_101] : memref<128x16xf32, #tpu.memory_space<vmem>>[vector<16xi32>, vector<16xi32>], vector<16xf32>,
        %broadcast_in_dim3A_103 = arith.constant 5 : i32
        %broadcast_in_dim3A_104 = vector.broadcast %broadcast_in_dim3A_103 : i32 to vector<16xi32>
        %mul3A_105 = arith.mulf %exp3A, %gather3A_102 : vector<16xf32>
        tpu.vector_store_idx %arg12[%add3A_38, %broadcast_in_dim3A_104], %mul3A_105 : memref<128x8xf32, #tpu.memory_space<vmem>>[vector<16xi32>, vector<16xi32>], vector<16xf32>,
        %broadcast_in_dim3A_106 = arith.constant 6 : i32
        %broadcast_in_dim3A_107 = vector.broadcast %broadcast_in_dim3A_106 : i32 to vector<16xi32>
        %add3A_108 = vector.broadcast %mul3A_9 : i32 to vector<16xi32>
        %add3A_109 = arith.addi %broadcast_in_dim3A_107, %add3A_108 : vector<16xi32>
        %gather3A_110 = tpu.vector_load_idx %arg11[%add3A_38, %add3A_109] : memref<128x16xf32, #tpu.memory_space<vmem>>[vector<16xi32>, vector<16xi32>], vector<16xf32>,
        %broadcast_in_dim3A_111 = arith.constant 6 : i32
        %broadcast_in_dim3A_112 = vector.broadcast %broadcast_in_dim3A_111 : i32 to vector<16xi32>
        %mul3A_113 = arith.mulf %exp3A, %gather3A_110 : vector<16xf32>
        tpu.vector_store_idx %arg12[%add3A_38, %broadcast_in_dim3A_112], %mul3A_113 : memref<128x8xf32, #tpu.memory_space<vmem>>[vector<16xi32>, vector<16xi32>], vector<16xf32>,
        %broadcast_in_dim3A_114 = arith.constant 7 : i32
        %broadcast_in_dim3A_115 = vector.broadcast %broadcast_in_dim3A_114 : i32 to vector<16xi32>
        %add3A_116 = vector.broadcast %mul3A_9 : i32 to vector<16xi32>
        %add3A_117 = arith.addi %broadcast_in_dim3A_115, %add3A_116 : vector<16xi32>
        %gather3A_118 = tpu.vector_load_idx %arg11[%add3A_38, %add3A_117] : memref<128x16xf32, #tpu.memory_space<vmem>>[vector<16xi32>, vector<16xi32>], vector<16xf32>,
        %broadcast_in_dim3A_119 = arith.constant 7 : i32
        %broadcast_in_dim3A_120 = vector.broadcast %broadcast_in_dim3A_119 : i32 to vector<16xi32>
        %mul3A_121 = arith.mulf %exp3A, %gather3A_118 : vector<16xf32>
        tpu.vector_store_idx %arg12[%add3A_38, %broadcast_in_dim3A_120], %mul3A_121 : memref<128x8xf32, #tpu.memory_space<vmem>>[vector<16xi32>, vector<16xi32>], vector<16xf32>,
      }
      %scan3A_31 = arith.constant 8 : i32
      "tpu.region"() ({
        %run_scoped3A = tpu.sem_alloc : memref<!tpu.dma_semaphore, #tpu.memory_space<semaphore_mem>>
        %dma_start3A = arith.constant 0 : i32
        %dma_start3A_32 = arith.constant 0 : i32
        %dma_start3A_33 = tpu.memref_slice %arg18[%dma_start3A, %dma_start3A_32] : memref<50176x8xf32, #tpu.memory_space<vmem_shared>> -> memref<50176x8xf32, #tpu.memory_space<vmem_shared>>
        tpu.enqueue_indirect_dma source(%arg12 : memref<128x8xf32, #tpu.memory_space<vmem>>) target(%dma_start3A_33 : memref<50176x8xf32, #tpu.memory_space<vmem_shared>>) offsets(%arg14 : memref<128xi32, #tpu.memory_space<vmem>>) semaphore(%run_scoped3A : memref<!tpu.dma_semaphore, #tpu.memory_space<semaphore_mem>>) {add = true}
        %dma_wait3A = arith.constant 0 : i32
        %dma_wait3A_34 = arith.constant 0 : i32
        %dma_wait3A_35 = tpu.memref_slice %arg18[%dma_wait3A, %dma_wait3A_34] : memref<50176x8xf32, #tpu.memory_space<vmem_shared>> -> memref<50176x8xf32, #tpu.memory_space<vmem_shared>>
        tpu.wait_indirect_dma semaphore(%run_scoped3A : memref<!tpu.dma_semaphore, #tpu.memory_space<semaphore_mem>>) src(%arg12 : memref<128x8xf32, #tpu.memory_space<vmem>>) dst(%dma_wait3A_35 : memref<50176x8xf32, #tpu.memory_space<vmem_shared>>)
        tpu.yield
      }) : () -> ()
    }
    %scan3A_13 = arith.constant 400 : i32
    %barrier3A_14 = arith.constant 0 : index
    tpu.barrier barrier_id(%barrier3A_14)
    %eq3A = arith.constant 0 : i32
    %eq3A_15 = arith.cmpi eq, %arg0, %eq3A : i32
    %convert_element_type3A = arith.extui %eq3A_15 : i1 to i32
    %cond3A = arith.constant 0 : i32
    %cond3A_16 = arith.cmpi ne, %convert_element_type3A, %cond3A : i32
    scf.if %cond3A_16 {
      %mul3A_22 = arith.constant 3136 : i32
      %mul3A_23 = arith.muli %arg1, %mul3A_22 : i32
      %mul3A_24 = arith.constant 3136 : i32
      %mul3A_25 = arith.muli %arg1, %mul3A_24 : i32
      "tpu.region"() ({
        %run_scoped3A = tpu.sem_alloc : memref<!tpu.dma_semaphore, #tpu.memory_space<semaphore_mem>>
        %dma_start3A = arith.constant 0 : i32
        %dma_start3A_26 = tpu.memref_slice %arg9[%mul3A_25, %dma_start3A] : memref<50176x8xf32, #tpu.memory_space<hbm>> -> memref<3136x8xf32, #tpu.memory_space<hbm>>
        %dma_start3A_27 = arith.constant 0 : i32
        %dma_start3A_28 = tpu.memref_slice %arg18[%mul3A_23, %dma_start3A_27] : memref<50176x8xf32, #tpu.memory_space<vmem_shared>> -> memref<3136x8xf32, #tpu.memory_space<vmem_shared>>
        tpu.enqueue_dma source(%dma_start3A_28 : memref<3136x8xf32, #tpu.memory_space<vmem_shared>>) target(%dma_start3A_26 : memref<3136x8xf32, #tpu.memory_space<hbm>>) target_semaphore(%run_scoped3A : memref<!tpu.dma_semaphore, #tpu.memory_space<semaphore_mem>>)
        %dma_wait3A = arith.constant 0 : i32
        %dma_wait3A_29 = tpu.memref_slice %arg9[%mul3A_25, %dma_wait3A] : memref<50176x8xf32, #tpu.memory_space<hbm>> -> memref<3136x8xf32, #tpu.memory_space<hbm>>
        %dma_wait3A_30 = arith.constant 0 : i32
        %dma_wait3A_31 = tpu.memref_slice %arg18[%mul3A_23, %dma_wait3A_30] : memref<50176x8xf32, #tpu.memory_space<vmem_shared>> -> memref<3136x8xf32, #tpu.memory_space<vmem_shared>>
        tpu.wait_dma2 semaphore(%run_scoped3A : memref<!tpu.dma_semaphore, #tpu.memory_space<semaphore_mem>>) src(%dma_wait3A_31 : memref<3136x8xf32, #tpu.memory_space<vmem_shared>>) dst(%dma_wait3A_29 : memref<3136x8xf32, #tpu.memory_space<hbm>>)
        tpu.yield
      }) : () -> ()
    } else {
    }
    %eq3A_17 = arith.constant 1 : i32
    %eq3A_18 = arith.cmpi eq, %arg0, %eq3A_17 : i32
    %convert_element_type3A_19 = arith.extui %eq3A_18 : i1 to i32
    %cond3A_20 = arith.constant 0 : i32
    %cond3A_21 = arith.cmpi ne, %convert_element_type3A_19, %cond3A_20 : i32
    scf.if %cond3A_21 {
      %mul3A_22 = arith.constant 3136 : i32
      %mul3A_23 = arith.muli %arg1, %mul3A_22 : i32
      %mul3A_24 = arith.constant 3136 : i32
      %mul3A_25 = arith.muli %arg1, %mul3A_24 : i32
      "tpu.region"() ({
        %run_scoped3A = tpu.sem_alloc : memref<!tpu.dma_semaphore, #tpu.memory_space<semaphore_mem>>
        %dma_start3A = arith.constant 0 : i32
        %dma_start3A_26 = tpu.memref_slice %arg10[%mul3A_25, %dma_start3A] : memref<50176x8xf32, #tpu.memory_space<hbm>> -> memref<3136x8xf32, #tpu.memory_space<hbm>>
        %dma_start3A_27 = arith.constant 0 : i32
        %dma_start3A_28 = tpu.memref_slice %arg18[%mul3A_23, %dma_start3A_27] : memref<50176x8xf32, #tpu.memory_space<vmem_shared>> -> memref<3136x8xf32, #tpu.memory_space<vmem_shared>>
        tpu.enqueue_dma source(%dma_start3A_28 : memref<3136x8xf32, #tpu.memory_space<vmem_shared>>) target(%dma_start3A_26 : memref<3136x8xf32, #tpu.memory_space<hbm>>) target_semaphore(%run_scoped3A : memref<!tpu.dma_semaphore, #tpu.memory_space<semaphore_mem>>)
        %dma_wait3A = arith.constant 0 : i32
        %dma_wait3A_29 = tpu.memref_slice %arg10[%mul3A_25, %dma_wait3A] : memref<50176x8xf32, #tpu.memory_space<hbm>> -> memref<3136x8xf32, #tpu.memory_space<hbm>>
        %dma_wait3A_30 = arith.constant 0 : i32
        %dma_wait3A_31 = tpu.memref_slice %arg18[%mul3A_23, %dma_wait3A_30] : memref<50176x8xf32, #tpu.memory_space<vmem_shared>> -> memref<3136x8xf32, #tpu.memory_space<vmem_shared>>
        tpu.wait_dma2 semaphore(%run_scoped3A : memref<!tpu.dma_semaphore, #tpu.memory_space<semaphore_mem>>) src(%dma_wait3A_31 : memref<3136x8xf32, #tpu.memory_space<vmem_shared>>) dst(%dma_wait3A_29 : memref<3136x8xf32, #tpu.memory_space<hbm>>)
        tpu.yield
      }) : () -> ()
    } else {
    }
    return
  }
}

#map = affine_map<(d0, d1) -> (0, 0)>
#map1 = affine_map<(d0, d1) -> (0)>
module attributes {stable_mosaic.version = 14 : i64} {
  func.func @_k2_body(%arg0: i32, %arg1: i32, %arg2: memref<50176x16xf32, #tpu.memory_space<hbm>>, %arg3: memref<819200xi32, #tpu.memory_space<hbm>>, %arg4: memref<819200xi32, #tpu.memory_space<hbm>>, %arg5: memref<8x16xf32, #tpu.memory_space<hbm>>, %arg6: memref<50176x16xf32, #tpu.memory_space<hbm>>, %arg7: memref<50176x16xf32, #tpu.memory_space<hbm>>, %arg8: memref<50176x16xf32, #tpu.memory_space<hbm>>, %arg9: memref<128x16xf32, #tpu.memory_space<vmem>>, %arg10: memref<128x16xf32, #tpu.memory_space<vmem>>, %arg11: memref<128x16xf32, #tpu.memory_space<vmem>>, %arg12: memref<128xi32, #tpu.memory_space<vmem>>, %arg13: memref<128xi32, #tpu.memory_space<vmem>>, %arg14: memref<8x16xf32, #tpu.memory_space<vmem>>, %arg15: memref<50176x16xf32, #tpu.memory_space<vmem_shared>>) attributes {dimension_semantics = [#tpu.dimension_semantics<core_parallel>, #tpu.dimension_semantics<subcore_parallel>], iteration_bounds = array<i64: 2, 16>, scalar_prefetch = 0 : i64, scratch_operands = 7 : i64, tpu.core_type = #tpu.core_type<sc_vector_subcore>, window_params = [{transform_indices = #map}, {transform_indices = #map1}, {transform_indices = #map1}, {transform_indices = #map}, {transform_indices = #map}, {transform_indices = #map}, {transform_indices = #map}]} {
    %mul3A = arith.constant 3136 : i32
    %mul3A_0 = arith.muli %arg1, %mul3A : i32
    %mul3A_1 = arith.constant 3136 : i32
    %mul3A_2 = arith.muli %arg1, %mul3A_1 : i32
    "tpu.region"() ({
      %run_scoped3A = tpu.sem_alloc : memref<!tpu.dma_semaphore, #tpu.memory_space<semaphore_mem>>
      %dma_start3A = arith.constant 0 : i32
      %dma_start3A_28 = tpu.memref_slice %arg15[%mul3A_2, %dma_start3A] : memref<50176x16xf32, #tpu.memory_space<vmem_shared>> -> memref<3136x16xf32, #tpu.memory_space<vmem_shared>>
      %dma_start3A_29 = arith.constant 0 : i32
      %dma_start3A_30 = tpu.memref_slice %arg6[%mul3A_0, %dma_start3A_29] : memref<50176x16xf32, #tpu.memory_space<hbm>> -> memref<3136x16xf32, #tpu.memory_space<hbm>>
      tpu.enqueue_dma source(%dma_start3A_30 : memref<3136x16xf32, #tpu.memory_space<hbm>>) target(%dma_start3A_28 : memref<3136x16xf32, #tpu.memory_space<vmem_shared>>) target_semaphore(%run_scoped3A : memref<!tpu.dma_semaphore, #tpu.memory_space<semaphore_mem>>)
      %dma_wait3A = arith.constant 0 : i32
      %dma_wait3A_31 = tpu.memref_slice %arg15[%mul3A_2, %dma_wait3A] : memref<50176x16xf32, #tpu.memory_space<vmem_shared>> -> memref<3136x16xf32, #tpu.memory_space<vmem_shared>>
      %dma_wait3A_32 = arith.constant 0 : i32
      %dma_wait3A_33 = tpu.memref_slice %arg6[%mul3A_0, %dma_wait3A_32] : memref<50176x16xf32, #tpu.memory_space<hbm>> -> memref<3136x16xf32, #tpu.memory_space<hbm>>
      tpu.wait_dma2 semaphore(%run_scoped3A : memref<!tpu.dma_semaphore, #tpu.memory_space<semaphore_mem>>) src(%dma_wait3A_33 : memref<3136x16xf32, #tpu.memory_space<hbm>>) dst(%dma_wait3A_31 : memref<3136x16xf32, #tpu.memory_space<vmem_shared>>)
      tpu.yield
    }) : () -> ()
    "tpu.region"() ({
      %run_scoped3A = tpu.sem_alloc : memref<!tpu.dma_semaphore, #tpu.memory_space<semaphore_mem>>
      tpu.enqueue_dma source(%arg5 : memref<8x16xf32, #tpu.memory_space<hbm>>) target(%arg14 : memref<8x16xf32, #tpu.memory_space<vmem>>) target_semaphore(%run_scoped3A : memref<!tpu.dma_semaphore, #tpu.memory_space<semaphore_mem>>)
      tpu.wait_dma2 semaphore(%run_scoped3A : memref<!tpu.dma_semaphore, #tpu.memory_space<semaphore_mem>>) src(%arg5 : memref<8x16xf32, #tpu.memory_space<hbm>>) dst(%arg14 : memref<8x16xf32, #tpu.memory_space<vmem>>)
      tpu.yield
    }) : () -> ()
    %broadcast_in_dim3A = arith.constant 0.000000e+00 : f32
    %broadcast_in_dim3A_3 = vector.broadcast %broadcast_in_dim3A : f32 to vector<16xf32>
    %iota3A = tpu.iota {dimensions = array<i32: 0>} : vector<16xi32>
    %scan3A = arith.constant 0 : i32
    %scan3A_4 = arith.constant 8 : i32
    %scan3A_5 = arith.addi %scan3A, %scan3A_4 : i32
    %scan3A_6 = arith.constant 1 : i32
    scf.for %scan3A_28 = %scan3A to %scan3A_5 step %scan3A_6  : i32 {
      %mul3A_29 = arith.constant 16 : i32
      %mul3A_30 = arith.muli %scan3A_28, %mul3A_29 : i32
      %add3A = arith.constant 0 : i32
      %add3A_31 = arith.addi %add3A, %mul3A_30 : i32
      %add3A_32 = vector.broadcast %add3A_31 : i32 to vector<16xi32>
      %add3A_33 = arith.addi %iota3A, %add3A_32 : vector<16xi32>
      %broadcast_in_dim3A_34 = arith.constant 12 : i32
      %broadcast_in_dim3A_35 = vector.broadcast %broadcast_in_dim3A_34 : i32 to vector<16xi32>
      tpu.vector_store_idx %arg11[%add3A_33, %broadcast_in_dim3A_35], %broadcast_in_dim3A_3 : memref<128x16xf32, #tpu.memory_space<vmem>>[vector<16xi32>, vector<16xi32>], vector<16xf32>,
      %broadcast_in_dim3A_36 = arith.constant 13 : i32
      %broadcast_in_dim3A_37 = vector.broadcast %broadcast_in_dim3A_36 : i32 to vector<16xi32>
      tpu.vector_store_idx %arg11[%add3A_33, %broadcast_in_dim3A_37], %broadcast_in_dim3A_3 : memref<128x16xf32, #tpu.memory_space<vmem>>[vector<16xi32>, vector<16xi32>], vector<16xf32>,
      %broadcast_in_dim3A_38 = arith.constant 14 : i32
      %broadcast_in_dim3A_39 = vector.broadcast %broadcast_in_dim3A_38 : i32 to vector<16xi32>
      tpu.vector_store_idx %arg11[%add3A_33, %broadcast_in_dim3A_39], %broadcast_in_dim3A_3 : memref<128x16xf32, #tpu.memory_space<vmem>>[vector<16xi32>, vector<16xi32>], vector<16xf32>,
      %broadcast_in_dim3A_40 = arith.constant 15 : i32
      %broadcast_in_dim3A_41 = vector.broadcast %broadcast_in_dim3A_40 : i32 to vector<16xi32>
      tpu.vector_store_idx %arg11[%add3A_33, %broadcast_in_dim3A_41], %broadcast_in_dim3A_3 : memref<128x16xf32, #tpu.memory_space<vmem>>[vector<16xi32>, vector<16xi32>], vector<16xf32>,
    }
    %scan3A_7 = arith.constant 8 : i32
    %barrier3A = arith.constant 0 : index
    tpu.barrier barrier_id(%barrier3A)
    %get3A = arith.constant 0 : i32
    %get3A_8 = arith.index_cast %get3A : i32 to index
    %get3A_9 = arith.constant 0 : index
    %get3A_10 = tpu.vector_load %arg14[%get3A_8, %get3A_9] {strides = array<i32>} : memref<8x16xf32, #tpu.memory_space<vmem>>, vector<16xf32>,
    %mul3A_11 = arith.constant 2 : i32
    %mul3A_12 = arith.muli %arg0, %mul3A_11 : i32
    %mul3A_13 = arith.constant 51200 : i32
    %mul3A_14 = arith.muli %arg1, %mul3A_13 : i32
    %scan3A_15 = arith.constant 0 : i32
    %scan3A_16 = arith.constant 400 : i32
    %scan3A_17 = arith.addi %scan3A_15, %scan3A_16 : i32
    %scan3A_18 = arith.constant 1 : i32
    scf.for %scan3A_28 = %scan3A_15 to %scan3A_17 step %scan3A_18  : i32 {
      %mul3A_29 = arith.constant 128 : i32
      %mul3A_30 = arith.muli %scan3A_28, %mul3A_29 : i32
      %add3A = arith.constant 0 : i32
      %add3A_31 = arith.addi %add3A, %mul3A_30 : i32
      %add3A_32 = arith.addi %mul3A_14, %add3A_31 : i32
      "tpu.region"() ({
        %run_scoped3A = tpu.sem_alloc : memref<!tpu.dma_semaphore, #tpu.memory_space<semaphore_mem>>
        %dma_start3A = tpu.memref_slice %arg3[%add3A_32] : memref<819200xi32, #tpu.memory_space<hbm>> -> memref<128xi32, #tpu.memory_space<hbm>>
        %dma_start3A_38 = tpu.memref_slice %arg3[%add3A_32] : memref<819200xi32, #tpu.memory_space<hbm>> -> memref<128xi32, #tpu.memory_space<hbm>>
        tpu.enqueue_dma source(%dma_start3A_38 : memref<128xi32, #tpu.memory_space<hbm>>) target(%arg12 : memref<128xi32, #tpu.memory_space<vmem>>) target_semaphore(%run_scoped3A : memref<!tpu.dma_semaphore, #tpu.memory_space<semaphore_mem>>)
        %dma_wait3A = tpu.memref_slice %arg3[%add3A_32] : memref<819200xi32, #tpu.memory_space<hbm>> -> memref<128xi32, #tpu.memory_space<hbm>>
        %dma_wait3A_39 = tpu.memref_slice %arg3[%add3A_32] : memref<819200xi32, #tpu.memory_space<hbm>> -> memref<128xi32, #tpu.memory_space<hbm>>
        tpu.wait_dma2 semaphore(%run_scoped3A : memref<!tpu.dma_semaphore, #tpu.memory_space<semaphore_mem>>) src(%dma_wait3A_39 : memref<128xi32, #tpu.memory_space<hbm>>) dst(%arg12 : memref<128xi32, #tpu.memory_space<vmem>>)
        tpu.yield
      }) : () -> ()
      "tpu.region"() ({
        %run_scoped3A = tpu.sem_alloc : memref<!tpu.dma_semaphore, #tpu.memory_space<semaphore_mem>>
        %dma_start3A = tpu.memref_slice %arg4[%add3A_32] : memref<819200xi32, #tpu.memory_space<hbm>> -> memref<128xi32, #tpu.memory_space<hbm>>
        %dma_start3A_38 = tpu.memref_slice %arg4[%add3A_32] : memref<819200xi32, #tpu.memory_space<hbm>> -> memref<128xi32, #tpu.memory_space<hbm>>
        tpu.enqueue_dma source(%dma_start3A_38 : memref<128xi32, #tpu.memory_space<hbm>>) target(%arg13 : memref<128xi32, #tpu.memory_space<vmem>>) target_semaphore(%run_scoped3A : memref<!tpu.dma_semaphore, #tpu.memory_space<semaphore_mem>>)
        %dma_wait3A = tpu.memref_slice %arg4[%add3A_32] : memref<819200xi32, #tpu.memory_space<hbm>> -> memref<128xi32, #tpu.memory_space<hbm>>
        %dma_wait3A_39 = tpu.memref_slice %arg4[%add3A_32] : memref<819200xi32, #tpu.memory_space<hbm>> -> memref<128xi32, #tpu.memory_space<hbm>>
        tpu.wait_dma2 semaphore(%run_scoped3A : memref<!tpu.dma_semaphore, #tpu.memory_space<semaphore_mem>>) src(%dma_wait3A_39 : memref<128xi32, #tpu.memory_space<hbm>>) dst(%arg13 : memref<128xi32, #tpu.memory_space<vmem>>)
        tpu.yield
      }) : () -> ()
      "tpu.region"() ({
        %run_scoped3A = tpu.sem_alloc : memref<!tpu.dma_semaphore, #tpu.memory_space<semaphore_mem>>
        %dma_start3A = arith.constant 0 : i32
        %dma_start3A_38 = arith.constant 0 : i32
        %dma_start3A_39 = tpu.memref_slice %arg2[%dma_start3A, %dma_start3A_38] : memref<50176x16xf32, #tpu.memory_space<hbm>> -> memref<50176x16xf32, #tpu.memory_space<hbm>>
        tpu.enqueue_indirect_dma source(%dma_start3A_39 : memref<50176x16xf32, #tpu.memory_space<hbm>>) target(%arg9 : memref<128x16xf32, #tpu.memory_space<vmem>>) offsets(%arg12 : memref<128xi32, #tpu.memory_space<vmem>>) semaphore(%run_scoped3A : memref<!tpu.dma_semaphore, #tpu.memory_space<semaphore_mem>>)
        %dma_wait3A = arith.constant 0 : i32
        %dma_wait3A_40 = arith.constant 0 : i32
        %dma_wait3A_41 = tpu.memref_slice %arg2[%dma_wait3A, %dma_wait3A_40] : memref<50176x16xf32, #tpu.memory_space<hbm>> -> memref<50176x16xf32, #tpu.memory_space<hbm>>
        tpu.wait_indirect_dma semaphore(%run_scoped3A : memref<!tpu.dma_semaphore, #tpu.memory_space<semaphore_mem>>) src(%dma_wait3A_41 : memref<50176x16xf32, #tpu.memory_space<hbm>>) dst(%arg9 : memref<128x16xf32, #tpu.memory_space<vmem>>)
        tpu.yield
      }) : () -> ()
      "tpu.region"() ({
        %run_scoped3A = tpu.sem_alloc : memref<!tpu.dma_semaphore, #tpu.memory_space<semaphore_mem>>
        %dma_start3A = arith.constant 0 : i32
        %dma_start3A_38 = arith.constant 0 : i32
        %dma_start3A_39 = tpu.memref_slice %arg2[%dma_start3A, %dma_start3A_38] : memref<50176x16xf32, #tpu.memory_space<hbm>> -> memref<50176x16xf32, #tpu.memory_space<hbm>>
        tpu.enqueue_indirect_dma source(%dma_start3A_39 : memref<50176x16xf32, #tpu.memory_space<hbm>>) target(%arg10 : memref<128x16xf32, #tpu.memory_space<vmem>>) offsets(%arg13 : memref<128xi32, #tpu.memory_space<vmem>>) semaphore(%run_scoped3A : memref<!tpu.dma_semaphore, #tpu.memory_space<semaphore_mem>>)
        %dma_wait3A = arith.constant 0 : i32
        %dma_wait3A_40 = arith.constant 0 : i32
        %dma_wait3A_41 = tpu.memref_slice %arg2[%dma_wait3A, %dma_wait3A_40] : memref<50176x16xf32, #tpu.memory_space<hbm>> -> memref<50176x16xf32, #tpu.memory_space<hbm>>
        tpu.wait_indirect_dma semaphore(%run_scoped3A : memref<!tpu.dma_semaphore, #tpu.memory_space<semaphore_mem>>) src(%dma_wait3A_41 : memref<50176x16xf32, #tpu.memory_space<hbm>>) dst(%arg10 : memref<128x16xf32, #tpu.memory_space<vmem>>)
        tpu.yield
      }) : () -> ()
      %scan3A_33 = arith.constant 0 : i32
      %scan3A_34 = arith.constant 8 : i32
      %scan3A_35 = arith.addi %scan3A_33, %scan3A_34 : i32
      %scan3A_36 = arith.constant 1 : i32
      scf.for %scan3A_38 = %scan3A_33 to %scan3A_35 step %scan3A_36  : i32 {
        %mul3A_39 = arith.constant 16 : i32
        %mul3A_40 = arith.muli %scan3A_38, %mul3A_39 : i32
        %add3A_41 = arith.constant 0 : i32
        %add3A_42 = arith.addi %add3A_41, %mul3A_40 : i32
        %add3A_43 = vector.broadcast %add3A_42 : i32 to vector<16xi32>
        %add3A_44 = arith.addi %iota3A, %add3A_43 : vector<16xi32>
        %broadcast_in_dim3A_45 = arith.constant 0 : i32
        %broadcast_in_dim3A_46 = vector.broadcast %broadcast_in_dim3A_45 : i32 to vector<16xi32>
        %gather3A = tpu.vector_load_idx %arg9[%add3A_44, %broadcast_in_dim3A_46] : memref<128x16xf32, #tpu.memory_space<vmem>>[vector<16xi32>, vector<16xi32>], vector<16xf32>,
        %broadcast_in_dim3A_47 = arith.constant 1 : i32
        %broadcast_in_dim3A_48 = vector.broadcast %broadcast_in_dim3A_47 : i32 to vector<16xi32>
        %gather3A_49 = tpu.vector_load_idx %arg9[%add3A_44, %broadcast_in_dim3A_48] : memref<128x16xf32, #tpu.memory_space<vmem>>[vector<16xi32>, vector<16xi32>], vector<16xf32>,
        %broadcast_in_dim3A_50 = arith.constant 2 : i32
        %broadcast_in_dim3A_51 = vector.broadcast %broadcast_in_dim3A_50 : i32 to vector<16xi32>
        %gather3A_52 = tpu.vector_load_idx %arg9[%add3A_44, %broadcast_in_dim3A_51] : memref<128x16xf32, #tpu.memory_space<vmem>>[vector<16xi32>, vector<16xi32>], vector<16xf32>,
        %broadcast_in_dim3A_53 = arith.constant 3 : i32
        %broadcast_in_dim3A_54 = vector.broadcast %broadcast_in_dim3A_53 : i32 to vector<16xi32>
        %gather3A_55 = tpu.vector_load_idx %arg9[%add3A_44, %broadcast_in_dim3A_54] : memref<128x16xf32, #tpu.memory_space<vmem>>[vector<16xi32>, vector<16xi32>], vector<16xf32>,
        %broadcast_in_dim3A_56 = arith.constant 4 : i32
        %broadcast_in_dim3A_57 = vector.broadcast %broadcast_in_dim3A_56 : i32 to vector<16xi32>
        %gather3A_58 = tpu.vector_load_idx %arg9[%add3A_44, %broadcast_in_dim3A_57] : memref<128x16xf32, #tpu.memory_space<vmem>>[vector<16xi32>, vector<16xi32>], vector<16xf32>,
        %broadcast_in_dim3A_59 = arith.constant 5 : i32
        %broadcast_in_dim3A_60 = vector.broadcast %broadcast_in_dim3A_59 : i32 to vector<16xi32>
        %add3A_61 = vector.broadcast %mul3A_12 : i32 to vector<16xi32>
        %add3A_62 = arith.addi %broadcast_in_dim3A_60, %add3A_61 : vector<16xi32>
        %gather3A_63 = tpu.vector_load_idx %arg9[%add3A_44, %add3A_62] : memref<128x16xf32, #tpu.memory_space<vmem>>[vector<16xi32>, vector<16xi32>], vector<16xf32>,
        %add3A_64 = arith.constant 4 : i32
        %add3A_65 = vector.broadcast %add3A_64 : i32 to vector<16xi32>
        %add3A_66 = arith.addi %add3A_62, %add3A_65 : vector<16xi32>
        %gather3A_67 = tpu.vector_load_idx %arg10[%add3A_44, %add3A_66] : memref<128x16xf32, #tpu.memory_space<vmem>>[vector<16xi32>, vector<16xi32>], vector<16xf32>,
        %add3A_68 = arith.addf %gather3A_63, %gather3A_67 : vector<16xf32>
        %eq3A_69 = arith.constant 0 : i32
        %eq3A_70 = arith.cmpi eq, %arg0, %eq3A_69 : i32
        %slice3A = vector.extract_strided_slice %get3A_10 {offsets = [0], sizes = [1], strides = [1]} : vector<16xf32> to vector<1xf32>
        %squeeze3A = vector.extract %slice3A[0] : f32 from vector<1xf32>
        %slice3A_71 = vector.extract_strided_slice %get3A_10 {offsets = [2], sizes = [1], strides = [1]} : vector<16xf32> to vector<1xf32>
        %squeeze3A_72 = vector.extract %slice3A_71[0] : f32 from vector<1xf32>
        %select_n3A = arith.select %eq3A_70, %squeeze3A, %squeeze3A_72 : f32
        %mul3A_73 = arith.constant 2.000000e-01 : f32
        %mul3A_74 = vector.broadcast %mul3A_73 : f32 to vector<16xf32>
        %mul3A_75 = arith.mulf %mul3A_74, %add3A_68 : vector<16xf32>
        %max3A = arith.maximumf %add3A_68, %mul3A_75 : vector<16xf32>
        %sub3A = vector.broadcast %select_n3A : f32 to vector<16xf32>
        %sub3A_76 = arith.subf %max3A, %sub3A : vector<16xf32>
        %exp3A = math.exp %sub3A_76 : vector<16xf32>
        %broadcast_in_dim3A_77 = arith.constant 0 : i32
        %broadcast_in_dim3A_78 = vector.broadcast %broadcast_in_dim3A_77 : i32 to vector<16xi32>
        tpu.vector_store_idx %arg11[%add3A_44, %broadcast_in_dim3A_78], %exp3A : memref<128x16xf32, #tpu.memory_space<vmem>>[vector<16xi32>, vector<16xi32>], vector<16xf32>,
        %broadcast_in_dim3A_79 = arith.constant 2 : i32
        %broadcast_in_dim3A_80 = vector.broadcast %broadcast_in_dim3A_79 : i32 to vector<16xi32>
        %mul3A_81 = arith.mulf %exp3A, %gather3A : vector<16xf32>
        tpu.vector_store_idx %arg11[%add3A_44, %broadcast_in_dim3A_80], %mul3A_81 : memref<128x16xf32, #tpu.memory_space<vmem>>[vector<16xi32>, vector<16xi32>], vector<16xf32>,
        %broadcast_in_dim3A_82 = arith.constant 3 : i32
        %broadcast_in_dim3A_83 = vector.broadcast %broadcast_in_dim3A_82 : i32 to vector<16xi32>
        %mul3A_84 = arith.mulf %exp3A, %gather3A_49 : vector<16xf32>
        tpu.vector_store_idx %arg11[%add3A_44, %broadcast_in_dim3A_83], %mul3A_84 : memref<128x16xf32, #tpu.memory_space<vmem>>[vector<16xi32>, vector<16xi32>], vector<16xf32>,
        %broadcast_in_dim3A_85 = arith.constant 4 : i32
        %broadcast_in_dim3A_86 = vector.broadcast %broadcast_in_dim3A_85 : i32 to vector<16xi32>
        %mul3A_87 = arith.mulf %exp3A, %gather3A_52 : vector<16xf32>
        tpu.vector_store_idx %arg11[%add3A_44, %broadcast_in_dim3A_86], %mul3A_87 : memref<128x16xf32, #tpu.memory_space<vmem>>[vector<16xi32>, vector<16xi32>], vector<16xf32>,
        %broadcast_in_dim3A_88 = arith.constant 5 : i32
        %broadcast_in_dim3A_89 = vector.broadcast %broadcast_in_dim3A_88 : i32 to vector<16xi32>
        %mul3A_90 = arith.mulf %exp3A, %gather3A_55 : vector<16xf32>
        tpu.vector_store_idx %arg11[%add3A_44, %broadcast_in_dim3A_89], %mul3A_90 : memref<128x16xf32, #tpu.memory_space<vmem>>[vector<16xi32>, vector<16xi32>], vector<16xf32>,
        %broadcast_in_dim3A_91 = arith.constant 6 : i32
        %broadcast_in_dim3A_92 = vector.broadcast %broadcast_in_dim3A_91 : i32 to vector<16xi32>
        %mul3A_93 = arith.mulf %exp3A, %gather3A_58 : vector<16xf32>
        tpu.vector_store_idx %arg11[%add3A_44, %broadcast_in_dim3A_92], %mul3A_93 : memref<128x16xf32, #tpu.memory_space<vmem>>[vector<16xi32>, vector<16xi32>], vector<16xf32>,
        %broadcast_in_dim3A_94 = arith.constant 6 : i32
        %broadcast_in_dim3A_95 = vector.broadcast %broadcast_in_dim3A_94 : i32 to vector<16xi32>
        %add3A_96 = vector.broadcast %mul3A_12 : i32 to vector<16xi32>
        %add3A_97 = arith.addi %broadcast_in_dim3A_95, %add3A_96 : vector<16xi32>
        %gather3A_98 = tpu.vector_load_idx %arg9[%add3A_44, %add3A_97] : memref<128x16xf32, #tpu.memory_space<vmem>>[vector<16xi32>, vector<16xi32>], vector<16xf32>,
        %add3A_99 = arith.constant 4 : i32
        %add3A_100 = vector.broadcast %add3A_99 : i32 to vector<16xi32>
        %add3A_101 = arith.addi %add3A_97, %add3A_100 : vector<16xi32>
        %gather3A_102 = tpu.vector_load_idx %arg10[%add3A_44, %add3A_101] : memref<128x16xf32, #tpu.memory_space<vmem>>[vector<16xi32>, vector<16xi32>], vector<16xf32>,
        %add3A_103 = arith.addf %gather3A_98, %gather3A_102 : vector<16xf32>
        %eq3A_104 = arith.constant 0 : i32
        %eq3A_105 = arith.cmpi eq, %arg0, %eq3A_104 : i32
        %slice3A_106 = vector.extract_strided_slice %get3A_10 {offsets = [1], sizes = [1], strides = [1]} : vector<16xf32> to vector<1xf32>
        %squeeze3A_107 = vector.extract %slice3A_106[0] : f32 from vector<1xf32>
        %slice3A_108 = vector.extract_strided_slice %get3A_10 {offsets = [3], sizes = [1], strides = [1]} : vector<16xf32> to vector<1xf32>
        %squeeze3A_109 = vector.extract %slice3A_108[0] : f32 from vector<1xf32>
        %select_n3A_110 = arith.select %eq3A_105, %squeeze3A_107, %squeeze3A_109 : f32
        %mul3A_111 = arith.constant 2.000000e-01 : f32
        %mul3A_112 = vector.broadcast %mul3A_111 : f32 to vector<16xf32>
        %mul3A_113 = arith.mulf %mul3A_112, %add3A_103 : vector<16xf32>
        %max3A_114 = arith.maximumf %add3A_103, %mul3A_113 : vector<16xf32>
        %sub3A_115 = vector.broadcast %select_n3A_110 : f32 to vector<16xf32>
        %sub3A_116 = arith.subf %max3A_114, %sub3A_115 : vector<16xf32>
        %exp3A_117 = math.exp %sub3A_116 : vector<16xf32>
        %broadcast_in_dim3A_118 = arith.constant 1 : i32
        %broadcast_in_dim3A_119 = vector.broadcast %broadcast_in_dim3A_118 : i32 to vector<16xi32>
        tpu.vector_store_idx %arg11[%add3A_44, %broadcast_in_dim3A_119], %exp3A_117 : memref<128x16xf32, #tpu.memory_space<vmem>>[vector<16xi32>, vector<16xi32>], vector<16xf32>,
        %broadcast_in_dim3A_120 = arith.constant 7 : i32
        %broadcast_in_dim3A_121 = vector.broadcast %broadcast_in_dim3A_120 : i32 to vector<16xi32>
        %mul3A_122 = arith.mulf %exp3A_117, %gather3A : vector<16xf32>
        tpu.vector_store_idx %arg11[%add3A_44, %broadcast_in_dim3A_121], %mul3A_122 : memref<128x16xf32, #tpu.memory_space<vmem>>[vector<16xi32>, vector<16xi32>], vector<16xf32>,
        %broadcast_in_dim3A_123 = arith.constant 8 : i32
        %broadcast_in_dim3A_124 = vector.broadcast %broadcast_in_dim3A_123 : i32 to vector<16xi32>
        %mul3A_125 = arith.mulf %exp3A_117, %gather3A_49 : vector<16xf32>
        tpu.vector_store_idx %arg11[%add3A_44, %broadcast_in_dim3A_124], %mul3A_125 : memref<128x16xf32, #tpu.memory_space<vmem>>[vector<16xi32>, vector<16xi32>], vector<16xf32>,
        %broadcast_in_dim3A_126 = arith.constant 9 : i32
        %broadcast_in_dim3A_127 = vector.broadcast %broadcast_in_dim3A_126 : i32 to vector<16xi32>
        %mul3A_128 = arith.mulf %exp3A_117, %gather3A_52 : vector<16xf32>
        tpu.vector_store_idx %arg11[%add3A_44, %broadcast_in_dim3A_127], %mul3A_128 : memref<128x16xf32, #tpu.memory_space<vmem>>[vector<16xi32>, vector<16xi32>], vector<16xf32>,
        %broadcast_in_dim3A_129 = arith.constant 10 : i32
        %broadcast_in_dim3A_130 = vector.broadcast %broadcast_in_dim3A_129 : i32 to vector<16xi32>
        %mul3A_131 = arith.mulf %exp3A_117, %gather3A_55 : vector<16xf32>
        tpu.vector_store_idx %arg11[%add3A_44, %broadcast_in_dim3A_130], %mul3A_131 : memref<128x16xf32, #tpu.memory_space<vmem>>[vector<16xi32>, vector<16xi32>], vector<16xf32>,
        %broadcast_in_dim3A_132 = arith.constant 11 : i32
        %broadcast_in_dim3A_133 = vector.broadcast %broadcast_in_dim3A_132 : i32 to vector<16xi32>
        %mul3A_134 = arith.mulf %exp3A_117, %gather3A_58 : vector<16xf32>
        tpu.vector_store_idx %arg11[%add3A_44, %broadcast_in_dim3A_133], %mul3A_134 : memref<128x16xf32, #tpu.memory_space<vmem>>[vector<16xi32>, vector<16xi32>], vector<16xf32>,
      }
      %scan3A_37 = arith.constant 8 : i32
      "tpu.region"() ({
        %run_scoped3A = tpu.sem_alloc : memref<!tpu.dma_semaphore, #tpu.memory_space<semaphore_mem>>
        %dma_start3A = arith.constant 0 : i32
        %dma_start3A_38 = arith.constant 0 : i32
        %dma_start3A_39 = tpu.memref_slice %arg15[%dma_start3A, %dma_start3A_38] : memref<50176x16xf32, #tpu.memory_space<vmem_shared>> -> memref<50176x16xf32, #tpu.memory_space<vmem_shared>>
        tpu.enqueue_indirect_dma source(%arg11 : memref<128x16xf32, #tpu.memory_space<vmem>>) target(%dma_start3A_39 : memref<50176x16xf32, #tpu.memory_space<vmem_shared>>) offsets(%arg13 : memref<128xi32, #tpu.memory_space<vmem>>) semaphore(%run_scoped3A : memref<!tpu.dma_semaphore, #tpu.memory_space<semaphore_mem>>) {add = true}
        %dma_wait3A = arith.constant 0 : i32
        %dma_wait3A_40 = arith.constant 0 : i32
        %dma_wait3A_41 = tpu.memref_slice %arg15[%dma_wait3A, %dma_wait3A_40] : memref<50176x16xf32, #tpu.memory_space<vmem_shared>> -> memref<50176x16xf32, #tpu.memory_space<vmem_shared>>
        tpu.wait_indirect_dma semaphore(%run_scoped3A : memref<!tpu.dma_semaphore, #tpu.memory_space<semaphore_mem>>) src(%arg11 : memref<128x16xf32, #tpu.memory_space<vmem>>) dst(%dma_wait3A_41 : memref<50176x16xf32, #tpu.memory_space<vmem_shared>>)
        tpu.yield
      }) : () -> ()
    }
    %scan3A_19 = arith.constant 400 : i32
    %barrier3A_20 = arith.constant 0 : index
    tpu.barrier barrier_id(%barrier3A_20)
    %eq3A = arith.constant 0 : i32
    %eq3A_21 = arith.cmpi eq, %arg0, %eq3A : i32
    %convert_element_type3A = arith.extui %eq3A_21 : i1 to i32
    %cond3A = arith.constant 0 : i32
    %cond3A_22 = arith.cmpi ne, %convert_element_type3A, %cond3A : i32
    scf.if %cond3A_22 {
      %mul3A_28 = arith.constant 3136 : i32
      %mul3A_29 = arith.muli %arg1, %mul3A_28 : i32
      %mul3A_30 = arith.constant 3136 : i32
      %mul3A_31 = arith.muli %arg1, %mul3A_30 : i32
      "tpu.region"() ({
        %run_scoped3A = tpu.sem_alloc : memref<!tpu.dma_semaphore, #tpu.memory_space<semaphore_mem>>
        %dma_start3A = arith.constant 0 : i32
        %dma_start3A_32 = tpu.memref_slice %arg7[%mul3A_31, %dma_start3A] : memref<50176x16xf32, #tpu.memory_space<hbm>> -> memref<3136x16xf32, #tpu.memory_space<hbm>>
        %dma_start3A_33 = arith.constant 0 : i32
        %dma_start3A_34 = tpu.memref_slice %arg15[%mul3A_29, %dma_start3A_33] : memref<50176x16xf32, #tpu.memory_space<vmem_shared>> -> memref<3136x16xf32, #tpu.memory_space<vmem_shared>>
        tpu.enqueue_dma source(%dma_start3A_34 : memref<3136x16xf32, #tpu.memory_space<vmem_shared>>) target(%dma_start3A_32 : memref<3136x16xf32, #tpu.memory_space<hbm>>) target_semaphore(%run_scoped3A : memref<!tpu.dma_semaphore, #tpu.memory_space<semaphore_mem>>)
        %dma_wait3A = arith.constant 0 : i32
        %dma_wait3A_35 = tpu.memref_slice %arg7[%mul3A_31, %dma_wait3A] : memref<50176x16xf32, #tpu.memory_space<hbm>> -> memref<3136x16xf32, #tpu.memory_space<hbm>>
        %dma_wait3A_36 = arith.constant 0 : i32
        %dma_wait3A_37 = tpu.memref_slice %arg15[%mul3A_29, %dma_wait3A_36] : memref<50176x16xf32, #tpu.memory_space<vmem_shared>> -> memref<3136x16xf32, #tpu.memory_space<vmem_shared>>
        tpu.wait_dma2 semaphore(%run_scoped3A : memref<!tpu.dma_semaphore, #tpu.memory_space<semaphore_mem>>) src(%dma_wait3A_37 : memref<3136x16xf32, #tpu.memory_space<vmem_shared>>) dst(%dma_wait3A_35 : memref<3136x16xf32, #tpu.memory_space<hbm>>)
        tpu.yield
      }) : () -> ()
    } else {
    }
    %eq3A_23 = arith.constant 1 : i32
    %eq3A_24 = arith.cmpi eq, %arg0, %eq3A_23 : i32
    %convert_element_type3A_25 = arith.extui %eq3A_24 : i1 to i32
    %cond3A_26 = arith.constant 0 : i32
    %cond3A_27 = arith.cmpi ne, %convert_element_type3A_25, %cond3A_26 : i32
    scf.if %cond3A_27 {
      %mul3A_28 = arith.constant 3136 : i32
      %mul3A_29 = arith.muli %arg1, %mul3A_28 : i32
      %mul3A_30 = arith.constant 3136 : i32
      %mul3A_31 = arith.muli %arg1, %mul3A_30 : i32
      "tpu.region"() ({
        %run_scoped3A = tpu.sem_alloc : memref<!tpu.dma_semaphore, #tpu.memory_space<semaphore_mem>>
        %dma_start3A = arith.constant 0 : i32
        %dma_start3A_32 = tpu.memref_slice %arg8[%mul3A_31, %dma_start3A] : memref<50176x16xf32, #tpu.memory_space<hbm>> -> memref<3136x16xf32, #tpu.memory_space<hbm>>
        %dma_start3A_33 = arith.constant 0 : i32
        %dma_start3A_34 = tpu.memref_slice %arg15[%mul3A_29, %dma_start3A_33] : memref<50176x16xf32, #tpu.memory_space<vmem_shared>> -> memref<3136x16xf32, #tpu.memory_space<vmem_shared>>
        tpu.enqueue_dma source(%dma_start3A_34 : memref<3136x16xf32, #tpu.memory_space<vmem_shared>>) target(%dma_start3A_32 : memref<3136x16xf32, #tpu.memory_space<hbm>>) target_semaphore(%run_scoped3A : memref<!tpu.dma_semaphore, #tpu.memory_space<semaphore_mem>>)
        %dma_wait3A = arith.constant 0 : i32
        %dma_wait3A_35 = tpu.memref_slice %arg8[%mul3A_31, %dma_wait3A] : memref<50176x16xf32, #tpu.memory_space<hbm>> -> memref<3136x16xf32, #tpu.memory_space<hbm>>
        %dma_wait3A_36 = arith.constant 0 : i32
        %dma_wait3A_37 = tpu.memref_slice %arg15[%mul3A_29, %dma_wait3A_36] : memref<50176x16xf32, #tpu.memory_space<vmem_shared>> -> memref<3136x16xf32, #tpu.memory_space<vmem_shared>>
        tpu.wait_dma2 semaphore(%run_scoped3A : memref<!tpu.dma_semaphore, #tpu.memory_space<semaphore_mem>>) src(%dma_wait3A_37 : memref<3136x16xf32, #tpu.memory_space<vmem_shared>>) dst(%dma_wait3A_35 : memref<3136x16xf32, #tpu.memory_space<hbm>>)
        tpu.yield
      }) : () -> ()
    } else {
    }
    return
  }
}

module attributes {stable_mosaic.version = 14 : i64} {
  func.func @_k1_body(%arg0: i32, %arg1: memref<512x8xf32, #tpu.memory_space<vmem>>, %arg2: memref<8x16xf32, #tpu.memory_space<vmem>>, %arg3: memref<512x16xf32, #tpu.memory_space<vmem>>, %arg4: memref<8x16xf32, #tpu.memory_space<vmem>>, %arg5: memref<8x16xf32, #tpu.memory_space<vmem>>) attributes {dimension_semantics = [#tpu.dimension_semantics<arbitrary>], iteration_bounds = array<i64: 98>, scalar_prefetch = 0 : i64, scratch_operands = 1 : i64, tpu.core_type = #tpu.core_type<tc>, window_params = [{transform_indices = @transform_0, window_bounds = array<i64: 512, 8>}, {pipeline_mode = #tpu.pipeline_mode<synchronous>, transform_indices = @transform_1, window_bounds = array<i64: 8, 16>}, {transform_indices = @transform_2, window_bounds = array<i64: 512, 16>}, {pipeline_mode = #tpu.pipeline_mode<synchronous>, transform_indices = @transform_3, window_bounds = array<i64: 8, 16>}]} {
    %get3A = arith.constant 0 : index
    %get3A_0 = arith.constant 0 : index
    %get3A_1 = vector.load %arg1[%get3A, %get3A_0] : memref<512x8xf32, #tpu.memory_space<vmem>>, vector<512x8xf32>
    %get3A_2 = arith.constant 0 : index
    %get3A_3 = arith.constant 0 : index
    %get3A_4 = vector.load %arg2[%get3A_2, %get3A_3] : memref<8x16xf32, #tpu.memory_space<vmem>>, vector<8x16xf32>
    %dot_general3A = arith.constant dense<0.000000e+00> : vector<512x16xf32>
    %dot_general3A_5 = tpu.matmul %get3A_1, %get3A_4, %dot_general3A {dimension_numbers = #tpu.dot_dimension_numbers<[1], [0], [0], [1], [0, 0, 1, 1], [], []>, precision = #tpu.contract_precision<fp32>, transpose_lhs_hint = false} : vector<512x8xf32>, vector<8x16xf32>, vector<512x16xf32> -> vector<512x16xf32>
    %swap3A = arith.constant 0 : index
    %swap3A_6 = arith.constant 0 : index
    %swap3A_7 = vector.load %arg3[%swap3A, %swap3A_6] : memref<512x16xf32, #tpu.memory_space<vmem>>, vector<512x16xf32>
    tpu.vector_store %arg3[%swap3A, %swap3A_6], %dot_general3A_5 {strides = array<i32>} : memref<512x16xf32, #tpu.memory_space<vmem>>, vector<512x16xf32>,
    %reduce_max3A = arith.constant dense<0xFF800000> : vector<16xf32>
    %reduce_max3A_8 = vector.multi_reduction <maximumf>, %dot_general3A_5, %reduce_max3A [0] : vector<512x16xf32> to vector<16xf32>
    %broadcast_in_dim3A = vector.shape_cast %reduce_max3A_8 : vector<16xf32> to vector<1x16xf32>
    %broadcast_in_dim3A_9 = vector.shape_cast %broadcast_in_dim3A : vector<1x16xf32> to vector<1x16xf32>
    %broadcast_in_dim3A_10 = vector.broadcast %broadcast_in_dim3A_9 : vector<1x16xf32> to vector<8x16xf32>
    %eq3A = arith.constant 0 : i32
    %eq3A_11 = arith.cmpi eq, %arg0, %eq3A : i32
    %convert_element_type3A = arith.extui %eq3A_11 : i1 to i32
    %cond3A = arith.constant 0 : i32
    %cond3A_12 = arith.cmpi ne, %convert_element_type3A, %cond3A : i32
    scf.if %cond3A_12 {
      %swap3A_24 = arith.constant 0 : index
      %swap3A_25 = arith.constant 0 : index
      %swap3A_26 = vector.load %arg5[%swap3A_24, %swap3A_25] : memref<8x16xf32, #tpu.memory_space<vmem>>, vector<8x16xf32>
      tpu.vector_store %arg5[%swap3A_24, %swap3A_25], %broadcast_in_dim3A_10 {strides = array<i32>} : memref<8x16xf32, #tpu.memory_space<vmem>>, vector<8x16xf32>,
    } else {
    }
    %get3A_13 = arith.constant 0 : index
    %get3A_14 = arith.constant 0 : index
    %get3A_15 = vector.load %arg5[%get3A_13, %get3A_14] : memref<8x16xf32, #tpu.memory_space<vmem>>, vector<8x16xf32>
    %max3A = arith.maximumf %get3A_15, %broadcast_in_dim3A_10 : vector<8x16xf32>
    %swap3A_16 = arith.constant 0 : index
    %swap3A_17 = arith.constant 0 : index
    %swap3A_18 = vector.load %arg5[%swap3A_16, %swap3A_17] : memref<8x16xf32, #tpu.memory_space<vmem>>, vector<8x16xf32>
    tpu.vector_store %arg5[%swap3A_16, %swap3A_17], %max3A {strides = array<i32>} : memref<8x16xf32, #tpu.memory_space<vmem>>, vector<8x16xf32>,
    %eq3A_19 = arith.constant 97 : i32
    %eq3A_20 = arith.cmpi eq, %arg0, %eq3A_19 : i32
    %convert_element_type3A_21 = arith.extui %eq3A_20 : i1 to i32
    %cond3A_22 = arith.constant 0 : i32
    %cond3A_23 = arith.cmpi ne, %convert_element_type3A_21, %cond3A_22 : i32
    scf.if %cond3A_23 {
      %get3A_24 = arith.constant 0 : index
      %get3A_25 = arith.constant 0 : index
      %get3A_26 = vector.load %arg5[%get3A_24, %get3A_25] : memref<8x16xf32, #tpu.memory_space<vmem>>, vector<8x16xf32>
      %slice3A = vector.extract_strided_slice %get3A_26 {offsets = [0, 5], sizes = [8, 4], strides = [1, 1]} : vector<8x16xf32> to vector<8x4xf32>
      %slice3A_27 = vector.extract_strided_slice %get3A_26 {offsets = [0, 9], sizes = [8, 4], strides = [1, 1]} : vector<8x16xf32> to vector<8x4xf32>
      %add3A = arith.addf %slice3A, %slice3A_27 : vector<8x4xf32>
      %mul3A = arith.constant 2.000000e-01 : f32
      %mul3A_28 = vector.broadcast %mul3A : f32 to vector<8x4xf32>
      %mul3A_29 = arith.mulf %mul3A_28, %add3A : vector<8x4xf32>
      %max3A_30 = arith.maximumf %add3A, %mul3A_29 : vector<8x4xf32>
      %broadcast_in_dim3A_31 = arith.constant 0.000000e+00 : f32
      %broadcast_in_dim3A_32 = vector.broadcast %broadcast_in_dim3A_31 : f32 to vector<8x12xf32>
      %concatenate3A = tpu.concatenate %max3A_30, %broadcast_in_dim3A_32 in 1 : vector<8x4xf32>, vector<8x12xf32> -> vector<8x16xf32>
      %swap3A_33 = arith.constant 0 : index
      %swap3A_34 = arith.constant 0 : index
      %swap3A_35 = vector.load %arg4[%swap3A_33, %swap3A_34] : memref<8x16xf32, #tpu.memory_space<vmem>>, vector<8x16xf32>
      tpu.vector_store %arg4[%swap3A_33, %swap3A_34], %concatenate3A {strides = array<i32>} : memref<8x16xf32, #tpu.memory_space<vmem>>, vector<8x16xf32>,
    } else {
    }
    return
  }
  func.func @transform_0(%arg0: i32) -> (i32, i32) {
    %c0_i32 = arith.constant 0 : i32
    %c0_i32_0 = arith.constant 0 : i32
    return %arg0, %c0_i32 : i32, i32
  }
  func.func @transform_1(%arg0: i32) -> (i32, i32) {
    %c0_i32 = arith.constant 0 : i32
    %c0_i32_0 = arith.constant 0 : i32
    %c0_i32_1 = arith.constant 0 : i32
    return %c0_i32, %c0_i32_0 : i32, i32
  }
  func.func @transform_2(%arg0: i32) -> (i32, i32) {
    %c0_i32 = arith.constant 0 : i32
    %c0_i32_0 = arith.constant 0 : i32
    return %arg0, %c0_i32 : i32, i32
  }
  func.func @transform_3(%arg0: i32) -> (i32, i32) {
    %c0_i32 = arith.constant 0 : i32
    %c0_i32_0 = arith.constant 0 : i32
    %c0_i32_1 = arith.constant 0 : i32
    return %c0_i32, %c0_i32_0 : i32, i32
  }
}

module attributes {stable_mosaic.version = 14 : i64} {
  func.func @_k3_body(%arg0: i32, %arg1: memref<512x32xf32, #tpu.memory_space<vmem>>, %arg2: memref<512x16xf32, #tpu.memory_space<vmem>>, %arg3: memref<8x16xf32, #tpu.memory_space<vmem>>, %arg4: memref<32x256xf32, #tpu.memory_space<vmem>>, %arg5: memref<8x256xf32, #tpu.memory_space<vmem>>, %arg6: memref<256x128xf32, #tpu.memory_space<vmem>>, %arg7: memref<512x1xi32, #tpu.memory_space<vmem>>, %arg8: memref<512x16xf32, #tpu.memory_space<vmem>>, %arg9: memref<512x64xf32, #tpu.memory_space<vmem>>, %arg10: memref<8x16xf32, #tpu.memory_space<vmem>>, %arg11: memref<8x16xf32, #tpu.memory_space<vmem>>) attributes {dimension_semantics = [#tpu.dimension_semantics<arbitrary>], iteration_bounds = array<i64: 98>, scalar_prefetch = 0 : i64, scratch_operands = 1 : i64, tpu.core_type = #tpu.core_type<tc>, window_params = [{transform_indices = @transform_0, window_bounds = array<i64: 512, 32>}, {transform_indices = @transform_1, window_bounds = array<i64: 512, 16>}, {pipeline_mode = #tpu.pipeline_mode<synchronous>, transform_indices = @transform_2, window_bounds = array<i64: 8, 16>}, {pipeline_mode = #tpu.pipeline_mode<synchronous>, transform_indices = @transform_3, window_bounds = array<i64: 32, 256>}, {pipeline_mode = #tpu.pipeline_mode<synchronous>, transform_indices = @transform_4, window_bounds = array<i64: 8, 256>}, {pipeline_mode = #tpu.pipeline_mode<synchronous>, transform_indices = @transform_5, window_bounds = array<i64: 256, 128>}, {transform_indices = @transform_6, window_bounds = array<i64: 512, 1>}, {transform_indices = @transform_7, window_bounds = array<i64: 512, 16>}, {transform_indices = @transform_8, window_bounds = array<i64: 512, 64>}, {pipeline_mode = #tpu.pipeline_mode<synchronous>, transform_indices = @transform_9, window_bounds = array<i64: 8, 16>}]} {
    %get3A = arith.constant 0 : index
    %get3A_0 = arith.constant 0 : index
    %get3A_1 = vector.load %arg1[%get3A, %get3A_0] : memref<512x32xf32, #tpu.memory_space<vmem>>, vector<512x32xf32>
    %slice3A = vector.extract_strided_slice %get3A_1 {offsets = [0, 0], sizes = [512, 2], strides = [1, 1]} : vector<512x32xf32> to vector<512x2xf32>
    %slice3A_2 = vector.extract_strided_slice %get3A_1 {offsets = [0, 16], sizes = [512, 2], strides = [1, 1]} : vector<512x32xf32> to vector<512x2xf32>
    %concatenate3A = tpu.concatenate %slice3A, %slice3A_2 in 1 : vector<512x2xf32>, vector<512x2xf32> -> vector<512x4xf32>
    %slice3A_3 = vector.extract_strided_slice %get3A_1 {offsets = [0, 2], sizes = [512, 10], strides = [1, 1]} : vector<512x32xf32> to vector<512x10xf32>
    %slice3A_4 = vector.extract_strided_slice %get3A_1 {offsets = [0, 18], sizes = [512, 10], strides = [1, 1]} : vector<512x32xf32> to vector<512x10xf32>
    %concatenate3A_5 = tpu.concatenate %slice3A_3, %slice3A_4 in 1 : vector<512x10xf32>, vector<512x10xf32> -> vector<512x20xf32>
    %get3A_6 = arith.constant 0 : index
    %get3A_7 = arith.constant 0 : index
    %get3A_8 = vector.load %arg2[%get3A_6, %get3A_7] : memref<512x16xf32, #tpu.memory_space<vmem>>, vector<512x16xf32>
    %slice3A_9 = vector.extract_strided_slice %get3A_8 {offsets = [0, 0], sizes = [512, 5], strides = [1, 1]} : vector<512x16xf32> to vector<512x5xf32>
    %slice3A_10 = vector.extract_strided_slice %get3A_8 {offsets = [0, 5], sizes = [512, 4], strides = [1, 1]} : vector<512x16xf32> to vector<512x4xf32>
    %slice3A_11 = vector.extract_strided_slice %get3A_8 {offsets = [0, 9], sizes = [512, 4], strides = [1, 1]} : vector<512x16xf32> to vector<512x4xf32>
    %get3A_12 = arith.constant 0 : index
    %get3A_13 = arith.constant 0 : index
    %get3A_14 = vector.load %arg3[%get3A_12, %get3A_13] : memref<8x16xf32, #tpu.memory_space<vmem>>, vector<8x16xf32>
    %slice3A_15 = vector.extract_strided_slice %get3A_14 {offsets = [0, 0], sizes = [1, 4], strides = [1, 1]} : vector<8x16xf32> to vector<1x4xf32>
    %add3A = arith.addf %slice3A_10, %slice3A_11 : vector<512x4xf32>
    %mul3A = arith.constant 2.000000e-01 : f32
    %mul3A_16 = vector.broadcast %mul3A : f32 to vector<512x4xf32>
    %mul3A_17 = arith.mulf %mul3A_16, %add3A : vector<512x4xf32>
    %max3A = arith.maximumf %add3A, %mul3A_17 : vector<512x4xf32>
    %sub3A = vector.broadcast %slice3A_15 : vector<1x4xf32> to vector<512x4xf32>
    %sub3A_18 = arith.subf %max3A, %sub3A : vector<512x4xf32>
    %exp3A = math.exp %sub3A_18 : vector<512x4xf32>
    %add3A_19 = arith.addf %concatenate3A, %exp3A : vector<512x4xf32>
    %slice3A_20 = vector.extract_strided_slice %concatenate3A_5 {offsets = [0, 0], sizes = [512, 5], strides = [1, 1]} : vector<512x20xf32> to vector<512x5xf32>
    %slice3A_21 = vector.extract_strided_slice %exp3A {offsets = [0, 0], sizes = [512, 1], strides = [1, 1]} : vector<512x4xf32> to vector<512x1xf32>
    %mul3A_22 = vector.broadcast %slice3A_21 : vector<512x1xf32> to vector<512x5xf32>
    %mul3A_23 = arith.mulf %mul3A_22, %slice3A_9 : vector<512x5xf32>
    %add3A_24 = arith.addf %slice3A_20, %mul3A_23 : vector<512x5xf32>
    %slice3A_25 = vector.extract_strided_slice %add3A_19 {offsets = [0, 0], sizes = [512, 1], strides = [1, 1]} : vector<512x4xf32> to vector<512x1xf32>
    %div3A = vector.broadcast %slice3A_25 : vector<512x1xf32> to vector<512x5xf32>
    %div3A_26 = arith.divf %add3A_24, %div3A : vector<512x5xf32>
    %slice3A_27 = vector.extract_strided_slice %concatenate3A_5 {offsets = [0, 5], sizes = [512, 5], strides = [1, 1]} : vector<512x20xf32> to vector<512x5xf32>
    %slice3A_28 = vector.extract_strided_slice %exp3A {offsets = [0, 1], sizes = [512, 1], strides = [1, 1]} : vector<512x4xf32> to vector<512x1xf32>
    %mul3A_29 = vector.broadcast %slice3A_28 : vector<512x1xf32> to vector<512x5xf32>
    %mul3A_30 = arith.mulf %mul3A_29, %slice3A_9 : vector<512x5xf32>
    %add3A_31 = arith.addf %slice3A_27, %mul3A_30 : vector<512x5xf32>
    %slice3A_32 = vector.extract_strided_slice %add3A_19 {offsets = [0, 1], sizes = [512, 1], strides = [1, 1]} : vector<512x4xf32> to vector<512x1xf32>
    %div3A_33 = vector.broadcast %slice3A_32 : vector<512x1xf32> to vector<512x5xf32>
    %div3A_34 = arith.divf %add3A_31, %div3A_33 : vector<512x5xf32>
    %slice3A_35 = vector.extract_strided_slice %concatenate3A_5 {offsets = [0, 10], sizes = [512, 5], strides = [1, 1]} : vector<512x20xf32> to vector<512x5xf32>
    %slice3A_36 = vector.extract_strided_slice %exp3A {offsets = [0, 2], sizes = [512, 1], strides = [1, 1]} : vector<512x4xf32> to vector<512x1xf32>
    %mul3A_37 = vector.broadcast %slice3A_36 : vector<512x1xf32> to vector<512x5xf32>
    %mul3A_38 = arith.mulf %mul3A_37, %slice3A_9 : vector<512x5xf32>
    %add3A_39 = arith.addf %slice3A_35, %mul3A_38 : vector<512x5xf32>
    %slice3A_40 = vector.extract_strided_slice %add3A_19 {offsets = [0, 2], sizes = [512, 1], strides = [1, 1]} : vector<512x4xf32> to vector<512x1xf32>
    %div3A_41 = vector.broadcast %slice3A_40 : vector<512x1xf32> to vector<512x5xf32>
    %div3A_42 = arith.divf %add3A_39, %div3A_41 : vector<512x5xf32>
    %slice3A_43 = vector.extract_strided_slice %concatenate3A_5 {offsets = [0, 15], sizes = [512, 5], strides = [1, 1]} : vector<512x20xf32> to vector<512x5xf32>
    %slice3A_44 = vector.extract_strided_slice %exp3A {offsets = [0, 3], sizes = [512, 1], strides = [1, 1]} : vector<512x4xf32> to vector<512x1xf32>
    %mul3A_45 = vector.broadcast %slice3A_44 : vector<512x1xf32> to vector<512x5xf32>
    %mul3A_46 = arith.mulf %mul3A_45, %slice3A_9 : vector<512x5xf32>
    %add3A_47 = arith.addf %slice3A_43, %mul3A_46 : vector<512x5xf32>
    %slice3A_48 = vector.extract_strided_slice %add3A_19 {offsets = [0, 3], sizes = [512, 1], strides = [1, 1]} : vector<512x4xf32> to vector<512x1xf32>
    %div3A_49 = vector.broadcast %slice3A_48 : vector<512x1xf32> to vector<512x5xf32>
    %div3A_50 = arith.divf %add3A_47, %div3A_49 : vector<512x5xf32>
    %broadcast_in_dim3A = arith.constant 0.000000e+00 : f32
    %broadcast_in_dim3A_51 = vector.broadcast %broadcast_in_dim3A : f32 to vector<512x12xf32>
    %concatenate3A_52 = tpu.concatenate %div3A_26, %div3A_34, %div3A_42, %div3A_50, %broadcast_in_dim3A_51 in 1 : vector<512x5xf32>, vector<512x5xf32>, vector<512x5xf32>, vector<512x5xf32>, vector<512x12xf32> -> vector<512x32xf32>
    %get3A_53 = arith.constant 0 : index
    %get3A_54 = arith.constant 0 : index
    %get3A_55 = vector.load %arg4[%get3A_53, %get3A_54] : memref<32x256xf32, #tpu.memory_space<vmem>>, vector<32x256xf32>
    %dot_general3A = arith.constant dense<0.000000e+00> : vector<512x256xf32>
    %dot_general3A_56 = tpu.matmul %concatenate3A_52, %get3A_55, %dot_general3A {dimension_numbers = #tpu.dot_dimension_numbers<[1], [0], [0], [1], [0, 0, 1, 1], [], []>, precision = #tpu.contract_precision<fp32>, transpose_lhs_hint = false} : vector<512x32xf32>, vector<32x256xf32>, vector<512x256xf32> -> vector<512x256xf32>
    %get3A_57 = arith.constant 0 : index
    %get3A_58 = arith.constant 0 : index
    %get3A_59 = vector.load %arg5[%get3A_57, %get3A_58] : memref<8x256xf32, #tpu.memory_space<vmem>>, vector<8x256xf32>
    %slice3A_60 = vector.extract_strided_slice %get3A_59 {offsets = [0, 0], sizes = [1, 256], strides = [1, 1]} : vector<8x256xf32> to vector<1x256xf32>
    %add3A_61 = vector.broadcast %slice3A_60 : vector<1x256xf32> to vector<512x256xf32>
    %add3A_62 = arith.addf %dot_general3A_56, %add3A_61 : vector<512x256xf32>
    %max3A_63 = arith.constant 0.000000e+00 : f32
    %max3A_64 = vector.broadcast %max3A_63 : f32 to vector<512x256xf32>
    %max3A_65 = arith.maximumf %add3A_62, %max3A_64 : vector<512x256xf32>
    %get3A_66 = arith.constant 0 : index
    %get3A_67 = arith.constant 0 : index
    %get3A_68 = vector.load %arg6[%get3A_66, %get3A_67] : memref<256x128xf32, #tpu.memory_space<vmem>>, vector<256x128xf32>
    %dot_general3A_69 = arith.constant dense<0.000000e+00> : vector<512x128xf32>
    %dot_general3A_70 = tpu.matmul %max3A_65, %get3A_68, %dot_general3A_69 {dimension_numbers = #tpu.dot_dimension_numbers<[1], [0], [0], [1], [0, 0, 1, 1], [], []>, precision = #tpu.contract_precision<fp32>, transpose_lhs_hint = false} : vector<512x256xf32>, vector<256x128xf32>, vector<512x128xf32> -> vector<512x128xf32>
    %slice3A_71 = vector.extract_strided_slice %dot_general3A_70 {offsets = [0, 0], sizes = [512, 64], strides = [1, 1]} : vector<512x128xf32> to vector<512x64xf32>
    %slice3A_72 = vector.extract_strided_slice %dot_general3A_70 {offsets = [0, 64], sizes = [512, 1], strides = [1, 1]} : vector<512x128xf32> to vector<512x1xf32>
    %slice3A_73 = vector.extract_strided_slice %dot_general3A_70 {offsets = [0, 65], sizes = [512, 1], strides = [1, 1]} : vector<512x128xf32> to vector<512x1xf32>
    %swap3A = arith.constant 0 : index
    %swap3A_74 = arith.constant 0 : index
    %swap3A_75 = vector.load %arg9[%swap3A, %swap3A_74] : memref<512x64xf32, #tpu.memory_space<vmem>>, vector<512x64xf32>
    tpu.vector_store %arg9[%swap3A, %swap3A_74], %slice3A_71 {strides = array<i32>} : memref<512x64xf32, #tpu.memory_space<vmem>>, vector<512x64xf32>,
    %convert_element_type3A = arith.truncf %slice3A_72 : vector<512x1xf32> to vector<512x1xbf16>
    %bitcast_convert_type3A = tpu.bitcast %convert_element_type3A : vector<512x1xbf16> -> vector<512x1xi16>
    %convert_element_type3A_76 = arith.extui %bitcast_convert_type3A : vector<512x1xi16> to vector<512x1xi32>
    %convert_element_type3A_77 = arith.truncf %slice3A_73 : vector<512x1xf32> to vector<512x1xbf16>
    %bitcast_convert_type3A_78 = tpu.bitcast %convert_element_type3A_77 : vector<512x1xbf16> -> vector<512x1xi16>
    %convert_element_type3A_79 = arith.extui %bitcast_convert_type3A_78 : vector<512x1xi16> to vector<512x1xi32>
    %shift_left3A = arith.constant 16 : i32
    %shift_left3A_80 = vector.broadcast %shift_left3A : i32 to vector<512x1xi32>
    %shift_left3A_81 = arith.shli %convert_element_type3A_76, %shift_left3A_80 : vector<512x1xi32>
    %or3A = arith.ori %shift_left3A_81, %convert_element_type3A_79 : vector<512x1xi32>
    %swap3A_82 = arith.constant 0 : index
    %swap3A_83 = arith.constant 0 : index
    %swap3A_84 = vector.load %arg7[%swap3A_82, %swap3A_83] : memref<512x1xi32, #tpu.memory_space<vmem>>, vector<512x1xi32>
    tpu.vector_store %arg7[%swap3A_82, %swap3A_83], %or3A {strides = array<i32>} : memref<512x1xi32, #tpu.memory_space<vmem>>, vector<512x1xi32>,
    %broadcast_in_dim3A_85 = arith.constant 0.000000e+00 : f32
    %broadcast_in_dim3A_86 = vector.broadcast %broadcast_in_dim3A_85 : f32 to vector<512x14xf32>
    %concatenate3A_87 = tpu.concatenate %slice3A_72, %slice3A_73, %broadcast_in_dim3A_86 in 1 : vector<512x1xf32>, vector<512x1xf32>, vector<512x14xf32> -> vector<512x16xf32>
    %swap3A_88 = arith.constant 0 : index
    %swap3A_89 = arith.constant 0 : index
    %swap3A_90 = vector.load %arg8[%swap3A_88, %swap3A_89] : memref<512x16xf32, #tpu.memory_space<vmem>>, vector<512x16xf32>
    tpu.vector_store %arg8[%swap3A_88, %swap3A_89], %concatenate3A_87 {strides = array<i32>} : memref<512x16xf32, #tpu.memory_space<vmem>>, vector<512x16xf32>,
    %slice3A_91 = vector.extract_strided_slice %dot_general3A_70 {offsets = [0, 64], sizes = [512, 2], strides = [1, 1]} : vector<512x128xf32> to vector<512x2xf32>
    %reduce_max3A = arith.constant dense<0xFF800000> : vector<2xf32>
    %reduce_max3A_92 = vector.multi_reduction <maximumf>, %slice3A_91, %reduce_max3A [0] : vector<512x2xf32> to vector<2xf32>
    %broadcast_in_dim3A_93 = vector.shape_cast %reduce_max3A_92 : vector<2xf32> to vector<1x2xf32>
    %broadcast_in_dim3A_94 = arith.constant 0.000000e+00 : f32
    %broadcast_in_dim3A_95 = vector.broadcast %broadcast_in_dim3A_94 : f32 to vector<1x14xf32>
    %concatenate3A_96 = tpu.concatenate %broadcast_in_dim3A_93, %broadcast_in_dim3A_95 in 1 : vector<1x2xf32>, vector<1x14xf32> -> vector<1x16xf32>
    %broadcast_in_dim3A_97 = vector.shape_cast %concatenate3A_96 : vector<1x16xf32> to vector<1x16xf32>
    %broadcast_in_dim3A_98 = vector.broadcast %broadcast_in_dim3A_97 : vector<1x16xf32> to vector<8x16xf32>
    %eq3A = arith.constant 0 : i32
    %eq3A_99 = arith.cmpi eq, %arg0, %eq3A : i32
    %convert_element_type3A_100 = arith.extui %eq3A_99 : i1 to i32
    %cond3A = arith.constant 0 : i32
    %cond3A_101 = arith.cmpi ne, %convert_element_type3A_100, %cond3A : i32
    scf.if %cond3A_101 {
      %swap3A_114 = arith.constant 0 : index
      %swap3A_115 = arith.constant 0 : index
      %swap3A_116 = vector.load %arg11[%swap3A_114, %swap3A_115] : memref<8x16xf32, #tpu.memory_space<vmem>>, vector<8x16xf32>
      tpu.vector_store %arg11[%swap3A_114, %swap3A_115], %broadcast_in_dim3A_98 {strides = array<i32>} : memref<8x16xf32, #tpu.memory_space<vmem>>, vector<8x16xf32>,
    } else {
    }
    %get3A_102 = arith.constant 0 : index
    %get3A_103 = arith.constant 0 : index
    %get3A_104 = vector.load %arg11[%get3A_102, %get3A_103] : memref<8x16xf32, #tpu.memory_space<vmem>>, vector<8x16xf32>
    %max3A_105 = arith.maximumf %get3A_104, %broadcast_in_dim3A_98 : vector<8x16xf32>
    %swap3A_106 = arith.constant 0 : index
    %swap3A_107 = arith.constant 0 : index
    %swap3A_108 = vector.load %arg11[%swap3A_106, %swap3A_107] : memref<8x16xf32, #tpu.memory_space<vmem>>, vector<8x16xf32>
    tpu.vector_store %arg11[%swap3A_106, %swap3A_107], %max3A_105 {strides = array<i32>} : memref<8x16xf32, #tpu.memory_space<vmem>>, vector<8x16xf32>,
    %eq3A_109 = arith.constant 97 : i32
    %eq3A_110 = arith.cmpi eq, %arg0, %eq3A_109 : i32
    %convert_element_type3A_111 = arith.extui %eq3A_110 : i1 to i32
    %cond3A_112 = arith.constant 0 : i32
    %cond3A_113 = arith.cmpi ne, %convert_element_type3A_111, %cond3A_112 : i32
    scf.if %cond3A_113 {
      %get3A_114 = arith.constant 0 : index
      %get3A_115 = arith.constant 0 : index
      %get3A_116 = vector.load %arg11[%get3A_114, %get3A_115] : memref<8x16xf32, #tpu.memory_space<vmem>>, vector<8x16xf32>
      %slice3A_117 = vector.extract_strided_slice %get3A_116 {offsets = [0, 0], sizes = [1, 1], strides = [1, 1]} : vector<8x16xf32> to vector<1x1xf32>
      %slice3A_118 = vector.extract_strided_slice %get3A_116 {offsets = [0, 1], sizes = [1, 1], strides = [1, 1]} : vector<8x16xf32> to vector<1x1xf32>
      %add3A_119 = arith.addf %slice3A_117, %slice3A_118 : vector<1x1xf32>
      %mul3A_120 = arith.constant 2.000000e-01 : f32
      %mul3A_121 = vector.broadcast %mul3A_120 : f32 to vector<1x1xf32>
      %mul3A_122 = arith.mulf %mul3A_121, %add3A_119 : vector<1x1xf32>
      %max3A_123 = arith.maximumf %add3A_119, %mul3A_122 : vector<1x1xf32>
      %broadcast_in_dim3A_124 = vector.shape_cast %max3A_123 : vector<1x1xf32> to vector<1x1xf32>
      %broadcast_in_dim3A_125 = vector.broadcast %broadcast_in_dim3A_124 : vector<1x1xf32> to vector<8x16xf32>
      %swap3A_126 = arith.constant 0 : index
      %swap3A_127 = arith.constant 0 : index
      %swap3A_128 = vector.load %arg10[%swap3A_126, %swap3A_127] : memref<8x16xf32, #tpu.memory_space<vmem>>, vector<8x16xf32>
      tpu.vector_store %arg10[%swap3A_126, %swap3A_127], %broadcast_in_dim3A_125 {strides = array<i32>} : memref<8x16xf32, #tpu.memory_space<vmem>>, vector<8x16xf32>,
    } else {
    }
    return
  }
  func.func @transform_0(%arg0: i32) -> (i32, i32) {
    %c0_i32 = arith.constant 0 : i32
    %c0_i32_0 = arith.constant 0 : i32
    return %arg0, %c0_i32 : i32, i32
  }
  func.func @transform_1(%arg0: i32) -> (i32, i32) {
    %c0_i32 = arith.constant 0 : i32
    %c0_i32_0 = arith.constant 0 : i32
    return %arg0, %c0_i32 : i32, i32
  }
  func.func @transform_2(%arg0: i32) -> (i32, i32) {
    %c0_i32 = arith.constant 0 : i32
    %c0_i32_0 = arith.constant 0 : i32
    %c0_i32_1 = arith.constant 0 : i32
    return %c0_i32, %c0_i32_0 : i32, i32
  }
  func.func @transform_3(%arg0: i32) -> (i32, i32) {
    %c0_i32 = arith.constant 0 : i32
    %c0_i32_0 = arith.constant 0 : i32
    %c0_i32_1 = arith.constant 0 : i32
    return %c0_i32, %c0_i32_0 : i32, i32
  }
  func.func @transform_4(%arg0: i32) -> (i32, i32) {
    %c0_i32 = arith.constant 0 : i32
    %c0_i32_0 = arith.constant 0 : i32
    %c0_i32_1 = arith.constant 0 : i32
    return %c0_i32, %c0_i32_0 : i32, i32
  }
  func.func @transform_5(%arg0: i32) -> (i32, i32) {
    %c0_i32 = arith.constant 0 : i32
    %c0_i32_0 = arith.constant 0 : i32
    %c0_i32_1 = arith.constant 0 : i32
    return %c0_i32, %c0_i32_0 : i32, i32
  }
  func.func @transform_6(%arg0: i32) -> (i32, i32) {
    %c0_i32 = arith.constant 0 : i32
    %c0_i32_0 = arith.constant 0 : i32
    return %arg0, %c0_i32 : i32, i32
  }
  func.func @transform_7(%arg0: i32) -> (i32, i32) {
    %c0_i32 = arith.constant 0 : i32
    %c0_i32_0 = arith.constant 0 : i32
    return %arg0, %c0_i32 : i32, i32
  }
  func.func @transform_8(%arg0: i32) -> (i32, i32) {
    %c0_i32 = arith.constant 0 : i32
    %c0_i32_0 = arith.constant 0 : i32
    return %arg0, %c0_i32 : i32, i32
  }
  func.func @transform_9(%arg0: i32) -> (i32, i32) {
    %c0_i32 = arith.constant 0 : i32
    %c0_i32_0 = arith.constant 0 : i32
    %c0_i32_1 = arith.constant 0 : i32
    return %c0_i32, %c0_i32_0 : i32, i32
  }
}

module attributes {stable_mosaic.version = 14 : i64} {
  func.func @_k5_body(%arg0: i32, %arg1: memref<512x64xf32, #tpu.memory_space<vmem>>, %arg2: memref<512x1xf32, #tpu.memory_space<vmem>>, %arg3: memref<512x64xf32, #tpu.memory_space<vmem>>, %arg4: memref<512x16xf32, #tpu.memory_space<vmem>>, %arg5: memref<8x16xf32, #tpu.memory_space<vmem>>, %arg6: memref<8x64xf32, #tpu.memory_space<vmem>>, %arg7: memref<512x1xi32, #tpu.memory_space<vmem>>, %arg8: memref<64x128xf32, #tpu.memory_space<vmem>>, %arg9: memref<8x128xf32, #tpu.memory_space<vmem>>, %arg10: memref<128x128xf32, #tpu.memory_space<vmem>>, %arg11: memref<128x72xf32, #tpu.memory_space<vmem>>) attributes {dimension_semantics = [#tpu.dimension_semantics<arbitrary>], iteration_bounds = array<i64: 98>, scalar_prefetch = 0 : i64, scratch_operands = 1 : i64, tpu.core_type = #tpu.core_type<tc>, window_params = [{transform_indices = @transform_0, window_bounds = array<i64: 512, 64>}, {transform_indices = @transform_1, window_bounds = array<i64: 512, 1>}, {transform_indices = @transform_2, window_bounds = array<i64: 512, 64>}, {transform_indices = @transform_3, window_bounds = array<i64: 512, 16>}, {pipeline_mode = #tpu.pipeline_mode<synchronous>, transform_indices = @transform_4, window_bounds = array<i64: 8, 16>}, {pipeline_mode = #tpu.pipeline_mode<synchronous>, transform_indices = @transform_5, window_bounds = array<i64: 8, 64>}, {transform_indices = @transform_6, window_bounds = array<i64: 512, 1>}, {pipeline_mode = #tpu.pipeline_mode<synchronous>, transform_indices = @transform_7, window_bounds = array<i64: 64, 128>}, {pipeline_mode = #tpu.pipeline_mode<synchronous>, transform_indices = @transform_8, window_bounds = array<i64: 8, 128>}, {pipeline_mode = #tpu.pipeline_mode<synchronous>, transform_indices = @transform_9, window_bounds = array<i64: 128, 128>}]} {
    %get3A = arith.constant 0 : index
    %get3A_0 = arith.constant 0 : index
    %get3A_1 = vector.load %arg5[%get3A, %get3A_0] : memref<8x16xf32, #tpu.memory_space<vmem>>, vector<8x16xf32>
    %slice3A = vector.extract_strided_slice %get3A_1 {offsets = [0, 0], sizes = [1, 1], strides = [1, 1]} : vector<8x16xf32> to vector<1x1xf32>
    %get3A_2 = arith.constant 0 : index
    %get3A_3 = arith.constant 0 : index
    %get3A_4 = vector.load %arg4[%get3A_2, %get3A_3] : memref<512x16xf32, #tpu.memory_space<vmem>>, vector<512x16xf32>
    %slice3A_5 = vector.extract_strided_slice %get3A_4 {offsets = [0, 0], sizes = [512, 1], strides = [1, 1]} : vector<512x16xf32> to vector<512x1xf32>
    %slice3A_6 = vector.extract_strided_slice %get3A_4 {offsets = [0, 1], sizes = [512, 1], strides = [1, 1]} : vector<512x16xf32> to vector<512x1xf32>
    %add3A = arith.addf %slice3A_5, %slice3A_6 : vector<512x1xf32>
    %mul3A = arith.constant 2.000000e-01 : f32
    %mul3A_7 = vector.broadcast %mul3A : f32 to vector<512x1xf32>
    %mul3A_8 = arith.mulf %mul3A_7, %add3A : vector<512x1xf32>
    %max3A = arith.maximumf %add3A, %mul3A_8 : vector<512x1xf32>
    %sub3A = vector.broadcast %slice3A : vector<1x1xf32> to vector<512x1xf32>
    %sub3A_9 = arith.subf %max3A, %sub3A : vector<512x1xf32>
    %exp3A = math.exp %sub3A_9 : vector<512x1xf32>
    %get3A_10 = arith.constant 0 : index
    %get3A_11 = arith.constant 0 : index
    %get3A_12 = vector.load %arg2[%get3A_10, %get3A_11] : memref<512x1xf32, #tpu.memory_space<vmem>>, vector<512x1xf32>
    %add3A_13 = arith.addf %get3A_12, %exp3A : vector<512x1xf32>
    %get3A_14 = arith.constant 0 : index
    %get3A_15 = arith.constant 0 : index
    %get3A_16 = vector.load %arg1[%get3A_14, %get3A_15] : memref<512x64xf32, #tpu.memory_space<vmem>>, vector<512x64xf32>
    %get3A_17 = arith.constant 0 : index
    %get3A_18 = arith.constant 0 : index
    %get3A_19 = vector.load %arg3[%get3A_17, %get3A_18] : memref<512x64xf32, #tpu.memory_space<vmem>>, vector<512x64xf32>
    %mul3A_20 = vector.broadcast %exp3A : vector<512x1xf32> to vector<512x64xf32>
    %mul3A_21 = arith.mulf %mul3A_20, %get3A_19 : vector<512x64xf32>
    %add3A_22 = arith.addf %get3A_16, %mul3A_21 : vector<512x64xf32>
    %div3A = vector.broadcast %add3A_13 : vector<512x1xf32> to vector<512x64xf32>
    %div3A_23 = arith.divf %add3A_22, %div3A : vector<512x64xf32>
    %get3A_24 = arith.constant 0 : index
    %get3A_25 = arith.constant 0 : index
    %get3A_26 = vector.load %arg6[%get3A_24, %get3A_25] : memref<8x64xf32, #tpu.memory_space<vmem>>, vector<8x64xf32>
    %slice3A_27 = vector.extract_strided_slice %get3A_26 {offsets = [0, 0], sizes = [1, 64], strides = [1, 1]} : vector<8x64xf32> to vector<1x64xf32>
    %add3A_28 = vector.broadcast %slice3A_27 : vector<1x64xf32> to vector<512x64xf32>
    %add3A_29 = arith.addf %div3A_23, %add3A_28 : vector<512x64xf32>
    %max3A_30 = arith.constant 0.000000e+00 : f32
    %max3A_31 = vector.broadcast %max3A_30 : f32 to vector<512x64xf32>
    %max3A_32 = arith.maximumf %add3A_29, %max3A_31 : vector<512x64xf32>
    %get3A_33 = arith.constant 0 : index
    %get3A_34 = arith.constant 0 : index
    %get3A_35 = vector.load %arg7[%get3A_33, %get3A_34] : memref<512x1xi32, #tpu.memory_space<vmem>>, vector<512x1xi32>
    %iota3A = tpu.iota {dimensions = array<i32: 1>} : vector<512x128xi32>
    %eq3A = vector.broadcast %get3A_35 : vector<512x1xi32> to vector<512x128xi32>
    %eq3A_36 = arith.cmpi eq, %iota3A, %eq3A : vector<512x128xi32>
    %convert_element_type3A = arith.extui %eq3A_36 : vector<512x128xi1> to vector<512x128xi32>
    %convert_element_type3A_37 = arith.sitofp %convert_element_type3A : vector<512x128xi32> to vector<512x128xf32>
    %broadcast_in_dim3A = arith.constant 1.000000e+00 : f32
    %broadcast_in_dim3A_38 = vector.broadcast %broadcast_in_dim3A : f32 to vector<512x8xf32>
    %concatenate3A = tpu.concatenate %max3A_32, %broadcast_in_dim3A_38 in 1 : vector<512x64xf32>, vector<512x8xf32> -> vector<512x72xf32>
    %dot_general3A = arith.constant dense<0.000000e+00> : vector<128x72xf32>
    %dot_general3A_39 = tpu.matmul %convert_element_type3A_37, %concatenate3A, %dot_general3A {dimension_numbers = #tpu.dot_dimension_numbers<[0], [0], [1], [1], [0, 1, 1, 1], [], []>, precision = #tpu.contract_precision<fp32>, transpose_lhs_hint = false} : vector<512x128xf32>, vector<512x72xf32>, vector<128x72xf32> -> vector<128x72xf32>
    %eq3A_40 = arith.constant 0 : i32
    %eq3A_41 = arith.cmpi eq, %arg0, %eq3A_40 : i32
    %convert_element_type3A_42 = arith.extui %eq3A_41 : i1 to i32
    %cond3A = arith.constant 0 : i32
    %cond3A_43 = arith.cmpi ne, %convert_element_type3A_42, %cond3A : i32
    scf.if %cond3A_43 {
      %broadcast_in_dim3A_55 = arith.constant 0.000000e+00 : f32
      %broadcast_in_dim3A_56 = vector.broadcast %broadcast_in_dim3A_55 : f32 to vector<128x72xf32>
      %swap3A_57 = arith.constant 0 : index
      %swap3A_58 = arith.constant 0 : index
      %swap3A_59 = vector.load %arg11[%swap3A_57, %swap3A_58] : memref<128x72xf32, #tpu.memory_space<vmem>>, vector<128x72xf32>
      tpu.vector_store %arg11[%swap3A_57, %swap3A_58], %broadcast_in_dim3A_56 {strides = array<i32>} : memref<128x72xf32, #tpu.memory_space<vmem>>, vector<128x72xf32>,
    } else {
    }
    %get3A_44 = arith.constant 0 : index
    %get3A_45 = arith.constant 0 : index
    %get3A_46 = vector.load %arg11[%get3A_44, %get3A_45] : memref<128x72xf32, #tpu.memory_space<vmem>>, vector<128x72xf32>
    %add3A_47 = arith.addf %get3A_46, %dot_general3A_39 : vector<128x72xf32>
    %swap3A = arith.constant 0 : index
    %swap3A_48 = arith.constant 0 : index
    %swap3A_49 = vector.load %arg11[%swap3A, %swap3A_48] : memref<128x72xf32, #tpu.memory_space<vmem>>, vector<128x72xf32>
    tpu.vector_store %arg11[%swap3A, %swap3A_48], %add3A_47 {strides = array<i32>} : memref<128x72xf32, #tpu.memory_space<vmem>>, vector<128x72xf32>,
    %eq3A_50 = arith.constant 97 : i32
    %eq3A_51 = arith.cmpi eq, %arg0, %eq3A_50 : i32
    %convert_element_type3A_52 = arith.extui %eq3A_51 : i1 to i32
    %cond3A_53 = arith.constant 0 : i32
    %cond3A_54 = arith.cmpi ne, %convert_element_type3A_52, %cond3A_53 : i32
    scf.if %cond3A_54 {
      %get3A_55 = arith.constant 0 : index
      %get3A_56 = arith.constant 0 : index
      %get3A_57 = vector.load %arg11[%get3A_55, %get3A_56] : memref<128x72xf32, #tpu.memory_space<vmem>>, vector<128x72xf32>
      %slice3A_58 = vector.extract_strided_slice %get3A_57 {offsets = [0, 0], sizes = [128, 64], strides = [1, 1]} : vector<128x72xf32> to vector<128x64xf32>
      %slice3A_59 = vector.extract_strided_slice %get3A_57 {offsets = [0, 64], sizes = [128, 1], strides = [1, 1]} : vector<128x72xf32> to vector<128x1xf32>
      %max3A_60 = arith.constant 1.000000e+00 : f32
      %max3A_61 = vector.broadcast %max3A_60 : f32 to vector<128x1xf32>
      %max3A_62 = arith.maximumf %slice3A_59, %max3A_61 : vector<128x1xf32>
      %div3A_63 = vector.broadcast %max3A_62 : vector<128x1xf32> to vector<128x64xf32>
      %div3A_64 = arith.divf %slice3A_58, %div3A_63 : vector<128x64xf32>
      %get3A_65 = arith.constant 0 : index
      %get3A_66 = arith.constant 0 : index
      %get3A_67 = vector.load %arg8[%get3A_65, %get3A_66] : memref<64x128xf32, #tpu.memory_space<vmem>>, vector<64x128xf32>
      %dot_general3A_68 = arith.constant dense<0.000000e+00> : vector<128x128xf32>
      %dot_general3A_69 = tpu.matmul %div3A_64, %get3A_67, %dot_general3A_68 {dimension_numbers = #tpu.dot_dimension_numbers<[1], [0], [0], [1], [0, 0, 1, 1], [], []>, precision = #tpu.contract_precision<fp32>, transpose_lhs_hint = false} : vector<128x64xf32>, vector<64x128xf32>, vector<128x128xf32> -> vector<128x128xf32>
      %get3A_70 = arith.constant 0 : index
      %get3A_71 = arith.constant 0 : index
      %get3A_72 = vector.load %arg9[%get3A_70, %get3A_71] : memref<8x128xf32, #tpu.memory_space<vmem>>, vector<8x128xf32>
      %slice3A_73 = vector.extract_strided_slice %get3A_72 {offsets = [0, 0], sizes = [1, 128], strides = [1, 1]} : vector<8x128xf32> to vector<1x128xf32>
      %add3A_74 = vector.broadcast %slice3A_73 : vector<1x128xf32> to vector<128x128xf32>
      %add3A_75 = arith.addf %dot_general3A_69, %add3A_74 : vector<128x128xf32>
      %swap3A_76 = arith.constant 0 : index
      %swap3A_77 = arith.constant 0 : index
      %swap3A_78 = vector.load %arg10[%swap3A_76, %swap3A_77] : memref<128x128xf32, #tpu.memory_space<vmem>>, vector<128x128xf32>
      tpu.vector_store %arg10[%swap3A_76, %swap3A_77], %add3A_75 {strides = array<i32>} : memref<128x128xf32, #tpu.memory_space<vmem>>, vector<128x128xf32>,
    } else {
    }
    return
  }
  func.func @transform_0(%arg0: i32) -> (i32, i32) {
    %c0_i32 = arith.constant 0 : i32
    %c0_i32_0 = arith.constant 0 : i32
    return %arg0, %c0_i32 : i32, i32
  }
  func.func @transform_1(%arg0: i32) -> (i32, i32) {
    %c0_i32 = arith.constant 0 : i32
    %c0_i32_0 = arith.constant 0 : i32
    return %arg0, %c0_i32 : i32, i32
  }
  func.func @transform_2(%arg0: i32) -> (i32, i32) {
    %c0_i32 = arith.constant 0 : i32
    %c0_i32_0 = arith.constant 0 : i32
    return %arg0, %c0_i32 : i32, i32
  }
  func.func @transform_3(%arg0: i32) -> (i32, i32) {
    %c0_i32 = arith.constant 0 : i32
    %c0_i32_0 = arith.constant 0 : i32
    return %arg0, %c0_i32 : i32, i32
  }
  func.func @transform_4(%arg0: i32) -> (i32, i32) {
    %c0_i32 = arith.constant 0 : i32
    %c0_i32_0 = arith.constant 0 : i32
    %c0_i32_1 = arith.constant 0 : i32
    return %c0_i32, %c0_i32_0 : i32, i32
  }
  func.func @transform_5(%arg0: i32) -> (i32, i32) {
    %c0_i32 = arith.constant 0 : i32
    %c0_i32_0 = arith.constant 0 : i32
    %c0_i32_1 = arith.constant 0 : i32
    return %c0_i32, %c0_i32_0 : i32, i32
  }
  func.func @transform_6(%arg0: i32) -> (i32, i32) {
    %c0_i32 = arith.constant 0 : i32
    %c0_i32_0 = arith.constant 0 : i32
    return %arg0, %c0_i32 : i32, i32
  }
  func.func @transform_7(%arg0: i32) -> (i32, i32) {
    %c0_i32 = arith.constant 0 : i32
    %c0_i32_0 = arith.constant 0 : i32
    %c0_i32_1 = arith.constant 0 : i32
    return %c0_i32, %c0_i32_0 : i32, i32
  }
  func.func @transform_8(%arg0: i32) -> (i32, i32) {
    %c0_i32 = arith.constant 0 : i32
    %c0_i32_0 = arith.constant 0 : i32
    %c0_i32_1 = arith.constant 0 : i32
    return %c0_i32, %c0_i32_0 : i32, i32
  }
  func.func @transform_9(%arg0: i32) -> (i32, i32) {
    %c0_i32 = arith.constant 0 : i32
    %c0_i32_0 = arith.constant 0 : i32
    %c0_i32_1 = arith.constant 0 : i32
    return %c0_i32, %c0_i32_0 : i32, i32
  }
}

</mosaic_0001>

<sc_bundles>
// kernel: kernel.10.cloned.1.call-start
scs
__scs_entry_jumppad:
0x0: {  	(pc) =	sbr.rel $0x88, $3  }
0x1: {  	(tag) =	ssettag $0x0;
	lr =	simm.s32 $0x1  }
0x2: {  	[smem:$0x3F94] =	sst lr;
	_ =	strace $0xD0000000  }
0x3: {  	_ = 	snop  }
0x4: {  	_ = 	snop  }
0x5: {  	_ = 	snop  }
0x6: {  	_ = 	snop  }
0x7: {  	_ = 	snop  }
__scs_overlays_trampoline_lowered:
0x8: {  	[smem:$0x3FA3] =	sst s0  }
0x9: {  	[smem:$0x3FA4] =	sst s1  }
0xa: {  	[smem:$0x3FA5] =	sst s2  }
0xb: {  	[smem:$0x3FA6] =	sst s3  }
0xc: {  	[smem:$0x3FA7] =	sst s4  }
0xd: {  	[smem:$0x3FA8] =	sst s5  }
0xe: {  	[smem:$0x3FA9] =	sst s6  }
0xf: {  	[smem:$0x3FAA] =	sst s7  }
0x10: {  	[smem:$0x3FAB] =	sst s8  }
0x11: {  	[smem:$0x3FAC] =	sst s9;
	s0 =	simm.s32 @!p0 $0x0  }
0x12: {  	s1 =	sld [smem:$0x3F92];
	s0 =	simm.s32 @p0 $0x1  }
0x13: {  	[smem:$0x3FAD] =	sst s0;
	s0 =	simm.s32 @!p1 $0x0  }
0x14: {  	s2 =	sld [smem:$0x3F91];
	s0 =	simm.s32 @p1 $0x1  }
0x15: {  	[smem:$0x3FAE] =	sst s0;
	s0 =	simm.s32 @!p2 $0x0  }
0x16: {  	s3 =	sld [smem:$0x3FDB];
	s0 =	simm.s32 @p2 $0x1  }
0x17: {  	s4 =	simm.s32 $0x1BF5;
	[smem:$0x3FB0] =	sst s0  }
0x18: {  	s0 =	sld [smem:$0x3F93];
	_ =	swait.ge [sflag:s4], $0x0  }
0x19: {  	s7 =	sld [smem:$0x3F94]  }
0x1a: {  	s8 =	sadd.s32 $0xFFFFE003, lr  }
0x1b: {  	s9 =	sadd.s32 $0xFFFFFEF7, lr;
	s5 =	simm.s32 $0xFFFFFFFF;
	p2 =	slt.u32 s8, $0xFFFFF086  }
0x1c: {  	p1 =	slt.u32 s9, $0xF7A;
	s5 =	simm.s32 @!p2 $0x0  }
0x1d: {  	s5 =	simm.s32 @p1 $0x1;
	p0 =	seq.s32 s7, s2  }
0x1e: {  	s7 =	smul.u32 @!p0 $0xF7A, s2;
	p2 =	seq.s32 @!p0 s5, $0x0  }
0x1f: {  	s9 =	smul.u32 $0xF7A, s1;
	s8 =	simm.s32 @!p0 $0x1BF5;
	p2 =	por !p2, p0  }
0x20: {  	[sflag:s8] =	ssyncset.s32 @!p0 $0xFFFFF086;
	s6 =	sadd.s32 @!p0 s3, s7;
	s7 =	simm.s32 @!p0 $0x108  }
0x21: {  	s3 =	sadd.s32 s3, s9;
	s6 =	sadd.s32 @!p0 $0x88, s6;
	s7 =	simm.s32 @p2 $0x1082  }
0x22: {  	[simem:s7], [sflag:s8] =	dma.local @!p0 [hbm:s6], $0xF7A  }
0x23: {  	s9 =	sor.u32 $0xD0000000, s2;
	s6 =	simm.s32 $0x108;
	_ =	swait.ge @!p0 [sflag:s8], $0x0  }
0x24: {  	s3 =	sadd.s32 $0x88, s3;
	s6 =	simm.s32 @!p1 $0x1082;
	[sflag:s4] =	ssyncset.s32 $0xFFFFF086  }
0x25: {  	[simem:s6], [sflag:s4] =	dma.local [hbm:s3], $0xF7A  }
0x26: {  	[smem:$0x3F94] =	sst s1;
	(tag) =	ssettag s2;
	_ =	strace s9  }
0x27: {  	s1 =	sld [smem:$0x3FA4]  }
0x28: {  	s2 =	sld [smem:$0x3FA5]  }
0x29: {  	s4 =	sld [smem:$0x3FA7]  }
0x2a: {  	p0 =	seq.s32 s5, $0x0;
	s5 =	sld [smem:$0x3FA8]  }
0x2b: {  	s6 =	sld [smem:$0x3FA9]  }
0x2c: {  	s7 =	sld [smem:$0x3FAA]  }
0x2d: {  	s3 =	simm.s32 $0x108;
	s8 =	sld [smem:$0x3FAB]  }
0x2e: {  	s3 =	simm.s32 @!p0 $0x1082;
	s9 =	sld [smem:$0x3FAC]  }
0x2f: {  	lr =	sadd.s32 s0, s3;
	s0 =	sld [smem:$0x3FA3]  }
0x30: {  	s3 =	sld [smem:$0x3FA6]  }
0x31: {  	[smem:$0x3FAF] =	sst s10  }
0x32: {  	s10 =	sld [smem:$0x3FAD];
	_ =	sdelay $0x3  }
0x33: {  	p0 =	seq.s32 s10, $0x1;
	s10 =	sld [smem:$0x3FAF];
	_ =	sdelay $0x3  }
0x34: {  	[smem:$0x3FAF] =	sst s10  }
0x35: {  	s10 =	sld [smem:$0x3FAE];
	_ =	sdelay $0x3  }
0x36: {  	p1 =	seq.s32 s10, $0x1;
	s10 =	sld [smem:$0x3FAF];
	_ =	sdelay $0x3  }
0x37: {  	[smem:$0x3FAF] =	sst s10  }
0x38: {  	s10 =	sld [smem:$0x3FB0]  }
0x39: {  	_ = 	snop;
	(pc) =	sbr.ind lr, $3  }
0x3a: {  	_ = 	snop  }
0x3b: {  	_ = 	snop  }
0x3c: {  	p2 =	seq.s32 s10, $0x1;
	s10 =	sld [smem:$0x3FAF]  }
0x3d: {  	_ =	shalt  }
0x3e: {  	_ =	shalt  }
0x3f: {  	_ =	shalt  }
0x40: {  	_ =	shalt  }
0x41: {  	_ =	shalt  }
0x42: {  	_ =	shalt  }
0x43: {  	_ =	shalt  }
0x44: {  	_ =	shalt  }
0x45: {  	_ =	shalt  }
0x46: {  	_ =	shalt  }
0x47: {  	_ =	shalt  }
0x48: {  	_ =	shalt  }
0x49: {  	_ =	shalt  }
0x4a: {  	_ =	shalt  }
0x4b: {  	_ =	shalt  }
0x4c: {  	_ =	shalt  }
0x4d: {  	_ =	shalt  }
0x4e: {  	_ =	shalt  }
0x4f: {  	_ =	shalt  }
0x50: {  	_ =	shalt  }
0x51: {  	_ =	shalt  }
0x52: {  	_ =	shalt  }
0x53: {  	_ =	shalt  }
0x54: {  	_ =	shalt  }
0x55: {  	_ =	shalt  }
0x56: {  	_ =	shalt  }
0x57: {  	_ =	shalt  }
0x58: {  	_ =	shalt  }
0x59: {  	_ =	shalt  }
0x5a: {  	_ =	shalt  }
0x5b: {  	_ =	shalt  }
0x5c: {  	_ =	shalt  }
0x5d: {  	_ =	shalt  }
0x5e: {  	_ =	shalt  }
0x5f: {  	_ =	shalt  }
0x60: {  	_ =	shalt  }
0x61: {  	_ =	shalt  }
0x62: {  	_ =	shalt  }
0x63: {  	_ =	shalt  }
0x64: {  	_ =	shalt  }
0x65: {  	_ =	shalt  }
0x66: {  	_ =	shalt  }
0x67: {  	_ =	shalt  }
0x68: {  	_ =	shalt  }
0x69: {  	_ =	shalt  }
0x6a: {  	_ =	shalt  }
0x6b: {  	_ =	shalt  }
0x6c: {  	_ =	shalt  }
0x6d: {  	_ =	shalt  }
0x6e: {  	_ =	shalt  }
0x6f: {  	_ =	shalt  }
0x70: {  	_ =	shalt  }
0x71: {  	_ =	shalt  }
0x72: {  	_ =	shalt  }
0x73: {  	_ =	shalt  }
0x74: {  	_ =	shalt  }
0x75: {  	_ =	shalt  }
0x76: {  	_ =	shalt  }
0x77: {  	_ =	shalt  }
0x78: {  	_ =	shalt  }
0x79: {  	_ =	shalt  }
0x7a: {  	_ =	shalt  }
0x7b: {  	_ =	shalt  }
0x7c: {  	_ =	shalt  }
0x7d: {  	_ =	shalt  }
0x7e: {  	_ =	shalt  }
0x7f: {  	_ =	shalt  }
0x80: {  	_ =	shalt  }
0x81: {  	_ =	shalt  }
0x82: {  	_ =	shalt  }
0x83: {  	_ =	shalt  }
0x84: {  	_ =	shalt  }
0x85: {  	_ =	shalt  }
0x86: {  	_ =	shalt  }
0x87: {  	_ =	shalt  }
.Lfunc_end0:
.L_simem_size_0:
called_computation.3_lowered:
.L_overlay_start_0:
0x88: {  	s2 =	sld [smem:$0x3FD9]  }
0x89: {  	s3 =	sld [smem:$0x3FFE];
	_ =	sdelay $0x1  }
0x8a: {  	s1 =	srdreg.scid  }
0x8b: {  	s0 =	sand.u32 $0x1, s1  }
0x8c: {  	s17 =	sshll.u32 s0, $0xA;
	s2 =	sadd.s32 s3, s2  }
0x8d: {  	s2 =	sadd.s32 s2, s17  }
0x8e: {  	[smem:$0x3FBB] =	sst s2  }
0x8f: {  	_ = 	snop  }
0x90: {  	(tm) =	ssettm $0x1  }
0x91: {  	s18 =	sld [smem:$0x3FFB];
	_ =	sdelay $0x3  }
0x92: {  	_ =	strace s18  }
0x93: {  	s2 =	sld [smem:$0x3FFC];
	_ =	sdelay $0x3  }
0x94: {  	_ =	strace s2  }
0x95: {  	s2 =	sld [smem:$0x3FFD];
	_ =	sdelay $0x3  }
0x96: {  	_ =	strace s2  }
0x97: {  	_ =	strace $0x8FFFFFFF  }
0x98: {  	s19 =	sld [smem:$0x3FDB];
	_ =	sdelay $0x1  }
0x99: {  	s20 =	simm.s32 $_scs_section_size  }
0x9a: {  	s4 =	simm.s32 $_size__tile_overlayer_lowered;
	s5 =	simm.s32 $_tile_overlayer_lowered  }
0x9b: {  	s6 =	simm.s32 $0x1BFF;
	s21 =	sshll.u32 s5, $0x1;
	s3 =	sadd.s32 s20, s19  }
0x9c: {  	s22 =	simm.s32 $0x0;
	s4 =	sshll.u32 s4, $0x1;
	s5 =	sadd.s32 s21, s3  }
0x9d: {  	[timem:s22], [sflag:s6] =	dma.local [hbm:s5], s4  }
0x9e: {  	_ =	swait.ge [sflag:s6], s4  }
0x9f: {  	s4 =	ssub.s32 $0x0, s4;
	[sflag:s6] =	ssyncset.done $0x0  }
0xa0: {  	[sflag:s6] =	ssyncadd.s32 s4;
	_ =	sdelay $0x1  }
0xa1: {  	s23 =	simm.s32 $0x1B8B  }
0xa2: {  	_ =	swait.ge [sflag:s23], $0x1  }
0xa3: {  	[sflag:s23] =	ssyncset.done $0x0  }
0xa4: {  	[sflag:s23] =	ssyncadd.s32 $0xFFFFFFFF  }
0xa5: {  	s4 =	sld [smem:$0x0]  }
0xa6: {  	s5 =	sand.u32 $0xFFFFFFFE, s1  }
0xa7: {  	p0 =	sne.s32 s1, s5  }
0xa8: {  	s5 =	sshll.u32 @p0 s5, $0xE  }
0xa9: {  	s5 =	sadd.s32 @p0 $0x11B8D, s5;
	s6 =	sshll.u32 @p0 s4, $0x11  }
0xaa: {  	s5 =	sor.u32 @p0 s6, s5  }
0xab: {  	[sflag:s5] =	ssyncadd.remote.s32 @p0 $0x1;
	_ =	sdelay $0x1  }
0xac: {  	s5 =	simm.s32 @p0 $0x1B8D  }
0xad: {  	_ =	swait.eq @p0 [sflag:s5], $0x1  }
0xae: {  	[sflag:s5] =	ssyncadd.s32 @p0 $0xFFFFFFFF  }
0xaf: {  	s6 =	sshll.u32 @!p0 s1, $0xE  }
0xb0: {  	s6 =	sor.u32 @!p0 $0x4000, s6;
	s5 =	simm.s32 @!p0 $0x1B8D  }
0xb1: {  	s4 =	sshll.u32 @!p0 s4, $0x11;
	s6 =	sadd.s32 @!p0 $0x11B8D, s6;
	_ =	swait.eq @!p0 [sflag:s5], $0x1  }
0xb2: {  	s4 =	sor.u32 @!p0 s4, s6;
	[sflag:s5] =	ssyncadd.s32 @!p0 $0xFFFFFFFF  }
0xb3: {  	s25 =	simm.s32 $0x1B8E;
	s24 =	sld [smem:$0x3FFE];
	[sflag:s4] =	ssyncadd.remote.s32 @!p0 $0x1  }
0xb4: {  	s26 =	simm.s32 $execute0_lowered;
	[smem:$0x3FD2] =	sst s25  }
0xb5: {  	s5 =	sshll.u32 s26, $0x1;
	_ =	strace $0x8000004C;
	[dreg:$0x1] =	wrdreg $0xFFFFFFFF  }
0xb6: {  	s28 =	simm.s32 $_size_execute0_lowered;
	s3 =	sadd.s32 s3, s5;
	[dreg:$0x0] =	wrdreg $0x0  }
0xb7: {  	s5 =	sshll.u32 s28, $0x1;
	[dreg:$0x2] =	wrdreg s3  }
0xb8: {  	[dreg:$0x3] =	wrdreg s5  }
0xb9: {  	[dreg:$0x4] =	wrdreg $0xC0  }
0xba: {  	_ =	task [dreg:s22], $0x5FFFF  }
0xbb: {  	[dreg:$0x1] =	wrdreg $0xFFFFFFFF  }
0xbc: {  	[dreg:$0x0] =	wrdreg $0x60  }
0xbd: {  	[dreg:$0x2] =	wrdreg s24  }
0xbe: {  	[dreg:$0x3] =	wrdreg $0x195800  }
0xbf: {  	[dreg:$0x4] =	wrdreg $0xB  }
0xc0: {  	_ =	task.clear_ibuf [dreg:s22], $0x5FFFF;
	_ =	strace $0x9000004C  }
0xc1: {  	s29 =	simm.s32 $0xB;
	_ =	strace $0x8000004E  }
0xc2: {  	_ =	swait.ge [sflag:s29], $0x1  }
0xc3: {  	[sflag:s29] =	ssyncadd.s32 $0xFFFFFFFF  }
0xc4: {  	_ =	strace $0x9000004E  }
0xc5: {  	_ =	sfence  }
0xc6: {  	s30 =	sld [smem:$0x0];
	_ =	sdelay $0x2  }
0xc7: {  	s31 =	sshll.u32 s1, $0xD;
	s1 =	sshrl.u32 s1, $0x2  }
0xc8: {  	s4 =	sand.u32 $0x4000, s31;
	s1 =	sadd.s32 s1, s30  }
0xc9: {  	s0 =	sor.u32 s4, s0;
	s1 =	sshll.u32 s1, $0x11  }
0xca: {  	s0 =	sor.u32 s1, s0  }
0xcb: {  	s0 =	sadd.s32 $0x8F2B, s0  }
0xcc: {  	[sflag:s0] =	ssyncadd.remote.s32 $0x1  }
0xcd: {  	_ =	sfence.sel $0xFFFF  }
0xce: {  	[dreg:$0x0] =	wrdreg $0xFFFFFFFF;
	(pc) =	sbr.abs _section_cstart, $3  }
0xcf: {  	[dreg:$0x1] =	wrdreg $0xFFFFFFFF  }
0xd0: {  	_ =	task.clear_ibuf [dreg:s22], $0x2FFFF;
	_ =	strace $0x9FFFFFFF  }
0xd1: {  	(tm) =	ssettm $0x7FFFFFFF  }
tec
execute0_lowered:
.L_overlay_start_1:
0x0: {  	(tag) =	ssettag $0x1  }
0x1: {  	s10 =	rddreg [dreg:$0x0]  }
0x2: {  	s1 =	rddreg [dreg:$0x1]  }
0x3: {  	s0 =	rddreg [dreg:$0x2];
	s3 =	simm.s32 $0x0;
	s2 =	stileid.u32  }
0x4: {  	s8 =	srdreg.scid;
	s15 =	simm.s32 $0xC7E00;
	s16 =	simm.s32 $0xD180  }
0x5: {  	s17 =	simm.s32 $0xD00;
	s20 =	simm.s32 $0x80;
	s22 =	simm.s32 $0xC80  }
0x6: {  	s23 =	simm.s32 $0x0;
	[smem:$0x7FF] =	sst s3;
	s4 =	sadd.s32 $0x65E00, s10  }
0x7: {  	s5 =	sadd.s32 $0x4CE00, s10;
	s11 =	smul.u32 $0x6200, s2;
	s6 =	sadd.s32 $0x33E00, s10  }
0x8: {  	s7 =	sadd.s32 $0x6400, s10;
	s12 =	sand.u32 $0x1, s8;
	s8 =	sadd.s32 $0x4A00, s10  }
0x9: {  	s9 =	sadd.s32 $0x7E00, s10;
	s18 =	sshll.u32 s2, $0x6;
	_ =	strace $0x8000004D  }
0xa: {  	s14 =	ssub.s32 $0x2, s12;
	p0 =	seq.s32 s12, $0x1;
	s21 =	sshll.u32 s12, $0x3  }
0xb: {  	s18 =	sor.u32 $0x1C01, s18;
	s13 =	sshrl.u32 s11, $0x3;
	s31 =	sshrl.u32 s14, $0x1  }
0xc: {  	s19 =	sadd.s32 s11, s1;
	s11 =	smul.u32 $0xC800, s2;
	s15 =	simm.s32 @!p0 $0xD4200  }
0xd: {  	v0 =	vmov s21;
	s21 =	simm.s32 $0x800;
	s13 =	sadd.s32 s13, s10;
	s14 =	ssub.s32 s14, s31  }
0xe: {  	s19 =	sshrl.u32 s19, $0x3;
	s10 =	sadd.s32 $0x8000, s13;
	s12 =	smax.u32 s14, $0x1  }
0xf: {  	v1 =	vlaneseq.u32;
	s13 =	sadd.s32 s15, s13;
	s14 =	simm.s32 $0xD80;
	s15 =	simm.s32 $0x1  }
.LBB2_1:
0x10: {  	[tilespmem:s14], [sflag:$0x1] =	stream.linear.gather [hbm4b:s7+s3], $0xC400, $0x38;
	[tilespmem:$0x1F780] =	vst v63  }
0x11: {  	_ =	swait.ge [sflag:s15], $0xC400  }
0x12: {  	[sflag:s15] =	ssyncset.done $0x0  }
0x13: {  	[sflag:s15] =	ssyncadd.s32 $0xFFFF3C00  }
0x14: {  	[tilespmem:s16], [sflag:$0x1] =	stream.linear.gather [hbm4b:s8+s3], $0xC400, $0x38;
	[tilespmem:$0x1F780] =	vst v63  }
0x15: {  	_ =	swait.ge [sflag:s15], $0xC400  }
0x16: {  	[sflag:s15] =	ssyncset.done $0x0  }
0x17: {  	[sflag:s15] =	ssyncadd.s32 $0xFFFF3C00  }
0x18: {  	[tilespmem:s17], [sflag:$0x1] =	stream.linear.gather [hbm4b:s9+s3], $0x80, $0x38;
	[tilespmem:$0x1F780] =	vst v63  }
0x19: {  	_ =	swait.ge [sflag:s15], $0x80  }
0x1a: {  	[sflag:s15] =	ssyncset.done $0x0  }
0x1b: {  	[sflag:s15] =	ssyncadd.s32 $0xFFFFFF80  }
0x1c: {  	[spmem:s19], [sflag:s18] =	dma.local [hbm:s10], $0xC40  }
0x1d: {  	_ =	swait.ge [sflag:s15], $0xC40  }
0x1e: {  	[sflag:s15] =	ssyncset.done $0x0  }
0x1f: {  	[sflag:s15] =	ssyncadd.s32 $0xFFFFF3C0  }
0x20: {  	[bflag:$0x0] =	sbarrier.arrive $0xFFFF  }
0x21: {  	s24 =	simm.s32 $0x0;
	v2 =	vld.msk [tilespmem:$0xD00 ss:$0x0], $0xffff  }
.LBB2_2:
0x22: {  	s25 =	sshll.u32 s24, $0x7  }
0x23: {  	s25 =	sadd.s32 s11, s25  }
0x24: {  	s26 =	sshrl.u32 s25, $0x3  }
0x25: {  	s29 =	simm.s32 $0x0;
	s25 =	simm.s32 $0xC00;
	s28 =	sadd.s32 s5, s26  }
0x26: {  	[tilespmem:s25], [sflag:$0x1] =	stream.linear.gather [hbm4b:s28+s29], $0x80, $0x38;
	[tilespmem:$0x1F780] =	vst v63  }
0x27: {  	_ =	swait.ge [sflag:s15], $0x80  }
0x28: {  	[sflag:s15] =	ssyncset.done $0x0  }
0x29: {  	s28 =	sadd.s32 s6, s26;
	s26 =	simm.s32 $0xC80;
	[sflag:s15] =	ssyncadd.s32 $0xFFFFFF80  }
0x2a: {  	[tilespmem:s26], [sflag:$0x1] =	stream.linear.gather [hbm4b:s28+s29], $0x80, $0x38;
	[tilespmem:$0x1F780] =	vst v63  }
0x2b: {  	_ =	swait.ge [sflag:s15], $0x80  }
0x2c: {  	[sflag:s15] =	ssyncset.done $0x0  }
0x2d: {  	[sflag:s15] =	ssyncadd.s32 $0xFFFFFF80  }
0x2e: {  	[tilespmem:s29], [sflag:$0x1] =	stream.indirect.gather [hbm4b:s4+s20], $0x10, s25, s20, $0xb8;
	[tilespmem:$0x1F780] =	vst v63  }
0x2f: {  	_ =	swait.ge [sflag:s15], $0x800  }
0x30: {  	[sflag:s15] =	ssyncset.done $0x0  }
0x31: {  	[sflag:s15] =	ssyncadd.s32 $0xFFFFF800  }
0x32: {  	v3 =	vld [tilespmem:s26+$0x0]  }
0x33: {  	v4 =	vld [tilespmem:s25+$0x0];
	_ =	sdelay $0x6  }
0x34: {  	v3 =	vld.idx.msk [tilespmem:v3+s16+$0x0], $0xffff  }
0x35: {  	v4 =	vld.idx.msk [tilespmem:v4+s14+$0x0], $0xffff;
	_ =	sdelay $0x4  }
0x36: {  	v3 =	vadd.f32 v3, v4;
	_ =	sdelay $0x1  }
0x37: {  	v4 =	vmul.f32 $2.000000030e-01, v3;
	_ =	sdelay $0x1  }
0x38: {  	v3 =	vmax.f32 v3, v4  }
0x39: {  	v3 =	vsub.f32 v3, v2;
	_ =	sdelay $0x1  }
0x3a: {  	v4 =	vor.u32 s29, v1;
	v3 =	vmul.f32 $1.442695020e+00, v3  }
0x3b: {  	v5 =	vshll.u32 v4, $0x4  }
0x3c: {  	v5 =	vor.u32 v0, v5;
	(erf) = vpow2.f32 v3;
	_ =	sdelay $0x4  }
0x3d: {  	v3 =	vld.idx.msk [tilespmem:v5+s3+$0x0], $0xffff;
	_ =	sdelay $0x1  }
0x3e: {  	v4 =	vshll.u32 v4, $0x3  }
0x3f: {  	v6 =	vor.u32 $0x1, v5  }
0x40: {  	v7 =	vpop (erf)  }
0x41: {  	v3 =	vmul.f32 v7, v3;
	_ =	sdelay $0x1  }
0x42: {  	[tilespmem:v4+s21+$0x0] =	vst.idx.msk $0xffff, v3  }
0x43: {  	v3 =	vld.idx.msk [tilespmem:v6+s3+$0x0], $0xffff;
	_ =	sdelay $0x1  }
0x44: {  	v6 =	vor.u32 $0x1, v4  }
0x45: {  	v8 =	vor.u32 $0x2, v5;
	_ =	sdelay $0x1  }
0x46: {  	v3 =	vmul.f32 v7, v3;
	_ =	sdelay $0x1  }
0x47: {  	[tilespmem:v6+s21+$0x0] =	vst.idx.msk $0xffff, v3  }
0x48: {  	v3 =	vld.idx.msk [tilespmem:v8+s3+$0x0], $0xffff;
	_ =	sdelay $0x1  }
0x49: {  	v6 =	vor.u32 $0x2, v4  }
0x4a: {  	v60 =	vor.u32 $0x3, v5;
	_ =	sdelay $0x1  }
0x4b: {  	v3 =	vmul.f32 v7, v3;
	_ =	sdelay $0x1  }
0x4c: {  	[tilespmem:v6+s21+$0x0] =	vst.idx.msk $0xffff, v3  }
0x4d: {  	v3 =	vld.idx.msk [tilespmem:v60+s3+$0x0], $0xffff;
	_ =	sdelay $0x1  }
0x4e: {  	v6 =	vor.u32 $0x3, v4  }
0x4f: {  	v61 =	vor.u32 $0x4, v5;
	_ =	sdelay $0x1  }
0x50: {  	v3 =	vmul.f32 v3, v7;
	_ =	sdelay $0x1  }
0x51: {  	[tilespmem:v6+s21+$0x0] =	vst.idx.msk $0xffff, v3  }
0x52: {  	v3 =	vld.idx.msk [tilespmem:v61+s3+$0x0], $0xffff;
	_ =	sdelay $0x1  }
0x53: {  	v6 =	vor.u32 $0x4, v4  }
0x54: {  	v62 =	vor.u32 $0x5, v5;
	_ =	sdelay $0x1  }
0x55: {  	v3 =	vmul.f32 v3, v7;
	_ =	sdelay $0x1  }
0x56: {  	[tilespmem:v6+s21+$0x0] =	vst.idx.msk $0xffff, v3  }
0x57: {  	v3 =	vld.idx.msk [tilespmem:v62+s3+$0x0], $0xffff;
	_ =	sdelay $0x1  }
0x58: {  	v6 =	vor.u32 $0x5, v4  }
0x59: {  	v63 =	vor.u32 $0x6, v5;
	_ =	sdelay $0x1  }
0x5a: {  	v3 =	vmul.f32 v3, v7;
	_ =	sdelay $0x1  }
0x5b: {  	[tilespmem:v6+s21+$0x0] =	vst.idx.msk $0xffff, v3  }
0x5c: {  	v3 =	vld.idx.msk [tilespmem:v63+s3+$0x0], $0xffff;
	_ =	sdelay $0x1  }
0x5d: {  	v6 =	vor.u32 $0x6, v4  }
0x5e: {  	v5 =	vor.u32 $0x7, v5;
	_ =	sdelay $0x1  }
0x5f: {  	v3 =	vmul.f32 v3, v7;
	_ =	sdelay $0x1  }
0x60: {  	[tilespmem:v6+s21+$0x0] =	vst.idx.msk $0xffff, v3  }
0x61: {  	v5 =	vld.idx.msk [tilespmem:v5+s3+$0x0], $0xffff;
	_ =	sdelay $0x1  }
0x62: {  	v3 =	vor.u32 $0x7, v4;
	_ =	sdelay $0x2  }
0x63: {  	s28 =	simm.s32 $0x10;
	v4 =	vmul.f32 v5, v7  }
.LBB2_3:
0x64: {  	_ = 	snop  }
0x65: {  	p0 =	sne.s32 s28, $0x70;
	s25 =	sadd.s32 $0x10, s25;
	s26 =	sadd.s32 $0x10, s26;
	[tilespmem:v3+s21+$0x0] =	vst.idx.msk $0xffff, v4  }
0x66: {  	s29 =	smov.u32 s28;
	s28 =	sadd.s32 $0x10, s28;
	v3 =	vld [tilespmem:s26+$0x0]  }
0x67: {  	v4 =	vld [tilespmem:s25+$0x0];
	_ =	sdelay $0x6  }
0x68: {  	v3 =	vld.idx.msk [tilespmem:v3+s16+$0x0], $0xffff  }
0x69: {  	v4 =	vld.idx.msk [tilespmem:v4+s14+$0x0], $0xffff;
	_ =	sdelay $0x5  }
0x6a: {  	v3 =	vadd.f32 v3, v4;
	_ =	sdelay $0x1  }
0x6b: {  	v4 =	vmul.f32 $2.000000030e-01, v3;
	_ =	sdelay $0x1  }
0x6c: {  	v3 =	vmax.f32 v3, v4  }
0x6d: {  	v3 =	vsub.f32 v3, v2  }
0x6e: {  	v4 =	vor.u32 s29, v1  }
0x6f: {  	v5 =	vshll.u32 v4, $0x4;
	v3 =	vmul.f32 $1.442695020e+00, v3  }
0x70: {  	v5 =	vor.u32 v0, v5  }
0x71: {  	(erf) = vpow2.f32 v3;
	_ =	sdelay $0x3  }
0x72: {  	v3 =	vld.idx.msk [tilespmem:v5+s3+$0x0], $0xffff;
	_ =	sdelay $0x2  }
0x73: {  	v4 =	vshll.u32 v4, $0x3  }
0x74: {  	v6 =	vor.u32 $0x1, v5  }
0x75: {  	v7 =	vpop (erf)  }
0x76: {  	v3 =	vmul.f32 v7, v3;
	_ =	sdelay $0x1  }
0x77: {  	[tilespmem:v4+s21+$0x0] =	vst.idx.msk $0xffff, v3  }
0x78: {  	v3 =	vld.idx.msk [tilespmem:v6+s3+$0x0], $0xffff;
	_ =	sdelay $0x2  }
0x79: {  	v6 =	vor.u32 $0x1, v4  }
0x7a: {  	v8 =	vor.u32 $0x2, v5;
	_ =	sdelay $0x1  }
0x7b: {  	v3 =	vmul.f32 v7, v3;
	_ =	sdelay $0x1  }
0x7c: {  	[tilespmem:v6+s21+$0x0] =	vst.idx.msk $0xffff, v3  }
0x7d: {  	v3 =	vld.idx.msk [tilespmem:v8+s3+$0x0], $0xffff;
	_ =	sdelay $0x2  }
0x7e: {  	v6 =	vor.u32 $0x2, v4  }
0x7f: {  	v8 =	vor.u32 $0x3, v5;
	_ =	sdelay $0x1  }
0x80: {  	v3 =	vmul.f32 v7, v3;
	_ =	sdelay $0x1  }
0x81: {  	[tilespmem:v6+s21+$0x0] =	vst.idx.msk $0xffff, v3  }
0x82: {  	v3 =	vld.idx.msk [tilespmem:v8+s3+$0x0], $0xffff;
	_ =	sdelay $0x2  }
0x83: {  	v6 =	vor.u32 $0x3, v4  }
0x84: {  	v8 =	vor.u32 $0x4, v5;
	_ =	sdelay $0x1  }
0x85: {  	v3 =	vmul.f32 v3, v7;
	_ =	sdelay $0x1  }
0x86: {  	[tilespmem:v6+s21+$0x0] =	vst.idx.msk $0xffff, v3  }
0x87: {  	v3 =	vld.idx.msk [tilespmem:v8+s3+$0x0], $0xffff;
	_ =	sdelay $0x2  }
0x88: {  	v6 =	vor.u32 $0x4, v4  }
0x89: {  	v8 =	vor.u32 $0x5, v5;
	_ =	sdelay $0x1  }
0x8a: {  	v3 =	vmul.f32 v3, v7;
	_ =	sdelay $0x1  }
0x8b: {  	[tilespmem:v6+s21+$0x0] =	vst.idx.msk $0xffff, v3  }
0x8c: {  	v3 =	vld.idx.msk [tilespmem:v8+s3+$0x0], $0xffff;
	_ =	sdelay $0x2  }
0x8d: {  	v6 =	vor.u32 $0x5, v4  }
0x8e: {  	v8 =	vor.u32 $0x6, v5;
	_ =	sdelay $0x1  }
0x8f: {  	v3 =	vmul.f32 v3, v7;
	_ =	sdelay $0x1  }
0x90: {  	[tilespmem:v6+s21+$0x0] =	vst.idx.msk $0xffff, v3  }
0x91: {  	v3 =	vld.idx.msk [tilespmem:v8+s3+$0x0], $0xffff;
	_ =	sdelay $0x2  }
0x92: {  	v6 =	vor.u32 $0x6, v4  }
0x93: {  	v5 =	vor.u32 $0x7, v5;
	_ =	sdelay $0x1  }
0x94: {  	v3 =	vmul.f32 v3, v7;
	_ =	sdelay $0x1  }
0x95: {  	[tilespmem:v6+s21+$0x0] =	vst.idx.msk $0xffff, v3  }
0x96: {  	v5 =	vld.idx.msk [tilespmem:v5+s3+$0x0], $0xffff;
	_ =	sdelay $0x1  }
.Ltmp0:
0x97: {  	(pc) =	sbr.rel @p0 .LBB2_3-.Ltmp0, $2  }
0x98: {  	v3 =	vor.u32 $0x7, v4;
	_ =	sdelay $0x2  }
0x99: {  	v4 =	vmul.f32 v5, v7  }
0x9a: {  	_ =	sdelay $0x1  }
0x9b: {  	s24 =	sadd.s32 $0x1, s24  }
0x9c: {  	p0 =	sne.s32 s24, $0x190  }
.Ltmp1:
0x9d: {  	[tilespmem:v3+s21+$0x0] =	vst.idx.msk $0xffff, v4;
	(pc) =	sbr.rel @p0 .LBB2_2-.Ltmp1, $4  }
0x9e: {  	[spmem:s1] =	stream.indirect.scatter.add.f32 [tilespmem:s21], [sflag:$0x1], $0x8, s22, s20, $0xb8;
	[tilespmem:$0x1F780] =	vst v63  }
0x9f: {  	_ =	swait.ge [sflag:s15], $0x400  }
0xa0: {  	[sflag:s15] =	ssyncset.done $0x0  }
0xa1: {  	[sflag:s15] =	ssyncadd.s32 $0xFFFFFC00  }
0xa2: {  	s23 =	sadd.s32 $0x1, s23  }
0xa3: {  	p0 =	sne.s32 s23, s12  }
.Ltmp2:
0xa4: {  	[bflag:$0x0] =	sbarrier.arrive $0xFFFF;
	(pc) =	sbr.rel @p0 .LBB2_1-.Ltmp2, $4  }
0xa5: {  	[hbm:s13], [sflag:s18] =	dma.local [spmem:s19], $0xC40  }
0xa6: {  	_ =	swait.ge [sflag:s15], $0xC40  }
0xa7: {  	[sflag:s15] =	ssyncset.done $0x0  }
0xa8: {  	[sflag:s15] =	ssyncadd.s32 $0xFFFFF3C0  }
0xa9: {  	_ =	sfence.sel $0x180000  }
0xaa: {  	[bflag:$0x0] =	sbarrier.arrive $0xFFFF  }
0xab: {  	p0 =	sne.s32 s2, $0x0;
	_ =	strace $0x9000004D  }
0xac: {  	s0 =	sadd.s32 @!p0 $0x100000, s0;
	[bflag:$0x2] =	sbarrier.arrive $0xFFFF  }
0xad: {  	[sflag:s0] =	ssyncadd.tile.s32 @!p0 $0x1;
	_ =	shalt  }
.Lfunc_end2:
_tile_overlayer_lowered:
.L_overlay_start_2:
0xae: {  	(tag) =	ssettag $0x2  }
0xaf: {  	s0 =	rddreg [dreg:$0x0];
	s2 =	stileid.u32  }
0xb0: {  	s1 =	rddreg [dreg:$0x1];
	p0 =	sne.s32 s2, $0x0  }
0xb1: {  	s3 =	rddreg [dreg:$0x2];
	[bflag:$0x3] =	sbarrier.arrive $0xFFFF;
	s2 =	simm.s32 @!p0 $0x1C01  }
0xb2: {  	[timem:s3], [sflag:s2] =	dma.local @!p0 [hbm:s0], s1  }
0xb3: {  	s0 =	simm.s32 @!p0 $0x1  }
0xb4: {  	_ =	swait.ge @!p0 [sflag:s0], s1  }
0xb5: {  	s1 =	ssub.s32 @!p0 $0x0, s1;
	[sflag:s0] =	ssyncset.done @!p0 $0x0  }
0xb6: {  	[sflag:s0] =	ssyncadd.s32 @!p0 s1  }
0xb7: {  	[bflag:$0x3] =	sbarrier.arrive $0xFFFF  }
0xb8: {  	_ =	shalt  }

// kernel: kernel.7.cloned.1.call-start
scs
__scs_entry_jumppad:
0x0: {  	(pc) =	sbr.rel $0x88, $3  }
0x1: {  	(tag) =	ssettag $0x0;
	lr =	simm.s32 $0x1  }
0x2: {  	[smem:$0x3F94] =	sst lr;
	_ =	strace $0xD0000000  }
0x3: {  	_ = 	snop  }
0x4: {  	_ = 	snop  }
0x5: {  	_ = 	snop  }
0x6: {  	_ = 	snop  }
0x7: {  	_ = 	snop  }
__scs_overlays_trampoline_lowered:
0x8: {  	[smem:$0x3FA3] =	sst s0  }
0x9: {  	[smem:$0x3FA4] =	sst s1  }
0xa: {  	[smem:$0x3FA5] =	sst s2  }
0xb: {  	[smem:$0x3FA6] =	sst s3  }
0xc: {  	[smem:$0x3FA7] =	sst s4  }
0xd: {  	[smem:$0x3FA8] =	sst s5  }
0xe: {  	[smem:$0x3FA9] =	sst s6  }
0xf: {  	[smem:$0x3FAA] =	sst s7  }
0x10: {  	[smem:$0x3FAB] =	sst s8  }
0x11: {  	[smem:$0x3FAC] =	sst s9;
	s0 =	simm.s32 @!p0 $0x0  }
0x12: {  	s1 =	sld [smem:$0x3F92];
	s0 =	simm.s32 @p0 $0x1  }
0x13: {  	[smem:$0x3FAD] =	sst s0;
	s0 =	simm.s32 @!p1 $0x0  }
0x14: {  	s2 =	sld [smem:$0x3F91];
	s0 =	simm.s32 @p1 $0x1  }
0x15: {  	[smem:$0x3FAE] =	sst s0;
	s0 =	simm.s32 @!p2 $0x0  }
0x16: {  	s3 =	sld [smem:$0x3FDB];
	s0 =	simm.s32 @p2 $0x1  }
0x17: {  	s4 =	simm.s32 $0x1BF5;
	[smem:$0x3FB0] =	sst s0  }
0x18: {  	s0 =	sld [smem:$0x3F93];
	_ =	swait.ge [sflag:s4], $0x0  }
0x19: {  	s7 =	sld [smem:$0x3F94]  }
0x1a: {  	s8 =	sadd.s32 $0xFFFFE003, lr  }
0x1b: {  	s9 =	sadd.s32 $0xFFFFFEF7, lr;
	s5 =	simm.s32 $0xFFFFFFFF;
	p2 =	slt.u32 s8, $0xFFFFF086  }
0x1c: {  	p1 =	slt.u32 s9, $0xF7A;
	s5 =	simm.s32 @!p2 $0x0  }
0x1d: {  	s5 =	simm.s32 @p1 $0x1;
	p0 =	seq.s32 s7, s2  }
0x1e: {  	s7 =	smul.u32 @!p0 $0xF7A, s2;
	p2 =	seq.s32 @!p0 s5, $0x0  }
0x1f: {  	s9 =	smul.u32 $0xF7A, s1;
	s8 =	simm.s32 @!p0 $0x1BF5;
	p2 =	por !p2, p0  }
0x20: {  	[sflag:s8] =	ssyncset.s32 @!p0 $0xFFFFF086;
	s6 =	sadd.s32 @!p0 s3, s7;
	s7 =	simm.s32 @!p0 $0x108  }
0x21: {  	s3 =	sadd.s32 s3, s9;
	s6 =	sadd.s32 @!p0 $0x88, s6;
	s7 =	simm.s32 @p2 $0x1082  }
0x22: {  	[simem:s7], [sflag:s8] =	dma.local @!p0 [hbm:s6], $0xF7A  }
0x23: {  	s9 =	sor.u32 $0xD0000000, s2;
	s6 =	simm.s32 $0x108;
	_ =	swait.ge @!p0 [sflag:s8], $0x0  }
0x24: {  	s3 =	sadd.s32 $0x88, s3;
	s6 =	simm.s32 @!p1 $0x1082;
	[sflag:s4] =	ssyncset.s32 $0xFFFFF086  }
0x25: {  	[simem:s6], [sflag:s4] =	dma.local [hbm:s3], $0xF7A  }
0x26: {  	[smem:$0x3F94] =	sst s1;
	(tag) =	ssettag s2;
	_ =	strace s9  }
0x27: {  	s1 =	sld [smem:$0x3FA4]  }
0x28: {  	s2 =	sld [smem:$0x3FA5]  }
0x29: {  	s4 =	sld [smem:$0x3FA7]  }
0x2a: {  	p0 =	seq.s32 s5, $0x0;
	s5 =	sld [smem:$0x3FA8]  }
0x2b: {  	s6 =	sld [smem:$0x3FA9]  }
0x2c: {  	s7 =	sld [smem:$0x3FAA]  }
0x2d: {  	s3 =	simm.s32 $0x108;
	s8 =	sld [smem:$0x3FAB]  }
0x2e: {  	s3 =	simm.s32 @!p0 $0x1082;
	s9 =	sld [smem:$0x3FAC]  }
0x2f: {  	lr =	sadd.s32 s0, s3;
	s0 =	sld [smem:$0x3FA3]  }
0x30: {  	s3 =	sld [smem:$0x3FA6]  }
0x31: {  	[smem:$0x3FAF] =	sst s10  }
0x32: {  	s10 =	sld [smem:$0x3FAD];
	_ =	sdelay $0x3  }
0x33: {  	p0 =	seq.s32 s10, $0x1;
	s10 =	sld [smem:$0x3FAF];
	_ =	sdelay $0x3  }
0x34: {  	[smem:$0x3FAF] =	sst s10  }
0x35: {  	s10 =	sld [smem:$0x3FAE];
	_ =	sdelay $0x3  }
0x36: {  	p1 =	seq.s32 s10, $0x1;
	s10 =	sld [smem:$0x3FAF];
	_ =	sdelay $0x3  }
0x37: {  	[smem:$0x3FAF] =	sst s10  }
0x38: {  	s10 =	sld [smem:$0x3FB0]  }
0x39: {  	_ = 	snop;
	(pc) =	sbr.ind lr, $3  }
0x3a: {  	_ = 	snop  }
0x3b: {  	_ = 	snop  }
0x3c: {  	p2 =	seq.s32 s10, $0x1;
	s10 =	sld [smem:$0x3FAF]  }
0x3d: {  	_ =	shalt  }
0x3e: {  	_ =	shalt  }
0x3f: {  	_ =	shalt  }
0x40: {  	_ =	shalt  }
0x41: {  	_ =	shalt  }
0x42: {  	_ =	shalt  }
0x43: {  	_ =	shalt  }
0x44: {  	_ =	shalt  }
0x45: {  	_ =	shalt  }
0x46: {  	_ =	shalt  }
0x47: {  	_ =	shalt  }
0x48: {  	_ =	shalt  }
0x49: {  	_ =	shalt  }
0x4a: {  	_ =	shalt  }
0x4b: {  	_ =	shalt  }
0x4c: {  	_ =	shalt  }
0x4d: {  	_ =	shalt  }
0x4e: {  	_ =	shalt  }
0x4f: {  	_ =	shalt  }
0x50: {  	_ =	shalt  }
0x51: {  	_ =	shalt  }
0x52: {  	_ =	shalt  }
0x53: {  	_ =	shalt  }
0x54: {  	_ =	shalt  }
0x55: {  	_ =	shalt  }
0x56: {  	_ =	shalt  }
0x57: {  	_ =	shalt  }
0x58: {  	_ =	shalt  }
0x59: {  	_ =	shalt  }
0x5a: {  	_ =	shalt  }
0x5b: {  	_ =	shalt  }
0x5c: {  	_ =	shalt  }
0x5d: {  	_ =	shalt  }
0x5e: {  	_ =	shalt  }
0x5f: {  	_ =	shalt  }
0x60: {  	_ =	shalt  }
0x61: {  	_ =	shalt  }
0x62: {  	_ =	shalt  }
0x63: {  	_ =	shalt  }
0x64: {  	_ =	shalt  }
0x65: {  	_ =	shalt  }
0x66: {  	_ =	shalt  }
0x67: {  	_ =	shalt  }
0x68: {  	_ =	shalt  }
0x69: {  	_ =	shalt  }
0x6a: {  	_ =	shalt  }
0x6b: {  	_ =	shalt  }
0x6c: {  	_ =	shalt  }
0x6d: {  	_ =	shalt  }
0x6e: {  	_ =	shalt  }
0x6f: {  	_ =	shalt  }
0x70: {  	_ =	shalt  }
0x71: {  	_ =	shalt  }
0x72: {  	_ =	shalt  }
0x73: {  	_ =	shalt  }
0x74: {  	_ =	shalt  }
0x75: {  	_ =	shalt  }
0x76: {  	_ =	shalt  }
0x77: {  	_ =	shalt  }
0x78: {  	_ =	shalt  }
0x79: {  	_ =	shalt  }
0x7a: {  	_ =	shalt  }
0x7b: {  	_ =	shalt  }
0x7c: {  	_ =	shalt  }
0x7d: {  	_ =	shalt  }
0x7e: {  	_ =	shalt  }
0x7f: {  	_ =	shalt  }
0x80: {  	_ =	shalt  }
0x81: {  	_ =	shalt  }
0x82: {  	_ =	shalt  }
0x83: {  	_ =	shalt  }
0x84: {  	_ =	shalt  }
0x85: {  	_ =	shalt  }
0x86: {  	_ =	shalt  }
0x87: {  	_ =	shalt  }
.Lfunc_end0:
.L_simem_size_0:
called_computation.2_lowered:
.L_overlay_start_0:
0x88: {  	s2 =	sld [smem:$0x3FD9]  }
0x89: {  	s3 =	sld [smem:$0x3FFE];
	_ =	sdelay $0x1  }
0x8a: {  	s1 =	srdreg.scid  }
0x8b: {  	s0 =	sand.u32 $0x1, s1  }
0x8c: {  	s17 =	sshll.u32 s0, $0xA;
	s2 =	sadd.s32 s3, s2  }
0x8d: {  	s2 =	sadd.s32 s2, s17  }
0x8e: {  	[smem:$0x3FBB] =	sst s2  }
0x8f: {  	_ = 	snop  }
0x90: {  	s2 =	sld [smem:$0x3FD0];
	(tm) =	ssettm $0x1  }
0x91: {  	s18 =	sld [smem:$0x3FFB];
	_ =	sdelay $0x3  }
0x92: {  	_ =	strace s18  }
0x93: {  	s3 =	sld [smem:$0x3FFC];
	_ =	sdelay $0x3  }
0x94: {  	_ =	strace s3  }
0x95: {  	s3 =	sld [smem:$0x3FFD];
	_ =	sdelay $0x3  }
0x96: {  	_ =	strace s3  }
0x97: {  	_ =	strace $0x8FFFFFFF  }
0x98: {  	s19 =	sld [smem:$0x3FDB];
	_ =	sdelay $0x1  }
0x99: {  	s4 =	simm.s32 $_scs_section_size  }
0x9a: {  	s5 =	simm.s32 $_size__tile_overlayer_lowered;
	s6 =	simm.s32 $_tile_overlayer_lowered  }
0x9b: {  	s22 =	simm.s32 $0x1BFF;
	s21 =	sshll.u32 s6, $0x1;
	s3 =	sadd.s32 s4, s19  }
0x9c: {  	s7 =	simm.s32 $0x0;
	s20 =	sshll.u32 s5, $0x1;
	s5 =	sadd.s32 s21, s3  }
0x9d: {  	[timem:s7], [sflag:s22] =	dma.local [hbm:s5], s20  }
0x9e: {  	_ =	swait.ge [sflag:s22], s20  }
0x9f: {  	s4 =	ssub.s32 $0x0, s20;
	[sflag:s22] =	ssyncset.done $0x0  }
0xa0: {  	[sflag:s22] =	ssyncadd.s32 s4;
	_ =	sdelay $0x1  }
0xa1: {  	s23 =	simm.s32 $0x1B8B  }
0xa2: {  	_ =	swait.ge [sflag:s23], $0x1  }
0xa3: {  	[sflag:s23] =	ssyncset.done $0x0  }
0xa4: {  	s25 =	simm.s32 $0x1B8E;
	s24 =	sld [smem:$0x3FFE];
	[sflag:s23] =	ssyncadd.s32 $0xFFFFFFFF  }
0xa5: {  	s26 =	simm.s32 $execute0_lowered;
	[smem:$0x3FD2] =	sst s25  }
0xa6: {  	s5 =	sshll.u32 s26, $0x1;
	_ =	strace $0x80000046;
	[dreg:$0x1] =	wrdreg $0xFFFFFFFF  }
0xa7: {  	s28 =	simm.s32 $_size_execute0_lowered;
	s3 =	sadd.s32 s3, s5;
	[dreg:$0x0] =	wrdreg $0x0  }
0xa8: {  	s5 =	sshll.u32 s28, $0x1;
	[dreg:$0x2] =	wrdreg s3  }
0xa9: {  	[dreg:$0x3] =	wrdreg s5  }
0xaa: {  	[dreg:$0x4] =	wrdreg $0xC0  }
0xab: {  	_ =	task [dreg:s7], $0x5FFFF  }
0xac: {  	[dreg:$0x1] =	wrdreg $0xFFFFFFFF  }
0xad: {  	[dreg:$0x0] =	wrdreg $0x60  }
0xae: {  	[dreg:$0x2] =	wrdreg s24  }
0xaf: {  	[dreg:$0x3] =	wrdreg s2  }
0xb0: {  	[dreg:$0x4] =	wrdreg $0x19800  }
0xb1: {  	[dreg:$0x5] =	wrdreg $0x9  }
0xb2: {  	_ =	task.clear_ibuf [dreg:s7], $0x6FFFF;
	_ =	strace $0x90000046  }
0xb3: {  	s29 =	simm.s32 $0x9;
	_ =	strace $0x80000048  }
0xb4: {  	_ =	swait.ge [sflag:s29], $0x1  }
0xb5: {  	[sflag:s29] =	ssyncadd.s32 $0xFFFFFFFF  }
0xb6: {  	_ =	strace $0x90000048  }
0xb7: {  	_ =	sfence  }
0xb8: {  	s30 =	sld [smem:$0x0];
	_ =	sdelay $0x2  }
0xb9: {  	s31 =	sshll.u32 s1, $0xD;
	s1 =	sshrl.u32 s1, $0x2  }
0xba: {  	s3 =	sand.u32 $0x4000, s31;
	s1 =	sadd.s32 s1, s30  }
0xbb: {  	s0 =	sor.u32 s3, s0;
	s1 =	sshll.u32 s1, $0x11  }
0xbc: {  	s0 =	sor.u32 s1, s0  }
0xbd: {  	s0 =	sadd.s32 $0x8F2B, s0  }
0xbe: {  	[sflag:s0] =	ssyncadd.remote.s32 $0x1  }
0xbf: {  	_ =	sfence.sel $0xFFFF  }
0xc0: {  	[dreg:$0x0] =	wrdreg $0xFFFFFFFF;
	(pc) =	sbr.abs _section_cstart, $3  }
0xc1: {  	[dreg:$0x1] =	wrdreg $0xFFFFFFFF  }
0xc2: {  	_ =	task.clear_ibuf [dreg:s7], $0x2FFFF;
	_ =	strace $0x9FFFFFFF  }
0xc3: {  	(tm) =	ssettm $0x7FFFFFFF  }
tec
execute0_lowered:
.L_overlay_start_1:
0x0: {  	(tag) =	ssettag $0x1  }
0x1: {  	s8 =	rddreg [dreg:$0x0]  }
0x2: {  	s2 =	rddreg [dreg:$0x1]  }
0x3: {  	s3 =	rddreg [dreg:$0x2]  }
0x4: {  	s0 =	rddreg [dreg:$0x3]  }
0x5: {  	s4 =	simm.s32 $0x0;
	s1 =	stileid.u32;
	s5 =	srdreg.scid  }
0x6: {  	s16 =	simm.s32 $0x1000;
	s18 =	simm.s32 $0x1880;
	s19 =	simm.s32 $0x80  }
0x7: {  	s20 =	simm.s32 $0x800;
	s21 =	simm.s32 $0x0;
	[smem:$0x7FF] =	sst s4  }
0x8: {  	s9 =	smul.u32 $0xC400, s1;
	s17 =	sand.u32 $0x1, s5;
	s5 =	sadd.s32 $0x2E00, s8  }
0x9: {  	s6 =	sadd.s32 $0x4CE00, s8;
	s7 =	sadd.s32 $0x33E00, s8;
	s31 =	sshll.u32 s1, $0x6  }
0xa: {  	_ =	strace $0x80000047;
	s10 =	ssub.s32 $0x2, s17;
	p0 =	seq.s32 s17, $0x1  }
0xb: {  	s15 =	sshll.u32 s17, $0x1;
	s11 =	sshrl.u32 s9, $0x3;
	s12 =	sshrl.u32 s10, $0x1  }
0xc: {  	s14 =	sadd.s32 s9, s3;
	s9 =	sor.u32 $0x1C01, s31;
	v3 =	vmov s15;
	s15 =	simm.s32 $0x1900  }
0xd: {  	s13 =	sadd.s32 s11, s8;
	s30 =	ssub.s32 s10, s12;
	s12 =	simm.s32 $0x96E00  }
0xe: {  	v4 =	vlaneseq.u32;
	s10 =	smul.u32 $0xC800, s1;
	s8 =	sadd.s32 $0x65E00, s13;
	s12 =	simm.s32 @!p0 $0x7E600  }
0xf: {  	v5 =	vimm.f32 $0.0e+00;
	v4 =	vmul.u32 $0x10, v4;
	v0 =	vor.u32 $0x5, v3;
	s11 =	smax.u32 s30, $0x1;
	p0 =	seq.s32 s17, $0x0;
	s17 =	simm.s32 $0x1800  }
0x10: {  	v1 =	vor.u32 $0x9, v3;
	v2 =	vadd.s32 $0x6, v3;
	v3 =	vadd.s32 $0xA, v3;
	s12 =	sadd.s32 s12, s13;
	s13 =	sshrl.u32 s14, $0x3;
	s14 =	simm.s32 $0x1  }
.LBB2_1:
0x11: {  	[spmem:s13], [sflag:s9] =	dma.local [hbm:s8], $0x1880;
	v6 =	vmov s4  }
0x12: {  	_ =	swait.ge [sflag:s14], $0x1880;
	v6 =	vshll.u32 v6, $0x4  }
0x13: {  	[sflag:s14] =	ssyncset.done $0x0;
	v7 =	vor.u32 v4, v6  }
0x14: {  	[sflag:s14] =	ssyncadd.s32 $0xFFFFE780;
	v8 =	vor.u32 $0xC, v7  }
0x15: {  	[tilespmem:s15], [sflag:$0x1] =	stream.linear.gather [hbm4b:s2+s4], $0x80, $0x38;
	[tilespmem:$0xDD80] =	vst v63  }
0x16: {  	_ =	swait.ge [sflag:s14], $0x80  }
0x17: {  	s22 =	simm.s32 $0x10;
	[sflag:s14] =	ssyncset.done $0x0  }
0x18: {  	v6 =	vmov s22;
	v10 =	vor.u32 $0xD, v7;
	[sflag:s14] =	ssyncadd.s32 $0xFFFFFF80  }
0x19: {  	v6 =	vshll.u32 v6, $0x4;
	[tilespmem:v8+s16+$0x0] =	vst.idx.msk $0xffff, v5;
	v8 =	vor.u32 $0xE, v7  }
0x1a: {  	v6 =	vor.u32 v4, v6;
	v7 =	vor.u32 $0xF, v7  }
0x1b: {  	v9 =	vor.u32 $0xC, v6;
	_ =	sdelay $0x1  }
0x1c: {  	s22 =	simm.s32 $0x20;
	[tilespmem:v10+s16+$0x0] =	vst.idx.msk $0xffff, v5  }
.LBB2_2:
0x1d: {  	v10 =	vmov s22;
	v11 =	vor.u32 $0xD, v6;
	[tilespmem:v8+s16+$0x0] =	vst.idx.msk $0xffff, v5;
	p1 =	sne.s32 s22, $0x70  }
.Ltmp0:
0x1e: {  	v8 =	vor.u32 $0xE, v6;
	v10 =	vshll.u32 v10, $0x4;
	[tilespmem:v7+s16+$0x0] =	vst.idx.msk $0xffff, v5;
	(pc) =	sbr.rel @p1 .LBB2_2-.Ltmp0, $3  }
0x1f: {  	v7 =	vor.u32 $0xF, v6;
	[tilespmem:v9+s16+$0x0] =	vst.idx.msk $0xffff, v5;
	v6 =	vor.u32 v4, v10  }
0x20: {  	v9 =	vor.u32 $0xC, v6;
	_ =	sdelay $0x1  }
0x21: {  	s22 =	sadd.s32 $0x10, s22;
	[tilespmem:v11+s16+$0x0] =	vst.idx.msk $0xffff, v5  }
0x22: {  	_ =	sdelay $0x1  }
0x23: {  	v10 =	vor.u32 $0xD, v6  }
0x24: {  	v11 =	vor.u32 $0xE, v6  }
0x25: {  	[tilespmem:v8+s16+$0x0] =	vst.idx.msk $0xffff, v5;
	v6 =	vor.u32 $0xF, v6  }
0x26: {  	[tilespmem:v7+s16+$0x0] =	vst.idx.msk $0xffff, v5  }
0x27: {  	[tilespmem:v9+s16+$0x0] =	vst.idx.msk $0xffff, v5  }
0x28: {  	[tilespmem:v10+s16+$0x0] =	vst.idx.msk $0xffff, v5  }
0x29: {  	[tilespmem:v11+s16+$0x0] =	vst.idx.msk $0xffff, v5  }
0x2a: {  	[tilespmem:v6+s16+$0x0] =	vst.idx.msk $0xffff, v5  }
0x2b: {  	[bflag:$0x0] =	sbarrier.arrive $0xFFFF  }
0x2c: {  	v6 =	vld [tilespmem:$0x1900];
	_ =	sdelay $0x4  }
0x2d: {  	(v2sf) =	vpush v6, $0x0  }
0x2e: {  	(v2sf) =	vpush v6, $0x2  }
0x2f: {  	(v2sf) =	vpush v6, $0x1  }
0x30: {  	(v2sf) =	vpush v6, $0x3;
	_ =	sdelay $0xb  }
0x31: {  	s22 =	spop (v2sf)  }
0x32: {  	s23 =	spop (v2sf)  }
0x33: {  	s24 =	spop (v2sf)  }
0x34: {  	s25 =	spop (v2sf)  }
0x35: {  	s23 =	smov.u32 @p0 s22;
	s25 =	smov.u32 @p0 s24  }
0x36: {  	s22 =	simm.s32 $0x0;
	v6 =	vmov s23;
	s23 =	simm.s32 $0x0;
	v7 =	vmov s25  }
.LBB2_4:
0x37: {  	s24 =	sshll.u32 s23, $0x7  }
0x38: {  	s24 =	sadd.s32 s10, s24  }
0x39: {  	s24 =	sshrl.u32 s24, $0x3  }
0x3a: {  	s25 =	sadd.s32 s6, s24  }
0x3b: {  	[tilespmem:s17], [sflag:$0x1] =	stream.linear.gather [hbm4b:s25+s22], $0x80, $0x38;
	[tilespmem:$0xDD80] =	vst v63  }
0x3c: {  	_ =	swait.ge [sflag:s14], $0x80  }
0x3d: {  	[sflag:s14] =	ssyncset.done $0x0  }
0x3e: {  	s24 =	sadd.s32 s7, s24;
	[sflag:s14] =	ssyncadd.s32 $0xFFFFFF80  }
0x3f: {  	[tilespmem:s18], [sflag:$0x1] =	stream.linear.gather [hbm4b:s24+s22], $0x80, $0x38;
	[tilespmem:$0xDD80] =	vst v63  }
0x40: {  	_ =	swait.ge [sflag:s14], $0x80  }
0x41: {  	[sflag:s14] =	ssyncset.done $0x0  }
0x42: {  	[sflag:s14] =	ssyncadd.s32 $0xFFFFFF80  }
0x43: {  	v8 =	vmov s22;
	[tilespmem:s22], [sflag:$0x1] =	stream.indirect.gather [hbm4b:s5+s19], $0x10, s17, s19, $0xb8;
	[tilespmem:$0xDD80] =	vst v63  }
0x44: {  	v8 =	vshll.u32 v8, $0x4;
	_ =	swait.ge [sflag:s14], $0x800  }
0x45: {  	v12 =	vor.u32 v4, v8;
	[sflag:s14] =	ssyncset.done $0x0  }
0x46: {  	v8 =	vor.u32 v0, v12;
	[sflag:s14] =	ssyncadd.s32 $0xFFFFF800  }
0x47: {  	v9 =	vor.u32 v1, v12;
	[tilespmem:s20], [sflag:$0x1] =	stream.indirect.gather [hbm4b:s5+s19], $0x10, s18, s19, $0xb8;
	[tilespmem:$0xDD80] =	vst v63  }
0x48: {  	_ =	swait.ge [sflag:s14], $0x800  }
0x49: {  	[sflag:s14] =	ssyncset.done $0x0  }
0x4a: {  	[sflag:s14] =	ssyncadd.s32 $0xFFFFF800  }
0x4b: {  	v8 =	vld.idx.msk [tilespmem:v8+s4+$0x0], $0xffff  }
0x4c: {  	v9 =	vld.idx.msk [tilespmem:v9+s20+$0x0], $0xffff;
	_ =	sdelay $0x4  }
0x4d: {  	v8 =	vadd.f32 v9, v8;
	_ =	sdelay $0x1  }
0x4e: {  	v9 =	vmul.f32 $2.000000030e-01, v8;
	_ =	sdelay $0x1  }
0x4f: {  	v8 =	vmax.f32 v8, v9  }
0x50: {  	v8 =	vsub.f32 v8, v6;
	_ =	sdelay $0x1  }
0x51: {  	v8 =	vmul.f32 $1.442695020e+00, v8;
	_ =	sdelay $0x1  }
0x52: {  	(erf) = vpow2.f32 v8  }
0x53: {  	v8 =	vor.u32 $0x1, v12  }
0x54: {  	v9 =	vor.u32 $0x2, v12  }
0x55: {  	v10 =	vor.u32 $0x3, v12  }
0x56: {  	v11 =	vor.u32 $0x4, v12  }
0x57: {  	v13 =	vld.idx.msk [tilespmem:v12+s4+$0x0], $0xffff  }
0x58: {  	v14 =	vld.idx.msk [tilespmem:v8+s4+$0x0], $0xffff  }
0x59: {  	v15 =	vld.idx.msk [tilespmem:v9+s4+$0x0], $0xffff  }
0x5a: {  	v16 =	vld.idx.msk [tilespmem:v10+s4+$0x0], $0xffff  }
0x5b: {  	v17 =	vld.idx.msk [tilespmem:v11+s4+$0x0], $0xffff;
	v18 =	vpop (erf)  }
0x5c: {  	v19 =	vor.u32 $0x5, v12;
	v20 =	vmul.f32 v18, v13  }
0x5d: {  	v22 =	vor.u32 $0x6, v12;
	[tilespmem:v12+s16+$0x0] =	vst.idx.msk $0xffff, v18;
	v21 =	vmul.f32 v18, v14  }
0x5e: {  	v23 =	vmul.f32 v18, v15;
	[tilespmem:v9+s16+$0x0] =	vst.idx.msk $0xffff, v20;
	v9 =	vor.u32 v2, v12  }
0x5f: {  	v61 =	vor.u32 v3, v12;
	v24 =	vmul.f32 v18, v16;
	[tilespmem:v10+s16+$0x0] =	vst.idx.msk $0xffff, v21  }
0x60: {  	v10 =	vmul.f32 v18, v17;
	[tilespmem:v11+s16+$0x0] =	vst.idx.msk $0xffff, v23  }
0x61: {  	[tilespmem:v19+s16+$0x0] =	vst.idx.msk $0xffff, v24  }
0x62: {  	[tilespmem:v22+s16+$0x0] =	vst.idx.msk $0xffff, v10  }
0x63: {  	v9 =	vld.idx.msk [tilespmem:v9+s4+$0x0], $0xffff  }
0x64: {  	v10 =	vld.idx.msk [tilespmem:v61+s20+$0x0], $0xffff;
	_ =	sdelay $0x4  }
0x65: {  	v9 =	vadd.f32 v10, v9;
	_ =	sdelay $0x1  }
0x66: {  	v10 =	vmul.f32 $2.000000030e-01, v9;
	_ =	sdelay $0x1  }
0x67: {  	v9 =	vmax.f32 v9, v10  }
0x68: {  	v9 =	vsub.f32 v9, v7;
	_ =	sdelay $0x1  }
0x69: {  	v9 =	vmul.f32 $1.442695020e+00, v9;
	_ =	sdelay $0x1  }
0x6a: {  	(erf) = vpow2.f32 v9;
	_ =	sdelay $0x6  }
0x6b: {  	s31 =	simm.s32 $0x10;
	v18 =	vor.u32 $0x7, v12  }
0x6c: {  	v19 =	vor.u32 $0x8, v12;
	v10 =	vmov s31  }
0x6d: {  	v10 =	vshll.u32 v10, $0x4;
	v9 =	vor.u32 $0x9, v12;
	v62 =	vpop (erf)  }
0x6e: {  	[tilespmem:v8+s16+$0x0] =	vst.idx.msk $0xffff, v62;
	v63 =	vmul.f32 v62, v13;
	v8 =	vor.u32 v4, v10;
	v10 =	vor.u32 $0xA, v12  }
0x6f: {  	v11 =	vmul.f32 v62, v17;
	v17 =	vmul.f32 v62, v14;
	v12 =	vor.u32 $0xB, v12  }
0x70: {  	v15 =	vmul.f32 v62, v15;
	v13 =	vor.u32 v0, v8;
	[tilespmem:v18+s16+$0x0] =	vst.idx.msk $0xffff, v63  }
0x71: {  	s24 =	simm.s32 $0x20;
	v16 =	vmul.f32 v62, v16;
	v14 =	vor.u32 v1, v8;
	[tilespmem:v19+s16+$0x0] =	vst.idx.msk $0xffff, v17  }
.LBB2_5:
0x72: {  	p1 =	sne.s32 s24, $0x70;
	[tilespmem:v9+s16+$0x0] =	vst.idx.msk $0xffff, v15;
	s25 =	smov.u32 s24;
	s24 =	sadd.s32 $0x10, s24  }
0x73: {  	[tilespmem:v10+s16+$0x0] =	vst.idx.msk $0xffff, v16  }
0x74: {  	[tilespmem:v12+s16+$0x0] =	vst.idx.msk $0xffff, v11  }
0x75: {  	v9 =	vld.idx.msk [tilespmem:v13+s4+$0x0], $0xffff  }
0x76: {  	v10 =	vld.idx.msk [tilespmem:v14+s20+$0x0], $0xffff;
	_ =	sdelay $0x5  }
0x77: {  	v9 =	vadd.f32 v10, v9;
	_ =	sdelay $0x1  }
0x78: {  	v10 =	vmul.f32 $2.000000030e-01, v9;
	_ =	sdelay $0x1  }
0x79: {  	v9 =	vmax.f32 v9, v10  }
0x7a: {  	v9 =	vsub.f32 v9, v6;
	_ =	sdelay $0x1  }
0x7b: {  	v9 =	vmul.f32 $1.442695020e+00, v9  }
0x7c: {  	v11 =	vor.u32 $0x1, v8  }
0x7d: {  	v10 =	vor.u32 $0x2, v8;
	(erf) = vpow2.f32 v9  }
0x7e: {  	v9 =	vor.u32 $0x3, v8  }
0x7f: {  	v12 =	vor.u32 $0x4, v8  }
0x80: {  	v13 =	vld.idx.msk [tilespmem:v8+s4+$0x0], $0xffff  }
0x81: {  	v14 =	vld.idx.msk [tilespmem:v11+s4+$0x0], $0xffff  }
0x82: {  	v15 =	vld.idx.msk [tilespmem:v10+s4+$0x0], $0xffff  }
0x83: {  	v16 =	vld.idx.msk [tilespmem:v9+s4+$0x0], $0xffff  }
0x84: {  	v17 =	vld.idx.msk [tilespmem:v12+s4+$0x0], $0xffff;
	_ =	sdelay $0x1  }
0x85: {  	v18 =	vor.u32 $0x5, v8;
	v19 =	vpop (erf)  }
0x86: {  	v22 =	vor.u32 $0x6, v8;
	[tilespmem:v8+s16+$0x0] =	vst.idx.msk $0xffff, v19;
	v20 =	vmul.f32 v19, v13;
	v21 =	vmul.f32 v19, v14  }
0x87: {  	v24 =	vor.u32 v3, v8;
	v23 =	vmul.f32 v19, v15  }
0x88: {  	[tilespmem:v10+s16+$0x0] =	vst.idx.msk $0xffff, v20;
	v10 =	vmul.f32 v19, v16;
	v20 =	vor.u32 v2, v8  }
0x89: {  	[tilespmem:v9+s16+$0x0] =	vst.idx.msk $0xffff, v21;
	v9 =	vmul.f32 v19, v17  }
0x8a: {  	[tilespmem:v12+s16+$0x0] =	vst.idx.msk $0xffff, v23  }
0x8b: {  	[tilespmem:v18+s16+$0x0] =	vst.idx.msk $0xffff, v10  }
0x8c: {  	[tilespmem:v22+s16+$0x0] =	vst.idx.msk $0xffff, v9  }
0x8d: {  	v9 =	vld.idx.msk [tilespmem:v20+s4+$0x0], $0xffff  }
0x8e: {  	v10 =	vld.idx.msk [tilespmem:v24+s20+$0x0], $0xffff;
	_ =	sdelay $0x5  }
0x8f: {  	v9 =	vadd.f32 v10, v9;
	_ =	sdelay $0x1  }
0x90: {  	v10 =	vmul.f32 $2.000000030e-01, v9;
	_ =	sdelay $0x1  }
0x91: {  	v9 =	vmax.f32 v9, v10  }
0x92: {  	v9 =	vsub.f32 v9, v7;
	_ =	sdelay $0x1  }
0x93: {  	v9 =	vmul.f32 $1.442695020e+00, v9;
	_ =	sdelay $0x1  }
0x94: {  	(erf) = vpow2.f32 v9;
	_ =	sdelay $0x4  }
0x95: {  	v18 =	vor.u32 $0x7, v8  }
0x96: {  	v19 =	vor.u32 $0x8, v8  }
0x97: {  	v9 =	vor.u32 $0x9, v8  }
0x98: {  	v10 =	vor.u32 $0xA, v8  }
.Ltmp1:
0x99: {  	v12 =	vor.u32 $0xB, v8;
	v20 =	vmov s25;
	v21 =	vpop (erf);
	(pc) =	sbr.rel @p1 .LBB2_5-.Ltmp1, $4  }
0x9a: {  	v8 =	vshll.u32 v20, $0x4;
	[tilespmem:v11+s16+$0x0] =	vst.idx.msk $0xffff, v21;
	v20 =	vmul.f32 v21, v13;
	v11 =	vmul.f32 v21, v17  }
0x9b: {  	v8 =	vor.u32 v4, v8;
	v17 =	vmul.f32 v21, v14;
	v15 =	vmul.f32 v21, v15  }
0x9c: {  	v13 =	vor.u32 v0, v8;
	v14 =	vor.u32 v1, v8;
	[tilespmem:v18+s16+$0x0] =	vst.idx.msk $0xffff, v20  }
0x9d: {  	v16 =	vmul.f32 v21, v16;
	[tilespmem:v19+s16+$0x0] =	vst.idx.msk $0xffff, v17  }
0x9e: {  	_ =	sdelay $0x3  }
0x9f: {  	[tilespmem:v9+s16+$0x0] =	vst.idx.msk $0xffff, v15  }
0xa0: {  	[tilespmem:v10+s16+$0x0] =	vst.idx.msk $0xffff, v16  }
0xa1: {  	[tilespmem:v12+s16+$0x0] =	vst.idx.msk $0xffff, v11  }
0xa2: {  	v9 =	vld.idx.msk [tilespmem:v13+s4+$0x0], $0xffff  }
0xa3: {  	v10 =	vld.idx.msk [tilespmem:v14+s20+$0x0], $0xffff;
	_ =	sdelay $0x4  }
0xa4: {  	v9 =	vadd.f32 v10, v9;
	_ =	sdelay $0x1  }
0xa5: {  	v10 =	vmul.f32 $2.000000030e-01, v9;
	_ =	sdelay $0x1  }
0xa6: {  	v9 =	vmax.f32 v9, v10  }
0xa7: {  	v9 =	vsub.f32 v9, v6;
	_ =	sdelay $0x1  }
0xa8: {  	v9 =	vmul.f32 $1.442695020e+00, v9;
	_ =	sdelay $0x1  }
0xa9: {  	(erf) = vpow2.f32 v9  }
0xaa: {  	v46 =	vor.u32 $0x1, v8  }
0xab: {  	v47 =	vor.u32 $0x2, v8  }
0xac: {  	v48 =	vor.u32 $0x3, v8  }
0xad: {  	v49 =	vor.u32 $0x4, v8  }
0xae: {  	v50 =	vld.idx.msk [tilespmem:v8+s4+$0x0], $0xffff  }
0xaf: {  	v51 =	vld.idx.msk [tilespmem:v46+s4+$0x0], $0xffff  }
0xb0: {  	v15 =	vld.idx.msk [tilespmem:v47+s4+$0x0], $0xffff  }
0xb1: {  	v16 =	vld.idx.msk [tilespmem:v48+s4+$0x0], $0xffff  }
0xb2: {  	v17 =	vld.idx.msk [tilespmem:v49+s4+$0x0], $0xffff;
	v18 =	vpop (erf)  }
0xb3: {  	v19 =	vor.u32 $0x5, v8;
	v20 =	vmul.f32 v18, v50  }
0xb4: {  	v22 =	vor.u32 $0x6, v8;
	[tilespmem:v8+s16+$0x0] =	vst.idx.msk $0xffff, v18;
	v21 =	vmul.f32 v18, v51  }
0xb5: {  	v52 =	vor.u32 v2, v8;
	v23 =	vmul.f32 v18, v15;
	[tilespmem:v47+s16+$0x0] =	vst.idx.msk $0xffff, v20  }
0xb6: {  	v53 =	vor.u32 v3, v8;
	v24 =	vmul.f32 v18, v16;
	[tilespmem:v48+s16+$0x0] =	vst.idx.msk $0xffff, v21  }
0xb7: {  	v54 =	vmul.f32 v18, v17;
	[tilespmem:v49+s16+$0x0] =	vst.idx.msk $0xffff, v23  }
0xb8: {  	[tilespmem:v19+s16+$0x0] =	vst.idx.msk $0xffff, v24  }
0xb9: {  	[tilespmem:v22+s16+$0x0] =	vst.idx.msk $0xffff, v54  }
0xba: {  	v10 =	vld.idx.msk [tilespmem:v52+s4+$0x0], $0xffff  }
0xbb: {  	v11 =	vld.idx.msk [tilespmem:v53+s20+$0x0], $0xffff;
	_ =	sdelay $0x4  }
0xbc: {  	v10 =	vadd.f32 v11, v10;
	_ =	sdelay $0x1  }
0xbd: {  	v11 =	vmul.f32 $2.000000030e-01, v10;
	_ =	sdelay $0x1  }
0xbe: {  	v10 =	vmax.f32 v10, v11  }
0xbf: {  	v10 =	vsub.f32 v10, v7;
	_ =	sdelay $0x1  }
0xc0: {  	v10 =	vmul.f32 $1.442695020e+00, v10;
	_ =	sdelay $0x1  }
0xc1: {  	(erf) = vpow2.f32 v10;
	_ =	sdelay $0x6  }
0xc2: {  	v55 =	vor.u32 $0x7, v8  }
0xc3: {  	v56 =	vor.u32 $0x8, v8  }
0xc4: {  	v57 =	vor.u32 $0x9, v8;
	v58 =	vpop (erf)  }
0xc5: {  	v59 =	vor.u32 $0xA, v8;
	v13 =	vmul.f32 v58, v50  }
0xc6: {  	v8 =	vor.u32 $0xB, v8;
	[tilespmem:v46+s16+$0x0] =	vst.idx.msk $0xffff, v58;
	v60 =	vmul.f32 v58, v51  }
0xc7: {  	v61 =	vmul.f32 v58, v15;
	[tilespmem:v55+s16+$0x0] =	vst.idx.msk $0xffff, v13  }
0xc8: {  	v62 =	vmul.f32 v58, v16;
	[tilespmem:v56+s16+$0x0] =	vst.idx.msk $0xffff, v60  }
0xc9: {  	s23 =	sadd.s32 $0x1, s23;
	v63 =	vmul.f32 v58, v17;
	[tilespmem:v57+s16+$0x0] =	vst.idx.msk $0xffff, v61  }
0xca: {  	p1 =	sne.s32 s23, $0x190;
	[tilespmem:v59+s16+$0x0] =	vst.idx.msk $0xffff, v62  }
.Ltmp2:
0xcb: {  	[tilespmem:v8+s16+$0x0] =	vst.idx.msk $0xffff, v63;
	(pc) =	sbr.rel @p1 .LBB2_4-.Ltmp2, $4  }
0xcc: {  	[spmem:s3] =	stream.indirect.scatter.add.f32 [tilespmem:s16], [sflag:$0x1], $0x10, s18, s19, $0xb8;
	[tilespmem:$0xDD80] =	vst v63  }
0xcd: {  	_ =	swait.ge [sflag:s14], $0x800  }
0xce: {  	[sflag:s14] =	ssyncset.done $0x0  }
0xcf: {  	[sflag:s14] =	ssyncadd.s32 $0xFFFFF800  }
0xd0: {  	s21 =	sadd.s32 $0x1, s21  }
0xd1: {  	p1 =	sne.s32 s21, s11  }
.Ltmp3:
0xd2: {  	[bflag:$0x0] =	sbarrier.arrive $0xFFFF;
	(pc) =	sbr.rel @p1 .LBB2_1-.Ltmp3, $4  }
0xd3: {  	[hbm:s12], [sflag:s9] =	dma.local [spmem:s13], $0x1880  }
0xd4: {  	_ =	swait.ge [sflag:s14], $0x1880  }
0xd5: {  	[sflag:s14] =	ssyncset.done $0x0  }
0xd6: {  	[sflag:s14] =	ssyncadd.s32 $0xFFFFE780  }
0xd7: {  	_ =	sfence.sel $0x180000  }
0xd8: {  	[bflag:$0x0] =	sbarrier.arrive $0xFFFF  }
0xd9: {  	p0 =	sne.s32 s1, $0x0;
	_ =	strace $0x90000047  }
0xda: {  	s0 =	sadd.s32 @!p0 $0x100000, s0;
	[bflag:$0x2] =	sbarrier.arrive $0xFFFF  }
0xdb: {  	[sflag:s0] =	ssyncadd.tile.s32 @!p0 $0x1;
	_ =	shalt  }
.Lfunc_end2:
_tile_overlayer_lowered:
.L_overlay_start_2:
0xdc: {  	(tag) =	ssettag $0x2  }
0xdd: {  	s0 =	rddreg [dreg:$0x0];
	s2 =	stileid.u32  }
0xde: {  	s1 =	rddreg [dreg:$0x1];
	p0 =	sne.s32 s2, $0x0  }
0xdf: {  	s3 =	rddreg [dreg:$0x2];
	[bflag:$0x3] =	sbarrier.arrive $0xFFFF;
	s2 =	simm.s32 @!p0 $0x1C01  }
0xe0: {  	[timem:s3], [sflag:s2] =	dma.local @!p0 [hbm:s0], s1  }
0xe1: {  	s0 =	simm.s32 @!p0 $0x1  }
0xe2: {  	_ =	swait.ge @!p0 [sflag:s0], s1  }
0xe3: {  	s1 =	ssub.s32 @!p0 $0x0, s1;
	[sflag:s0] =	ssyncset.done @!p0 $0x0  }
0xe4: {  	[sflag:s0] =	ssyncadd.s32 @!p0 s1  }
0xe5: {  	[bflag:$0x3] =	sbarrier.arrive $0xFFFF  }
0xe6: {  	_ =	shalt  }

// kernel: scatter_offload_async_start.1
scs
__scs_entry_jumppad:
0x0: {  	(pc) =	sbr.rel $0x88, $3  }
0x1: {  	(tag) =	ssettag $0x0;
	lr =	simm.s32 $0x1  }
0x2: {  	[smem:$0x3F94] =	sst lr;
	_ =	strace $0xD0000000  }
0x3: {  	_ = 	snop  }
0x4: {  	_ = 	snop  }
0x5: {  	_ = 	snop  }
0x6: {  	_ = 	snop  }
0x7: {  	_ = 	snop  }
__scs_overlays_trampoline_lowered:
0x8: {  	[smem:$0x3FA3] =	sst s0  }
0x9: {  	[smem:$0x3FA4] =	sst s1  }
0xa: {  	[smem:$0x3FA5] =	sst s2  }
0xb: {  	[smem:$0x3FA6] =	sst s3  }
0xc: {  	[smem:$0x3FA7] =	sst s4  }
0xd: {  	[smem:$0x3FA8] =	sst s5  }
0xe: {  	[smem:$0x3FA9] =	sst s6  }
0xf: {  	[smem:$0x3FAA] =	sst s7  }
0x10: {  	[smem:$0x3FAB] =	sst s8  }
0x11: {  	[smem:$0x3FAC] =	sst s9;
	s0 =	simm.s32 @!p0 $0x0  }
0x12: {  	s1 =	sld [smem:$0x3F92];
	s0 =	simm.s32 @p0 $0x1  }
0x13: {  	[smem:$0x3FAD] =	sst s0;
	s0 =	simm.s32 @!p1 $0x0  }
0x14: {  	s2 =	sld [smem:$0x3F91];
	s0 =	simm.s32 @p1 $0x1  }
0x15: {  	[smem:$0x3FAE] =	sst s0;
	s0 =	simm.s32 @!p2 $0x0  }
0x16: {  	s3 =	sld [smem:$0x3FDB];
	s0 =	simm.s32 @p2 $0x1  }
0x17: {  	s4 =	simm.s32 $0x1BF5;
	[smem:$0x3FB0] =	sst s0  }
0x18: {  	s0 =	sld [smem:$0x3F93];
	_ =	swait.ge [sflag:s4], $0x0  }
0x19: {  	s7 =	sld [smem:$0x3F94]  }
0x1a: {  	s8 =	sadd.s32 $0xFFFFE003, lr  }
0x1b: {  	s9 =	sadd.s32 $0xFFFFFEF7, lr;
	s5 =	simm.s32 $0xFFFFFFFF;
	p2 =	slt.u32 s8, $0xFFFFF086  }
0x1c: {  	p1 =	slt.u32 s9, $0xF7A;
	s5 =	simm.s32 @!p2 $0x0  }
0x1d: {  	s5 =	simm.s32 @p1 $0x1;
	p0 =	seq.s32 s7, s2  }
0x1e: {  	s7 =	smul.u32 @!p0 $0xF7A, s2;
	p2 =	seq.s32 @!p0 s5, $0x0  }
0x1f: {  	s9 =	smul.u32 $0xF7A, s1;
	s8 =	simm.s32 @!p0 $0x1BF5;
	p2 =	por !p2, p0  }
0x20: {  	[sflag:s8] =	ssyncset.s32 @!p0 $0xFFFFF086;
	s6 =	sadd.s32 @!p0 s3, s7;
	s7 =	simm.s32 @!p0 $0x108  }
0x21: {  	s3 =	sadd.s32 s3, s9;
	s6 =	sadd.s32 @!p0 $0x88, s6;
	s7 =	simm.s32 @p2 $0x1082  }
0x22: {  	[simem:s7], [sflag:s8] =	dma.local @!p0 [hbm:s6], $0xF7A  }
0x23: {  	s9 =	sor.u32 $0xD0000000, s2;
	s6 =	simm.s32 $0x108;
	_ =	swait.ge @!p0 [sflag:s8], $0x0  }
0x24: {  	s3 =	sadd.s32 $0x88, s3;
	s6 =	simm.s32 @!p1 $0x1082;
	[sflag:s4] =	ssyncset.s32 $0xFFFFF086  }
0x25: {  	[simem:s6], [sflag:s4] =	dma.local [hbm:s3], $0xF7A  }
0x26: {  	[smem:$0x3F94] =	sst s1;
	(tag) =	ssettag s2;
	_ =	strace s9  }
0x27: {  	s1 =	sld [smem:$0x3FA4]  }
0x28: {  	s2 =	sld [smem:$0x3FA5]  }
0x29: {  	s4 =	sld [smem:$0x3FA7]  }
0x2a: {  	p0 =	seq.s32 s5, $0x0;
	s5 =	sld [smem:$0x3FA8]  }
0x2b: {  	s6 =	sld [smem:$0x3FA9]  }
0x2c: {  	s7 =	sld [smem:$0x3FAA]  }
0x2d: {  	s3 =	simm.s32 $0x108;
	s8 =	sld [smem:$0x3FAB]  }
0x2e: {  	s3 =	simm.s32 @!p0 $0x1082;
	s9 =	sld [smem:$0x3FAC]  }
0x2f: {  	lr =	sadd.s32 s0, s3;
	s0 =	sld [smem:$0x3FA3]  }
0x30: {  	s3 =	sld [smem:$0x3FA6]  }
0x31: {  	[smem:$0x3FAF] =	sst s10  }
0x32: {  	s10 =	sld [smem:$0x3FAD];
	_ =	sdelay $0x3  }
0x33: {  	p0 =	seq.s32 s10, $0x1;
	s10 =	sld [smem:$0x3FAF];
	_ =	sdelay $0x3  }
0x34: {  	[smem:$0x3FAF] =	sst s10  }
0x35: {  	s10 =	sld [smem:$0x3FAE];
	_ =	sdelay $0x3  }
0x36: {  	p1 =	seq.s32 s10, $0x1;
	s10 =	sld [smem:$0x3FAF];
	_ =	sdelay $0x3  }
0x37: {  	[smem:$0x3FAF] =	sst s10  }
0x38: {  	s10 =	sld [smem:$0x3FB0]  }
0x39: {  	_ = 	snop;
	(pc) =	sbr.ind lr, $3  }
0x3a: {  	_ = 	snop  }
0x3b: {  	_ = 	snop  }
0x3c: {  	p2 =	seq.s32 s10, $0x1;
	s10 =	sld [smem:$0x3FAF]  }
0x3d: {  	_ =	shalt  }
0x3e: {  	_ =	shalt  }
0x3f: {  	_ =	shalt  }
0x40: {  	_ =	shalt  }
0x41: {  	_ =	shalt  }
0x42: {  	_ =	shalt  }
0x43: {  	_ =	shalt  }
0x44: {  	_ =	shalt  }
0x45: {  	_ =	shalt  }
0x46: {  	_ =	shalt  }
0x47: {  	_ =	shalt  }
0x48: {  	_ =	shalt  }
0x49: {  	_ =	shalt  }
0x4a: {  	_ =	shalt  }
0x4b: {  	_ =	shalt  }
0x4c: {  	_ =	shalt  }
0x4d: {  	_ =	shalt  }
0x4e: {  	_ =	shalt  }
0x4f: {  	_ =	shalt  }
0x50: {  	_ =	shalt  }
0x51: {  	_ =	shalt  }
0x52: {  	_ =	shalt  }
0x53: {  	_ =	shalt  }
0x54: {  	_ =	shalt  }
0x55: {  	_ =	shalt  }
0x56: {  	_ =	shalt  }
0x57: {  	_ =	shalt  }
0x58: {  	_ =	shalt  }
0x59: {  	_ =	shalt  }
0x5a: {  	_ =	shalt  }
0x5b: {  	_ =	shalt  }
0x5c: {  	_ =	shalt  }
0x5d: {  	_ =	shalt  }
0x5e: {  	_ =	shalt  }
0x5f: {  	_ =	shalt  }
0x60: {  	_ =	shalt  }
0x61: {  	_ =	shalt  }
0x62: {  	_ =	shalt  }
0x63: {  	_ =	shalt  }
0x64: {  	_ =	shalt  }
0x65: {  	_ =	shalt  }
0x66: {  	_ =	shalt  }
0x67: {  	_ =	shalt  }
0x68: {  	_ =	shalt  }
0x69: {  	_ =	shalt  }
0x6a: {  	_ =	shalt  }
0x6b: {  	_ =	shalt  }
0x6c: {  	_ =	shalt  }
0x6d: {  	_ =	shalt  }
0x6e: {  	_ =	shalt  }
0x6f: {  	_ =	shalt  }
0x70: {  	_ =	shalt  }
0x71: {  	_ =	shalt  }
0x72: {  	_ =	shalt  }
0x73: {  	_ =	shalt  }
0x74: {  	_ =	shalt  }
0x75: {  	_ =	shalt  }
0x76: {  	_ =	shalt  }
0x77: {  	_ =	shalt  }
0x78: {  	_ =	shalt  }
0x79: {  	_ =	shalt  }
0x7a: {  	_ =	shalt  }
0x7b: {  	_ =	shalt  }
0x7c: {  	_ =	shalt  }
0x7d: {  	_ =	shalt  }
0x7e: {  	_ =	shalt  }
0x7f: {  	_ =	shalt  }
0x80: {  	_ =	shalt  }
0x81: {  	_ =	shalt  }
0x82: {  	_ =	shalt  }
0x83: {  	_ =	shalt  }
0x84: {  	_ =	shalt  }
0x85: {  	_ =	shalt  }
0x86: {  	_ =	shalt  }
0x87: {  	_ =	shalt  }
.Lfunc_end0:
.L_simem_size_0:
called_computation.1_lowered:
.L_overlay_start_0:
0x88: {  	s0 =	sld [smem:$0x3FD9]  }
0x89: {  	s1 =	sld [smem:$0x3FFE];
	_ =	sdelay $0x3  }
0x8a: {  	s0 =	sadd.s32 s1, s0  }
0x8b: {  	[smem:$0x3FBB] =	sst s0  }
0x8c: {  	_ = 	snop  }
0x8d: {  	(tm) =	ssettm $0x1  }
0x8e: {  	s15 =	sld [smem:$0x3FFB];
	_ =	sdelay $0x3  }
0x8f: {  	_ =	strace s15  }
0x90: {  	s0 =	sld [smem:$0x3FFC];
	_ =	sdelay $0x3  }
0x91: {  	_ =	strace s0  }
0x92: {  	s0 =	sld [smem:$0x3FFD];
	_ =	sdelay $0x3  }
0x93: {  	_ =	strace s0  }
0x94: {  	_ =	strace $0x8FFFFFFF  }
0x95: {  	s16 =	sld [smem:$0x3FDB];
	_ =	sdelay $0x1  }
0x96: {  	s17 =	simm.s32 $_scs_section_size  }
0x97: {  	s2 =	simm.s32 $_size__tile_overlayer_lowered;
	s3 =	simm.s32 $_tile_overlayer_lowered  }
0x98: {  	s20 =	simm.s32 $0x1BFF;
	s19 =	sshll.u32 s3, $0x1;
	s0 =	sadd.s32 s17, s16  }
0x99: {  	s4 =	simm.s32 $0x0;
	s18 =	sshll.u32 s2, $0x1;
	s2 =	sadd.s32 s19, s0  }
0x9a: {  	[timem:s4], [sflag:s20] =	dma.local [hbm:s2], s18  }
0x9b: {  	_ =	swait.ge [sflag:s20], s18  }
0x9c: {  	s1 =	ssub.s32 $0x0, s18;
	[sflag:s20] =	ssyncset.done $0x0  }
0x9d: {  	[sflag:s20] =	ssyncadd.s32 s1;
	_ =	sdelay $0x1  }
0x9e: {  	s21 =	simm.s32 $0x1B8B  }
0x9f: {  	_ =	swait.ge [sflag:s21], $0x1  }
0xa0: {  	[sflag:s21] =	ssyncset.done $0x0  }
0xa1: {  	s23 =	simm.s32 $0x1B8E;
	s22 =	sld [smem:$0x3FFE];
	[sflag:s21] =	ssyncadd.s32 $0xFFFFFFFF  }
0xa2: {  	s24 =	simm.s32 $execute0_lowered;
	[smem:$0x3FD2] =	sst s23  }
0xa3: {  	s2 =	sshll.u32 s24, $0x1;
	_ =	strace $0x80000049;
	[dreg:$0x1] =	wrdreg $0xFFFFFFFF  }
0xa4: {  	s25 =	simm.s32 $_size_execute0_lowered;
	s0 =	sadd.s32 s0, s2;
	[dreg:$0x0] =	wrdreg $0x0  }
0xa5: {  	s2 =	sshll.u32 s25, $0x1;
	[dreg:$0x2] =	wrdreg s0  }
0xa6: {  	[dreg:$0x3] =	wrdreg s2  }
0xa7: {  	[dreg:$0x4] =	wrdreg $0xC0  }
0xa8: {  	_ =	task [dreg:s4], $0x5FFFF  }
0xa9: {  	[dreg:$0x1] =	wrdreg $0xFFFFFFFF  }
0xaa: {  	[dreg:$0x0] =	wrdreg $0x60  }
0xab: {  	[dreg:$0x2] =	wrdreg s22  }
0xac: {  	[dreg:$0x3] =	wrdreg $0xA  }
0xad: {  	_ =	task.clear_ibuf [dreg:s4], $0x4FFFF;
	_ =	strace $0x90000049  }
0xae: {  	s26 =	simm.s32 $0xA;
	_ =	strace $0x8000004B  }
0xaf: {  	_ =	swait.ge [sflag:s26], $0x1  }
0xb0: {  	[sflag:s26] =	ssyncadd.s32 $0xFFFFFFFF  }
0xb1: {  	_ =	strace $0x9000004B  }
0xb2: {  	_ =	sfence  }
0xb3: {  	s28 =	sld [smem:$0x0];
	_ =	sdelay $0x1  }
0xb4: {  	s29 =	srdreg.scid  }
0xb5: {  	s30 =	sshll.u32 s29, $0xD;
	s31 =	sshrl.u32 s29, $0x2  }
0xb6: {  	s1 =	sand.u32 $0x1, s29;
	s2 =	sand.u32 $0x4000, s30;
	s0 =	sadd.s32 s31, s28  }
0xb7: {  	s1 =	sor.u32 s2, s1;
	s0 =	sshll.u32 s0, $0x11  }
0xb8: {  	s0 =	sor.u32 s0, s1  }
0xb9: {  	s0 =	sadd.s32 $0x8F2B, s0  }
0xba: {  	[sflag:s0] =	ssyncadd.remote.s32 $0x1  }
0xbb: {  	_ =	sfence.sel $0xFFFF  }
0xbc: {  	[dreg:$0x0] =	wrdreg $0xFFFFFFFF;
	(pc) =	sbr.abs _section_cstart, $3  }
0xbd: {  	[dreg:$0x1] =	wrdreg $0xFFFFFFFF  }
0xbe: {  	_ =	task.clear_ibuf [dreg:s4], $0x2FFFF;
	_ =	strace $0x9FFFFFFF  }
0xbf: {  	(tm) =	ssettm $0x7FFFFFFF  }
tec
execute0_lowered:
.L_overlay_start_1:
0x0: {  	(tag) =	ssettag $0x1  }
0x1: {  	s0 =	rddreg [dreg:$0x0];
	s14 =	stileid.u32  }
0x2: {  	_ =	strace $0x8000004A;
	s2 =	simm.s32 $0x1;
	s1 =	smul.u32 $0x6, s14  }
0x3: {  	v1 =	vimm.s32 $0xFFFFFFFF;
	s3 =	smin.u32 s14, $0x4;
	[sflag:s2] =	ssyncpa.u1 $0x0  }
0x4: {  	[tilespmem:$0x10] =	vst v1;
	s1 =	sadd.s32 s3, s1  }
0x5: {  	v0 =	vimm.f32 $0.0e+00;
	p0 =	slt.u32 s14, $0x4;
	[tilespmem:$0x20] =	vst v1;
	s3 =	smul.u32 $0x1F40, s1;
	s1 =	simm.s32 $0xDAC0  }
0x6: {  	[tilespmem:$0x30] =	vst v0;
	s1 =	simm.s32 @!p0 $0xBB80  }
0x7: {  	[tilespmem:$0x40] =	vst v0;
	s1 =	sadd.s32 s1, s3  }
0x8: {  	[tilespmem:$0x50] =	vst v0;
	s4 =	smin.u32 s1, $0xC3500  }
0x9: {  	[tilespmem:$0x60] =	vst v1;
	s9 =	ssub.s32 s4, s3  }
0xa: {  	s7 =	simm.s32 $0x2;
	s8 =	simm.s32 $0x8;
	[tilespmem:$0x70] =	vst v1;
	p0 =	sgt.s32 s9, $0x0  }
0xb: {  	s31 =	simm.s32 $0x9;
	s16 =	simm.s32 $0x0;
	[tilespmem:$0x80] =	vst v1;
	s9 =	simm.s32 @!p0 $0x0  }
0xc: {  	s17 =	simm.s32 $0xF0;
	s18 =	simm.s32 $0xFFFFFFFF;
	v1 =	vimm.s32 $0x0;
	[tilespmem:$0xB0] =	vst v0;
	s5 =	smulhi.u32 $0x10624DD3, s9  }
0xd: {  	s19 =	simm.s32 $0xFFFFC280;
	s20 =	simm.s32 $0xFFFFFFFE;
	s21 =	simm.s32 $0xF;
	[tilespmem:$0x90] =	vst v1  }
0xe: {  	[tilespmem:$0xA0] =	vst v1;
	[sflag:s7] =	ssyncpa.u1 $0x0;
	s7 =	simm.s32 $0x7;
	s10 =	sshrl.u32 s5, $0x9  }
0xf: {  	s25 =	simm.s32 $0x0;
	[sflag:s7] =	ssyncpa.u1 $0x0;
	s11 =	smul.u32 $0x1F40, s10  }
0x10: {  	s24 =	simm.s32 $0x0;
	s6 =	sadd.s32 $0xAF600, s0;
	[sflag:s8] =	ssyncpa.u1 $0x0  }
.Ltmp0:
0x11: {  	[sflag:s31] =	ssyncpa.u1 $0x0;
	p0 =	sne.s32 s9, s11;
	(pc) =	sbr.rel .LBB2_1-.Ltmp0, $4  }
0x12: {  	s23 =	smov.u32 s3;
	s1 =	sadd.s32 $0x3000, s0;
	s2 =	simm.s32 @!p0 $0x0  }
0x13: {  	s5 =	sadd.s32 $0x96E00, s0;
	p0 =	por $0x0, $0x0;
	s9 =	sadd.s32 s2, s10  }
0x14: {  	vm0 =	vmmov $0xffff;
	v2 =	vlaneseq.u32;
	s10 =	sshll.u32 s14, $0x1;
	s14 =	sshllo.u32 s14, $0x1;
	s11 =	sadd.s32 $0x1, s9  }
0x15: {  	vm1 =	vmxor vm1, vm1;
	vm2 =	vmmov $0x1;
	vm3 =	vcmask $0x3F3C;
	s12 =	sadd.s32 $0x2, s9;
	s13 =	sor.u32 $0x81, s10;
	s15 =	sor.u32 $0x80, s10  }
.LBB2_9:
0x16: {  	p1 =	slt.u32 s24, $0x3  }
0x17: {  	s0 =	simm.s32 @!p1 $0x2  }
0x18: {  	_ =	swait.ge @!p1 [sflag:s0], $0x1F40  }
0x19: {  	[sflag:s0] =	ssyncset.done @!p1 $0x0  }
0x1a: {  	[sflag:s0] =	ssyncadd.s32 @!p1 $0xFFFFE0C0;
	s0 =	simm.s32 @!p1 $0x9  }
0x1b: {  	_ =	swait.ge @!p1 [sflag:s0], $0x10  }
0x1c: {  	[sflag:s0] =	ssyncset.done @!p1 $0x0  }
0x1d: {  	[sflag:s0] =	ssyncadd.s32 @!p1 $0xFFFFFFF0;
	p1 =	sne.s32 s24, s12  }
.Ltmp1:
0x1e: {  	s2 =	sadd.s32 $0x1F40, s23;
	(pc) =	sbr.rel @!p1 .LBB2_10-.Ltmp1, $4  }
0x1f: {  	s22 =	smov.u32 s3;
	s31 =	sadd.s32 $0x1, s24;
	s17 =	sadd.s32 $0x1F40, s17  }
0x20: {  	s18 =	sadd.s32 $0x1, s18;
	s25 =	smov.u32 s23;
	p2 =	slt.s32 s2, s4  }
0x21: {  	p0 =	por !p0, !p0;
	s19 =	sadd.s32 $0x1F40, s19;
	s22 =	smov.u32 @p2 s2  }
0x22: {  	s20 =	sadd.s32 $0x1, s20;
	s23 =	smov.u32 s22;
	s24 =	smov.u32 s31  }
.LBB2_1:
0x23: {  	p1 =	sge.u32 s24, s9  }
0x24: {  	s0 =	smulhi.u32 @!p1 $0xAAAAAAAB, s24;
	_ =	sdelay $0x1  }
0x25: {  	s0 =	sshrl.u32 @!p1 s0, $0x1  }
0x26: {  	s0 =	smul.u32 @!p1 $0x3, s0;
	_ =	sdelay $0x1  }
0x27: {  	s0 =	ssub.s32 @!p1 s24, s0  }
0x28: {  	s0 =	smul.u32 @!p1 $0x7D00, s0;
	_ =	sdelay $0x1  }
0x29: {  	s2 =	sshrl.u32 @!p1 s23, $0x3;
	s0 =	sshrl.u32 @!p1 s0, $0x2  }
0x2a: {  	s22 =	sand.u32 @!p1 $0x7, s23;
	s2 =	sadd.s32 @!p1 s5, s2;
	s0 =	sadd.s32 @!p1 $0x100, s0  }
0x2b: {  	[tilespmem:s0], [sflag:$0x7] =	stream.linear.gather @!p1 [hbm4b:s2+s22], $0x1F40, $0x38;
	[tilespmem:$0x11A60] =	vst v63  }
0x2c: {  	s0 =	sadd.s32 $0xFFFFFFFF, s24  }
0x2d: {  	p1 =	sge.u32 s0, s9  }
.Ltmp2:
0x2e: {  	_ = 	snop;
	(pc) =	sbr.rel @p1 .LBB2_5-.Ltmp2, $1  }
0x2f: {  	_ =	sdelay $0x3  }
0x30: {  	s2 =	smulhi.u32 $0xAAAAAAAB, s0;
	_ =	sdelay $0x1  }
0x31: {  	s2 =	sshrl.u32 s2, $0x1  }
0x32: {  	s2 =	smul.u32 $0x3, s2;
	_ =	sdelay $0x1  }
0x33: {  	s2 =	ssub.s32 s0, s2  }
0x34: {  	s2 =	smul.u32 $0x7D00, s2  }
0x35: {  	_ =	swait.ge [sflag:s7], $0x1F40  }
0x36: {  	[sflag:s7] =	ssyncset.done $0x0;
	s2 =	sshrl.u32 s2, $0x2  }
0x37: {  	[sflag:s7] =	ssyncadd.s32 $0xFFFFE0C0;
	(ifvalue) =	ssetifvalue $0xFFFFFFFF;
	v3 =	vld.msk [tilespmem:s2+$0x100 ss:$0x1], $0xffff;
	_ =	sdelay $0x2  }
0x38: {  	s30 =	smulhi.u32 $0xAAAAAAAB, s18;
	p1 =	sne.s32 s24, $0x1  }
0x39: {  	v4 =	vimm.s32 @!p1 $0x0  }
0x3a: {  	s2 =	sshrl.u32 s30, $0x1;
	v4 =	vperm.xlane @!p1 v3, v4  }
0x3b: {  	s22 =	sshll.u32 s24, $0x4;
	s2 =	smul.u32 $0xFFFE8900, s2;
	vm4 =	vlt.u32 v3, $0xC400  }
0x3c: {  	s22 =	sand.u32 $0x10, s22;
	v3 =	vnsel vm4, $0xFFFFFFFE, v3;
	vm4 =	vlt.u32 @!p1 v4, $0xC400  }
0x3d: {  	s2 =	sshra.s32 s2, $0x2;
	[tilespmem:s22+$0x60] =	vst v3;
	v3 =	vnsel @!p1 vm4, $0xFFFFFFFE, v4  }
0x3e: {  	s28 =	sadd.s32 s2, s17;
	[tilespmem:$0x80] =	vst @!p1 v3  }
0x3f: {  	v3 =	vld.msk [tilespmem:s28+$0x0 ss:$0x1], $0xffff;
	_ =	sdelay $0x4  }
0x40: {  	(xrf1) =	vunique.msk.u32 $0xffff, v3;
	_ =	sdelay $0xd  }
0x41: {  	v4 =	vimm.s32 $0xFFFFFFFF;
	v5, _, _ =	vpop (xrf1)  }
0x42: {  	vm5 =	vne.s32 v3, v4;
	vm4 =	veq.s32 v5, v2  }
0x43: {  	vm6 =	vlt.u32 v3, $0xC400;
	vm4 =	vmand vm5, vm4  }
0x44: {  	vm4 =	vmand vm6, vm4  }
0x45: {  	v4 =	vnsel vm4, $0xFFFFFFFF, v3  }
0x46: {  	s31 =	sand.u32 $0x1, s0  }
0x47: {  	s0 =	simm.s32 $0x1F40;
	p1 =	seq.s32 s31, $0x1  }
0x48: {  	s0 =	simm.s32 @!p1 $0x0  }
0x49: {  	s26 =	sadd.s32 $0x7DF0, s0;
	(ifvalue) =	ssetifvalue $0xFFFFFFFF  }
0x4a: {  	v3 =	vperm.xlane v3, v1;
	[tilespmem:s26], [sflag:$0x8] =	stream.indirect_vreg.gather [hbm4b:s1+s16], $0x1, v4, vm0, $0x4038;
	v4 =	vnsel vm6, $0xFFFFFFFE, v4;
	[tilespmem:$0x11A60] =	vst v63  }
0x4b: {  	s2 =	simm.s32 $0x0;
	s22 =	sadd.s32 $0xFFFFFFF0, s28;
	[tilespmem:s28+$0x0] =	vst v4  }
.LBB2_3:
0x4c: {  	v4 =	vld.msk [tilespmem:s22+$0x0 ss:$0x1], $0xffff;
	s2 =	sadd.s32 $0x10, s2;
	v5 =	vmov v3;
	s28 =	smov.u32 s22  }
0x4d: {  	p1 =	slt.u32 s2, $0x1F30;
	_ =	sdelay $0x4  }
0x4e: {  	v3 =	vperm.xlane v4, v1;
	(xrf1) =	vunique.msk.u32 $0xffff, v4;
	_ =	sdelay $0xd  }
0x4f: {  	v6, _, _ =	vpop (xrf1)  }
0x50: {  	vm5 =	vne.s32 v4, v5;
	vm4 =	veq.s32 v6, v2  }
0x51: {  	vm6 =	vlt.u32 v4, $0xC400;
	vm4 =	vmand vm5, vm4  }
0x52: {  	vm4 =	vmand vm6, vm4  }
0x53: {  	v4 =	vnsel vm4, $0xFFFFFFFF, v4  }
.Ltmp3:
0x54: {  	v5 =	vnsel vm6, $0xFFFFFFFE, v4;
	(pc) =	sbr.rel @p1 .LBB2_3-.Ltmp3, $3  }
0x55: {  	_ =	sdelay $0x1  }
0x56: {  	s22 =	sadd.s32 $0xFFFFFFF0, s22;
	s26 =	sadd.s32 $0xFFFFFFF0, s26;
	(ifvalue) =	ssetifvalue $0xFFFFFFFF  }
0x57: {  	[tilespmem:s26], [sflag:$0x8] =	stream.indirect_vreg.gather [hbm4b:s1+s16], $0x1, v4, vm0, $0x4038;
	[tilespmem:s28+$0x0] =	vst v5  }
0x58: {  	s2 =	sshrl.u32 s25, $0x3  }
0x59: {  	s0 =	sadd.s32 $0x9D40, s0;
	s2 =	sadd.s32 s6, s2  }
0x5a: {  	[tilespmem:s0], [sflag:$0x8] =	stream.linear.gather [hbm:s2], $0x1F40, $0x38;
	[tilespmem:$0x11A60] =	vst v63  }
.LBB2_5:
0x5b: {  	p1 =	slt.u32 s24, $0x2  }
0x5c: {  	p2 =	sge.u32 @!p1 s24, s12  }
0x5d: {  	p1 =	por p1, p2  }
.Ltmp4:
0x5e: {  	_ = 	snop;
	(pc) =	sbr.rel @p1 .LBB2_9-.Ltmp4, $1  }
0x5f: {  	_ =	sdelay $0x3  }
0x60: {  	s0 =	sadd.s32 $0xFFFFFFFE, s24  }
0x61: {  	s2 =	smulhi.u32 $0xAAAAAAAB, s0;
	_ =	sdelay $0x1  }
0x62: {  	s2 =	sshrl.u32 s2, $0x1  }
0x63: {  	s2 =	smul.u32 $0x3, s2;
	_ =	sdelay $0x1  }
0x64: {  	s0 =	ssub.s32 s0, s2  }
0x65: {  	_ =	swait.ge [sflag:s8], $0x3E80;
	s0 =	smul.u32 $0x1F40, s0  }
0x66: {  	p1 =	sne.s32 s24, s11;
	[sflag:s8] =	ssyncset.done $0x0  }
0x67: {  	[sflag:s8] =	ssyncadd.s32 $0xFFFFC180;
	s2 =	sadd.s32 @!p1 $0x203F, s0  }
0x68: {  	[spmem:s13] =	stream.linear.scatter @!p1 [tilespmem:s2], [sflag:$0x1], $0x1, $0x38;
	[tilespmem:$0x11A60] =	vst v63  }
0x69: {  	s2 =	simm.s32 @!p1 $0x1  }
0x6a: {  	_ =	swait.ge @!p1 [sflag:s2], $0x1  }
0x6b: {  	s22 =	sshll.u32 s24, $0x4;
	[sflag:s2] =	ssyncset.done @!p1 $0x0  }
0x6c: {  	s25 =	sand.u32 $0x10, s22;
	[sflag:s2] =	ssyncadd.s32 @!p1 $0xFFFFFFFF  }
0x6d: {  	s2 =	sxor.u32 $0x10, s25;
	v4 =	vld [tilespmem:s25+$0x10]  }
0x6e: {  	v5 =	vld [tilespmem:s2+$0x60]  }
0x6f: {  	v3 =	vld [tilespmem:$0x80];
	_ =	sdelay $0x2  }
0x70: {  	(v2sf) =	vpush v4, $0x0  }
0x71: {  	(v2sf) =	vpush v5, $0x0  }
0x72: {  	(v2sf) =	vpush v3, $0x0;
	_ =	sdelay $0xc  }
0x73: {  	s22 =	spop (v2sf)  }
0x74: {  	s26 =	spop (v2sf)  }
0x75: {  	s28 =	spop (v2sf)  }
0x76: {  	p2 =	seq.s32 s22, s26;
	p3 =	seq.s32 s28, s22  }
0x77: {  	p3 =	por p2, p3  }
0x78: {  	s26 =	sand.u32 $0x1, s24;
	v4 =	vpsel p3, $0xFFFFFFFF, v4  }
0x79: {  	s29 =	smul.u32 $0x1F40, s26;
	[tilespmem:s25+$0x10] =	vst.msk $0x1, v4  }
0x7a: {  	v4 =	vld [tilespmem:$0x30]  }
0x7b: {  	v5 =	vld [tilespmem:s29+$0x9D40]  }
0x7c: {  	v6 =	vld [tilespmem:s25+$0x40];
	_ =	sdelay $0x3  }
0x7d: {  	vm4 =	vmmov vm1;
	v5 =	vadd.f32 v5, v4  }
0x7e: {  	vm5 =	vmmov vm2;
	vm4 =	vmmov @p2 vm2;
	s22 =	sshll.u32 s26, $0x4;
	v4 =	vadd.f32 v6, v4  }
0x7f: {  	s26 =	sor.u32 $0x11A40, s22;
	vm5 =	vmmov @p3 vm1;
	[tilespmem:s29+$0x9D40] =	vst.msk vm4, v5  }
0x80: {  	[tilespmem:s26+$0x0] =	vst.msk vm5, v4  }
0x81: {  	v4 =	vld [tilespmem:s29+$0x7DF0];
	_ =	sdelay $0x3  }
0x82: {  	v5 =	vimm.f32 $0.0e+00  }
0x83: {  	v4 =	vshift.insert v4, v5, s21  }
0x84: {  	s22 =	sor.u32 $0x40, s2  }
0x85: {  	[tilespmem:s22+$0x0] =	vst.msk $0x1, v4  }
0x86: {  	[tilespmem:s29+$0x7DFF] =	vst.msk $0x1, v5  }
0x87: {  	v4 =	vld [tilespmem:s0+$0x2030];
	_ =	sdelay $0x1  }
0x88: {  	s22 =	smulhi.u32 $0xAAAAAAAB, s20;
	s0 =	simm.s32 $0x1  }
0x89: {  	s0 =	simm.s32 @!p0 $0x0  }
0x8a: {  	s22 =	sshrl.u32 s22, $0x1;
	s0 =	smul.u32 $0x7D00, s0  }
0x8b: {  	s22 =	smul.u32 $0xFFFE8900, s22;
	v4 =	vshift.insert v4, v1, s21  }
0x8c: {  	s0 =	sshrl.u32 s0, $0x2  }
0x8d: {  	s22 =	sshra.s32 s22, $0x2;
	s30 =	sadd.s32 $0x9D40, s0;
	[tilespmem:s2+$0x10] =	vst.msk $0x1, v4  }
0x8e: {  	s22 =	sadd.s32 s22, s19;
	v6 =	vld [tilespmem:s30+$0x0]  }
0x8f: {  	v7 =	vld [tilespmem:s22+$0x0];
	_ =	sdelay $0x3  }
0x90: {  	v5 =	vadd.f32 v6, v5  }
0x91: {  	vm4 =	vne.s32 v7, $0xFFFFFFFF  }
0x92: {  	(xrf2) =	vadd.seg.scan.f32 vm4, v5;
	_ =	sdelay $0x3  }
0x93: {  	s31 =	sadd.s32 $0x5EC0, s0;
	v5 =	vperm.xlane v4, v1  }
0x94: {  	v6 =	vld [tilespmem:s31+$0x0]  }
0x95: {  	vm5 =	veq.s32 v7, v3;
	vm6 =	veq.s32 v7, v5  }
0x96: {  	vm7 =	vgt.u32 v7, $0xFFFFFFFD;
	vm6 =	vmor vm6, vm5  }
0x97: {  	vm6 =	vmor vm6, vm7  }
0x98: {  	v9 =	vld [tilespmem:$0xA0];
	v7 =	vsel vm6, $0xFFFFFFFF, v7  }
0x99: {  	v10 =	vld [tilespmem:$0x90];
	v6 =	vsel vm5, $0x0, v6;
	v8, _, _ =	vpop (xrf2)  }
0x9a: {  	v6 =	vadd.f32 v8, v6  }
0x9b: {  	s0 =	sadd.s32 $0xDBC0, s0  }
0x9c: {  	vm4 =	vmand vm4, vm3;
	[tilespmem:s0+$0x0] =	vst v6;
	(ifvalue) =	ssetifvalue $0xFFFFFFFF  }
0x9d: {  	vm6 =	veq.s32 v9, $0x1;
	[hbm4b:s1+s16] =	stream.indirect_vreg.scatter [tilespmem:s0], [sflag:$0x2], $0x1, v7, vm0, $0x4038;
	v7 =	vsel vm4, $0x0, v8;
	[tilespmem:$0x11A60] =	vst v63  }
0x9e: {  	s2 =	simm.s32 $0x0;
	s22 =	sadd.s32 $0x10, s22;
	vm4 =	vmor vm6, vm5;
	v6 =	vsel vm5, v8, v10;
	v7 =	vshift.insert v7, v0, s21  }
.LBB2_7:
0x9f: {  	v8 =	vld [tilespmem:s22+$0x0];
	s30 =	sadd.s32 $0x10, s30  }
0xa0: {  	s31 =	sadd.s32 $0x10, s31;
	v9 =	vld [tilespmem:s30+$0x0]  }
0xa1: {  	s2 =	sadd.s32 $0x10, s2;
	v10 =	vld [tilespmem:s31+$0x0]  }
0xa2: {  	p2 =	slt.u32 s2, $0x1F30;
	_ =	sdelay $0x2  }
0xa3: {  	v7 =	vadd.f32 v9, v7  }
0xa4: {  	vm5 =	vne.s32 v8, $0xFFFFFFFF  }
0xa5: {  	vm6 =	vmand vm5, vm3;
	(xrf2) =	vadd.seg.scan.f32 vm5, v7;
	_ =	sdelay $0x5  }
0xa6: {  	vm7 =	veq.s32 v8, v5;
	vm5 =	veq.s32 v8, v3  }
0xa7: {  	vm8 =	vgt.u32 v8, $0xFFFFFFFD;
	vm4 =	vmor vm4, vm5;
	vm7 =	vmor vm7, vm5  }
0xa8: {  	vm7 =	vmor vm7, vm8  }
0xa9: {  	v8 =	vsel vm7, $0xFFFFFFFF, v8  }
.Ltmp5:
0xaa: {  	v7 =	vsel vm5, $0x0, v10;
	v9, _, _ =	vpop (xrf2);
	(pc) =	sbr.rel @p2 .LBB2_7-.Ltmp5, $4  }
0xab: {  	v6 =	vsel vm5, v9, v6;
	v10 =	vadd.f32 v9, v7;
	v7 =	vsel vm6, $0x0, v9  }
0xac: {  	s0 =	sadd.s32 $0x10, s0;
	v7 =	vshift.insert v7, v0, s21  }
0xad: {  	s22 =	sadd.s32 $0x10, s22;
	[tilespmem:s0+$0x0] =	vst v10;
	(ifvalue) =	ssetifvalue $0xFFFFFFFF  }
0xae: {  	[hbm4b:s1+s16] =	stream.indirect_vreg.scatter [tilespmem:s0], [sflag:$0x2], $0x1, v8, vm0, $0x4038;
	[tilespmem:$0x11A60] =	vst v63  }
0xaf: {  	v3 =	vld [tilespmem:s29+$0xFAF0];
	_ =	sdelay $0x4  }
0xb0: {  	v3 =	vshift.insert v3, v0, s21  }
0xb1: {  	s0 =	simm.s32 $0x30  }
0xb2: {  	[tilespmem:s0+$0x0] =	vst.msk $0x1, v3  }
0xb3: {  	v3 =	vsel vm4, $0x1, v1;
	[tilespmem:$0x90] =	vst v6  }
0xb4: {  	s0 =	sadd.s32 @!p1 $0xFAFF, s29;
	[tilespmem:$0xA0] =	vst v3  }
0xb5: {  	[spmem:s14] =	stream.linear.scatter @!p1 [tilespmem:s0], [sflag:$0x1], $0x1, $0x38;
	[tilespmem:$0x11A60] =	vst v63  }
0xb6: {  	s0 =	simm.s32 @!p1 $0x1  }
0xb7: {  	v3 =	vmctz.xlane @!p1 vm4;
	_ =	swait.ge @!p1 [sflag:s0], $0x1  }
0xb8: {  	(v2sf) =	vpush @!p1 v4, $0x0  }
0xb9: {  	(v2sf) =	vpush @!p1 v3, $0x0;
	_ =	sdelay $0xd  }
0xba: {  	s2 =	spop @!p1 (v2sf)  }
0xbb: {  	s22 =	spop @!p1 (v2sf)  }
0xbc: {  	p2 =	sne.s32 @!p1 s28, s2;
	p3 =	slt.s32 @!p1 s22, $0xF  }
0xbd: {  	[sflag:s0] =	ssyncset.done @!p1 $0x0;
	p2 =	por p2, p1;
	p3 =	por !p3, p1  }
0xbe: {  	[sflag:s0] =	ssyncadd.s32 @!p1 $0xFFFFFFFF;
	v3 =	vimm.s32 @!p2 $0xFFFFFFFF;
	s22 =	simm.s32 @p3 $0xF  }
0xbf: {  	[tilespmem:$0x80] =	vst @!p2 v3;
	s2 =	sadd.s32 @!p1 $0x90, s22  }
0xc0: {  	[spmem:s10] =	stream.linear.scatter @!p1 [tilespmem:s2], [sflag:$0x1], $0x1, $0x38;
	[tilespmem:$0x11A60] =	vst v63  }
0xc1: {  	_ =	swait.ge @!p1 [sflag:s0], $0x1  }
0xc2: {  	[sflag:s0] =	ssyncset.done @!p1 $0x0  }
0xc3: {  	s2 =	simm.s32 @!p1 $0x80;
	[sflag:s0] =	ssyncadd.s32 @!p1 $0xFFFFFFFF  }
0xc4: {  	[spmem:s15] =	stream.linear.scatter @!p1 [tilespmem:s2], [sflag:$0x1], $0x1, $0x38;
	[tilespmem:$0x11A60] =	vst v63  }
0xc5: {  	_ =	swait.ge @!p1 [sflag:s0], $0x1  }
0xc6: {  	[sflag:s0] =	ssyncset.done @!p1 $0x0  }
0xc7: {  	[sflag:s0] =	ssyncadd.s32 @!p1 $0xFFFFFFFF;
	(ifvalue) =	ssetifvalue $0xFFFFFFFF;
	v3 =	vld [tilespmem:s25+$0x10];
	_ =	sdelay $0x3  }
.Ltmp6:
0xc8: {  	_ = 	snop;
	(pc) =	sbr.rel .LBB2_9-.Ltmp6, $3  }
0xc9: {  	_ =	sdelay $0x1  }
0xca: {  	(ifvalue) =	ssetifvalue $0xFFFFFFFF  }
0xcb: {  	[hbm4b:s1+s16] =	stream.indirect_vreg.scatter [tilespmem:s26], [sflag:$0x9], $0x1, v3, vm0, $0x4038;
	[tilespmem:$0x11A60] =	vst v63  }
.LBB2_10:
0xcc: {  	_ =	sfence.sel $0x180000  }
0xcd: {  	s0 =	simm.s32 $0x7;
	[bflag:$0x0] =	sbarrier.arrive $0xFFFF  }
0xce: {  	s26 =	simm.s32 $0x8;
	[sflag:s0] =	ssyncpa.u1 $0x1  }
0xcf: {  	s28 =	simm.s32 $0x9;
	[sflag:s26] =	ssyncpa.u1 $0x1  }
0xd0: {  	[sflag:s28] =	ssyncpa.u1 $0x1  }
0xd1: {  	_ =	sfence.stream.spmem  }
0xd2: {  	s29 =	simm.s32 $0x3;
	[bflag:$0x0] =	sbarrier.arrive $0xFFFF  }
0xd3: {  	s30 =	simm.s32 $0x4;
	[sflag:s29] =	ssyncpa.u1 $0x1  }
0xd4: {  	s31 =	simm.s32 $0x3C;
	s2 =	stileid.u32;
	[sflag:s30] =	ssyncpa.u1 $0x1  }
0xd5: {  	p0 =	sne.s32 s2, $0x0;
	[sflag:s31] =	ssyncpa.u1 $0x1  }
0xd6: {  	s0 =	simm.s32 @p0 $0x1;
	_ =	sfence @p0  }
0xd7: {  	[sflag:s0] =	ssyncpa.u1 @p0 $0x1;
	s0 =	simm.s32 @p0 $0x2  }
0xd8: {  	[sflag:s0] =	ssyncpa.u1 @p0 $0x1  }
0xd9: {  	_ =	strace @p0 $0x9000004A  }
0xda: {  	[bflag:$0x2] =	sbarrier.arrive @p0 $0xFFFF  }
0xdb: {  	_ =	shalt @p0  }
.LBB2_11:
0xdc: {  	_ =	sfence.stream.spmem;
	s0 =	simm.s32 $0x5  }
0xdd: {  	s2 =	simm.s32 $0x80;
	s3 =	simm.s32 $0xC0;
	[sflag:s0] =	ssyncpa.u1 $0x0  }
0xde: {  	[tilespmem:s3], [sflag:$0x5] =	stream.linear.gather [spmem:s2], $0x20, $0x38;
	[tilespmem:$0x11A60] =	vst v63  }
0xdf: {  	s2 =	simm.s32 $0x0;
	s3 =	simm.s32 $0xE0  }
0xe0: {  	[tilespmem:s3], [sflag:$0x5] =	stream.linear.gather [spmem:s2], $0x20, $0x38;
	[tilespmem:$0x11A60] =	vst v63  }
.Ltmp7:
0xe1: {  	_ = 	snop;
	(pc) =	sbr.rel .LBB2_12-.Ltmp7, $4  }
0xe2: {  	_ =	swait.ge [sflag:s0], $0x40  }
0xe3: {  	[sflag:s0] =	ssyncset.done $0x0  }
0xe4: {  	s31 =	simm.s32 $0x6;
	[sflag:s0] =	ssyncadd.s32 $0xFFFFFFC0  }
0xe5: {  	s4 =	simm.s32 $0x0;
	[sflag:s31] =	ssyncpa.u1 $0x0  }
.LBB2_17:
0xe6: {  	p0 =	sgt.u32 s5, $0xC3FF  }
0xe7: {  	s0 =	sshrl.u32 @!p0 s5, $0x3  }
0xe8: {  	s5 =	sand.u32 @!p0 $0x7, s5;
	s6 =	simm.s32 @!p0 $0xB0;
	s0 =	sadd.s32 @!p0 s1, s0  }
0xe9: {  	[tilespmem:s6], [sflag:$0x6] =	stream.linear.gather @!p0 [hbm4b:s0+s5], $0x1, $0x38;
	[tilespmem:$0x11A60] =	vst v63  }
0xea: {  	s0 =	simm.s32 @!p0 $0x6  }
0xeb: {  	_ =	swait.ge @!p0 [sflag:s0], $0x1  }
0xec: {  	[sflag:s0] =	ssyncset.done @!p0 $0x0  }
0xed: {  	[sflag:s0] =	ssyncadd.s32 @!p0 $0xFFFFFFFF  }
0xee: {  	v2 =	vmov @!p0 s4;
	v1 =	vld.msk @!p0 [tilespmem:$0xB0], $0x1;
	_ =	sdelay $0x3  }
0xef: {  	s0 =	simm.s32 @!p0 $0xE0  }
0xf0: {  	[tilespmem:v2+s0+$0x0], v1 =	vst.idx.ret.add.f32.msk @!p0 $0x1, v1  }
0xf1: {  	[tilespmem:s2+$0xC0] =	vst.msk $0x1, v0  }
0xf2: {  	v0 =	vld.msk [tilespmem:s4+$0xE0], $0x1;
	_ =	sdelay $0x4  }
0xf3: {  	[tilespmem:s2+$0xE0] =	vst.msk $0x1, v0;
	s2 =	sadd.s32 $0x1, s2  }
.LBB2_19:
0xf4: {  	s4 =	sadd.s32 $0x1, s4  }
0xf5: {  	p0 =	sne.s32 s4, $0x20  }
.Ltmp8:
0xf6: {  	_ = 	snop;
	(pc) =	sbr.rel @!p0 .LBB2_20-.Ltmp8, $1  }
0xf7: {  	_ =	sdelay $0x3  }
.LBB2_12:
0xf8: {  	v0 =	vld.msk [tilespmem:s4+$0xC0], $0x1;
	_ =	sdelay $0x4  }
0xf9: {  	(v2sf) =	vpush v0, $0x0;
	_ =	sdelay $0xe  }
0xfa: {  	s5 =	spop (v2sf)  }
0xfb: {  	p0 =	seq.s32 s5, $0xFFFFFFFF  }
.Ltmp9:
0xfc: {  	_ = 	snop;
	(pc) =	sbr.rel @p0 .LBB2_19-.Ltmp9, $1  }
0xfd: {  	_ =	sdelay $0x3  }
0xfe: {  	p0 =	slt.s32 s2, $0x1  }
.Ltmp10:
0xff: {  	_ = 	snop;
	(pc) =	sbr.rel @p0 .LBB2_17-.Ltmp10, $1  }
0x100: {  	_ =	sdelay $0x3  }
0x101: {  	s0 =	simm.s32 $0xC0;
	p0 =	por $0x0, $0x0  }
0x102: {  	v1 =	vld.msk @!p0 [tilespmem:s0+$0x0], $0x1;
	_ =	sdelay $0x4  }
0x103: {  	(v2sf) =	vpush @!p0 v1, $0x0;
	_ =	sdelay $0xd  }
0x104: {  	p2 =	sne.s32 s2, $0x1  }
.Ltmp11:
0x105: {  	s6 =	spop @!p0 (v2sf);
	(pc) =	sbr.rel @!p2 .LBB2_16-.Ltmp11, $4  }
0x106: {  	p1 =	seq.s32 @!p0 s5, s6  }
0x107: {  	s6 =	simm.s32 $0x0;
	p1 =	por !p1, p0  }
0x108: {  	s8 =	simm.s32 $0xFFFFFFFF;
	s6 =	simm.s32 @p1 $0xFFFFFFFF  }
0x109: {  	s7 =	simm.s32 $0x1;
	s6 =	smov.u32 @p0 s8  }
.LBB2_15:
0x10a: {  	s8 =	smov.u32 s6;
	p0 =	sne.s32 s6, $0xFFFFFFFF  }
0x10b: {  	s0 =	sadd.s32 $0x1, s0;
	s6 =	smov.u32 s7;
	s7 =	sadd.s32 $0x1, s7  }
0x10c: {  	p1 =	sne.s32 s2, s7;
	v1 =	vld.msk @!p0 [tilespmem:s0+$0x0], $0x1;
	_ =	sdelay $0x4  }
0x10d: {  	(v2sf) =	vpush @!p0 v1, $0x0;
	_ =	sdelay $0xe  }
.Ltmp12:
0x10e: {  	s9 =	spop @!p0 (v2sf);
	(pc) =	sbr.rel @p1 .LBB2_15-.Ltmp12, $4  }
0x10f: {  	p2 =	seq.s32 @!p0 s5, s9  }
0x110: {  	p2 =	por !p2, p0  }
0x111: {  	s6 =	simm.s32 @p2 $0xFFFFFFFF  }
0x112: {  	s6 =	smov.u32 @p0 s8  }
.LBB2_16:
0x113: {  	p0 =	sne.s32 s6, $0xFFFFFFFF  }
.Ltmp13:
0x114: {  	_ = 	snop;
	(pc) =	sbr.rel @!p0 .LBB2_17-.Ltmp13, $1  }
0x115: {  	_ =	sdelay $0x3  }
0x116: {  	v0 =	vld.msk [tilespmem:s4+$0xE0], $0x1;
	v1 =	vmov s6  }
.Ltmp14:
0x117: {  	_ = 	snop;
	(pc) =	sbr.rel .LBB2_19-.Ltmp14, $2  }
0x118: {  	_ =	sdelay $0x2  }
0x119: {  	[tilespmem:v1+s3+$0x0], v0 =	vst.idx.ret.add.f32.msk $0x1, v0  }
.LBB2_20:
0x11a: {  	p0 =	slt.s32 s2, $0x1  }
.Ltmp15:
0x11b: {  	_ = 	snop;
	(pc) =	sbr.rel @p0 .LBB2_24-.Ltmp15, $3  }
0x11c: {  	_ =	sdelay $0x1  }
0x11d: {  	s0 =	simm.s32 $0x6  }
0x11e: {  	s3 =	simm.s32 $0x0;
	[sflag:s0] =	ssyncpa.u1 $0x1  }
0x11f: {  	s0 =	simm.s32 $0xC0  }
0x120: {  	v0 =	vld.msk [tilespmem:s0+$0x0], $0x1;
	_ =	sdelay $0x4  }
0x121: {  	(v2sf) =	vpush v0, $0x0;
	_ =	sdelay $0xe  }
0x122: {  	s2 =	sadd.s32 $0xFFFFFFFF, s2;
	s4 =	spop (v2sf)  }
0x123: {  	p1 =	sne.s32 s2, $0x0;
	p0 =	sgt.u32 s4, $0xC3FF  }
.Ltmp16:
0x124: {  	s5 =	sshrl.u32 @!p0 s4, $0x3;
	(pc) =	sbr.rel @!p1 .LBB2_23-.Ltmp16, $4  }
0x125: {  	s0 =	simm.s32 $0xE0;
	s4 =	sand.u32 @!p0 $0x7, s4;
	s5 =	sadd.s32 @!p0 s1, s5  }
0x126: {  	[hbm4b:s5+s4] =	stream.linear.scatter @!p0 [tilespmem:s0], [sflag:$0x5], $0x1, $0x38;
	[tilespmem:$0x11A60] =	vst v63  }
0x127: {  	s5 =	simm.s32 $0x0  }
0x128: {  	s4 =	simm.s32 $0xC1;
	s5 =	simm.s32 @!p0 $0x4  }
.LBB2_22:
0x129: {  	v0 =	vld.msk [tilespmem:s4+$0x0], $0x1;
	s2 =	sadd.s32 $0xFFFFFFFF, s2;
	s3 =	sadd.s32 s3, s5  }
0x12a: {  	p0 =	sne.s32 s2, $0x0;
	_ =	sdelay $0x3  }
0x12b: {  	(v2sf) =	vpush v0, $0x0;
	_ =	sdelay $0xe  }
.Ltmp17:
0x12c: {  	s6 =	spop (v2sf);
	(pc) =	sbr.rel @p0 .LBB2_22-.Ltmp17, $4  }
0x12d: {  	s5 =	simm.s32 $0x0;
	p1 =	sgt.u32 s6, $0xC3FF  }
0x12e: {  	s0 =	sadd.s32 $0x1, s0;
	s5 =	simm.s32 @!p1 $0x4;
	s7 =	sshrl.u32 @!p1 s6, $0x3  }
0x12f: {  	s4 =	sadd.s32 $0x1, s4;
	s6 =	sand.u32 @!p1 $0x7, s6;
	s7 =	sadd.s32 @!p1 s1, s7  }
0x130: {  	[hbm4b:s7+s6] =	stream.linear.scatter @!p1 [tilespmem:s0], [sflag:$0x5], $0x1, $0x38;
	[tilespmem:$0x11A60] =	vst v63  }
.LBB2_23:
0x131: {  	s0 =	sadd.s32 s3, s5  }
0x132: {  	s3 =	sshrl.u32 s0, $0x2  }
.LBB2_24:
0x133: {  	s0 =	simm.s32 $0x5  }
0x134: {  	_ =	swait.ge [sflag:s0], s3  }
0x135: {  	s1 =	ssub.s32 $0x0, s3;
	[sflag:s0] =	ssyncset.done $0x0  }
0x136: {  	[sflag:s0] =	ssyncadd.s32 s1  }
0x137: {  	[sflag:s0] =	ssyncpa.u1 $0x1  }
0x138: {  	s29 =	simm.s32 $0x1;
	_ =	sfence  }
0x139: {  	s30 =	simm.s32 $0x2;
	[sflag:s29] =	ssyncpa.u1 $0x1  }
0x13a: {  	[sflag:s30] =	ssyncpa.u1 $0x1  }
0x13b: {  	_ =	strace $0x9000004A  }
0x13c: {  	[bflag:$0x2] =	sbarrier.arrive $0xFFFF  }
0x13d: {  	s31 =	rddreg [dreg:$0x1]  }
0x13e: {  	s0 =	sadd.s32 $0x100000, s31  }
0x13f: {  	[sflag:s0] =	ssyncadd.tile.s32 $0x1;
	_ =	shalt  }
.Lfunc_end2:
_tile_overlayer_lowered:
.L_overlay_start_2:
0x140: {  	(tag) =	ssettag $0x2  }
0x141: {  	s0 =	rddreg [dreg:$0x0];
	s2 =	stileid.u32  }
0x142: {  	s1 =	rddreg [dreg:$0x1];
	p0 =	sne.s32 s2, $0x0  }
0x143: {  	s3 =	rddreg [dreg:$0x2];
	[bflag:$0x3] =	sbarrier.arrive $0xFFFF;
	s2 =	simm.s32 @!p0 $0x1C01  }
0x144: {  	[timem:s3], [sflag:s2] =	dma.local @!p0 [hbm:s0], s1  }
0x145: {  	s0 =	simm.s32 @!p0 $0x1  }
0x146: {  	_ =	swait.ge @!p0 [sflag:s0], s1  }
0x147: {  	s1 =	ssub.s32 @!p0 $0x0, s1;
	[sflag:s0] =	ssyncset.done @!p0 $0x0  }
0x148: {  	[sflag:s0] =	ssyncadd.s32 @!p0 s1  }
0x149: {  	[bflag:$0x3] =	sbarrier.arrive $0xFFFF  }
0x14a: {  	_ =	shalt  }

// kernel: scatter_offload_async_start
scs
__scs_entry_jumppad:
0x0: {  	(pc) =	sbr.rel $0x88, $3  }
0x1: {  	(tag) =	ssettag $0x0;
	lr =	simm.s32 $0x1  }
0x2: {  	[smem:$0x3F94] =	sst lr;
	_ =	strace $0xD0000000  }
0x3: {  	_ = 	snop  }
0x4: {  	_ = 	snop  }
0x5: {  	_ = 	snop  }
0x6: {  	_ = 	snop  }
0x7: {  	_ = 	snop  }
__scs_overlays_trampoline_lowered:
0x8: {  	[smem:$0x3FA3] =	sst s0  }
0x9: {  	[smem:$0x3FA4] =	sst s1  }
0xa: {  	[smem:$0x3FA5] =	sst s2  }
0xb: {  	[smem:$0x3FA6] =	sst s3  }
0xc: {  	[smem:$0x3FA7] =	sst s4  }
0xd: {  	[smem:$0x3FA8] =	sst s5  }
0xe: {  	[smem:$0x3FA9] =	sst s6  }
0xf: {  	[smem:$0x3FAA] =	sst s7  }
0x10: {  	[smem:$0x3FAB] =	sst s8  }
0x11: {  	[smem:$0x3FAC] =	sst s9;
	s0 =	simm.s32 @!p0 $0x0  }
0x12: {  	s1 =	sld [smem:$0x3F92];
	s0 =	simm.s32 @p0 $0x1  }
0x13: {  	[smem:$0x3FAD] =	sst s0;
	s0 =	simm.s32 @!p1 $0x0  }
0x14: {  	s2 =	sld [smem:$0x3F91];
	s0 =	simm.s32 @p1 $0x1  }
0x15: {  	[smem:$0x3FAE] =	sst s0;
	s0 =	simm.s32 @!p2 $0x0  }
0x16: {  	s3 =	sld [smem:$0x3FDB];
	s0 =	simm.s32 @p2 $0x1  }
0x17: {  	s4 =	simm.s32 $0x1BF5;
	[smem:$0x3FB0] =	sst s0  }
0x18: {  	s0 =	sld [smem:$0x3F93];
	_ =	swait.ge [sflag:s4], $0x0  }
0x19: {  	s7 =	sld [smem:$0x3F94]  }
0x1a: {  	s8 =	sadd.s32 $0xFFFFE003, lr  }
0x1b: {  	s9 =	sadd.s32 $0xFFFFFEF7, lr;
	s5 =	simm.s32 $0xFFFFFFFF;
	p2 =	slt.u32 s8, $0xFFFFF086  }
0x1c: {  	p1 =	slt.u32 s9, $0xF7A;
	s5 =	simm.s32 @!p2 $0x0  }
0x1d: {  	s5 =	simm.s32 @p1 $0x1;
	p0 =	seq.s32 s7, s2  }
0x1e: {  	s7 =	smul.u32 @!p0 $0xF7A, s2;
	p2 =	seq.s32 @!p0 s5, $0x0  }
0x1f: {  	s9 =	smul.u32 $0xF7A, s1;
	s8 =	simm.s32 @!p0 $0x1BF5;
	p2 =	por !p2, p0  }
0x20: {  	[sflag:s8] =	ssyncset.s32 @!p0 $0xFFFFF086;
	s6 =	sadd.s32 @!p0 s3, s7;
	s7 =	simm.s32 @!p0 $0x108  }
0x21: {  	s3 =	sadd.s32 s3, s9;
	s6 =	sadd.s32 @!p0 $0x88, s6;
	s7 =	simm.s32 @p2 $0x1082  }
0x22: {  	[simem:s7], [sflag:s8] =	dma.local @!p0 [hbm:s6], $0xF7A  }
0x23: {  	s9 =	sor.u32 $0xD0000000, s2;
	s6 =	simm.s32 $0x108;
	_ =	swait.ge @!p0 [sflag:s8], $0x0  }
0x24: {  	s3 =	sadd.s32 $0x88, s3;
	s6 =	simm.s32 @!p1 $0x1082;
	[sflag:s4] =	ssyncset.s32 $0xFFFFF086  }
0x25: {  	[simem:s6], [sflag:s4] =	dma.local [hbm:s3], $0xF7A  }
0x26: {  	[smem:$0x3F94] =	sst s1;
	(tag) =	ssettag s2;
	_ =	strace s9  }
0x27: {  	s1 =	sld [smem:$0x3FA4]  }
0x28: {  	s2 =	sld [smem:$0x3FA5]  }
0x29: {  	s4 =	sld [smem:$0x3FA7]  }
0x2a: {  	p0 =	seq.s32 s5, $0x0;
	s5 =	sld [smem:$0x3FA8]  }
0x2b: {  	s6 =	sld [smem:$0x3FA9]  }
0x2c: {  	s7 =	sld [smem:$0x3FAA]  }
0x2d: {  	s3 =	simm.s32 $0x108;
	s8 =	sld [smem:$0x3FAB]  }
0x2e: {  	s3 =	simm.s32 @!p0 $0x1082;
	s9 =	sld [smem:$0x3FAC]  }
0x2f: {  	lr =	sadd.s32 s0, s3;
	s0 =	sld [smem:$0x3FA3]  }
0x30: {  	s3 =	sld [smem:$0x3FA6]  }
0x31: {  	[smem:$0x3FAF] =	sst s10  }
0x32: {  	s10 =	sld [smem:$0x3FAD];
	_ =	sdelay $0x3  }
0x33: {  	p0 =	seq.s32 s10, $0x1;
	s10 =	sld [smem:$0x3FAF];
	_ =	sdelay $0x3  }
0x34: {  	[smem:$0x3FAF] =	sst s10  }
0x35: {  	s10 =	sld [smem:$0x3FAE];
	_ =	sdelay $0x3  }
0x36: {  	p1 =	seq.s32 s10, $0x1;
	s10 =	sld [smem:$0x3FAF];
	_ =	sdelay $0x3  }
0x37: {  	[smem:$0x3FAF] =	sst s10  }
0x38: {  	s10 =	sld [smem:$0x3FB0]  }
0x39: {  	_ = 	snop;
	(pc) =	sbr.ind lr, $3  }
0x3a: {  	_ = 	snop  }
0x3b: {  	_ = 	snop  }
0x3c: {  	p2 =	seq.s32 s10, $0x1;
	s10 =	sld [smem:$0x3FAF]  }
0x3d: {  	_ =	shalt  }
0x3e: {  	_ =	shalt  }
0x3f: {  	_ =	shalt  }
0x40: {  	_ =	shalt  }
0x41: {  	_ =	shalt  }
0x42: {  	_ =	shalt  }
0x43: {  	_ =	shalt  }
0x44: {  	_ =	shalt  }
0x45: {  	_ =	shalt  }
0x46: {  	_ =	shalt  }
0x47: {  	_ =	shalt  }
0x48: {  	_ =	shalt  }
0x49: {  	_ =	shalt  }
0x4a: {  	_ =	shalt  }
0x4b: {  	_ =	shalt  }
0x4c: {  	_ =	shalt  }
0x4d: {  	_ =	shalt  }
0x4e: {  	_ =	shalt  }
0x4f: {  	_ =	shalt  }
0x50: {  	_ =	shalt  }
0x51: {  	_ =	shalt  }
0x52: {  	_ =	shalt  }
0x53: {  	_ =	shalt  }
0x54: {  	_ =	shalt  }
0x55: {  	_ =	shalt  }
0x56: {  	_ =	shalt  }
0x57: {  	_ =	shalt  }
0x58: {  	_ =	shalt  }
0x59: {  	_ =	shalt  }
0x5a: {  	_ =	shalt  }
0x5b: {  	_ =	shalt  }
0x5c: {  	_ =	shalt  }
0x5d: {  	_ =	shalt  }
0x5e: {  	_ =	shalt  }
0x5f: {  	_ =	shalt  }
0x60: {  	_ =	shalt  }
0x61: {  	_ =	shalt  }
0x62: {  	_ =	shalt  }
0x63: {  	_ =	shalt  }
0x64: {  	_ =	shalt  }
0x65: {  	_ =	shalt  }
0x66: {  	_ =	shalt  }
0x67: {  	_ =	shalt  }
0x68: {  	_ =	shalt  }
0x69: {  	_ =	shalt  }
0x6a: {  	_ =	shalt  }
0x6b: {  	_ =	shalt  }
0x6c: {  	_ =	shalt  }
0x6d: {  	_ =	shalt  }
0x6e: {  	_ =	shalt  }
0x6f: {  	_ =	shalt  }
0x70: {  	_ =	shalt  }
0x71: {  	_ =	shalt  }
0x72: {  	_ =	shalt  }
0x73: {  	_ =	shalt  }
0x74: {  	_ =	shalt  }
0x75: {  	_ =	shalt  }
0x76: {  	_ =	shalt  }
0x77: {  	_ =	shalt  }
0x78: {  	_ =	shalt  }
0x79: {  	_ =	shalt  }
0x7a: {  	_ =	shalt  }
0x7b: {  	_ =	shalt  }
0x7c: {  	_ =	shalt  }
0x7d: {  	_ =	shalt  }
0x7e: {  	_ =	shalt  }
0x7f: {  	_ =	shalt  }
0x80: {  	_ =	shalt  }
0x81: {  	_ =	shalt  }
0x82: {  	_ =	shalt  }
0x83: {  	_ =	shalt  }
0x84: {  	_ =	shalt  }
0x85: {  	_ =	shalt  }
0x86: {  	_ =	shalt  }
0x87: {  	_ =	shalt  }
.Lfunc_end0:
.L_simem_size_0:
called_computation_lowered:
.L_overlay_start_0:
0x88: {  	s2 =	sld [smem:$0x3FD9]  }
0x89: {  	s3 =	sld [smem:$0x3FFE];
	_ =	sdelay $0x1  }
0x8a: {  	s1 =	srdreg.scid  }
0x8b: {  	s0 =	sand.u32 $0x1, s1  }
0x8c: {  	s17 =	sshll.u32 s0, $0xA;
	s2 =	sadd.s32 s3, s2  }
0x8d: {  	s2 =	sadd.s32 s2, s17  }
0x8e: {  	[smem:$0x3FBB] =	sst s2  }
0x8f: {  	_ = 	snop  }
0x90: {  	(tm) =	ssettm $0x1  }
0x91: {  	s18 =	sld [smem:$0x3FFB];
	_ =	sdelay $0x3  }
0x92: {  	_ =	strace s18  }
0x93: {  	s2 =	sld [smem:$0x3FFC];
	_ =	sdelay $0x3  }
0x94: {  	_ =	strace s2  }
0x95: {  	s2 =	sld [smem:$0x3FFD];
	_ =	sdelay $0x3  }
0x96: {  	_ =	strace s2  }
0x97: {  	_ =	strace $0x8FFFFFFF  }
0x98: {  	s19 =	sld [smem:$0x3FDB];
	_ =	sdelay $0x1  }
0x99: {  	s20 =	simm.s32 $_scs_section_size  }
0x9a: {  	s4 =	simm.s32 $_size__tile_overlayer_lowered;
	s5 =	simm.s32 $_tile_overlayer_lowered  }
0x9b: {  	s6 =	simm.s32 $0x1BFF;
	s21 =	sshll.u32 s5, $0x1;
	s3 =	sadd.s32 s20, s19  }
0x9c: {  	s22 =	simm.s32 $0x0;
	s4 =	sshll.u32 s4, $0x1;
	s5 =	sadd.s32 s21, s3  }
0x9d: {  	[timem:s22], [sflag:s6] =	dma.local [hbm:s5], s4  }
0x9e: {  	_ =	swait.ge [sflag:s6], s4  }
0x9f: {  	s4 =	ssub.s32 $0x0, s4;
	[sflag:s6] =	ssyncset.done $0x0  }
0xa0: {  	[sflag:s6] =	ssyncadd.s32 s4;
	_ =	sdelay $0x1  }
0xa1: {  	s23 =	simm.s32 $0x1B8B  }
0xa2: {  	_ =	swait.ge [sflag:s23], $0x1  }
0xa3: {  	[sflag:s23] =	ssyncset.done $0x0  }
0xa4: {  	[sflag:s23] =	ssyncadd.s32 $0xFFFFFFFF  }
0xa5: {  	s4 =	sld [smem:$0x0]  }
0xa6: {  	s5 =	sand.u32 $0xFFFFFFFE, s1  }
0xa7: {  	p0 =	sne.s32 s1, s5  }
0xa8: {  	s5 =	sshll.u32 @p0 s5, $0xE  }
0xa9: {  	s5 =	sadd.s32 @p0 $0x11B8D, s5;
	s6 =	sshll.u32 @p0 s4, $0x11  }
0xaa: {  	s5 =	sor.u32 @p0 s6, s5  }
0xab: {  	[sflag:s5] =	ssyncadd.remote.s32 @p0 $0x1;
	_ =	sdelay $0x1  }
0xac: {  	s5 =	simm.s32 @p0 $0x1B8D  }
0xad: {  	_ =	swait.eq @p0 [sflag:s5], $0x1  }
0xae: {  	[sflag:s5] =	ssyncadd.s32 @p0 $0xFFFFFFFF  }
0xaf: {  	s6 =	sshll.u32 @!p0 s1, $0xE  }
0xb0: {  	s6 =	sor.u32 @!p0 $0x4000, s6;
	s5 =	simm.s32 @!p0 $0x1B8D  }
0xb1: {  	s7 =	sshll.u32 @!p0 s4, $0x11;
	s6 =	sadd.s32 @!p0 $0x11B8D, s6;
	_ =	swait.eq @!p0 [sflag:s5], $0x1  }
0xb2: {  	[sflag:s5] =	ssyncadd.s32 @!p0 $0xFFFFFFFF;
	s5 =	sor.u32 @!p0 s7, s6  }
0xb3: {  	s25 =	simm.s32 $0x1B8E;
	s24 =	sld [smem:$0x3FFE];
	[sflag:s5] =	ssyncadd.remote.s32 @!p0 $0x1  }
0xb4: {  	s26 =	simm.s32 $execute0_lowered;
	[smem:$0x3FD2] =	sst s25  }
0xb5: {  	s6 =	sshll.u32 s26, $0x1;
	_ =	strace $0x8000004F;
	[dreg:$0x1] =	wrdreg $0xFFFFFFFF  }
0xb6: {  	s28 =	simm.s32 $_size_execute0_lowered;
	s3 =	sadd.s32 s3, s6;
	[dreg:$0x0] =	wrdreg $0x0  }
0xb7: {  	s6 =	sshll.u32 s28, $0x1;
	[dreg:$0x2] =	wrdreg s3  }
0xb8: {  	[dreg:$0x3] =	wrdreg s6  }
0xb9: {  	[dreg:$0x4] =	wrdreg $0xC0  }
0xba: {  	_ =	task [dreg:s22], $0x5FFFF  }
0xbb: {  	[dreg:$0x1] =	wrdreg $0xFFFFFFFF  }
0xbc: {  	[dreg:$0x0] =	wrdreg $0x60  }
0xbd: {  	[dreg:$0x2] =	wrdreg s24  }
0xbe: {  	[dreg:$0x3] =	wrdreg s1  }
0xbf: {  	[dreg:$0x4] =	wrdreg s4  }
0xc0: {  	[dreg:$0x5] =	wrdreg $0x9  }
0xc1: {  	_ =	task.clear_ibuf [dreg:s22], $0x6FFFF;
	_ =	strace $0x9000004F  }
0xc2: {  	s29 =	simm.s32 $0x9;
	_ =	strace $0x80000051  }
0xc3: {  	_ =	swait.ge [sflag:s29], $0x1  }
0xc4: {  	[sflag:s29] =	ssyncadd.s32 $0xFFFFFFFF  }
0xc5: {  	_ =	strace $0x90000051  }
0xc6: {  	_ =	sfence  }
0xc7: {  	s30 =	sld [smem:$0x0];
	_ =	sdelay $0x2  }
0xc8: {  	s31 =	sshll.u32 s1, $0xD;
	s1 =	sshrl.u32 s1, $0x2  }
0xc9: {  	s4 =	sand.u32 $0x4000, s31;
	s1 =	sadd.s32 s1, s30  }
0xca: {  	s0 =	sor.u32 s4, s0;
	s1 =	sshll.u32 s1, $0x11  }
0xcb: {  	s0 =	sor.u32 s1, s0  }
0xcc: {  	s0 =	sadd.s32 $0x8F2B, s0  }
0xcd: {  	[sflag:s0] =	ssyncadd.remote.s32 $0x1  }
0xce: {  	_ =	sfence.sel $0xFFFF  }
0xcf: {  	[dreg:$0x0] =	wrdreg $0xFFFFFFFF;
	(pc) =	sbr.abs _section_cstart, $3  }
0xd0: {  	[dreg:$0x1] =	wrdreg $0xFFFFFFFF  }
0xd1: {  	_ =	task.clear_ibuf [dreg:s22], $0x2FFFF;
	_ =	strace $0x9FFFFFFF  }
0xd2: {  	(tm) =	ssettm $0x7FFFFFFF  }
0xd3: {  	_ =	shalt  }
tec
execute0_lowered:
.L_overlay_start_1:
0x0: {  	(tag) =	ssettag $0x1  }
0x1: {  	s4 =	rddreg [dreg:$0x0]  }
0x2: {  	s2 =	rddreg [dreg:$0x1];
	_ =	strace $0x80000050;
	s3 =	simm.s32 $0x1  }
0x3: {  	v0 =	vimm.s32 $0x0;
	[sflag:s3] =	ssyncpa.u1 $0x0  }
0x4: {  	[tilespmem:$0x68] =	vst v0  }
0x5: {  	[tilespmem:$0x78] =	vst v0  }
0x6: {  	[tilespmem:$0x88] =	vst v0  }
0x7: {  	[tilespmem:$0x98] =	vst v0  }
0x8: {  	[tilespmem:$0xA8] =	vst v0  }
0x9: {  	[tilespmem:$0xB8] =	vst v0  }
0xa: {  	[tilespmem:$0xC8] =	vst v0  }
0xb: {  	[tilespmem:$0xD8] =	vst v0  }
0xc: {  	[tilespmem:$0xE8] =	vst v0  }
0xd: {  	[tilespmem:$0xF8] =	vst v0  }
0xe: {  	[tilespmem:$0x108] =	vst v0  }
0xf: {  	[tilespmem:$0x118] =	vst v0  }
0x10: {  	[tilespmem:$0x128] =	vst v0  }
0x11: {  	[tilespmem:$0x138] =	vst v0  }
0x12: {  	[tilespmem:$0x148] =	vst v0  }
0x13: {  	[tilespmem:$0x158] =	vst v0  }
0x14: {  	[tilespmem:$0x168] =	vst v0  }
0x15: {  	[tilespmem:$0x178] =	vst v0  }
0x16: {  	[tilespmem:$0x188] =	vst v0  }
0x17: {  	[tilespmem:$0x198] =	vst v0  }
0x18: {  	[tilespmem:$0x1A8] =	vst v0  }
0x19: {  	[tilespmem:$0x1B8] =	vst v0  }
0x1a: {  	[tilespmem:$0x1C8] =	vst v0  }
0x1b: {  	[tilespmem:$0x1D8] =	vst v0  }
0x1c: {  	[tilespmem:$0x1E8] =	vst v0  }
0x1d: {  	[tilespmem:$0x1F8] =	vst v0  }
0x1e: {  	[tilespmem:$0x208] =	vst v0  }
0x1f: {  	[tilespmem:$0x218] =	vst v0  }
0x20: {  	[tilespmem:$0x228] =	vst v0  }
0x21: {  	[tilespmem:$0x238] =	vst v0  }
0x22: {  	[tilespmem:$0x248] =	vst v0  }
0x23: {  	[tilespmem:$0x258] =	vst v0  }
0x24: {  	[tilespmem:$0x268] =	vst v0  }
0x25: {  	[tilespmem:$0x278] =	vst v0  }
0x26: {  	[tilespmem:$0x288] =	vst v0  }
0x27: {  	[tilespmem:$0x298] =	vst v0  }
0x28: {  	[tilespmem:$0x2A8] =	vst v0  }
0x29: {  	[tilespmem:$0x2B8] =	vst v0  }
0x2a: {  	[tilespmem:$0x2C8] =	vst v0  }
0x2b: {  	[tilespmem:$0x2D8] =	vst v0  }
0x2c: {  	[tilespmem:$0x2E8] =	vst v0  }
0x2d: {  	[tilespmem:$0x2F8] =	vst v0  }
0x2e: {  	[tilespmem:$0x308] =	vst v0  }
0x2f: {  	[tilespmem:$0x318] =	vst v0  }
0x30: {  	[tilespmem:$0x328] =	vst v0  }
0x31: {  	[tilespmem:$0x338] =	vst v0  }
0x32: {  	[tilespmem:$0x348] =	vst v0  }
0x33: {  	[tilespmem:$0x358] =	vst v0  }
0x34: {  	[tilespmem:$0x368] =	vst v0  }
0x35: {  	[tilespmem:$0x378] =	vst v0  }
0x36: {  	[tilespmem:$0x388] =	vst v0  }
0x37: {  	[tilespmem:$0x398] =	vst v0  }
0x38: {  	[tilespmem:$0x3A8] =	vst v0  }
0x39: {  	[tilespmem:$0x3B8] =	vst v0  }
0x3a: {  	[tilespmem:$0x3C8] =	vst v0  }
0x3b: {  	[tilespmem:$0x3D8] =	vst v0  }
0x3c: {  	[tilespmem:$0x3E8] =	vst v0  }
0x3d: {  	[tilespmem:$0x3F8] =	vst v0  }
0x3e: {  	[tilespmem:$0x408] =	vst v0  }
0x3f: {  	[tilespmem:$0x418] =	vst v0  }
0x40: {  	[tilespmem:$0x428] =	vst v0  }
0x41: {  	[tilespmem:$0x438] =	vst v0  }
0x42: {  	[tilespmem:$0x448] =	vst v0  }
0x43: {  	[tilespmem:$0x458] =	vst v0  }
0x44: {  	[tilespmem:$0x468] =	vst v0  }
0x45: {  	[tilespmem:$0x478] =	vst v0  }
0x46: {  	[tilespmem:$0x488] =	vst v0  }
0x47: {  	[tilespmem:$0x498] =	vst v0  }
0x48: {  	[tilespmem:$0x4A8] =	vst v0  }
0x49: {  	[tilespmem:$0x4B8] =	vst v0  }
0x4a: {  	[tilespmem:$0x4C8] =	vst v0  }
0x4b: {  	[tilespmem:$0x4D8] =	vst v0  }
0x4c: {  	[tilespmem:$0x4E8] =	vst v0  }
0x4d: {  	[tilespmem:$0x4F8] =	vst v0  }
0x4e: {  	[tilespmem:$0x508] =	vst v0  }
0x4f: {  	[tilespmem:$0x518] =	vst v0  }
0x50: {  	[tilespmem:$0x528] =	vst v0  }
0x51: {  	[tilespmem:$0x538] =	vst v0  }
0x52: {  	[tilespmem:$0x548] =	vst v0  }
0x53: {  	[tilespmem:$0x558] =	vst v0  }
0x54: {  	[tilespmem:$0x568] =	vst v0  }
0x55: {  	[tilespmem:$0x578] =	vst v0  }
0x56: {  	[tilespmem:$0x588] =	vst v0  }
0x57: {  	[tilespmem:$0x598] =	vst v0  }
0x58: {  	[tilespmem:$0x5A8] =	vst v0  }
0x59: {  	[tilespmem:$0x5B8] =	vst v0  }
0x5a: {  	[tilespmem:$0x5C8] =	vst v0  }
0x5b: {  	[tilespmem:$0x5D8] =	vst v0  }
0x5c: {  	[tilespmem:$0x5E8] =	vst v0  }
0x5d: {  	[tilespmem:$0x5F8] =	vst v0  }
0x5e: {  	[tilespmem:$0x608] =	vst v0  }
0x5f: {  	[tilespmem:$0x618] =	vst v0  }
0x60: {  	[tilespmem:$0x628] =	vst v0  }
0x61: {  	[tilespmem:$0x638] =	vst v0  }
0x62: {  	[tilespmem:$0x648] =	vst v0  }
0x63: {  	[tilespmem:$0x658] =	vst v0  }
0x64: {  	[tilespmem:$0x668] =	vst v0  }
0x65: {  	[tilespmem:$0x678] =	vst v0  }
0x66: {  	[tilespmem:$0x688] =	vst v0  }
0x67: {  	[tilespmem:$0x698] =	vst v0  }
0x68: {  	[tilespmem:$0x6A8] =	vst v0  }
0x69: {  	[tilespmem:$0x6B8] =	vst v0  }
0x6a: {  	[tilespmem:$0x6C8] =	vst v0  }
0x6b: {  	[tilespmem:$0x6D8] =	vst v0  }
0x6c: {  	[tilespmem:$0x6E8] =	vst v0  }
0x6d: {  	[tilespmem:$0x6F8] =	vst v0  }
0x6e: {  	[tilespmem:$0x708] =	vst v0  }
0x6f: {  	[tilespmem:$0x718] =	vst v0  }
0x70: {  	[tilespmem:$0x728] =	vst v0  }
0x71: {  	[tilespmem:$0x738] =	vst v0  }
0x72: {  	[tilespmem:$0x748] =	vst v0  }
0x73: {  	[tilespmem:$0x758] =	vst v0  }
0x74: {  	[tilespmem:$0x768] =	vst v0  }
0x75: {  	[tilespmem:$0x778] =	vst v0  }
0x76: {  	[tilespmem:$0x788] =	vst v0  }
0x77: {  	[tilespmem:$0x798] =	vst v0  }
0x78: {  	[tilespmem:$0x7A8] =	vst v0  }
0x79: {  	[tilespmem:$0x7B8] =	vst v0  }
0x7a: {  	[tilespmem:$0x7C8] =	vst v0  }
0x7b: {  	[tilespmem:$0x7D8] =	vst v0  }
0x7c: {  	[tilespmem:$0x7E8] =	vst v0  }
0x7d: {  	[tilespmem:$0x7F8] =	vst v0  }
0x7e: {  	[tilespmem:$0x808] =	vst v0  }
0x7f: {  	[tilespmem:$0x818] =	vst v0  }
0x80: {  	[tilespmem:$0x828] =	vst v0  }
0x81: {  	[tilespmem:$0x838] =	vst v0  }
0x82: {  	[tilespmem:$0x848] =	vst v0  }
0x83: {  	[tilespmem:$0x858] =	vst v0  }
0x84: {  	[tilespmem:$0x868] =	vst v0  }
0x85: {  	[tilespmem:$0x878] =	vst v0  }
0x86: {  	[tilespmem:$0x888] =	vst v0  }
0x87: {  	[tilespmem:$0x898] =	vst v0  }
0x88: {  	[tilespmem:$0x8A8] =	vst v0  }
0x89: {  	[tilespmem:$0x8B8] =	vst v0  }
0x8a: {  	[tilespmem:$0x8C8] =	vst v0  }
0x8b: {  	[tilespmem:$0x8D8] =	vst v0  }
0x8c: {  	[tilespmem:$0x8E8] =	vst v0  }
0x8d: {  	[tilespmem:$0x8F8] =	vst v0  }
0x8e: {  	[tilespmem:$0x908] =	vst v0  }
0x8f: {  	[tilespmem:$0x918] =	vst v0  }
0x90: {  	[tilespmem:$0x928] =	vst v0  }
0x91: {  	[tilespmem:$0x938] =	vst v0  }
0x92: {  	[tilespmem:$0x948] =	vst v0  }
0x93: {  	[tilespmem:$0x958] =	vst v0  }
0x94: {  	[tilespmem:$0x968] =	vst v0  }
0x95: {  	[tilespmem:$0x978] =	vst v0  }
0x96: {  	[tilespmem:$0x988] =	vst v0  }
0x97: {  	[tilespmem:$0x998] =	vst v0  }
0x98: {  	[tilespmem:$0x9A8] =	vst v0  }
0x99: {  	[tilespmem:$0x9B8] =	vst v0  }
0x9a: {  	[tilespmem:$0x9C8] =	vst v0  }
0x9b: {  	[tilespmem:$0x9D8] =	vst v0  }
0x9c: {  	[tilespmem:$0x9E8] =	vst v0  }
0x9d: {  	[tilespmem:$0x9F8] =	vst v0  }
0x9e: {  	[tilespmem:$0xA08] =	vst v0  }
0x9f: {  	[tilespmem:$0xA18] =	vst v0  }
0xa0: {  	[tilespmem:$0xA28] =	vst v0  }
0xa1: {  	[tilespmem:$0xA38] =	vst v0  }
0xa2: {  	[tilespmem:$0xA48] =	vst v0  }
0xa3: {  	[tilespmem:$0xA58] =	vst v0  }
0xa4: {  	[tilespmem:$0xA68] =	vst v0  }
0xa5: {  	[tilespmem:$0xA78] =	vst v0  }
0xa6: {  	[tilespmem:$0xA88] =	vst v0  }
0xa7: {  	[tilespmem:$0xA98] =	vst v0  }
0xa8: {  	[tilespmem:$0xAA8] =	vst v0  }
0xa9: {  	[tilespmem:$0xAB8] =	vst v0  }
0xaa: {  	[tilespmem:$0xAC8] =	vst v0  }
0xab: {  	[tilespmem:$0xAD8] =	vst v0  }
0xac: {  	[tilespmem:$0xAE8] =	vst v0  }
0xad: {  	[tilespmem:$0xAF8] =	vst v0  }
0xae: {  	[tilespmem:$0xB08] =	vst v0  }
0xaf: {  	[tilespmem:$0xB18] =	vst v0  }
0xb0: {  	[tilespmem:$0xB28] =	vst v0  }
0xb1: {  	[tilespmem:$0xB38] =	vst v0  }
0xb2: {  	[tilespmem:$0xB48] =	vst v0  }
0xb3: {  	[tilespmem:$0xB58] =	vst v0  }
0xb4: {  	[tilespmem:$0xB68] =	vst v0  }
0xb5: {  	[tilespmem:$0xB78] =	vst v0  }
0xb6: {  	[tilespmem:$0xB88] =	vst v0  }
0xb7: {  	[tilespmem:$0xB98] =	vst v0  }
0xb8: {  	[tilespmem:$0xBA8] =	vst v0  }
0xb9: {  	[tilespmem:$0xBB8] =	vst v0  }
0xba: {  	[tilespmem:$0xBC8] =	vst v0  }
0xbb: {  	[tilespmem:$0xBD8] =	vst v0  }
0xbc: {  	[tilespmem:$0xBE8] =	vst v0  }
0xbd: {  	[tilespmem:$0xBF8] =	vst v0  }
0xbe: {  	[tilespmem:$0xC08] =	vst v0  }
0xbf: {  	[tilespmem:$0xC18] =	vst v0  }
0xc0: {  	[tilespmem:$0xC28] =	vst v0  }
0xc1: {  	[tilespmem:$0xC38] =	vst v0  }
0xc2: {  	[tilespmem:$0xC48] =	vst v0  }
0xc3: {  	[tilespmem:$0xC58] =	vst v0  }
0xc4: {  	[tilespmem:$0xC68] =	vst v0  }
0xc5: {  	[tilespmem:$0xC78] =	vst v0  }
0xc6: {  	[tilespmem:$0xC88] =	vst v0  }
0xc7: {  	[tilespmem:$0xC98] =	vst v0  }
0xc8: {  	[tilespmem:$0xCA8] =	vst v0  }
0xc9: {  	[tilespmem:$0xCB8] =	vst v0  }
0xca: {  	[tilespmem:$0xCC8] =	vst v0  }
0xcb: {  	[tilespmem:$0xCD8] =	vst v0  }
0xcc: {  	[tilespmem:$0xCE8] =	vst v0  }
0xcd: {  	[tilespmem:$0xCF8] =	vst v0  }
0xce: {  	[tilespmem:$0xD08] =	vst v0  }
0xcf: {  	[tilespmem:$0xD18] =	vst v0  }
0xd0: {  	[tilespmem:$0xD28] =	vst v0  }
0xd1: {  	[tilespmem:$0xD38] =	vst v0  }
0xd2: {  	[tilespmem:$0xD48] =	vst v0  }
0xd3: {  	[tilespmem:$0xD58] =	vst v0  }
0xd4: {  	[tilespmem:$0xD68] =	vst v0  }
0xd5: {  	[tilespmem:$0xD78] =	vst v0  }
0xd6: {  	[tilespmem:$0xD88] =	vst v0  }
0xd7: {  	[tilespmem:$0xD98] =	vst v0  }
0xd8: {  	[tilespmem:$0xDA8] =	vst v0  }
0xd9: {  	[tilespmem:$0xDB8] =	vst v0  }
0xda: {  	[tilespmem:$0xDC8] =	vst v0  }
0xdb: {  	[tilespmem:$0xDD8] =	vst v0  }
0xdc: {  	[tilespmem:$0xDE8] =	vst v0  }
0xdd: {  	[tilespmem:$0xDF8] =	vst v0  }
0xde: {  	[tilespmem:$0xE08] =	vst v0  }
0xdf: {  	[tilespmem:$0xE18] =	vst v0  }
0xe0: {  	[tilespmem:$0xE28] =	vst v0  }
0xe1: {  	[tilespmem:$0xE38] =	vst v0  }
0xe2: {  	[tilespmem:$0xE48] =	vst v0  }
0xe3: {  	[tilespmem:$0xE58] =	vst v0  }
0xe4: {  	[tilespmem:$0xE68] =	vst v0  }
0xe5: {  	[tilespmem:$0xE78] =	vst v0  }
0xe6: {  	[tilespmem:$0xE88] =	vst v0  }
0xe7: {  	[tilespmem:$0xE98] =	vst v0  }
0xe8: {  	[tilespmem:$0xEA8] =	vst v0  }
0xe9: {  	[tilespmem:$0xEB8] =	vst v0  }
0xea: {  	[tilespmem:$0xEC8] =	vst v0  }
0xeb: {  	[tilespmem:$0xED8] =	vst v0  }
0xec: {  	[tilespmem:$0xEE8] =	vst v0  }
0xed: {  	[tilespmem:$0xEF8] =	vst v0  }
0xee: {  	[tilespmem:$0xF08] =	vst v0  }
0xef: {  	[tilespmem:$0xF18] =	vst v0  }
0xf0: {  	[tilespmem:$0xF28] =	vst v0  }
0xf1: {  	[tilespmem:$0xF38] =	vst v0  }
0xf2: {  	[tilespmem:$0xF48] =	vst v0  }
0xf3: {  	[tilespmem:$0xF58] =	vst v0  }
0xf4: {  	[tilespmem:$0xF68] =	vst v0  }
0xf5: {  	[tilespmem:$0xF78] =	vst v0  }
0xf6: {  	[tilespmem:$0xF88] =	vst v0  }
0xf7: {  	[tilespmem:$0xF98] =	vst v0  }
0xf8: {  	[tilespmem:$0xFA8] =	vst v0  }
0xf9: {  	[tilespmem:$0xFB8] =	vst v0  }
0xfa: {  	[tilespmem:$0xFC8] =	vst v0  }
0xfb: {  	[tilespmem:$0xFD8] =	vst v0  }
0xfc: {  	[tilespmem:$0xFE8] =	vst v0  }
0xfd: {  	[tilespmem:$0xFF8] =	vst v0  }
0xfe: {  	[tilespmem:$0x1008] =	vst v0  }
0xff: {  	[tilespmem:$0x1018] =	vst v0  }
0x100: {  	[tilespmem:$0x1028] =	vst v0  }
0x101: {  	[tilespmem:$0x1038] =	vst v0  }
0x102: {  	[tilespmem:$0x1048] =	vst v0  }
0x103: {  	[tilespmem:$0x1058] =	vst v0  }
0x104: {  	[tilespmem:$0x1068] =	vst v0  }
0x105: {  	[tilespmem:$0x1078] =	vst v0  }
0x106: {  	[tilespmem:$0x1088] =	vst v0  }
0x107: {  	[tilespmem:$0x1098] =	vst v0  }
0x108: {  	[tilespmem:$0x10A8] =	vst v0  }
0x109: {  	[tilespmem:$0x10B8] =	vst v0  }
0x10a: {  	[tilespmem:$0x10C8] =	vst v0  }
0x10b: {  	[tilespmem:$0x10D8] =	vst v0  }
0x10c: {  	[tilespmem:$0x10E8] =	vst v0  }
0x10d: {  	[tilespmem:$0x10F8] =	vst v0  }
0x10e: {  	[tilespmem:$0x1108] =	vst v0  }
0x10f: {  	[tilespmem:$0x1118] =	vst v0  }
0x110: {  	[tilespmem:$0x1128] =	vst v0  }
0x111: {  	[tilespmem:$0x1138] =	vst v0  }
0x112: {  	[tilespmem:$0x1148] =	vst v0  }
0x113: {  	[tilespmem:$0x1158] =	vst v0  }
0x114: {  	[tilespmem:$0x1168] =	vst v0  }
0x115: {  	[tilespmem:$0x1178] =	vst v0  }
0x116: {  	[tilespmem:$0x1188] =	vst v0  }
0x117: {  	[tilespmem:$0x1198] =	vst v0  }
0x118: {  	[tilespmem:$0x11A8] =	vst v0  }
0x119: {  	[tilespmem:$0x11B8] =	vst v0  }
0x11a: {  	[tilespmem:$0x11C8] =	vst v0  }
0x11b: {  	[tilespmem:$0x11D8] =	vst v0  }
0x11c: {  	[tilespmem:$0x11E8] =	vst v0  }
0x11d: {  	[tilespmem:$0x11F8] =	vst v0  }
0x11e: {  	[tilespmem:$0x1208] =	vst v0  }
0x11f: {  	[tilespmem:$0x1218] =	vst v0  }
0x120: {  	[tilespmem:$0x1228] =	vst v0  }
0x121: {  	[tilespmem:$0x1238] =	vst v0  }
0x122: {  	[tilespmem:$0x1248] =	vst v0  }
0x123: {  	[tilespmem:$0x1258] =	vst v0  }
0x124: {  	[tilespmem:$0x1268] =	vst v0  }
0x125: {  	[tilespmem:$0x1278] =	vst v0  }
0x126: {  	[tilespmem:$0x1288] =	vst v0  }
0x127: {  	[tilespmem:$0x1298] =	vst v0  }
0x128: {  	[tilespmem:$0x12A8] =	vst v0  }
0x129: {  	[tilespmem:$0x12B8] =	vst v0  }
0x12a: {  	[tilespmem:$0x12C8] =	vst v0  }
0x12b: {  	[tilespmem:$0x12D8] =	vst v0  }
0x12c: {  	[tilespmem:$0x12E8] =	vst v0  }
0x12d: {  	[tilespmem:$0x12F8] =	vst v0  }
0x12e: {  	[tilespmem:$0x1308] =	vst v0  }
0x12f: {  	[tilespmem:$0x1318] =	vst v0  }
0x130: {  	[tilespmem:$0x1328] =	vst v0  }
0x131: {  	[tilespmem:$0x1338] =	vst v0  }
0x132: {  	[tilespmem:$0x1348] =	vst v0  }
0x133: {  	[tilespmem:$0x1358] =	vst v0  }
0x134: {  	[tilespmem:$0x1368] =	vst v0  }
0x135: {  	[tilespmem:$0x1378] =	vst v0  }
0x136: {  	[tilespmem:$0x1388] =	vst v0  }
0x137: {  	[tilespmem:$0x1398] =	vst v0  }
0x138: {  	[tilespmem:$0x13A8] =	vst v0  }
0x139: {  	[tilespmem:$0x13B8] =	vst v0  }
0x13a: {  	[tilespmem:$0x13C8] =	vst v0  }
0x13b: {  	[tilespmem:$0x13D8] =	vst v0  }
0x13c: {  	[tilespmem:$0x13E8] =	vst v0  }
0x13d: {  	[tilespmem:$0x13F8] =	vst v0  }
0x13e: {  	[tilespmem:$0x1408] =	vst v0  }
0x13f: {  	[tilespmem:$0x1418] =	vst v0  }
0x140: {  	[tilespmem:$0x1428] =	vst v0  }
0x141: {  	[tilespmem:$0x1438] =	vst v0  }
0x142: {  	[tilespmem:$0x1448] =	vst v0  }
0x143: {  	[tilespmem:$0x1458] =	vst v0  }
0x144: {  	[tilespmem:$0x2388] =	vst v0  }
0x145: {  	[tilespmem:$0x2398] =	vst v0  }
0x146: {  	[tilespmem:$0x1468] =	vst v0  }
0x147: {  	[tilespmem:$0x1478] =	vst v0  }
0x148: {  	[tilespmem:$0x1488] =	vst v0  }
0x149: {  	[tilespmem:$0x1498] =	vst v0  }
0x14a: {  	[tilespmem:$0x14A8] =	vst v0  }
0x14b: {  	[tilespmem:$0x14B8] =	vst v0  }
0x14c: {  	[tilespmem:$0x14C8] =	vst v0  }
0x14d: {  	[tilespmem:$0x14D8] =	vst v0  }
0x14e: {  	[tilespmem:$0x14E8] =	vst v0  }
0x14f: {  	[tilespmem:$0x14F8] =	vst v0  }
0x150: {  	[tilespmem:$0x1508] =	vst v0  }
0x151: {  	[tilespmem:$0x1518] =	vst v0  }
0x152: {  	[tilespmem:$0x1528] =	vst v0  }
0x153: {  	[tilespmem:$0x1538] =	vst v0  }
0x154: {  	[tilespmem:$0x1548] =	vst v0  }
0x155: {  	[tilespmem:$0x1558] =	vst v0  }
0x156: {  	[tilespmem:$0x1568] =	vst v0  }
0x157: {  	[tilespmem:$0x1578] =	vst v0  }
0x158: {  	[tilespmem:$0x1588] =	vst v0  }
0x159: {  	[tilespmem:$0x1598] =	vst v0  }
0x15a: {  	[tilespmem:$0x15A8] =	vst v0  }
0x15b: {  	[tilespmem:$0x15B8] =	vst v0  }
0x15c: {  	[tilespmem:$0x15C8] =	vst v0  }
0x15d: {  	[tilespmem:$0x15D8] =	vst v0  }
0x15e: {  	[tilespmem:$0x15E8] =	vst v0  }
0x15f: {  	[tilespmem:$0x15F8] =	vst v0  }
0x160: {  	[tilespmem:$0x1608] =	vst v0  }
0x161: {  	[tilespmem:$0x1618] =	vst v0  }
0x162: {  	[tilespmem:$0x1628] =	vst v0  }
0x163: {  	[tilespmem:$0x1638] =	vst v0  }
0x164: {  	[tilespmem:$0x1648] =	vst v0  }
0x165: {  	[tilespmem:$0x1658] =	vst v0  }
0x166: {  	[tilespmem:$0x1668] =	vst v0  }
0x167: {  	[tilespmem:$0x1678] =	vst v0  }
0x168: {  	[tilespmem:$0x1688] =	vst v0  }
0x169: {  	[tilespmem:$0x1698] =	vst v0  }
0x16a: {  	[tilespmem:$0x16A8] =	vst v0  }
0x16b: {  	[tilespmem:$0x16B8] =	vst v0  }
0x16c: {  	[tilespmem:$0x16C8] =	vst v0  }
0x16d: {  	[tilespmem:$0x16D8] =	vst v0  }
0x16e: {  	[tilespmem:$0x16E8] =	vst v0  }
0x16f: {  	[tilespmem:$0x16F8] =	vst v0  }
0x170: {  	[tilespmem:$0x1708] =	vst v0  }
0x171: {  	[tilespmem:$0x1718] =	vst v0  }
0x172: {  	[tilespmem:$0x1728] =	vst v0  }
0x173: {  	[tilespmem:$0x1738] =	vst v0  }
0x174: {  	[tilespmem:$0x1748] =	vst v0  }
0x175: {  	[tilespmem:$0x1758] =	vst v0  }
0x176: {  	[tilespmem:$0x1768] =	vst v0  }
0x177: {  	[tilespmem:$0x1778] =	vst v0  }
0x178: {  	[tilespmem:$0x1788] =	vst v0  }
0x179: {  	[tilespmem:$0x1798] =	vst v0  }
0x17a: {  	[tilespmem:$0x17A8] =	vst v0  }
0x17b: {  	[tilespmem:$0x17B8] =	vst v0  }
0x17c: {  	[tilespmem:$0x17C8] =	vst v0  }
0x17d: {  	[tilespmem:$0x17D8] =	vst v0  }
0x17e: {  	[tilespmem:$0x17E8] =	vst v0  }
0x17f: {  	[tilespmem:$0x17F8] =	vst v0  }
0x180: {  	[tilespmem:$0x1808] =	vst v0  }
0x181: {  	[tilespmem:$0x1818] =	vst v0  }
0x182: {  	[tilespmem:$0x1828] =	vst v0  }
0x183: {  	[tilespmem:$0x1838] =	vst v0  }
0x184: {  	[tilespmem:$0x1848] =	vst v0  }
0x185: {  	[tilespmem:$0x1858] =	vst v0  }
0x186: {  	[tilespmem:$0x1868] =	vst v0  }
0x187: {  	[tilespmem:$0x1878] =	vst v0  }
0x188: {  	[tilespmem:$0x1888] =	vst v0  }
0x189: {  	[tilespmem:$0x1898] =	vst v0  }
0x18a: {  	[tilespmem:$0x18A8] =	vst v0  }
0x18b: {  	[tilespmem:$0x18B8] =	vst v0  }
0x18c: {  	[tilespmem:$0x18C8] =	vst v0  }
0x18d: {  	[tilespmem:$0x18D8] =	vst v0  }
0x18e: {  	[tilespmem:$0x18E8] =	vst v0  }
0x18f: {  	[tilespmem:$0x18F8] =	vst v0  }
0x190: {  	[tilespmem:$0x1908] =	vst v0  }
0x191: {  	[tilespmem:$0x1918] =	vst v0  }
0x192: {  	[tilespmem:$0x1928] =	vst v0  }
0x193: {  	[tilespmem:$0x1938] =	vst v0  }
0x194: {  	[tilespmem:$0x1948] =	vst v0  }
0x195: {  	[tilespmem:$0x1958] =	vst v0  }
0x196: {  	[tilespmem:$0x1968] =	vst v0  }
0x197: {  	[tilespmem:$0x1978] =	vst v0  }
0x198: {  	[tilespmem:$0x1988] =	vst v0  }
0x199: {  	[tilespmem:$0x1998] =	vst v0  }
0x19a: {  	[tilespmem:$0x19A8] =	vst v0  }
0x19b: {  	[tilespmem:$0x19B8] =	vst v0  }
0x19c: {  	[tilespmem:$0x19C8] =	vst v0  }
0x19d: {  	[tilespmem:$0x19D8] =	vst v0  }
0x19e: {  	[tilespmem:$0x19E8] =	vst v0  }
0x19f: {  	[tilespmem:$0x19F8] =	vst v0  }
0x1a0: {  	[tilespmem:$0x1A08] =	vst v0  }
0x1a1: {  	[tilespmem:$0x1A18] =	vst v0  }
0x1a2: {  	[tilespmem:$0x1A28] =	vst v0  }
0x1a3: {  	[tilespmem:$0x1A38] =	vst v0  }
0x1a4: {  	[tilespmem:$0x1A48] =	vst v0  }
0x1a5: {  	[tilespmem:$0x1A58] =	vst v0  }
0x1a6: {  	[tilespmem:$0x1A68] =	vst v0  }
0x1a7: {  	[tilespmem:$0x1A78] =	vst v0  }
0x1a8: {  	[tilespmem:$0x1A88] =	vst v0  }
0x1a9: {  	[tilespmem:$0x1A98] =	vst v0  }
0x1aa: {  	[tilespmem:$0x1AA8] =	vst v0  }
0x1ab: {  	[tilespmem:$0x1AB8] =	vst v0  }
0x1ac: {  	[tilespmem:$0x1AC8] =	vst v0  }
0x1ad: {  	[tilespmem:$0x1AD8] =	vst v0  }
0x1ae: {  	[tilespmem:$0x1AE8] =	vst v0  }
0x1af: {  	[tilespmem:$0x1AF8] =	vst v0  }
0x1b0: {  	[tilespmem:$0x1B08] =	vst v0  }
0x1b1: {  	[tilespmem:$0x1B18] =	vst v0  }
0x1b2: {  	[tilespmem:$0x1B28] =	vst v0  }
0x1b3: {  	[tilespmem:$0x1B38] =	vst v0  }
0x1b4: {  	[tilespmem:$0x1B48] =	vst v0  }
0x1b5: {  	[tilespmem:$0x1B58] =	vst v0  }
0x1b6: {  	[tilespmem:$0x1B68] =	vst v0  }
0x1b7: {  	[tilespmem:$0x1B78] =	vst v0  }
0x1b8: {  	[tilespmem:$0x1B88] =	vst v0  }
0x1b9: {  	[tilespmem:$0x1B98] =	vst v0  }
0x1ba: {  	[tilespmem:$0x1BA8] =	vst v0  }
0x1bb: {  	[tilespmem:$0x1BB8] =	vst v0  }
0x1bc: {  	[tilespmem:$0x1BC8] =	vst v0  }
0x1bd: {  	[tilespmem:$0x1BD8] =	vst v0  }
0x1be: {  	[tilespmem:$0x1BE8] =	vst v0  }
0x1bf: {  	[tilespmem:$0x1BF8] =	vst v0  }
0x1c0: {  	[tilespmem:$0x1C08] =	vst v0  }
0x1c1: {  	[tilespmem:$0x1C18] =	vst v0  }
0x1c2: {  	[tilespmem:$0x1C28] =	vst v0  }
0x1c3: {  	[tilespmem:$0x1C38] =	vst v0  }
0x1c4: {  	[tilespmem:$0x1C48] =	vst v0  }
0x1c5: {  	[tilespmem:$0x1C58] =	vst v0  }
0x1c6: {  	[tilespmem:$0x1C68] =	vst v0  }
0x1c7: {  	[tilespmem:$0x1C78] =	vst v0  }
0x1c8: {  	[tilespmem:$0x1C88] =	vst v0  }
0x1c9: {  	[tilespmem:$0x1C98] =	vst v0  }
0x1ca: {  	[tilespmem:$0x1CA8] =	vst v0  }
0x1cb: {  	[tilespmem:$0x1CB8] =	vst v0  }
0x1cc: {  	[tilespmem:$0x1CC8] =	vst v0  }
0x1cd: {  	[tilespmem:$0x1CD8] =	vst v0  }
0x1ce: {  	[tilespmem:$0x1CE8] =	vst v0  }
0x1cf: {  	[tilespmem:$0x1CF8] =	vst v0  }
0x1d0: {  	[tilespmem:$0x1D08] =	vst v0  }
0x1d1: {  	[tilespmem:$0x1D18] =	vst v0  }
0x1d2: {  	[tilespmem:$0x1D28] =	vst v0  }
0x1d3: {  	[tilespmem:$0x1D38] =	vst v0  }
0x1d4: {  	[tilespmem:$0x1D48] =	vst v0  }
0x1d5: {  	[tilespmem:$0x1D58] =	vst v0  }
0x1d6: {  	[tilespmem:$0x1D68] =	vst v0  }
0x1d7: {  	[tilespmem:$0x1D78] =	vst v0  }
0x1d8: {  	[tilespmem:$0x1D88] =	vst v0  }
0x1d9: {  	[tilespmem:$0x1D98] =	vst v0  }
0x1da: {  	[tilespmem:$0x1DA8] =	vst v0  }
0x1db: {  	[tilespmem:$0x1DB8] =	vst v0  }
0x1dc: {  	[tilespmem:$0x1DC8] =	vst v0  }
0x1dd: {  	[tilespmem:$0x1DD8] =	vst v0  }
0x1de: {  	[tilespmem:$0x1DE8] =	vst v0  }
0x1df: {  	[tilespmem:$0x1DF8] =	vst v0  }
0x1e0: {  	[tilespmem:$0x1E08] =	vst v0  }
0x1e1: {  	[tilespmem:$0x1E18] =	vst v0  }
0x1e2: {  	[tilespmem:$0x1E28] =	vst v0  }
0x1e3: {  	[tilespmem:$0x1E38] =	vst v0  }
0x1e4: {  	[tilespmem:$0x1E48] =	vst v0  }
0x1e5: {  	[tilespmem:$0x1E58] =	vst v0  }
0x1e6: {  	[tilespmem:$0x1E68] =	vst v0  }
0x1e7: {  	[tilespmem:$0x1E78] =	vst v0  }
0x1e8: {  	[tilespmem:$0x1E88] =	vst v0  }
0x1e9: {  	[tilespmem:$0x1E98] =	vst v0  }
0x1ea: {  	[tilespmem:$0x1EA8] =	vst v0  }
0x1eb: {  	[tilespmem:$0x1EB8] =	vst v0  }
0x1ec: {  	[tilespmem:$0x1EC8] =	vst v0  }
0x1ed: {  	[tilespmem:$0x1ED8] =	vst v0  }
0x1ee: {  	[tilespmem:$0x1EE8] =	vst v0  }
0x1ef: {  	[tilespmem:$0x1EF8] =	vst v0  }
0x1f0: {  	[tilespmem:$0x1F08] =	vst v0  }
0x1f1: {  	[tilespmem:$0x1F18] =	vst v0  }
0x1f2: {  	[tilespmem:$0x1F28] =	vst v0  }
0x1f3: {  	[tilespmem:$0x1F38] =	vst v0  }
0x1f4: {  	[tilespmem:$0x1F48] =	vst v0  }
0x1f5: {  	[tilespmem:$0x1F58] =	vst v0  }
0x1f6: {  	[tilespmem:$0x1F68] =	vst v0  }
0x1f7: {  	[tilespmem:$0x1F78] =	vst v0  }
0x1f8: {  	[tilespmem:$0x1F88] =	vst v0  }
0x1f9: {  	[tilespmem:$0x1F98] =	vst v0  }
0x1fa: {  	[tilespmem:$0x1FA8] =	vst v0  }
0x1fb: {  	[tilespmem:$0x1FB8] =	vst v0  }
0x1fc: {  	[tilespmem:$0x1FC8] =	vst v0  }
0x1fd: {  	[tilespmem:$0x1FD8] =	vst v0  }
0x1fe: {  	[tilespmem:$0x1FE8] =	vst v0  }
0x1ff: {  	[tilespmem:$0x1FF8] =	vst v0  }
0x200: {  	[tilespmem:$0x2008] =	vst v0  }
0x201: {  	[tilespmem:$0x2018] =	vst v0  }
0x202: {  	[tilespmem:$0x2028] =	vst v0  }
0x203: {  	[tilespmem:$0x2038] =	vst v0  }
0x204: {  	[tilespmem:$0x2048] =	vst v0  }
0x205: {  	[tilespmem:$0x2058] =	vst v0  }
0x206: {  	[tilespmem:$0x2068] =	vst v0  }
0x207: {  	[tilespmem:$0x2078] =	vst v0  }
0x208: {  	[tilespmem:$0x2088] =	vst v0  }
0x209: {  	[tilespmem:$0x2098] =	vst v0  }
0x20a: {  	[tilespmem:$0x20A8] =	vst v0  }
0x20b: {  	[tilespmem:$0x20B8] =	vst v0  }
0x20c: {  	[tilespmem:$0x20C8] =	vst v0  }
0x20d: {  	[tilespmem:$0x20D8] =	vst v0  }
0x20e: {  	[tilespmem:$0x20E8] =	vst v0  }
0x20f: {  	[tilespmem:$0x20F8] =	vst v0  }
0x210: {  	[tilespmem:$0x2108] =	vst v0  }
0x211: {  	[tilespmem:$0x2118] =	vst v0  }
0x212: {  	[tilespmem:$0x2128] =	vst v0  }
0x213: {  	[tilespmem:$0x2138] =	vst v0  }
0x214: {  	[tilespmem:$0x2148] =	vst v0  }
0x215: {  	[tilespmem:$0x2158] =	vst v0  }
0x216: {  	[tilespmem:$0x2168] =	vst v0  }
0x217: {  	[tilespmem:$0x2178] =	vst v0  }
0x218: {  	[tilespmem:$0x2188] =	vst v0  }
0x219: {  	[tilespmem:$0x2198] =	vst v0  }
0x21a: {  	[tilespmem:$0x21A8] =	vst v0  }
0x21b: {  	[tilespmem:$0x21B8] =	vst v0  }
0x21c: {  	[tilespmem:$0x21C8] =	vst v0  }
0x21d: {  	[tilespmem:$0x21D8] =	vst v0  }
0x21e: {  	[tilespmem:$0x21E8] =	vst v0  }
0x21f: {  	[tilespmem:$0x21F8] =	vst v0  }
0x220: {  	[tilespmem:$0x2208] =	vst v0  }
0x221: {  	[tilespmem:$0x2218] =	vst v0  }
0x222: {  	[tilespmem:$0x2228] =	vst v0  }
0x223: {  	[tilespmem:$0x2238] =	vst v0  }
0x224: {  	[tilespmem:$0x2248] =	vst v0  }
0x225: {  	[tilespmem:$0x2258] =	vst v0  }
0x226: {  	[tilespmem:$0x2268] =	vst v0  }
0x227: {  	[tilespmem:$0x2278] =	vst v0  }
0x228: {  	[tilespmem:$0x2288] =	vst v0  }
0x229: {  	[tilespmem:$0x2298] =	vst v0  }
0x22a: {  	[tilespmem:$0x22A8] =	vst v0  }
0x22b: {  	[tilespmem:$0x22B8] =	vst v0  }
0x22c: {  	[tilespmem:$0x22C8] =	vst v0  }
0x22d: {  	[tilespmem:$0x22D8] =	vst v0  }
0x22e: {  	[tilespmem:$0x22E8] =	vst v0  }
0x22f: {  	[tilespmem:$0x22F8] =	vst v0  }
0x230: {  	[tilespmem:$0x2308] =	vst v0  }
0x231: {  	[tilespmem:$0x2318] =	vst v0  }
0x232: {  	[tilespmem:$0x2328] =	vst v0  }
0x233: {  	[tilespmem:$0x2338] =	vst v0  }
0x234: {  	[tilespmem:$0x2348] =	vst v0  }
0x235: {  	[tilespmem:$0x2358] =	vst v0  }
0x236: {  	[tilespmem:$0x2368] =	vst v0  }
0x237: {  	[tilespmem:$0x2378] =	vst v0  }
0x238: {  	[tilespmem:$0x23A8] =	vst v0  }
0x239: {  	[tilespmem:$0x23B8] =	vst v0  }
0x23a: {  	[tilespmem:$0x23C8] =	vst v0  }
0x23b: {  	[tilespmem:$0x23D8] =	vst v0  }
0x23c: {  	[tilespmem:$0x23E8] =	vst v0  }
0x23d: {  	[tilespmem:$0x23F8] =	vst v0  }
0x23e: {  	[tilespmem:$0x2408] =	vst v0  }
0x23f: {  	[tilespmem:$0x2418] =	vst v0  }
0x240: {  	[tilespmem:$0x2428] =	vst v0  }
0x241: {  	[tilespmem:$0x2438] =	vst v0  }
0x242: {  	[tilespmem:$0x2448] =	vst v0  }
0x243: {  	[tilespmem:$0x2458] =	vst v0  }
0x244: {  	[tilespmem:$0x2468] =	vst v0  }
0x245: {  	[tilespmem:$0x2478] =	vst v0  }
0x246: {  	[tilespmem:$0x2488] =	vst v0  }
0x247: {  	[tilespmem:$0x2498] =	vst v0  }
0x248: {  	[tilespmem:$0x24A8] =	vst v0  }
0x249: {  	[tilespmem:$0x24B8] =	vst v0  }
0x24a: {  	[tilespmem:$0x24C8] =	vst v0  }
0x24b: {  	[tilespmem:$0x24D8] =	vst v0  }
0x24c: {  	[tilespmem:$0x24E8] =	vst v0  }
0x24d: {  	[tilespmem:$0x24F8] =	vst v0  }
0x24e: {  	[tilespmem:$0x2508] =	vst v0  }
0x24f: {  	[tilespmem:$0x2518] =	vst v0  }
0x250: {  	[tilespmem:$0x2528] =	vst v0  }
0x251: {  	[tilespmem:$0x2538] =	vst v0  }
0x252: {  	[tilespmem:$0x2548] =	vst v0  }
0x253: {  	[tilespmem:$0x2558] =	vst v0  }
0x254: {  	[tilespmem:$0x2568] =	vst v0  }
0x255: {  	[tilespmem:$0x2578] =	vst v0  }
0x256: {  	[tilespmem:$0x2588] =	vst v0  }
0x257: {  	[tilespmem:$0x2598] =	vst v0  }
0x258: {  	[tilespmem:$0x25A8] =	vst v0  }
0x259: {  	[tilespmem:$0x25B8] =	vst v0  }
0x25a: {  	[tilespmem:$0x25C8] =	vst v0  }
0x25b: {  	[tilespmem:$0x25D8] =	vst v0  }
0x25c: {  	[tilespmem:$0x25E8] =	vst v0  }
0x25d: {  	[tilespmem:$0x25F8] =	vst v0  }
0x25e: {  	[tilespmem:$0x2608] =	vst v0  }
0x25f: {  	[tilespmem:$0x2618] =	vst v0  }
0x260: {  	[tilespmem:$0x2628] =	vst v0  }
0x261: {  	[tilespmem:$0x2638] =	vst v0  }
0x262: {  	[tilespmem:$0x2648] =	vst v0  }
0x263: {  	[tilespmem:$0x2658] =	vst v0  }
0x264: {  	[tilespmem:$0x2668] =	vst v0  }
0x265: {  	[tilespmem:$0x2678] =	vst v0  }
0x266: {  	[tilespmem:$0x2688] =	vst v0  }
0x267: {  	[tilespmem:$0x2698] =	vst v0  }
0x268: {  	[tilespmem:$0x26A8] =	vst v0  }
0x269: {  	[tilespmem:$0x26B8] =	vst v0  }
0x26a: {  	[tilespmem:$0x26C8] =	vst v0  }
0x26b: {  	[tilespmem:$0x26D8] =	vst v0  }
0x26c: {  	[tilespmem:$0x26E8] =	vst v0  }
0x26d: {  	[tilespmem:$0x26F8] =	vst v0  }
0x26e: {  	[tilespmem:$0x2708] =	vst v0  }
0x26f: {  	[tilespmem:$0x2718] =	vst v0  }
0x270: {  	[tilespmem:$0x2728] =	vst v0  }
0x271: {  	[tilespmem:$0x2738] =	vst v0  }
0x272: {  	[tilespmem:$0x2748] =	vst v0  }
0x273: {  	[tilespmem:$0x2758] =	vst v0  }
0x274: {  	[tilespmem:$0x2768] =	vst v0  }
0x275: {  	[tilespmem:$0x2778] =	vst v0  }
0x276: {  	[tilespmem:$0x2788] =	vst v0  }
0x277: {  	[tilespmem:$0x2798] =	vst v0  }
0x278: {  	[tilespmem:$0x27A8] =	vst v0  }
0x279: {  	[tilespmem:$0x27B8] =	vst v0  }
0x27a: {  	[tilespmem:$0x27C8] =	vst v0  }
0x27b: {  	[tilespmem:$0x27D8] =	vst v0  }
0x27c: {  	[tilespmem:$0x27E8] =	vst v0  }
0x27d: {  	[tilespmem:$0x27F8] =	vst v0  }
0x27e: {  	[tilespmem:$0x2808] =	vst v0  }
0x27f: {  	[tilespmem:$0x2818] =	vst v0  }
0x280: {  	[tilespmem:$0x2828] =	vst v0  }
0x281: {  	[tilespmem:$0x2838] =	vst v0  }
0x282: {  	[tilespmem:$0x2848] =	vst v0  }
0x283: {  	[tilespmem:$0x2858] =	vst v0  }
0x284: {  	[tilespmem:$0x2868] =	vst v0  }
0x285: {  	[tilespmem:$0x2878] =	vst v0  }
0x286: {  	[tilespmem:$0x2888] =	vst v0  }
0x287: {  	[tilespmem:$0x2898] =	vst v0  }
0x288: {  	[tilespmem:$0x28A8] =	vst v0  }
0x289: {  	[tilespmem:$0x28B8] =	vst v0  }
0x28a: {  	[tilespmem:$0x28C8] =	vst v0  }
0x28b: {  	[tilespmem:$0x28D8] =	vst v0  }
0x28c: {  	[tilespmem:$0x28E8] =	vst v0  }
0x28d: {  	[tilespmem:$0x28F8] =	vst v0  }
0x28e: {  	[tilespmem:$0x2908] =	vst v0  }
0x28f: {  	[tilespmem:$0x2918] =	vst v0  }
0x290: {  	[tilespmem:$0x2928] =	vst v0  }
0x291: {  	[tilespmem:$0x2938] =	vst v0  }
0x292: {  	[tilespmem:$0x2948] =	vst v0  }
0x293: {  	[tilespmem:$0x2958] =	vst v0  }
0x294: {  	[tilespmem:$0x2968] =	vst v0  }
0x295: {  	[tilespmem:$0x2978] =	vst v0  }
0x296: {  	[tilespmem:$0x2988] =	vst v0  }
0x297: {  	[tilespmem:$0x2998] =	vst v0  }
0x298: {  	[tilespmem:$0x29A8] =	vst v0  }
0x299: {  	[tilespmem:$0x29B8] =	vst v0  }
0x29a: {  	[tilespmem:$0x29C8] =	vst v0  }
0x29b: {  	[tilespmem:$0x29D8] =	vst v0  }
0x29c: {  	[tilespmem:$0x29E8] =	vst v0  }
0x29d: {  	[tilespmem:$0x29F8] =	vst v0  }
0x29e: {  	[tilespmem:$0x2A08] =	vst v0  }
0x29f: {  	[tilespmem:$0x2A18] =	vst v0  }
0x2a0: {  	[tilespmem:$0x2A28] =	vst v0  }
0x2a1: {  	[tilespmem:$0x2A38] =	vst v0  }
0x2a2: {  	[tilespmem:$0x2A48] =	vst v0  }
0x2a3: {  	[tilespmem:$0x2A58] =	vst v0  }
0x2a4: {  	[tilespmem:$0x2A68] =	vst v0  }
0x2a5: {  	[tilespmem:$0x2A78] =	vst v0  }
0x2a6: {  	[tilespmem:$0x2A88] =	vst v0  }
0x2a7: {  	[tilespmem:$0x2A98] =	vst v0  }
0x2a8: {  	[tilespmem:$0x2AA8] =	vst v0  }
0x2a9: {  	[tilespmem:$0x2AB8] =	vst v0  }
0x2aa: {  	[tilespmem:$0x2AC8] =	vst v0  }
0x2ab: {  	[tilespmem:$0x2AD8] =	vst v0  }
0x2ac: {  	[tilespmem:$0x2AE8] =	vst v0  }
0x2ad: {  	[tilespmem:$0x2AF8] =	vst v0  }
0x2ae: {  	[tilespmem:$0x2B08] =	vst v0  }
0x2af: {  	[tilespmem:$0x2B18] =	vst v0  }
0x2b0: {  	[tilespmem:$0x2B28] =	vst v0  }
0x2b1: {  	[tilespmem:$0x2B38] =	vst v0  }
0x2b2: {  	[tilespmem:$0x2B48] =	vst v0  }
0x2b3: {  	[tilespmem:$0x2B58] =	vst v0  }
0x2b4: {  	[tilespmem:$0x2B68] =	vst v0  }
0x2b5: {  	[tilespmem:$0x2B78] =	vst v0  }
0x2b6: {  	[tilespmem:$0x2B88] =	vst v0  }
0x2b7: {  	[tilespmem:$0x2B98] =	vst v0  }
0x2b8: {  	[tilespmem:$0x2BA8] =	vst v0  }
0x2b9: {  	[tilespmem:$0x2BB8] =	vst v0  }
0x2ba: {  	[tilespmem:$0x2BC8] =	vst v0  }
0x2bb: {  	[tilespmem:$0x2BD8] =	vst v0  }
0x2bc: {  	[tilespmem:$0x2BE8] =	vst v0  }
0x2bd: {  	[tilespmem:$0x2BF8] =	vst v0  }
0x2be: {  	[tilespmem:$0x2C08] =	vst v0  }
0x2bf: {  	[tilespmem:$0x2C18] =	vst v0  }
0x2c0: {  	[tilespmem:$0x2C28] =	vst v0  }
0x2c1: {  	[tilespmem:$0x2C38] =	vst v0  }
0x2c2: {  	[tilespmem:$0x2C48] =	vst v0  }
0x2c3: {  	[tilespmem:$0x2C58] =	vst v0  }
0x2c4: {  	[tilespmem:$0x2C68] =	vst v0  }
0x2c5: {  	[tilespmem:$0x2C78] =	vst v0  }
0x2c6: {  	[tilespmem:$0x2C88] =	vst v0  }
0x2c7: {  	[tilespmem:$0x2C98] =	vst v0  }
0x2c8: {  	[tilespmem:$0x2CA8] =	vst v0  }
0x2c9: {  	[tilespmem:$0x2CB8] =	vst v0  }
0x2ca: {  	[tilespmem:$0x2CC8] =	vst v0  }
0x2cb: {  	[tilespmem:$0x2CD8] =	vst v0  }
0x2cc: {  	[tilespmem:$0x2CE8] =	vst v0  }
0x2cd: {  	[tilespmem:$0x2CF8] =	vst v0  }
0x2ce: {  	[tilespmem:$0x2D08] =	vst v0  }
0x2cf: {  	[tilespmem:$0x2D18] =	vst v0  }
0x2d0: {  	[tilespmem:$0x2D28] =	vst v0  }
0x2d1: {  	[tilespmem:$0x2D38] =	vst v0  }
0x2d2: {  	[tilespmem:$0x2D48] =	vst v0  }
0x2d3: {  	[tilespmem:$0x2D58] =	vst v0  }
0x2d4: {  	[tilespmem:$0x2D68] =	vst v0  }
0x2d5: {  	[tilespmem:$0x2D78] =	vst v0  }
0x2d6: {  	[tilespmem:$0x2D88] =	vst v0  }
0x2d7: {  	[tilespmem:$0x2D98] =	vst v0  }
0x2d8: {  	[tilespmem:$0x2DA8] =	vst v0  }
0x2d9: {  	[tilespmem:$0x2DB8] =	vst v0  }
0x2da: {  	[tilespmem:$0x2DC8] =	vst v0  }
0x2db: {  	[tilespmem:$0x2DD8] =	vst v0  }
0x2dc: {  	[tilespmem:$0x2DE8] =	vst v0  }
0x2dd: {  	[tilespmem:$0x2DF8] =	vst v0  }
0x2de: {  	[tilespmem:$0x2E08] =	vst v0  }
0x2df: {  	[tilespmem:$0x2E18] =	vst v0  }
0x2e0: {  	[tilespmem:$0x2E28] =	vst v0  }
0x2e1: {  	[tilespmem:$0x2E38] =	vst v0  }
0x2e2: {  	[tilespmem:$0x2E48] =	vst v0  }
0x2e3: {  	[tilespmem:$0x2E58] =	vst v0  }
0x2e4: {  	[tilespmem:$0x2E68] =	vst v0  }
0x2e5: {  	[tilespmem:$0x2E78] =	vst v0  }
0x2e6: {  	[tilespmem:$0x2E88] =	vst v0  }
0x2e7: {  	[tilespmem:$0x2E98] =	vst v0  }
0x2e8: {  	[tilespmem:$0x2EA8] =	vst v0  }
0x2e9: {  	[tilespmem:$0x2EB8] =	vst v0  }
0x2ea: {  	[tilespmem:$0x2EC8] =	vst v0  }
0x2eb: {  	[tilespmem:$0x2ED8] =	vst v0  }
0x2ec: {  	[tilespmem:$0x2EE8] =	vst v0  }
0x2ed: {  	[tilespmem:$0x2EF8] =	vst v0  }
0x2ee: {  	[tilespmem:$0x2F08] =	vst v0  }
0x2ef: {  	[tilespmem:$0x2F18] =	vst v0  }
0x2f0: {  	[tilespmem:$0x2F28] =	vst v0  }
0x2f1: {  	[tilespmem:$0x2F38] =	vst v0  }
0x2f2: {  	[tilespmem:$0x2F48] =	vst v0  }
0x2f3: {  	[tilespmem:$0x2F58] =	vst v0  }
0x2f4: {  	[tilespmem:$0x2F68] =	vst v0  }
0x2f5: {  	[tilespmem:$0x2F78] =	vst v0  }
0x2f6: {  	[tilespmem:$0x2F88] =	vst v0  }
0x2f7: {  	[tilespmem:$0x2F98] =	vst v0  }
0x2f8: {  	[tilespmem:$0x2FA8] =	vst v0  }
0x2f9: {  	[tilespmem:$0x2FB8] =	vst v0  }
0x2fa: {  	[tilespmem:$0x2FC8] =	vst v0  }
0x2fb: {  	[tilespmem:$0x2FD8] =	vst v0  }
0x2fc: {  	[tilespmem:$0x2FE8] =	vst v0  }
0x2fd: {  	[tilespmem:$0x2FF8] =	vst v0  }
0x2fe: {  	[tilespmem:$0x3008] =	vst v0  }
0x2ff: {  	[tilespmem:$0x3018] =	vst v0  }
0x300: {  	[tilespmem:$0x3028] =	vst v0  }
0x301: {  	[tilespmem:$0x3038] =	vst v0  }
0x302: {  	[tilespmem:$0x3048] =	vst v0  }
0x303: {  	[tilespmem:$0x3058] =	vst v0  }
0x304: {  	[tilespmem:$0x3068] =	vst v0  }
0x305: {  	[tilespmem:$0x3078] =	vst v0  }
0x306: {  	[tilespmem:$0x3088] =	vst v0  }
0x307: {  	[tilespmem:$0x3098] =	vst v0  }
0x308: {  	[tilespmem:$0x30A8] =	vst v0  }
0x309: {  	[tilespmem:$0x30B8] =	vst v0  }
0x30a: {  	[tilespmem:$0x30C8] =	vst v0  }
0x30b: {  	[tilespmem:$0x30D8] =	vst v0  }
0x30c: {  	[tilespmem:$0x30E8] =	vst v0  }
0x30d: {  	[tilespmem:$0x30F8] =	vst v0  }
0x30e: {  	[tilespmem:$0x3108] =	vst v0  }
0x30f: {  	[tilespmem:$0x3118] =	vst v0  }
0x310: {  	[tilespmem:$0x3128] =	vst v0  }
0x311: {  	[tilespmem:$0x3138] =	vst v0  }
0x312: {  	[tilespmem:$0x3148] =	vst v0  }
0x313: {  	[tilespmem:$0x3158] =	vst v0  }
0x314: {  	[tilespmem:$0x3168] =	vst v0  }
0x315: {  	[tilespmem:$0x3178] =	vst v0  }
0x316: {  	[tilespmem:$0x3188] =	vst v0  }
0x317: {  	[tilespmem:$0x3198] =	vst v0  }
0x318: {  	[tilespmem:$0x31A8] =	vst v0  }
0x319: {  	[tilespmem:$0x31B8] =	vst v0  }
0x31a: {  	[tilespmem:$0x31C8] =	vst v0  }
0x31b: {  	[tilespmem:$0x31D8] =	vst v0  }
0x31c: {  	[tilespmem:$0x31E8] =	vst v0  }
0x31d: {  	[tilespmem:$0x31F8] =	vst v0  }
0x31e: {  	[tilespmem:$0x3208] =	vst v0  }
0x31f: {  	[tilespmem:$0x3218] =	vst v0  }
0x320: {  	[tilespmem:$0x3228] =	vst v0  }
0x321: {  	[tilespmem:$0x3238] =	vst v0  }
0x322: {  	[tilespmem:$0x3248] =	vst v0  }
0x323: {  	[tilespmem:$0x3258] =	vst v0  }
0x324: {  	[tilespmem:$0x3268] =	vst v0  }
0x325: {  	[tilespmem:$0x3278] =	vst v0  }
0x326: {  	[tilespmem:$0x3288] =	vst v0  }
0x327: {  	[tilespmem:$0x3298] =	vst v0  }
0x328: {  	[tilespmem:$0x32A8] =	vst v0  }
0x329: {  	[tilespmem:$0x32B8] =	vst v0  }
0x32a: {  	[tilespmem:$0x32C8] =	vst v0  }
0x32b: {  	[tilespmem:$0x32D8] =	vst v0  }
0x32c: {  	[tilespmem:$0x32E8] =	vst v0  }
0x32d: {  	[tilespmem:$0x32F8] =	vst v0  }
0x32e: {  	[tilespmem:$0x3308] =	vst v0  }
0x32f: {  	[tilespmem:$0x3318] =	vst v0  }
0x330: {  	[tilespmem:$0x3328] =	vst v0  }
0x331: {  	[tilespmem:$0x3338] =	vst v0  }
0x332: {  	[tilespmem:$0x3348] =	vst v0  }
0x333: {  	[tilespmem:$0x3358] =	vst v0  }
0x334: {  	[tilespmem:$0x3368] =	vst v0  }
0x335: {  	[tilespmem:$0x3378] =	vst v0  }
0x336: {  	[tilespmem:$0x3388] =	vst v0  }
0x337: {  	[tilespmem:$0x3398] =	vst v0  }
0x338: {  	[tilespmem:$0x3448] =	vst v0  }
0x339: {  	[tilespmem:$0x4288] =	vst v0  }
0x33a: {  	[tilespmem:$0x4278] =	vst v0  }
0x33b: {  	[tilespmem:$0x4268] =	vst v0  }
0x33c: {  	[tilespmem:$0x4258] =	vst v0  }
0x33d: {  	[tilespmem:$0x4248] =	vst v0  }
0x33e: {  	[tilespmem:$0x4238] =	vst v0  }
0x33f: {  	[tilespmem:$0x4228] =	vst v0  }
0x340: {  	[tilespmem:$0x4218] =	vst v0  }
0x341: {  	[tilespmem:$0x4208] =	vst v0  }
0x342: {  	[tilespmem:$0x41F8] =	vst v0  }
0x343: {  	[tilespmem:$0x41E8] =	vst v0  }
0x344: {  	[tilespmem:$0x41D8] =	vst v0  }
0x345: {  	[tilespmem:$0x41C8] =	vst v0  }
0x346: {  	[tilespmem:$0x41B8] =	vst v0  }
0x347: {  	[tilespmem:$0x41A8] =	vst v0  }
0x348: {  	[tilespmem:$0x4198] =	vst v0  }
0x349: {  	[tilespmem:$0x4188] =	vst v0  }
0x34a: {  	[tilespmem:$0x4178] =	vst v0  }
0x34b: {  	[tilespmem:$0x4168] =	vst v0  }
0x34c: {  	[tilespmem:$0x4158] =	vst v0  }
0x34d: {  	[tilespmem:$0x4148] =	vst v0  }
0x34e: {  	[tilespmem:$0x4138] =	vst v0  }
0x34f: {  	[tilespmem:$0x4128] =	vst v0  }
0x350: {  	[tilespmem:$0x4118] =	vst v0  }
0x351: {  	[tilespmem:$0x4108] =	vst v0  }
0x352: {  	[tilespmem:$0x40F8] =	vst v0  }
0x353: {  	[tilespmem:$0x40E8] =	vst v0  }
0x354: {  	[tilespmem:$0x40D8] =	vst v0  }
0x355: {  	[tilespmem:$0x40C8] =	vst v0  }
0x356: {  	[tilespmem:$0x40B8] =	vst v0  }
0x357: {  	[tilespmem:$0x40A8] =	vst v0  }
0x358: {  	[tilespmem:$0x4098] =	vst v0  }
0x359: {  	[tilespmem:$0x4088] =	vst v0  }
0x35a: {  	[tilespmem:$0x4078] =	vst v0  }
0x35b: {  	[tilespmem:$0x4068] =	vst v0  }
0x35c: {  	[tilespmem:$0x4058] =	vst v0  }
0x35d: {  	[tilespmem:$0x4048] =	vst v0  }
0x35e: {  	[tilespmem:$0x4038] =	vst v0  }
0x35f: {  	[tilespmem:$0x4028] =	vst v0  }
0x360: {  	[tilespmem:$0x4018] =	vst v0  }
0x361: {  	[tilespmem:$0x4008] =	vst v0  }
0x362: {  	[tilespmem:$0x3FF8] =	vst v0  }
0x363: {  	[tilespmem:$0x3FE8] =	vst v0  }
0x364: {  	[tilespmem:$0x3FD8] =	vst v0  }
0x365: {  	[tilespmem:$0x3FC8] =	vst v0  }
0x366: {  	[tilespmem:$0x3FB8] =	vst v0  }
0x367: {  	[tilespmem:$0x3FA8] =	vst v0  }
0x368: {  	[tilespmem:$0x3F98] =	vst v0  }
0x369: {  	[tilespmem:$0x3F88] =	vst v0  }
0x36a: {  	[tilespmem:$0x3F78] =	vst v0  }
0x36b: {  	[tilespmem:$0x3F68] =	vst v0  }
0x36c: {  	[tilespmem:$0x3F58] =	vst v0  }
0x36d: {  	[tilespmem:$0x3F48] =	vst v0  }
0x36e: {  	[tilespmem:$0x3F38] =	vst v0  }
0x36f: {  	[tilespmem:$0x3F28] =	vst v0  }
0x370: {  	[tilespmem:$0x3F18] =	vst v0  }
0x371: {  	[tilespmem:$0x3F08] =	vst v0  }
0x372: {  	[tilespmem:$0x3EF8] =	vst v0  }
0x373: {  	[tilespmem:$0x3EE8] =	vst v0  }
0x374: {  	[tilespmem:$0x3ED8] =	vst v0  }
0x375: {  	[tilespmem:$0x3EC8] =	vst v0  }
0x376: {  	[tilespmem:$0x3EB8] =	vst v0  }
0x377: {  	[tilespmem:$0x3EA8] =	vst v0  }
0x378: {  	[tilespmem:$0x3E98] =	vst v0  }
0x379: {  	[tilespmem:$0x3E88] =	vst v0  }
0x37a: {  	[tilespmem:$0x3E78] =	vst v0  }
0x37b: {  	[tilespmem:$0x3E68] =	vst v0  }
0x37c: {  	[tilespmem:$0x3E58] =	vst v0  }
0x37d: {  	[tilespmem:$0x3E48] =	vst v0  }
0x37e: {  	[tilespmem:$0x3E38] =	vst v0  }
0x37f: {  	[tilespmem:$0x3E28] =	vst v0  }
0x380: {  	[tilespmem:$0x3E18] =	vst v0  }
0x381: {  	[tilespmem:$0x3E08] =	vst v0  }
0x382: {  	[tilespmem:$0x3DF8] =	vst v0  }
0x383: {  	[tilespmem:$0x3DE8] =	vst v0  }
0x384: {  	[tilespmem:$0x3DD8] =	vst v0  }
0x385: {  	[tilespmem:$0x3DC8] =	vst v0  }
0x386: {  	[tilespmem:$0x3DB8] =	vst v0  }
0x387: {  	[tilespmem:$0x3DA8] =	vst v0  }
0x388: {  	[tilespmem:$0x3D98] =	vst v0  }
0x389: {  	[tilespmem:$0x3D88] =	vst v0  }
0x38a: {  	[tilespmem:$0x3D78] =	vst v0  }
0x38b: {  	[tilespmem:$0x3D68] =	vst v0  }
0x38c: {  	[tilespmem:$0x3D58] =	vst v0  }
0x38d: {  	[tilespmem:$0x3D48] =	vst v0  }
0x38e: {  	[tilespmem:$0x3D38] =	vst v0  }
0x38f: {  	[tilespmem:$0x3D28] =	vst v0  }
0x390: {  	[tilespmem:$0x3D18] =	vst v0  }
0x391: {  	[tilespmem:$0x3D08] =	vst v0  }
0x392: {  	[tilespmem:$0x3CF8] =	vst v0  }
0x393: {  	[tilespmem:$0x3CE8] =	vst v0  }
0x394: {  	[tilespmem:$0x3CD8] =	vst v0  }
0x395: {  	[tilespmem:$0x3CC8] =	vst v0  }
0x396: {  	[tilespmem:$0x3CB8] =	vst v0  }
0x397: {  	[tilespmem:$0x3CA8] =	vst v0  }
0x398: {  	[tilespmem:$0x3C98] =	vst v0  }
0x399: {  	[tilespmem:$0x3C88] =	vst v0  }
0x39a: {  	[tilespmem:$0x3C78] =	vst v0  }
0x39b: {  	[tilespmem:$0x3C68] =	vst v0  }
0x39c: {  	[tilespmem:$0x3C58] =	vst v0  }
0x39d: {  	[tilespmem:$0x3C48] =	vst v0  }
0x39e: {  	[tilespmem:$0x3C38] =	vst v0  }
0x39f: {  	[tilespmem:$0x3C28] =	vst v0  }
0x3a0: {  	[tilespmem:$0x3C18] =	vst v0  }
0x3a1: {  	[tilespmem:$0x3C08] =	vst v0  }
0x3a2: {  	[tilespmem:$0x3BF8] =	vst v0  }
0x3a3: {  	[tilespmem:$0x3BE8] =	vst v0  }
0x3a4: {  	[tilespmem:$0x3BD8] =	vst v0  }
0x3a5: {  	[tilespmem:$0x3BC8] =	vst v0  }
0x3a6: {  	[tilespmem:$0x3BB8] =	vst v0  }
0x3a7: {  	[tilespmem:$0x3BA8] =	vst v0  }
0x3a8: {  	[tilespmem:$0x3B98] =	vst v0  }
0x3a9: {  	[tilespmem:$0x3B88] =	vst v0  }
0x3aa: {  	[tilespmem:$0x3B78] =	vst v0  }
0x3ab: {  	[tilespmem:$0x3B68] =	vst v0  }
0x3ac: {  	[tilespmem:$0x3B58] =	vst v0  }
0x3ad: {  	[tilespmem:$0x3B48] =	vst v0  }
0x3ae: {  	[tilespmem:$0x3B38] =	vst v0  }
0x3af: {  	[tilespmem:$0x3B28] =	vst v0  }
0x3b0: {  	[tilespmem:$0x3B18] =	vst v0  }
0x3b1: {  	[tilespmem:$0x3B08] =	vst v0  }
0x3b2: {  	[tilespmem:$0x3AF8] =	vst v0  }
0x3b3: {  	[tilespmem:$0x3AE8] =	vst v0  }
0x3b4: {  	[tilespmem:$0x3AD8] =	vst v0  }
0x3b5: {  	[tilespmem:$0x3AC8] =	vst v0  }
0x3b6: {  	[tilespmem:$0x3AB8] =	vst v0  }
0x3b7: {  	[tilespmem:$0x3AA8] =	vst v0  }
0x3b8: {  	[tilespmem:$0x3A98] =	vst v0  }
0x3b9: {  	[tilespmem:$0x3A88] =	vst v0  }
0x3ba: {  	[tilespmem:$0x3A78] =	vst v0  }
0x3bb: {  	[tilespmem:$0x3A68] =	vst v0  }
0x3bc: {  	[tilespmem:$0x3A58] =	vst v0  }
0x3bd: {  	[tilespmem:$0x3A48] =	vst v0  }
0x3be: {  	[tilespmem:$0x3A38] =	vst v0  }
0x3bf: {  	[tilespmem:$0x3A28] =	vst v0  }
0x3c0: {  	[tilespmem:$0x3A18] =	vst v0  }
0x3c1: {  	[tilespmem:$0x3A08] =	vst v0  }
0x3c2: {  	[tilespmem:$0x39F8] =	vst v0  }
0x3c3: {  	[tilespmem:$0x39E8] =	vst v0  }
0x3c4: {  	[tilespmem:$0x39D8] =	vst v0  }
0x3c5: {  	[tilespmem:$0x39C8] =	vst v0  }
0x3c6: {  	[tilespmem:$0x39B8] =	vst v0  }
0x3c7: {  	[tilespmem:$0x39A8] =	vst v0  }
0x3c8: {  	[tilespmem:$0x3998] =	vst v0  }
0x3c9: {  	[tilespmem:$0x3988] =	vst v0  }
0x3ca: {  	[tilespmem:$0x3978] =	vst v0  }
0x3cb: {  	[tilespmem:$0x3968] =	vst v0  }
0x3cc: {  	[tilespmem:$0x3958] =	vst v0  }
0x3cd: {  	[tilespmem:$0x3948] =	vst v0  }
0x3ce: {  	[tilespmem:$0x3938] =	vst v0  }
0x3cf: {  	[tilespmem:$0x3928] =	vst v0  }
0x3d0: {  	[tilespmem:$0x3918] =	vst v0  }
0x3d1: {  	[tilespmem:$0x3908] =	vst v0  }
0x3d2: {  	[tilespmem:$0x38F8] =	vst v0  }
0x3d3: {  	[tilespmem:$0x38E8] =	vst v0  }
0x3d4: {  	[tilespmem:$0x38D8] =	vst v0  }
0x3d5: {  	[tilespmem:$0x38C8] =	vst v0  }
0x3d6: {  	[tilespmem:$0x38B8] =	vst v0  }
0x3d7: {  	[tilespmem:$0x38A8] =	vst v0  }
0x3d8: {  	[tilespmem:$0x3898] =	vst v0  }
0x3d9: {  	[tilespmem:$0x3888] =	vst v0  }
0x3da: {  	[tilespmem:$0x3878] =	vst v0  }
0x3db: {  	[tilespmem:$0x3868] =	vst v0  }
0x3dc: {  	[tilespmem:$0x3858] =	vst v0  }
0x3dd: {  	[tilespmem:$0x3848] =	vst v0  }
0x3de: {  	[tilespmem:$0x3838] =	vst v0  }
0x3df: {  	[tilespmem:$0x3828] =	vst v0  }
0x3e0: {  	[tilespmem:$0x3818] =	vst v0  }
0x3e1: {  	[tilespmem:$0x3808] =	vst v0  }
0x3e2: {  	[tilespmem:$0x37F8] =	vst v0  }
0x3e3: {  	[tilespmem:$0x37E8] =	vst v0  }
0x3e4: {  	[tilespmem:$0x37D8] =	vst v0  }
0x3e5: {  	[tilespmem:$0x37C8] =	vst v0  }
0x3e6: {  	[tilespmem:$0x37B8] =	vst v0  }
0x3e7: {  	[tilespmem:$0x37A8] =	vst v0  }
0x3e8: {  	[tilespmem:$0x3798] =	vst v0  }
0x3e9: {  	[tilespmem:$0x3788] =	vst v0  }
0x3ea: {  	[tilespmem:$0x3778] =	vst v0  }
0x3eb: {  	[tilespmem:$0x3768] =	vst v0  }
0x3ec: {  	[tilespmem:$0x3758] =	vst v0  }
0x3ed: {  	[tilespmem:$0x3748] =	vst v0  }
0x3ee: {  	[tilespmem:$0x3738] =	vst v0  }
0x3ef: {  	[tilespmem:$0x3728] =	vst v0  }
0x3f0: {  	[tilespmem:$0x3718] =	vst v0  }
0x3f1: {  	[tilespmem:$0x3708] =	vst v0  }
0x3f2: {  	[tilespmem:$0x36F8] =	vst v0  }
0x3f3: {  	[tilespmem:$0x36E8] =	vst v0  }
0x3f4: {  	[tilespmem:$0x36D8] =	vst v0  }
0x3f5: {  	[tilespmem:$0x36C8] =	vst v0  }
0x3f6: {  	[tilespmem:$0x36B8] =	vst v0  }
0x3f7: {  	[tilespmem:$0x36A8] =	vst v0  }
0x3f8: {  	[tilespmem:$0x3698] =	vst v0  }
0x3f9: {  	[tilespmem:$0x3688] =	vst v0  }
0x3fa: {  	[tilespmem:$0x3678] =	vst v0  }
0x3fb: {  	[tilespmem:$0x3668] =	vst v0  }
0x3fc: {  	[tilespmem:$0x3658] =	vst v0  }
0x3fd: {  	[tilespmem:$0x3648] =	vst v0  }
0x3fe: {  	[tilespmem:$0x3638] =	vst v0  }
0x3ff: {  	[tilespmem:$0x3628] =	vst v0  }
0x400: {  	[tilespmem:$0x3618] =	vst v0  }
0x401: {  	[tilespmem:$0x3608] =	vst v0  }
0x402: {  	[tilespmem:$0x35F8] =	vst v0  }
0x403: {  	[tilespmem:$0x35E8] =	vst v0  }
0x404: {  	[tilespmem:$0x35D8] =	vst v0  }
0x405: {  	[tilespmem:$0x35C8] =	vst v0  }
0x406: {  	[tilespmem:$0x35B8] =	vst v0  }
0x407: {  	[tilespmem:$0x35A8] =	vst v0  }
0x408: {  	[tilespmem:$0x3598] =	vst v0  }
0x409: {  	[tilespmem:$0x3588] =	vst v0  }
0x40a: {  	[tilespmem:$0x3578] =	vst v0  }
0x40b: {  	[tilespmem:$0x3568] =	vst v0  }
0x40c: {  	[tilespmem:$0x3558] =	vst v0  }
0x40d: {  	[tilespmem:$0x3548] =	vst v0  }
0x40e: {  	[tilespmem:$0x3538] =	vst v0  }
0x40f: {  	[tilespmem:$0x3528] =	vst v0  }
0x410: {  	[tilespmem:$0x3518] =	vst v0  }
0x411: {  	[tilespmem:$0x3508] =	vst v0  }
0x412: {  	[tilespmem:$0x34F8] =	vst v0  }
0x413: {  	[tilespmem:$0x34E8] =	vst v0  }
0x414: {  	[tilespmem:$0x34D8] =	vst v0  }
0x415: {  	[tilespmem:$0x34C8] =	vst v0  }
0x416: {  	[tilespmem:$0x34B8] =	vst v0  }
0x417: {  	[tilespmem:$0x34A8] =	vst v0  }
0x418: {  	[tilespmem:$0x3498] =	vst v0  }
0x419: {  	[tilespmem:$0x3488] =	vst v0  }
0x41a: {  	s10 =	stileid.u32;
	[tilespmem:$0x3478] =	vst v0  }
0x41b: {  	s0 =	simm.s32 $0x1;
	p0 =	sne.s32 s10, $0x0;
	s1 =	smul.u32 $0x47, s10;
	[tilespmem:$0x3468] =	vst v0  }
0x41c: {  	s0 =	simm.s32 @!p0 $0x0;
	[tilespmem:$0x3458] =	vst v0  }
0x41d: {  	[tilespmem:$0x3428] =	vst v0;
	s0 =	sadd.s32 s0, s1  }
0x41e: {  	p1 =	seq.s32 s10, $0x0;
	[tilespmem:$0x3438] =	vst v0;
	s1 =	simm.s32 $0x6300;
	s8 =	smul.u32 $0x160, s0  }
0x41f: {  	s1 =	simm.s32 @!p1 $0x61A0;
	[tilespmem:$0x3418] =	vst v0  }
0x420: {  	[tilespmem:$0x33B8] =	vst v0;
	s0 =	sadd.s32 s1, s8  }
0x421: {  	s6 =	simm.s32 $0x2;
	s29 =	simm.s32 $0x9;
	[tilespmem:$0x3408] =	vst v0;
	s9 =	smin.u32 s0, $0x61A80  }
0x422: {  	s30 =	simm.s32 $0xA;
	s12 =	simm.s32 $0xB;
	[tilespmem:$0x33F8] =	vst v0;
	s0 =	ssub.s32 s9, s8  }
0x423: {  	s18 =	simm.s32 $0x0;
	p2 =	por $0x0, $0x0;
	[tilespmem:$0x33E8] =	vst v0;
	p1 =	sgt.s32 s0, $0x0  }
0x424: {  	s19 =	simm.s32 $0xC;
	s23 =	simm.s32 $0x0;
	[tilespmem:$0x33D8] =	vst v0;
	s0 =	simm.s32 @!p1 $0x0  }
0x425: {  	s20 =	simm.s32 $0x0;
	s22 =	simm.s32 $0x0;
	[tilespmem:$0x33C8] =	vst v0;
	s28 =	smulhi.u32 $0x2E8BA2E9, s0  }
0x426: {  	s2 =	sand.u32 $0x1, s2;
	s31 =	smul.u32 $0x180, s10;
	[tilespmem:$0x33A8] =	vst v0;
	[sflag:s6] =	ssyncpa.u1 $0x0  }
0x427: {  	v0 =	vimm.s32 $0xFFFFFFFF;
	[dreg:$0x4] =	wrdreg s2;
	s2 =	smul.u32 $0xC350, s2;
	s1 =	sshrl.u32 s28, $0x6  }
0x428: {  	s5 =	sadd.s32 $0xF8E00, s4;
	[tilespmem:$0x84C8] =	vst v0;
	[sflag:s29] =	ssyncpa.u1 $0x0;
	s7 =	smul.u32 $0x160, s1  }
.Ltmp0:
0x429: {  	s16 =	sshrl.u32 s31, $0x2;
	s2 =	sadd.s32 s2, s4;
	(pc) =	sbr.rel .LBB2_1-.Ltmp0, $4  }
0x42a: {  	[sflag:s30] =	ssyncpa.u1 $0x0;
	p1 =	sne.s32 s0, s7;
	s0 =	simm.s32 $0x1  }
0x42b: {  	s4 =	sadd.s32 $0x1119600, s4;
	[sflag:s12] =	ssyncpa.u1 $0x0;
	s0 =	simm.s32 @!p1 $0x0  }
0x42c: {  	s14 =	sadd.s32 $0xE0600, s2;
	s15 =	sadd.s32 $0x14400, s2;
	s13 =	sadd.s32 s0, s1  }
0x42d: {  	v0 =	vlaneseq.u32;
	s21 =	smov.u32 s8;
	p1 =	por $0x1, $0x1;
	s17 =	sadd.s32 $0x1, s13  }
.LBB2_22:
0x42e: {  	s0 =	sshrl.u32 s0, $0x2  }
.LBB2_24:
0x42f: {  	_ =	swait.ge [sflag:s19], s0  }
0x430: {  	s30 =	ssub.s32 $0x0, s0;
	v1 =	vmov s25;
	vm0 =	veq.s32 v0, $0x0;
	[sflag:s19] =	ssyncset.done $0x0  }
0x431: {  	vm15 =	veq.s32 v0, $0x2;
	v1 =	vsel vm0, s31, v1;
	[sflag:s19] =	ssyncadd.s32 s30  }
0x432: {  	v1 =	vsel vm15, s23, v1;
	[sflag:s19] =	ssyncpa.u1 $0x1  }
0x433: {  	[tilespmem:$0x84C8] =	vst v1  }
.LBB2_25:
0x434: {  	s0 =	sadd.s32 $0x160, s21  }
0x435: {  	s1 =	smov.u32 s8;
	p3 =	slt.s32 s0, s9  }
0x436: {  	s1 =	smov.u32 @p3 s0;
	p3 =	sne.s32 s22, s17  }
.Ltmp1:
0x437: {  	_ = 	snop;
	(pc) =	sbr.rel @!p3 .LBB2_26-.Ltmp1, $4  }
0x438: {  	_ = 	snop  }
0x439: {  	s23 =	smov.u32 s20  }
0x43a: {  	s31 =	sadd.s32 $0x1, s22;
	s20 =	smov.u32 s21;
	p1 =	por !p1, !p1  }
0x43b: {  	p2 =	por !p2, !p2;
	s22 =	smov.u32 s31;
	s21 =	smov.u32 s1  }
.LBB2_1:
0x43c: {  	p3 =	sge.u32 s22, s13  }
0x43d: {  	s0 =	smulhi.u32 @!p3 $0xAAAAAAAB, s22  }
0x43e: {  	s1 =	smov.u32 s21;
	p4 =	sgt.s32 @!p3 s21, $0x61920  }
0x43f: {  	s2 =	sshra.s32 @!p3 s21, $0x1F;
	p4 =	por !p4, p3;
	s0 =	sshrl.u32 @!p3 s0, $0x1  }
0x440: {  	s2 =	sand.u32 @!p3 s2, s21;
	s1 =	simm.s32 @p4 $0x61920;
	s0 =	smul.u32 @!p3 $0x3, s0  }
0x441: {  	s1 =	ssub.s32 @!p3 s1, s2  }
0x442: {  	s1 =	sadd.s32 @!p3 $0xFFF9E6E0, s1;
	s0 =	ssub.s32 @!p3 s22, s0  }
0x443: {  	s2 =	sshll.u32 @!p3 s1, $0x2;
	p4 =	sgt.s32 @!p3 s1, $0x15F;
	s0 =	smul.u32 @!p3 $0x580, s0  }
0x444: {  	s6 =	sand.u32 @!p3 $0x7, s21;
	s1 =	ssub.s32 @!p3 $0x580, s2;
	p4 =	por !p4, p3  }
0x445: {  	s2 =	sshrl.u32 @!p3 s21, $0x3;
	s1 =	sshrl.u32 @!p3 s1, $0x2;
	s0 =	sshrl.u32 @!p3 s0, $0x2  }
0x446: {  	s2 =	sadd.s32 @!p3 s2, s14;
	s1 =	simm.s32 @!p4 $0x0;
	s0 =	sadd.s32 @!p3 $0x8B08, s0  }
0x447: {  	[tilespmem:s0], [sflag:$0xA] =	stream.linear.gather @!p3 [hbm4b:s2+s6], s1, $0x38;
	[tilespmem:$0x1F1E8] =	vst v63  }
0x448: {  	s1 =	sadd.s32 $0xFFFFFFFF, s22  }
0x449: {  	p3 =	sge.u32 s1, s13  }
0x44a: {  	p4 =	sgt.s32 @!p3 s20, $0x61920  }
0x44b: {  	s0 =	smov.u32 s20;
	s2 =	sshra.s32 @!p3 s20, $0x1F;
	p4 =	por !p4, p3  }
0x44c: {  	s2 =	sand.u32 @!p3 s2, s20;
	s0 =	simm.s32 @p4 $0x61920  }
0x44d: {  	s0 =	ssub.s32 @!p3 s0, s2  }
0x44e: {  	s0 =	sadd.s32 @!p3 $0xFFF9E6E0, s0  }
0x44f: {  	s2 =	sshll.u32 @!p3 s0, $0x2  }
0x450: {  	p4 =	sgt.s32 @!p3 s0, $0x15F;
	s0 =	ssub.s32 @!p3 $0x580, s2  }
0x451: {  	p4 =	por !p4, p3;
	s0 =	sshrl.u32 @!p3 s0, $0x2  }
0x452: {  	s6 =	simm.s32 @!p3 $0xA;
	s2 =	sand.u32 @!p3 $0x1, s1;
	s0 =	simm.s32 @!p4 $0x0  }
0x453: {  	s2 =	smul.u32 @!p3 $0x580, s2;
	_ =	swait.ge @!p3 [sflag:s6], s0  }
0x454: {  	s7 =	ssub.s32 @!p3 $0x0, s0;
	[sflag:s6] =	ssyncset.done @!p3 $0x0  }
0x455: {  	s2 =	sshrl.u32 @!p3 s2, $0x2;
	[sflag:s6] =	ssyncadd.s32 @!p3 s7;
	s6 =	sshrl.u32 @!p3 s20, $0x3  }
0x456: {  	s2 =	sadd.s32 @!p3 $0x8F28, s2;
	s7 =	sand.u32 @!p3 $0x7, s20;
	s6 =	sadd.s32 @!p3 s6, s15  }
0x457: {  	[tilespmem:s2], [sflag:$0xB] =	stream.linear.gather @!p3 [hbm4b:s6+s7], s0, $0x38;
	[tilespmem:$0x1F1E8] =	vst v63  }
0x458: {  	s0 =	ssub.s32 @!p3 $0x61A80, s20  }
0x459: {  	p4 =	slt.s32 @!p3 s0, $0x1  }
0x45a: {  	p4 =	por p3, p4  }
.Ltmp2:
0x45b: {  	_ = 	snop;
	(pc) =	sbr.rel @p4 .LBB2_7-.Ltmp2, $1  }
0x45c: {  	_ =	sdelay $0x3  }
0x45d: {  	s2 =	smulhi.u32 $0xAAAAAAAB, s1;
	_ =	sdelay $0x1  }
0x45e: {  	s2 =	sshrl.u32 s2, $0x1  }
0x45f: {  	s2 =	smul.u32 $0x3, s2;
	_ =	sdelay $0x1  }
0x460: {  	s29 =	ssub.s32 s1, s2  }
0x461: {  	s6 =	simm.s32 $0x1;
	s1 =	smul.u32 $0x580, s29  }
.Ltmp3:
0x462: {  	s6 =	simm.s32 @!p1 $0x0;
	(pc) =	sbr.rel .LBB2_4-.Ltmp3, $4  }
0x463: {  	s30 =	smul.u32 $0x2C000, s6  }
0x464: {  	p4 =	slt.s32 @!p3 s0, $0x160;
	s1 =	sshrl.u32 s1, $0x2  }
0x465: {  	p3 =	por !p4, p3;
	s2 =	sshrl.u32 s30, $0x2;
	s31 =	sadd.s32 $0x8B08, s1  }
0x466: {  	s24 =	simm.s32 $0x0;
	s0 =	simm.s32 @p3 $0x160;
	s1 =	sadd.s32 $0x91E8, s2;
	v1 =	vmov s31  }
.LBB2_3:
0x467: {  	p3 =	sge.s32 s24, s0  }
.Ltmp4:
0x468: {  	_ = 	snop;
	(pc) =	sbr.rel @p3 .LBB2_7-.Ltmp4, $2  }
0x469: {  	_ =	sdelay $0x2  }
0x46a: {  	s1 =	sadd.s32 $0x800, s1  }
.LBB2_4:
0x46b: {  	p3 =	sle.s32 s0, s24  }
.Ltmp5:
0x46c: {  	_ = 	snop;
	(pc) =	sbr.rel @p3 .LBB2_3-.Ltmp5, $2  }
0x46d: {  	_ =	sdelay $0x2  }
0x46e: {  	s2 =	smov.u32 s24;
	s24 =	sadd.s32 $0x10, s24  }
0x46f: {  	s6 =	ssub.s32 s0, s2  }
0x470: {  	p3 =	slt.s32 s6, $0x10  }
0x471: {  	s6 =	simm.s32 @!p3 $0x10  }
0x472: {  	v2 =	vmov s6  }
0x473: {  	vm0 =	vgt.s32 v2, v0;
	_ =	sdelay $0x5  }
0x474: {  	v2 =	vld.idx.msk [tilespmem:v1+s2+$0x0 ss:$0x1], vm0;
	_ =	sdelay $0x2  }
0x475: {  	s7 =	smov.u32 s0;
	p3 =	slt.s32 s24, s0  }
0x476: {  	s25 =	simm.s32 $0x0;
	s7 =	smov.u32 @p3 s24;
	s6 =	smov.u32 s1  }
.LBB2_6:
0x477: {  	(v2sf) =	vpush v2, s25;
	_ =	sdelay $0xc  }
0x478: {  	s25 =	sadd.s32 $0x1, s25  }
0x479: {  	s31 =	sadd.s32 s25, s2  }
0x47a: {  	p3 =	slt.s32 s31, s7;
	s10 =	spop (v2sf)  }
.Ltmp6:
0x47b: {  	s10 =	sshll.u32 s10, $0x4;
	(pc) =	sbr.rel @p3 .LBB2_6-.Ltmp6, $4  }
0x47c: {  	s10 =	sand.u32 $0x1FFFFFF0, s10  }
0x47d: {  	s10 =	sadd.s32 s4, s10  }
0x47e: {  	[tilespmem:s6], [sflag:$0x9] =	stream.linear.gather [hbm4b:s10+s18], $0x30, $0x38;
	[tilespmem:$0x1F1E8] =	vst v63  }
0x47f: {  	s6 =	sadd.s32 $0x80, s6  }
.Ltmp7:
0x480: {  	_ = 	snop;
	(pc) =	sbr.rel .LBB2_3-.Ltmp7, $1  }
0x481: {  	_ =	sdelay $0x3  }
.LBB2_7:
0x482: {  	p3 =	slt.u32 s22, $0x2  }
.Ltmp8:
0x483: {  	_ = 	snop;
	(pc) =	sbr.rel @p3 .LBB2_25-.Ltmp8, $1  }
0x484: {  	_ =	sdelay $0x3  }
0x485: {  	s0 =	ssub.s32 $0x61A80, s23;
	p3 =	sgt.s32 s23, $0x61920  }
0x486: {  	s1 =	smov.u32 s23;
	s2 =	sshra.s32 s23, $0x1F;
	p4 =	slt.s32 s0, $0x160  }
0x487: {  	s1 =	simm.s32 @!p3 $0x61920;
	s2 =	sand.u32 s2, s23;
	s0 =	simm.s32 @!p4 $0x160  }
0x488: {  	s1 =	ssub.s32 s1, s2;
	s0 =	smul.u32 $0xC0, s0  }
0x489: {  	s1 =	sadd.s32 $0xFFF9E6E0, s1  }
0x48a: {  	s29 =	simm.s32 $0x9;
	s25 =	sshll.u32 s1, $0x2;
	s0 =	sshrl.u32 s0, $0x2  }
0x48b: {  	p3 =	sgt.s32 s1, $0x15F;
	s26 =	ssub.s32 $0x580, s25;
	_ =	swait.ge [sflag:s29], s0  }
0x48c: {  	s0 =	ssub.s32 $0x0, s0;
	s1 =	sshrl.u32 s26, $0x2;
	[sflag:s29] =	ssyncset.done $0x0  }
0x48d: {  	s1 =	simm.s32 @p3 $0x0;
	[sflag:s29] =	ssyncadd.s32 s0  }
0x48e: {  	_ =	swait.ge [sflag:s12], s1  }
0x48f: {  	s30 =	ssub.s32 $0x0, s1;
	[sflag:s12] =	ssyncset.done $0x0  }
0x490: {  	[sflag:s12] =	ssyncadd.s32 s30  }
0x491: {  	v1 =	vld [tilespmem:$0x84C8];
	_ =	sdelay $0x4  }
0x492: {  	(v2sf) =	vpush v1, $0x0  }
0x493: {  	(v2sf) =	vpush v1, $0x1  }
0x494: {  	(v2sf) =	vpush v1, $0x2;
	_ =	sdelay $0x3  }
0x495: {  	s0 =	sadd.s32 $0x160, s23  }
0x496: {  	p3 =	slt.s32 s9, s0;
	s1 =	ssub.s32 $0xC3500, s23  }
0x497: {  	s0 =	smov.u32 @p3 s9;
	p3 =	sgt.s32 s1, $0x0  }
0x498: {  	s0 =	ssub.s32 s0, s23;
	s1 =	simm.s32 @!p3 $0x0  }
0x499: {  	p3 =	slt.s32 s1, s0  }
0x49a: {  	s0 =	smov.u32 @p3 s1  }
0x49b: {  	s26 =	simm.s32 $0x1;
	p3 =	slt.s32 s0, $0x1  }
.Ltmp9:
0x49c: {  	s26 =	simm.s32 @!p2 $0x0;
	(pc) =	sbr.rel @p3 .LBB2_12-.Ltmp9, $4  }
0x49d: {  	s31 =	smul.u32 $0x580, s26  }
0x49e: {  	s28 =	spop (v2sf)  }
0x49f: {  	s2 =	sshrl.u32 s31, $0x2;
	s1 =	spop (v2sf)  }
0x4a0: {  	s24 =	sadd.s32 $0x8F28, s2;
	s23 =	spop (v2sf)  }
0x4a1: {  	s2 =	smin.u32 s0, $0x10  }
0x4a2: {  	v1 =	vmov s2  }
0x4a3: {  	p4 =	sgt.s32 s0, $0x10;
	vm1 =	vgt.u32 v1, v0  }
.Ltmp10:
0x4a4: {  	_ = 	snop;
	(pc) =	sbr.rel @!p4 .LBB2_11-.Ltmp10, $2  }
0x4a5: {  	_ =	sdelay $0x2  }
0x4a6: {  	s25 =	simm.s32 $0x10;
	s29 =	sadd.s32 $0xFFFFFFF0, s0;
	s2 =	smov.u32 s24;
	vm0 =	vmmov vm1  }
.LBB2_10:
0x4a7: {  	s6 =	smin.u32 s29, $0x10;
	s25 =	sadd.s32 $0x10, s25;
	v1 =	vld.msk [tilespmem:s2+$0x0 ss:$0x1], vm1  }
0x4a8: {  	v2 =	vmov s6;
	p4 =	slt.s32 s25, s0  }
0x4a9: {  	vm1 =	vgt.u32 v2, v0  }
.Ltmp11:
0x4aa: {  	(pc) =	sbr.rel @p4 .LBB2_10-.Ltmp11, $3  }
0x4ab: {  	_ =	sdelay $0x1  }
0x4ac: {  	v1 =	vshll.u32 v1, $0x4  }
0x4ad: {  	s29 =	sadd.s32 $0xFFFFFFF0, s29;
	[tilespmem:s2+$0x0] =	vst.msk vm0, v1;
	s2 =	sadd.s32 $0x10, s2;
	vm0 =	vmmov vm1  }
.LBB2_11:
0x4ae: {  	_ =	sdelay $0x4  }
0x4af: {  	v1 =	vld.msk [tilespmem:s2+$0x0 ss:$0x1], vm1;
	_ =	sdelay $0x4  }
0x4b0: {  	v1 =	vshll.u32 v1, $0x4  }
0x4b1: {  	[tilespmem:s2+$0x0] =	vst.msk vm0, v1  }
.LBB2_12:
0x4b2: {  	s2 =	sand.u32 $0x1, s22  }
0x4b3: {  	s2 =	smul.u32 $0x160, s2  }
0x4b4: {  	p4 =	sne.s32 s1, $0xFFFFFFFF  }
0x4b5: {  	v1 =	vld.msk @!p4 [tilespmem:s2+$0x8F28], $0x1;
	_ =	sdelay $0x4  }
0x4b6: {  	(v2sf) =	vpush @!p4 v1, $0x0;
	_ =	sdelay $0xc  }
.Ltmp12:
0x4b7: {  	_ = 	snop;
	(pc) =	sbr.rel @p3 .LBB2_23-.Ltmp12, $4  }
0x4b8: {  	_ = 	snop  }
0x4b9: {  	s30 =	spop @!p4 (v2sf)  }
0x4ba: {  	s23 =	simm.s32 @!p4 $0x0;
	s25 =	smov.u32 s30  }
0x4bb: {  	[sflag:s19] =	ssyncpa.u1 $0x0;
	s30 =	smov.u32 @p4 s28;
	s25 =	smov.u32 @p4 s1  }
0x4bc: {  	v1 =	vld.msk [tilespmem:s24+$0x0], $0x1;
	_ =	sdelay $0x4  }
0x4bd: {  	(v2sf) =	vpush v1, $0x0;
	_ =	sdelay $0xd  }
0x4be: {  	s2 =	smul.u32 $0x2C000, s26  }
0x4bf: {  	s26 =	ssub.s32 $0x0, s0;
	s28 =	simm.s32 $0x0;
	s1 =	spop (v2sf)  }
0x4c0: {  	s7 =	smov.u32 s30;
	s0 =	sadd.s32 $0x1, s26;
	p3 =	seq.s32 s30, s1  }
0x4c1: {  	p5 =	seq.s32 s0, $0x0;
	p4 =	sgt.s32 @!p3 s30, $0x0;
	s6 =	smul.u32 @!p3 $0xC0, s28  }
.Ltmp13:
0x4c2: {  	s2 =	sshrl.u32 s2, $0x2;
	p4 =	por !p4, p3;
	(pc) =	sbr.rel @p5 .LBB2_15-.Ltmp13, $4  }
0x4c3: {  	s29 =	sadd.s32 $0x9208, s2;
	s7 =	simm.s32 @p4 $0x0  }
0x4c4: {  	s2 =	simm.s32 @!p3 $0x1;
	s6 =	sshra.s32 @!p3 s6, $0x2;
	s10 =	smin.u32 @!p3 s7, $0xC34FA  }
0x4c5: {  	s2 =	smov.u32 @p3 s28;
	s7 =	sadd.s32 @!p3 $0x4298, s6;
	s31 =	sand.u32 @!p3 $0xFFFF8, s10  }
0x4c6: {  	s6 =	sand.u32 @!p3 $0x7, s10;
	s10 =	sadd.s32 @!p3 s5, s31;
	s31 =	sadd.s32 $0x1, s24  }
.LBB2_14:
0x4c7: {  	s11 =	smov.u32 s2  }
0x4c8: {  	[tilespmem:s7], [sflag:$0x2] =	stream.linear.gather @!p3 [hbm4b:s10+s6], $0x30, $0x38;
	[tilespmem:$0x1F1E8] =	vst v63  }
0x4c9: {  	s0 =	sadd.s32 $0x1, s0;
	s6 =	smov.u32 s1;
	v1 =	vld.msk [tilespmem:s31+$0x0], $0x1  }
0x4ca: {  	p4 =	seq.s32 s0, $0x0;
	_ =	sdelay $0x3  }
0x4cb: {  	(v2sf) =	vpush v1, $0x0;
	_ =	sdelay $0xe  }
0x4cc: {  	s1 =	spop (v2sf)  }
0x4cd: {  	p3 =	seq.s32 s6, s1  }
0x4ce: {  	p5 =	sgt.s32 @!p3 s6, $0x0;
	s7 =	smul.u32 @!p3 $0xC0, s2;
	s2 =	sadd.s32 @!p3 $0x1, s2  }
.Ltmp14:
0x4cf: {  	p5 =	por !p5, p3;
	s2 =	smov.u32 @p3 s11;
	(pc) =	sbr.rel @!p4 .LBB2_14-.Ltmp14, $4  }
0x4d0: {  	s6 =	simm.s32 @p5 $0x0;
	s7 =	sshra.s32 @!p3 s7, $0x2  }
0x4d1: {  	s6 =	smin.u32 @!p3 s6, $0xC34FA;
	s7 =	sadd.s32 @!p3 $0x4298, s7  }
0x4d2: {  	s10 =	sand.u32 @!p3 $0xFFFF8, s6;
	s6 =	sand.u32 @!p3 $0x7, s6  }
0x4d3: {  	s31 =	sadd.s32 $0x1, s31;
	s10 =	sadd.s32 @!p3 s5, s10  }
.LBB2_15:
0x4d4: {  	s0 =	smul.u32 $0xC0, s2  }
0x4d5: {  	[tilespmem:s7], [sflag:$0x2] =	stream.linear.gather @!p3 [hbm4b:s10+s6], $0x30, $0x38;
	[tilespmem:$0x1F1E8] =	vst v63  }
.Ltmp15:
0x4d6: {  	_ = 	snop;
	(pc) =	sbr.rel .LBB2_16-.Ltmp15, $4  }
0x4d7: {  	s1 =	simm.s32 $0x2;
	s0 =	sshrl.u32 s0, $0x2  }
0x4d8: {  	_ =	swait.ge [sflag:s1], s0  }
0x4d9: {  	s0 =	ssub.s32 $0x0, s0;
	[sflag:s1] =	ssyncset.done $0x0  }
0x4da: {  	[sflag:s1] =	ssyncadd.s32 s0;
	s0 =	simm.s32 $0x0  }
.LBB2_17:
0x4db: {  	v1 =	vld [tilespmem:s29+$0xFFFFFFE0];
	_ =	sdelay $0x4  }
0x4dc: {  	[tilespmem:s1+$0x68] =	vst.add.f32.msk $0xffff, v1  }
0x4dd: {  	v1 =	vld [tilespmem:s29+$0xFFFFFFF0];
	_ =	sdelay $0x4  }
0x4de: {  	[tilespmem:s1+$0x78] =	vst.add.f32.msk $0xffff, v1  }
0x4df: {  	v1 =	vld [tilespmem:s29+$0x0];
	_ =	sdelay $0x4  }
0x4e0: {  	[tilespmem:s1+$0x88] =	vst.add.f32.msk $0xffff, v1  }
.LBB2_21:
0x4e1: {  	s26 =	sadd.s32 $0x1, s26  }
0x4e2: {  	p3 =	seq.s32 s26, $0x0  }
.Ltmp16:
0x4e3: {  	_ = 	snop;
	(pc) =	sbr.rel @p3 .LBB2_22-.Ltmp16, $2  }
0x4e4: {  	_ =	sdelay $0x2  }
0x4e5: {  	s29 =	sadd.s32 $0x80, s29;
	s24 =	sadd.s32 $0x1, s24;
	s30 =	smov.u32 s31  }
.LBB2_16:
0x4e6: {  	v1 =	vld.msk [tilespmem:s24+$0x0], $0x1;
	_ =	sdelay $0x4  }
0x4e7: {  	(v2sf) =	vpush v1, $0x0;
	_ =	sdelay $0xe  }
0x4e8: {  	s31 =	spop (v2sf)  }
0x4e9: {  	p3 =	sne.s32 s30, s31  }
.Ltmp17:
0x4ea: {  	_ = 	snop;
	(pc) =	sbr.rel @!p3 .LBB2_17-.Ltmp17, $3  }
0x4eb: {  	_ = 	snop  }
0x4ec: {  	s1 =	smul.u32 $0xC0, s23;
	_ =	sdelay $0x1  }
0x4ed: {  	s1 =	sshra.s32 s1, $0x2  }
0x4ee: {  	p3 =	seq.s32 s30, s25  }
.Ltmp18:
0x4ef: {  	_ = 	snop;
	(pc) =	sbr.rel @!p3 .LBB2_19-.Ltmp18, $1  }
0x4f0: {  	_ =	sdelay $0x3  }
.Ltmp19:
0x4f1: {  	s1 =	sadd.s32 $0x68, s1;
	(pc) =	sbr.rel .LBB2_20-.Ltmp19, $4  }
0x4f2: {  	[spmem:s16] =	stream.linear.scatter [tilespmem:s1], [sflag:$0x1], $0x30, $0x38;
	[tilespmem:$0x1F1E8] =	vst v63  }
0x4f3: {  	_ =	swait.ge [sflag:s3], $0x30  }
0x4f4: {  	[sflag:s3] =	ssyncset.done $0x0  }
0x4f5: {  	[sflag:s3] =	ssyncadd.s32 $0xFFFFFFD0  }
.LBB2_19:
0x4f6: {  	s2 =	smul.u32 $0xC0, s28;
	_ =	sdelay $0x1  }
0x4f7: {  	s2 =	sshra.s32 s2, $0x2  }
0x4f8: {  	v1 =	vld [tilespmem:s2+$0x4298];
	_ =	sdelay $0x4  }
0x4f9: {  	[tilespmem:s1+$0x68] =	vst.add.f32.msk $0xffff, v1  }
0x4fa: {  	v1 =	vld [tilespmem:s2+$0x42A8];
	_ =	sdelay $0x4  }
0x4fb: {  	[tilespmem:s1+$0x78] =	vst.add.f32.msk $0xffff, v1  }
0x4fc: {  	v1 =	vld [tilespmem:s2+$0x42B8];
	_ =	sdelay $0x2  }
0x4fd: {  	p3 =	sgt.u32 s30, $0xC34FA  }
0x4fe: {  	s2 =	sand.u32 @!p3 $0xFFFF8, s30  }
0x4ff: {  	s6 =	sadd.s32 $0x68, s1;
	[tilespmem:s1+$0x88] =	vst.add.f32.msk $0xffff, v1;
	s1 =	sadd.s32 @!p3 s5, s2;
	s2 =	sand.u32 @!p3 $0x7, s30  }
0x500: {  	[hbm4b:s1+s2] =	stream.linear.scatter @!p3 [tilespmem:s6], [sflag:$0xC], $0x30, $0x38;
	[tilespmem:$0x1F1E8] =	vst v63  }
0x501: {  	s1 =	simm.s32 $0x0  }
0x502: {  	s1 =	simm.s32 @!p3 $0xC0  }
0x503: {  	s0 =	sadd.s32 s1, s0  }
.LBB2_20:
0x504: {  	s1 =	sadd.s32 $0x1, s23  }
0x505: {  	s2 =	smulhi.u32 $0xBA2E8BA3, s1;
	_ =	sdelay $0x1  }
0x506: {  	s2 =	sshrl.u32 s2, $0x8  }
0x507: {  	s2 =	smul.u32 $0x160, s2  }
0x508: {  	v1 =	vld [tilespmem:s29+$0xFFFFFFE0]  }
0x509: {  	s23 =	ssub.s32 s1, s2  }
0x50a: {  	s1 =	smul.u32 $0xC0, s23;
	_ =	sdelay $0x1  }
0x50b: {  	s1 =	sshrl.u32 s1, $0x2  }
0x50c: {  	[tilespmem:s1+$0x68] =	vst v1  }
0x50d: {  	v1 =	vld [tilespmem:s29+$0xFFFFFFF0];
	_ =	sdelay $0x4  }
0x50e: {  	[tilespmem:s1+$0x78] =	vst v1  }
0x50f: {  	v1 =	vld [tilespmem:s29+$0x0]  }
.Ltmp20:
0x510: {  	_ = 	snop;
	(pc) =	sbr.rel .LBB2_21-.Ltmp20, $2  }
0x511: {  	_ =	sdelay $0x2  }
0x512: {  	s28 =	sadd.s32 $0x1, s28;
	[tilespmem:s1+$0x88] =	vst v1  }
.LBB2_23:
.Ltmp21:
0x513: {  	(pc) =	sbr.rel .LBB2_24-.Ltmp21, $4  }
0x514: {  	_ = 	snop  }
0x515: {  	s0 =	simm.s32 $0x2  }
0x516: {  	_ =	swait.ge [sflag:s0], $0x0  }
0x517: {  	s31 =	smov.u32 s30;
	[sflag:s0] =	ssyncset.done $0x0;
	s0 =	simm.s32 $0x0  }
.LBB2_26:
0x518: {  	_ =	sfence.sel $0x180000  }
0x519: {  	s0 =	simm.s32 $0x9;
	[bflag:$0x0] =	sbarrier.arrive $0xFFFF  }
0x51a: {  	s24 =	simm.s32 $0xA;
	[sflag:s0] =	ssyncpa.u1 $0x1  }
0x51b: {  	s25 =	simm.s32 $0xB;
	[sflag:s24] =	ssyncpa.u1 $0x1  }
0x51c: {  	s26 =	simm.s32 $0x2;
	[sflag:s25] =	ssyncpa.u1 $0x1  }
0x51d: {  	[sflag:s26] =	ssyncpa.u1 $0x1  }
0x51e: {  	v0 =	vld [tilespmem:$0x84C8];
	_ =	sdelay $0x4  }
0x51f: {  	(v2sf) =	vpush v0, $0x0  }
0x520: {  	(v2sf) =	vpush v0, $0x1  }
0x521: {  	(v2sf) =	vpush v0, $0x2;
	_ =	sdelay $0xc  }
0x522: {  	s0 =	spop (v2sf)  }
0x523: {  	s1 =	spop (v2sf)  }
0x524: {  	s2 =	smov.u32 s0;
	p1 =	sne.s32 s0, s1;
	s3 =	spop (v2sf)  }
0x525: {  	s2 =	simm.s32 @!p1 $0xFFFFFFFF;
	p1 =	seq.s32 s3, $0xFFFFFFFF  }
0x526: {  	v2 =	vimm.s32 $0x1;
	v3 =	vlaneseq.u32;
	v1 =	vmov s2;
	p2 =	sne.s32 @!p1 s0, s1  }
0x527: {  	s14 =	stileid.u32;
	v0 =	vperm.xlane v0, v2;
	s0 =	simm.s32 @!p1 $0x1;
	v1 =	vperm.xlane v1, v3;
	p2 =	por !p2, p1  }
0x528: {  	vm0 =	vcmask $0x3F04;
	s2 =	sshll.u32 s14, $0x1;
	s1 =	smul.u32 @!p1 $0xC0, s3;
	s0 =	simm.s32 @p2 $0x0  }
0x529: {  	s6 =	simm.s32 $0x84C8;
	v0 =	vsel vm0, v1, v0;
	s0 =	sor.u32 @!p1 s0, s2  }
0x52a: {  	s4 =	sor.u32 $0x600, s2;
	s1 =	sshra.s32 @!p1 s1, $0x2;
	[tilespmem:$0x84C8] =	vst v0;
	s0 =	smul.u32 @!p1 $0xC0, s0  }
0x52b: {  	[spmem:s4] =	stream.linear.scatter [tilespmem:s6], [sflag:$0x1], $0x2, $0x38;
	[tilespmem:$0x1F1E8] =	vst v63  }
0x52c: {  	s1 =	sadd.s32 @!p1 $0x68, s1;
	s0 =	sshrl.u32 @!p1 s0, $0x2  }
0x52d: {  	[spmem:s0] =	stream.linear.scatter @!p1 [tilespmem:s1], [sflag:$0x1], $0x30, $0x38;
	[tilespmem:$0x1F1E8] =	vst v63  }
0x52e: {  	s0 =	simm.s32 @!p1 $0x32  }
0x52f: {  	s28 =	simm.s32 $0x1;
	s0 =	simm.s32 @p1 $0x2  }
0x530: {  	_ =	swait.ge [sflag:s28], s0  }
0x531: {  	s0 =	ssub.s32 $0x0, s0;
	[sflag:s28] =	ssyncset.done $0x0  }
0x532: {  	[sflag:s28] =	ssyncadd.s32 s0  }
.Ltmp22:
0x533: {  	_ =	sfence.stream.spmem;
	(pc) =	sbr.rel @p0 .LBB2_43-.Ltmp22, $4  }
0x534: {  	s29 =	simm.s32 $0x3;
	[bflag:$0x0] =	sbarrier.arrive $0xFFFF  }
0x535: {  	s30 =	simm.s32 $0x4;
	[sflag:s29] =	ssyncpa.u1 $0x1  }
0x536: {  	s31 =	simm.s32 $0x3C;
	[sflag:s30] =	ssyncpa.u1 $0x1  }
0x537: {  	s15 =	rddreg [dreg:$0x4];
	[sflag:s31] =	ssyncpa.u1 $0x1  }
0x538: {  	_ =	sfence.stream.spmem;
	s0 =	simm.s32 $0x5  }
0x539: {  	s1 =	simm.s32 $0x600;
	s2 =	simm.s32 $0x84D8;
	[sflag:s0] =	ssyncpa.u1 $0x0  }
0x53a: {  	[tilespmem:s2], [sflag:$0x5] =	stream.linear.gather [spmem:s1], $0x20, $0x38;
	[tilespmem:$0x1F1E8] =	vst v63  }
0x53b: {  	s26 =	simm.s32 $0x0;
	s28 =	simm.s32 $0x84F8  }
0x53c: {  	[tilespmem:s28], [sflag:$0x5] =	stream.linear.gather [spmem:s26], $0x600, $0x38;
	[tilespmem:$0x1F1E8] =	vst v63  }
0x53d: {  	_ =	swait.ge [sflag:s0], $0x620  }
0x53e: {  	[sflag:s0] =	ssyncset.done $0x0  }
0x53f: {  	s29 =	simm.s32 $0x0;
	[sflag:s0] =	ssyncadd.s32 $0xFFFFF9E0  }
0x540: {  	v0 =	vld.msk [tilespmem:s29+$0x84D8], $0x1;
	_ =	sdelay $0x1  }
0x541: {  	s30 =	simm.s32 $0x1  }
0x542: {  	v1 =	vld.msk [tilespmem:s30+$0x84D8], $0x1;
	_ =	sdelay $0x1  }
0x543: {  	(v2sf) =	vpush v0, $0x0;
	_ =	sdelay $0x2  }
0x544: {  	(v2sf) =	vpush v1, $0x0;
	_ =	sdelay $0x2  }
0x545: {  	s31 =	simm.s32 $0x2  }
0x546: {  	v0 =	vld.msk [tilespmem:s31+$0x84D8], $0x1;
	_ =	sdelay $0x2  }
0x547: {  	s1 =	simm.s32 $0xFFFFFFFF;
	s2 =	simm.s32 $0xFFFFFFFF;
	s0 =	simm.s32 $0xC  }
.LBB2_28:
0x548: {  	s3 =	smov.u32 s2;
	s4 =	smov.u32 s1  }
0x549: {  	s1 =	sshra.s32 s0, $0x2;
	p1 =	sne.s32 s0, $0x7C;
	s0 =	sadd.s32 $0x4, s0;
	(v2sf) =	vpush v0, $0x0  }
0x54a: {  	v0 =	vld.msk [tilespmem:s1+$0x84D8], $0x1  }
.Ltmp23:
0x54b: {  	(pc) =	sbr.rel @p1 .LBB2_28-.Ltmp23, $4  }
0x54c: {  	s2 =	spop (v2sf)  }
0x54d: {  	p2 =	sne.s32 s4, $0xFFFFFFFF;
	s1 =	smov.u32 s2  }
0x54e: {  	p3 =	seq.s32 s2, $0xFFFFFFFF;
	s1 =	smov.u32 @p2 s4  }
0x54f: {  	s2 =	smov.u32 @p3 s3;
	s1 =	smov.u32 @p3 s4  }
0x550: {  	(v2sf) =	vpush v0, $0x0;
	_ =	sdelay $0x8  }
0x551: {  	s0 =	spop (v2sf)  }
0x552: {  	p1 =	sne.s32 s1, $0xFFFFFFFF;
	s3 =	smov.u32 s0  }
0x553: {  	s9 =	simm.s32 $0x6;
	p2 =	seq.s32 s0, $0xFFFFFFFF;
	s3 =	smov.u32 @p1 s1  }
0x554: {  	s10 =	simm.s32 $0x8498;
	s3 =	smov.u32 @p2 s1;
	s1 =	spop (v2sf)  }
0x555: {  	s0 =	smov.u32 @p2 s2;
	p1 =	sne.s32 s3, $0xFFFFFFFF;
	s6 =	smov.u32 s1  }
.Ltmp24:
0x556: {  	p2 =	seq.s32 s1, $0xFFFFFFFF;
	s6 =	smov.u32 @p1 s3;
	(pc) =	sbr.rel .LBB2_30-.Ltmp24, $4  }
0x557: {  	s11 =	simm.s32 $0x0;
	s6 =	smov.u32 @p2 s3;
	s4 =	spop (v2sf)  }
0x558: {  	[sflag:s9] =	ssyncpa.u1 $0x0;
	p1 =	sne.s32 s6, $0xFFFFFFFF;
	s8 =	smov.u32 s4  }
0x559: {  	s1 =	smov.u32 @p2 s0;
	p2 =	seq.s32 s4, $0xFFFFFFFF;
	s8 =	smov.u32 @p1 s6  }
0x55a: {  	s3 =	simm.s32 $0x0;
	s4 =	smov.u32 @p2 s1;
	s8 =	smov.u32 @p2 s6  }
.LBB2_36:
0x55b: {  	p1 =	sgt.u32 s12, $0xC34FA  }
0x55c: {  	p2 =	seq.s32 @!p1 s12, s8  }
0x55d: {  	p1 =	por p1, p2  }
0x55e: {  	p2 =	sne.s32 @!p1 s12, s4  }
0x55f: {  	p1 =	por p1, !p2  }
0x560: {  	s0 =	smul.u32 @p1 $0xC0, s11;
	_ =	sdelay $0x1  }
0x561: {  	s0 =	sand.u32 @!p1 $0xFFFF8, s12  }
0x562: {  	s1 =	sand.u32 @!p1 $0x7, s12;
	s0 =	sadd.s32 @!p1 s5, s0  }
0x563: {  	[tilespmem:s10], [sflag:$0x6] =	stream.linear.gather @!p1 [hbm4b:s0+s1], $0x30, $0x38;
	[tilespmem:$0x1F1E8] =	vst v63  }
0x564: {  	_ =	swait.ge @!p1 [sflag:s9], $0x30  }
0x565: {  	[sflag:s9] =	ssyncset.done @!p1 $0x0  }
0x566: {  	[sflag:s9] =	ssyncadd.s32 @!p1 $0xFFFFFFD0  }
0x567: {  	v1 =	vld @!p1 [tilespmem:$0x8498];
	_ =	sdelay $0x1  }
0x568: {  	s0 =	smul.u32 @!p1 $0xC0, s11;
	_ =	sdelay $0x1  }
0x569: {  	s1 =	sshra.s32 @!p1 s0, $0x2  }
0x56a: {  	[tilespmem:s1+$0x84F8] =	vst.add.f32.msk @!p1 $0xffff, v1  }
0x56b: {  	v1 =	vld @!p1 [tilespmem:$0x84A8];
	_ =	sdelay $0x4  }
0x56c: {  	[tilespmem:s1+$0x8508] =	vst.add.f32.msk @!p1 $0xffff, v1  }
0x56d: {  	v1 =	vld @!p1 [tilespmem:$0x84B8];
	_ =	sdelay $0x4  }
0x56e: {  	[tilespmem:s1+$0x8518] =	vst.add.f32.msk @!p1 $0xffff, v1  }
0x56f: {  	s0 =	sshra.s32 s0, $0x2;
	[tilespmem:s3+$0x84D8] =	vst.msk $0x1, v0  }
0x570: {  	v0 =	vld [tilespmem:s0+$0x84F8];
	_ =	sdelay $0x1  }
0x571: {  	s31 =	smul.u32 $0xC0, s3;
	_ =	sdelay $0x1  }
0x572: {  	s1 =	sshra.s32 s31, $0x2  }
0x573: {  	[tilespmem:s1+$0x84F8] =	vst v0  }
0x574: {  	v0 =	vld [tilespmem:s0+$0x8508];
	_ =	sdelay $0x4  }
0x575: {  	[tilespmem:s1+$0x8508] =	vst v0  }
0x576: {  	v0 =	vld [tilespmem:s0+$0x8518];
	_ =	sdelay $0x4  }
0x577: {  	s3 =	sadd.s32 $0x1, s3;
	[tilespmem:s1+$0x8518] =	vst v0  }
.LBB2_37:
0x578: {  	s11 =	sadd.s32 $0x1, s11  }
0x579: {  	p1 =	sne.s32 s11, $0x20  }
.Ltmp25:
0x57a: {  	_ = 	snop;
	(pc) =	sbr.rel @!p1 .LBB2_38-.Ltmp25, $1  }
0x57b: {  	_ =	sdelay $0x3  }
.LBB2_30:
0x57c: {  	v0 =	vld.msk [tilespmem:s11+$0x84D8], $0x1;
	_ =	sdelay $0x4  }
0x57d: {  	(v2sf) =	vpush v0, $0x0;
	_ =	sdelay $0xe  }
0x57e: {  	s12 =	spop (v2sf)  }
0x57f: {  	p1 =	seq.s32 s12, $0xFFFFFFFF  }
.Ltmp26:
0x580: {  	_ = 	snop;
	(pc) =	sbr.rel @p1 .LBB2_37-.Ltmp26, $1  }
0x581: {  	_ =	sdelay $0x3  }
0x582: {  	p1 =	slt.s32 s3, $0x1  }
.Ltmp27:
0x583: {  	_ = 	snop;
	(pc) =	sbr.rel @p1 .LBB2_36-.Ltmp27, $1  }
0x584: {  	_ =	sdelay $0x3  }
0x585: {  	s0 =	simm.s32 $0x84D8;
	p1 =	por $0x0, $0x0  }
0x586: {  	v1 =	vld.msk @!p1 [tilespmem:s0+$0x0], $0x1;
	_ =	sdelay $0x4  }
0x587: {  	(v2sf) =	vpush @!p1 v1, $0x0;
	_ =	sdelay $0xd  }
0x588: {  	p3 =	sne.s32 s3, $0x1  }
.Ltmp28:
0x589: {  	s1 =	spop @!p1 (v2sf);
	(pc) =	sbr.rel @!p3 .LBB2_34-.Ltmp28, $4  }
0x58a: {  	p2 =	seq.s32 @!p1 s12, s1  }
0x58b: {  	s13 =	simm.s32 $0x0;
	p2 =	por !p2, p1  }
0x58c: {  	s2 =	simm.s32 $0xFFFFFFFF;
	s13 =	simm.s32 @p2 $0xFFFFFFFF  }
0x58d: {  	s1 =	simm.s32 $0x1;
	s13 =	smov.u32 @p1 s2  }
.LBB2_33:
0x58e: {  	s2 =	smov.u32 s13;
	p1 =	sne.s32 s13, $0xFFFFFFFF  }
0x58f: {  	s0 =	sadd.s32 $0x1, s0;
	s13 =	smov.u32 s1;
	s1 =	sadd.s32 $0x1, s1  }
0x590: {  	p2 =	sne.s32 s3, s1;
	v1 =	vld.msk @!p1 [tilespmem:s0+$0x0], $0x1;
	_ =	sdelay $0x4  }
0x591: {  	(v2sf) =	vpush @!p1 v1, $0x0;
	_ =	sdelay $0xe  }
.Ltmp29:
0x592: {  	s6 =	spop @!p1 (v2sf);
	(pc) =	sbr.rel @p2 .LBB2_33-.Ltmp29, $4  }
0x593: {  	p3 =	seq.s32 @!p1 s12, s6  }
0x594: {  	p3 =	por !p3, p1  }
0x595: {  	s13 =	simm.s32 @p3 $0xFFFFFFFF  }
0x596: {  	s13 =	smov.u32 @p1 s2  }
.LBB2_34:
0x597: {  	p1 =	seq.s32 s13, $0xFFFFFFFF  }
.Ltmp30:
0x598: {  	_ = 	snop;
	(pc) =	sbr.rel @p1 .LBB2_36-.Ltmp30, $1  }
0x599: {  	_ =	sdelay $0x3  }
0x59a: {  	s0 =	smul.u32 $0xC0, s11;
	_ =	sdelay $0x1  }
0x59b: {  	s0 =	sshra.s32 s0, $0x2  }
0x59c: {  	v0 =	vld [tilespmem:s0+$0x84F8];
	_ =	sdelay $0x1  }
0x59d: {  	s1 =	smul.u32 $0xC0, s13;
	_ =	sdelay $0x1  }
0x59e: {  	s1 =	sshra.s32 s1, $0x2  }
0x59f: {  	[tilespmem:s1+$0x84F8] =	vst.add.f32.msk $0xffff, v0  }
0x5a0: {  	v0 =	vld [tilespmem:s0+$0x8508];
	_ =	sdelay $0x4  }
0x5a1: {  	[tilespmem:s1+$0x8508] =	vst.add.f32.msk $0xffff, v0  }
0x5a2: {  	v0 =	vld [tilespmem:s0+$0x8518]  }
.Ltmp31:
0x5a3: {  	_ = 	snop;
	(pc) =	sbr.rel .LBB2_37-.Ltmp31, $2  }
0x5a4: {  	_ =	sdelay $0x2  }
0x5a5: {  	[tilespmem:s1+$0x8518] =	vst.add.f32.msk $0xffff, v0  }
.LBB2_38:
0x5a6: {  	s0 =	simm.s32 $0x6;
	p1 =	seq.s32 s3, $0x0  }
0x5a7: {  	[sflag:s0] =	ssyncpa.u1 $0x1;
	v0 =	vimm.s32 @p1 $0xFFFFFFFF  }
0x5a8: {  	s9 =	sadd.s32 $0xFFFFFFFF, s3;
	[tilespmem:$0x8AF8] =	vst @p1 v0  }
0x5a9: {  	v0 =	vld.msk @!p1 [tilespmem:s9+$0x84D8], $0x1;
	_ =	sdelay $0x1  }
0x5aa: {  	v1 =	vld.msk @!p1 [tilespmem:$0x84D8], $0x1;
	_ =	sdelay $0x2  }
0x5ab: {  	p2 =	seq.s32 @!p1 s9, $0x0;
	v0 =	vbroadcast @!p1 v0, $0x0  }
0x5ac: {  	vm0 =	vmmov @!p1 $0x1;
	p3 =	por !p2, p1  }
0x5ad: {  	p2 =	sne.s32 @!p1 s8, s4;
	v1 =	vnsel @!p1 vm0, $0xFFFFFFFF, v1;
	vm0 =	vcmask @!p1 $0x308;
	v0 =	vpsel !p3, $0xFFFFFFFF, v0  }
0x5ae: {  	p3 =	por !p2, p1;
	v0 =	vsel @!p1 vm0, v1, v0  }
0x5af: {  	s0 =	simm.s32 @!p1 $0x84F8;
	s1 =	simm.s32 @!p1 $0x0;
	s2 =	smul.u32 @!p3 $0xC0, s9;
	[tilespmem:$0x8AF8] =	vst @!p1 v0  }
0x5b0: {  	[spmem:s1] =	stream.linear.scatter @!p1 [tilespmem:s0], [sflag:$0x1], $0x30, $0x38;
	[tilespmem:$0x1F1E8] =	vst v63  }
0x5b1: {  	s0 =	sshra.s32 @!p3 s2, $0x2  }
0x5b2: {  	s1 =	simm.s32 @!p3 $0x30;
	s0 =	sadd.s32 @!p3 $0x84F8, s0  }
0x5b3: {  	[spmem:s1] =	stream.linear.scatter @!p3 [tilespmem:s0], [sflag:$0x1], $0x30, $0x38;
	[tilespmem:$0x1F1E8] =	vst v63  }
0x5b4: {  	s0 =	simm.s32 @!p3 $0x1  }
0x5b5: {  	_ =	swait.ge @!p3 [sflag:s0], $0x60  }
0x5b6: {  	p1 =	por p2, p1;
	[sflag:s0] =	ssyncset.done @!p3 $0x0  }
0x5b7: {  	[sflag:s0] =	ssyncadd.s32 @!p3 $0xFFFFFFA0;
	s0 =	simm.s32 @!p1 $0x1  }
0x5b8: {  	_ =	swait.ge @!p1 [sflag:s0], $0x30  }
0x5b9: {  	s29 =	simm.s32 $0x8AF8;
	[sflag:s0] =	ssyncset.done @!p1 $0x0  }
0x5ba: {  	s30 =	simm.s32 $0x600;
	s31 =	simm.s32 $0x1;
	[sflag:s0] =	ssyncadd.s32 @!p1 $0xFFFFFFD0  }
0x5bb: {  	[spmem:s30] =	stream.linear.scatter [tilespmem:s29], [sflag:$0x1], $0x10, $0x38;
	[tilespmem:$0x1F1E8] =	vst v63  }
0x5bc: {  	_ =	swait.ge [sflag:s31], $0x10  }
0x5bd: {  	[sflag:s31] =	ssyncset.done $0x0  }
0x5be: {  	p1 =	seq.s32 s15, $0x0;
	s8 =	rddreg [dreg:$0x1];
	[sflag:s31] =	ssyncadd.s32 $0xFFFFFFF0  }
0x5bf: {  	s1 =	sshll.u32 @p1 s8, $0xE;
	s7 =	rddreg [dreg:$0x2]  }
0x5c0: {  	s0 =	sadd.s32 @p1 $0x15C3C, s1;
	s1 =	sshll.u32 @p1 s7, $0x11  }
0x5c1: {  	_ =	sfence.stream.spmem;
	s0 =	sor.u32 @p1 s1, s0  }
0x5c2: {  	[sflag:s0] =	ssyncadd.remote.s32 @p1 $0x1;
	s0 =	simm.s32 @p1 $0x4  }
0x5c3: {  	s2 =	simm.s32 @!p1 $0x3C;
	s1 =	sand.u32 $0xFFFFFFFE, s8;
	_ =	swait.ge @p1 [sflag:s0], $0xE  }
0x5c4: {  	s4 =	simm.s32 @!p1 $0x0;
	s1 =	sadd.s32 @!p1 $0x4, s1;
	[sflag:s0] =	ssyncset.done @p1 $0x0  }
0x5c5: {  	s6 =	simm.s32 @!p1 $0x60;
	[sflag:s0] =	ssyncadd.s32 @p1 $0xFFFFFFF2;
	s0 =	sshll.u32 @!p1 s1, $0x1A  }
0x5c6: {  	s1 =	sshll.u32 @!p1 s1, $0xD;
	s0 =	sor.u32 @!p1 s0, s7;
	_ =	swait.eq @!p1 [sflag:s2], $0x1  }
0x5c7: {  	s1 =	sor.u32 @!p1 $0x1C04, s1;
	s2 =	simm.s32 @!p1 $0x1C03;
	s0 =	sor.u32 @!p1 $0x80004000, s0  }
0x5c8: {  	[spmem:s6], [sflag:s1] =	dma.general @!p1 [spmem:s4], [sflag:s2], length:$0xC, [dreg:$0x0], stride_count:$0x0, ici_dest:s0, dma_misc:DstOpCode:WRITE  }
0x5c9: {  	p2 =	slt.s32 s9, $0x2;
	s4 =	simm.s32 @!p1 $0xC0;
	s6 =	simm.s32 @!p1 $0xC2  }
0x5ca: {  	[spmem:s6], [sflag:s1] =	dma.general @!p1 [spmem:s4], [sflag:s2], length:$0x2, [dreg:$0x0], stride_count:$0x0, ici_dest:s0, dma_misc:DstOpCode:WRITE  }
.Ltmp32:
0x5cb: {  	s0 =	simm.s32 @!p1 $0x3;
	(pc) =	sbr.rel @p2 .LBB2_42-.Ltmp32, $4  }
0x5cc: {  	s1 =	sshll.u32 @!p1 s8, $0xE;
	_ =	swait.ge @!p1 [sflag:s0], $0xE  }
0x5cd: {  	s2 =	sshll.u32 @!p1 s7, $0x11;
	s1 =	sadd.s32 @!p1 $0x11C3C, s1;
	[sflag:s0] =	ssyncset.done @!p1 $0x0  }
0x5ce: {  	[sflag:s0] =	ssyncadd.s32 @!p1 $0xFFFFFFF2;
	s0 =	sor.u32 @!p1 s2, s1  }
0x5cf: {  	[sflag:s0] =	ssyncadd.remote.s32 @!p1 $0xFFFFFFFF;
	s0 =	simm.s32 $0x0  }
0x5d0: {  	s0 =	simm.s32 $0x84D9  }
0x5d1: {  	v0 =	vld.msk [tilespmem:s0+$0x0], $0x1;
	_ =	sdelay $0x4  }
0x5d2: {  	(v2sf) =	vpush v0, $0x0;
	_ =	sdelay $0xc  }
0x5d3: {  	s1 =	sadd.s32 $0xFFFFFFFE, s3  }
0x5d4: {  	s1 =	sadd.s32 $0xFFFFFFFF, s1  }
0x5d5: {  	p2 =	sne.s32 s1, $0x0;
	s2 =	spop (v2sf)  }
.Ltmp33:
0x5d6: {  	p1 =	sgt.u32 s2, $0xC34FA;
	(pc) =	sbr.rel @!p2 .LBB2_41-.Ltmp33, $4  }
0x5d7: {  	s4 =	simm.s32 $0x0;
	s3 =	sand.u32 @!p1 $0xFFFF8, s2  }
0x5d8: {  	s0 =	simm.s32 $0x8528;
	s2 =	sand.u32 @!p1 $0x7, s2;
	s3 =	sadd.s32 @!p1 s5, s3  }
0x5d9: {  	[hbm4b:s3+s2] =	stream.linear.scatter @!p1 [tilespmem:s0], [sflag:$0x5], $0x30, $0x38;
	[tilespmem:$0x1F1E8] =	vst v63  }
0x5da: {  	s4 =	simm.s32 @!p1 $0xC0;
	s2 =	simm.s32 $0x0;
	s3 =	simm.s32 $0x84DA  }
.LBB2_40:
0x5db: {  	v0 =	vld.msk [tilespmem:s3+$0x0], $0x1;
	s1 =	sadd.s32 $0xFFFFFFFF, s1;
	s2 =	sadd.s32 s2, s4  }
0x5dc: {  	p1 =	sne.s32 s1, $0x0;
	_ =	sdelay $0x3  }
0x5dd: {  	(v2sf) =	vpush v0, $0x0;
	_ =	sdelay $0xe  }
.Ltmp34:
0x5de: {  	s6 =	spop (v2sf);
	(pc) =	sbr.rel @p1 .LBB2_40-.Ltmp34, $4  }
0x5df: {  	s4 =	simm.s32 $0x0;
	p2 =	sgt.u32 s6, $0xC34FA  }
0x5e0: {  	s0 =	sadd.s32 $0x30, s0;
	s4 =	simm.s32 @!p2 $0xC0;
	s7 =	sand.u32 @!p2 $0xFFFF8, s6  }
0x5e1: {  	s3 =	sadd.s32 $0x1, s3;
	s6 =	sand.u32 @!p2 $0x7, s6;
	s7 =	sadd.s32 @!p2 s5, s7  }
0x5e2: {  	[hbm4b:s7+s6] =	stream.linear.scatter @!p2 [tilespmem:s0], [sflag:$0x5], $0x30, $0x38;
	[tilespmem:$0x1F1E8] =	vst v63  }
.LBB2_41:
0x5e3: {  	s0 =	sadd.s32 s2, s4  }
0x5e4: {  	s0 =	sshrl.u32 s0, $0x2  }
.LBB2_42:
0x5e5: {  	s1 =	simm.s32 $0x5  }
0x5e6: {  	_ =	swait.ge [sflag:s1], s0  }
0x5e7: {  	s31 =	ssub.s32 $0x0, s0;
	[sflag:s1] =	ssyncset.done $0x0  }
0x5e8: {  	[sflag:s1] =	ssyncadd.s32 s31  }
0x5e9: {  	[sflag:s1] =	ssyncpa.u1 $0x1  }
.LBB2_43:
0x5ea: {  	s0 =	sor.u32 s15, s14  }
0x5eb: {  	p1 =	sne.s32 s0, $0x0  }
.Ltmp35:
0x5ec: {  	_ = 	snop;
	(pc) =	sbr.rel @p1 .LBB2_58-.Ltmp35, $3  }
0x5ed: {  	_ =	sdelay $0x1  }
0x5ee: {  	[bflag:$0x0] =	sbarrier.arrive $0xFFFF  }
0x5ef: {  	_ =	sfence  }
0x5f0: {  	s0 =	simm.s32 $0x7  }
0x5f1: {  	s1 =	simm.s32 $0x600;
	s2 =	simm.s32 $0x84D8;
	[sflag:s0] =	ssyncpa.u1 $0x0  }
0x5f2: {  	[tilespmem:s2], [sflag:$0x7] =	stream.linear.gather [spmem:s1], $0x20, $0x38;
	[tilespmem:$0x1F1E8] =	vst v63  }
0x5f3: {  	s30 =	simm.s32 $0x84F8;
	s1 =	simm.s32 $0x0  }
0x5f4: {  	[tilespmem:s30], [sflag:$0x7] =	stream.linear.gather [spmem:s1], $0x600, $0x38;
	[tilespmem:$0x1F1E8] =	vst v63  }
.Ltmp36:
0x5f5: {  	_ = 	snop;
	(pc) =	sbr.rel .LBB2_45-.Ltmp36, $4  }
0x5f6: {  	_ =	swait.ge [sflag:s0], $0x620  }
0x5f7: {  	[sflag:s0] =	ssyncset.done $0x0  }
0x5f8: {  	s31 =	simm.s32 $0x8;
	[sflag:s0] =	ssyncadd.s32 $0xFFFFF9E0  }
0x5f9: {  	s2 =	simm.s32 $0x0;
	[sflag:s31] =	ssyncpa.u1 $0x0  }
.LBB2_51:
0x5fa: {  	p1 =	slt.u32 s0, $0xC34FB  }
0x5fb: {  	s3 =	sand.u32 @p1 $0xFFFF8, s0  }
0x5fc: {  	s0 =	sand.u32 @p1 $0x7, s0;
	s4 =	simm.s32 @p1 $0x8498;
	s3 =	sadd.s32 @p1 s5, s3  }
0x5fd: {  	[tilespmem:s4], [sflag:$0x8] =	stream.linear.gather @p1 [hbm4b:s3+s0], $0x30, $0x38;
	[tilespmem:$0x1F1E8] =	vst v63  }
0x5fe: {  	s0 =	simm.s32 @p1 $0x8  }
0x5ff: {  	_ =	swait.ge @p1 [sflag:s0], $0x30  }
0x600: {  	[sflag:s0] =	ssyncset.done @p1 $0x0  }
0x601: {  	[sflag:s0] =	ssyncadd.s32 @p1 $0xFFFFFFD0  }
0x602: {  	v1 =	vld @p1 [tilespmem:$0x8498];
	_ =	sdelay $0x1  }
0x603: {  	s0 =	smul.u32 @p1 $0xC0, s2;
	_ =	sdelay $0x1  }
0x604: {  	s3 =	sshra.s32 @p1 s0, $0x2  }
0x605: {  	[tilespmem:s3+$0x84F8] =	vst.add.f32.msk @p1 $0xffff, v1  }
0x606: {  	v1 =	vld @p1 [tilespmem:$0x84A8];
	_ =	sdelay $0x4  }
0x607: {  	[tilespmem:s3+$0x8508] =	vst.add.f32.msk @p1 $0xffff, v1  }
0x608: {  	v1 =	vld @p1 [tilespmem:$0x84B8];
	_ =	sdelay $0x2  }
0x609: {  	s4 =	smul.u32 @!p1 $0xC0, s2;
	_ =	sdelay $0x1  }
0x60a: {  	s4 =	smov.u32 @p1 s0;
	[tilespmem:s3+$0x8518] =	vst.add.f32.msk @p1 $0xffff, v1  }
0x60b: {  	s0 =	sshra.s32 s4, $0x2;
	[tilespmem:s1+$0x84D8] =	vst.msk $0x1, v0  }
0x60c: {  	v0 =	vld [tilespmem:s0+$0x84F8];
	_ =	sdelay $0x1  }
0x60d: {  	s31 =	smul.u32 $0xC0, s1;
	_ =	sdelay $0x1  }
0x60e: {  	s3 =	sshra.s32 s31, $0x2  }
0x60f: {  	[tilespmem:s3+$0x84F8] =	vst v0  }
0x610: {  	v0 =	vld [tilespmem:s0+$0x8508];
	_ =	sdelay $0x4  }
0x611: {  	[tilespmem:s3+$0x8508] =	vst v0  }
0x612: {  	v0 =	vld [tilespmem:s0+$0x8518];
	_ =	sdelay $0x4  }
0x613: {  	s1 =	sadd.s32 $0x1, s1;
	[tilespmem:s3+$0x8518] =	vst v0  }
.LBB2_52:
0x614: {  	s2 =	sadd.s32 $0x1, s2  }
0x615: {  	p1 =	sne.s32 s2, $0x20  }
.Ltmp37:
0x616: {  	_ = 	snop;
	(pc) =	sbr.rel @!p1 .LBB2_53-.Ltmp37, $1  }
0x617: {  	_ =	sdelay $0x3  }
.LBB2_45:
0x618: {  	v0 =	vld.msk [tilespmem:s2+$0x84D8], $0x1;
	_ =	sdelay $0x4  }
0x619: {  	(v2sf) =	vpush v0, $0x0;
	_ =	sdelay $0xe  }
0x61a: {  	s0 =	spop (v2sf)  }
0x61b: {  	p1 =	seq.s32 s0, $0xFFFFFFFF  }
.Ltmp38:
0x61c: {  	_ = 	snop;
	(pc) =	sbr.rel @p1 .LBB2_52-.Ltmp38, $1  }
0x61d: {  	_ =	sdelay $0x3  }
0x61e: {  	p1 =	slt.s32 s1, $0x1  }
.Ltmp39:
0x61f: {  	_ = 	snop;
	(pc) =	sbr.rel @p1 .LBB2_51-.Ltmp39, $1  }
0x620: {  	_ =	sdelay $0x3  }
0x621: {  	s3 =	simm.s32 $0x84D8;
	p1 =	por $0x0, $0x0  }
0x622: {  	v1 =	vld.msk @!p1 [tilespmem:s3+$0x0], $0x1;
	_ =	sdelay $0x4  }
0x623: {  	(v2sf) =	vpush @!p1 v1, $0x0;
	_ =	sdelay $0xd  }
0x624: {  	p3 =	sne.s32 s1, $0x1  }
.Ltmp40:
0x625: {  	s4 =	spop @!p1 (v2sf);
	(pc) =	sbr.rel @!p3 .LBB2_49-.Ltmp40, $4  }
0x626: {  	p2 =	seq.s32 @!p1 s0, s4  }
0x627: {  	s4 =	simm.s32 $0x0;
	p2 =	por !p2, p1  }
0x628: {  	s7 =	simm.s32 $0xFFFFFFFF;
	s4 =	simm.s32 @p2 $0xFFFFFFFF  }
0x629: {  	s6 =	simm.s32 $0x1;
	s4 =	smov.u32 @p1 s7  }
.LBB2_48:
0x62a: {  	s7 =	smov.u32 s4;
	p1 =	sne.s32 s4, $0xFFFFFFFF  }
0x62b: {  	s3 =	sadd.s32 $0x1, s3;
	s4 =	smov.u32 s6;
	s6 =	sadd.s32 $0x1, s6  }
0x62c: {  	p2 =	sne.s32 s1, s6;
	v1 =	vld.msk @!p1 [tilespmem:s3+$0x0], $0x1;
	_ =	sdelay $0x4  }
0x62d: {  	(v2sf) =	vpush @!p1 v1, $0x0;
	_ =	sdelay $0xe  }
.Ltmp41:
0x62e: {  	s8 =	spop @!p1 (v2sf);
	(pc) =	sbr.rel @p2 .LBB2_48-.Ltmp41, $4  }
0x62f: {  	p3 =	seq.s32 @!p1 s0, s8  }
0x630: {  	p3 =	por !p3, p1  }
0x631: {  	s4 =	simm.s32 @p3 $0xFFFFFFFF  }
0x632: {  	s4 =	smov.u32 @p1 s7  }
.LBB2_49:
0x633: {  	p1 =	seq.s32 s4, $0xFFFFFFFF  }
.Ltmp42:
0x634: {  	_ = 	snop;
	(pc) =	sbr.rel @p1 .LBB2_51-.Ltmp42, $1  }
0x635: {  	_ =	sdelay $0x3  }
0x636: {  	s0 =	smul.u32 $0xC0, s2;
	_ =	sdelay $0x1  }
0x637: {  	s0 =	sshra.s32 s0, $0x2  }
0x638: {  	v0 =	vld [tilespmem:s0+$0x84F8];
	_ =	sdelay $0x1  }
0x639: {  	s3 =	smul.u32 $0xC0, s4;
	_ =	sdelay $0x1  }
0x63a: {  	s3 =	sshra.s32 s3, $0x2  }
0x63b: {  	[tilespmem:s3+$0x84F8] =	vst.add.f32.msk $0xffff, v0  }
0x63c: {  	v0 =	vld [tilespmem:s0+$0x8508];
	_ =	sdelay $0x4  }
0x63d: {  	[tilespmem:s3+$0x8508] =	vst.add.f32.msk $0xffff, v0  }
0x63e: {  	v0 =	vld [tilespmem:s0+$0x8518]  }
.Ltmp43:
0x63f: {  	_ = 	snop;
	(pc) =	sbr.rel .LBB2_52-.Ltmp43, $2  }
0x640: {  	_ =	sdelay $0x2  }
0x641: {  	[tilespmem:s3+$0x8518] =	vst.add.f32.msk $0xffff, v0  }
.LBB2_53:
0x642: {  	p1 =	slt.s32 s1, $0x1  }
.Ltmp44:
0x643: {  	_ = 	snop;
	(pc) =	sbr.rel @p1 .LBB2_57-.Ltmp44, $3  }
0x644: {  	_ =	sdelay $0x1  }
0x645: {  	s0 =	simm.s32 $0x8  }
0x646: {  	[sflag:s0] =	ssyncpa.u1 $0x1;
	s0 =	simm.s32 $0x0  }
0x647: {  	s2 =	simm.s32 $0x84D8  }
0x648: {  	v0 =	vld.msk [tilespmem:s2+$0x0], $0x1;
	_ =	sdelay $0x4  }
0x649: {  	(v2sf) =	vpush v0, $0x0;
	_ =	sdelay $0xe  }
0x64a: {  	s1 =	sadd.s32 $0xFFFFFFFF, s1;
	s3 =	spop (v2sf)  }
0x64b: {  	p2 =	sne.s32 s1, $0x0;
	p1 =	sgt.u32 s3, $0xC34FA  }
.Ltmp45:
0x64c: {  	s4 =	sand.u32 @!p1 $0xFFFF8, s3;
	(pc) =	sbr.rel @!p2 .LBB2_56-.Ltmp45, $4  }
0x64d: {  	s2 =	simm.s32 $0x84F8;
	s3 =	sand.u32 @!p1 $0x7, s3;
	s4 =	sadd.s32 @!p1 s5, s4  }
0x64e: {  	[hbm4b:s4+s3] =	stream.linear.scatter @!p1 [tilespmem:s2], [sflag:$0x7], $0x30, $0x38;
	[tilespmem:$0x1F1E8] =	vst v63  }
0x64f: {  	s4 =	simm.s32 $0x0  }
0x650: {  	s3 =	simm.s32 $0x84D9;
	s4 =	simm.s32 @!p1 $0xC0  }
.LBB2_55:
0x651: {  	v0 =	vld.msk [tilespmem:s3+$0x0], $0x1;
	s1 =	sadd.s32 $0xFFFFFFFF, s1;
	s0 =	sadd.s32 s0, s4  }
0x652: {  	p1 =	sne.s32 s1, $0x0;
	_ =	sdelay $0x3  }
0x653: {  	(v2sf) =	vpush v0, $0x0;
	_ =	sdelay $0xe  }
.Ltmp46:
0x654: {  	s6 =	spop (v2sf);
	(pc) =	sbr.rel @p1 .LBB2_55-.Ltmp46, $4  }
0x655: {  	s4 =	simm.s32 $0x0;
	p2 =	sgt.u32 s6, $0xC34FA  }
0x656: {  	s2 =	sadd.s32 $0x30, s2;
	s4 =	simm.s32 @!p2 $0xC0;
	s7 =	sand.u32 @!p2 $0xFFFF8, s6  }
0x657: {  	s3 =	sadd.s32 $0x1, s3;
	s6 =	sand.u32 @!p2 $0x7, s6;
	s7 =	sadd.s32 @!p2 s5, s7  }
0x658: {  	[hbm4b:s7+s6] =	stream.linear.scatter @!p2 [tilespmem:s2], [sflag:$0x7], $0x30, $0x38;
	[tilespmem:$0x1F1E8] =	vst v63  }
.LBB2_56:
0x659: {  	s0 =	sadd.s32 s0, s4  }
0x65a: {  	s0 =	sshrl.u32 s0, $0x2  }
.LBB2_57:
0x65b: {  	s1 =	simm.s32 $0x7  }
0x65c: {  	_ =	swait.ge [sflag:s1], s0  }
0x65d: {  	s31 =	ssub.s32 $0x0, s0;
	[sflag:s1] =	ssyncset.done $0x0  }
0x65e: {  	[sflag:s1] =	ssyncadd.s32 s31  }
0x65f: {  	[sflag:s1] =	ssyncpa.u1 $0x1  }
.LBB2_58:
0x660: {  	_ =	sfence;
	s0 =	simm.s32 $0x1  }
0x661: {  	[sflag:s0] =	ssyncpa.u1 $0x1  }
0x662: {  	_ =	strace $0x90000050  }
0x663: {  	[bflag:$0x2] =	sbarrier.arrive $0xFFFF  }
0x664: {  	s0 =	rddreg [dreg:$0x3]  }
0x665: {  	s0 =	sadd.s32 @!p0 $0x100000, s0  }
0x666: {  	[sflag:s0] =	ssyncadd.tile.s32 @!p0 $0x1;
	_ =	shalt  }
.Lfunc_end2:
_tile_overlayer_lowered:
.L_overlay_start_2:
0x667: {  	(tag) =	ssettag $0x2  }
0x668: {  	s0 =	rddreg [dreg:$0x0];
	s2 =	stileid.u32  }
0x669: {  	s1 =	rddreg [dreg:$0x1];
	p0 =	sne.s32 s2, $0x0  }
0x66a: {  	s3 =	rddreg [dreg:$0x2];
	[bflag:$0x3] =	sbarrier.arrive $0xFFFF;
	s2 =	simm.s32 @!p0 $0x1C01  }
0x66b: {  	[timem:s3], [sflag:s2] =	dma.local @!p0 [hbm:s0], s1  }
0x66c: {  	s0 =	simm.s32 @!p0 $0x1  }
0x66d: {  	_ =	swait.ge @!p0 [sflag:s0], s1  }
0x66e: {  	s1 =	ssub.s32 @!p0 $0x0, s1;
	[sflag:s0] =	ssyncset.done @!p0 $0x0  }
0x66f: {  	[sflag:s0] =	ssyncadd.s32 @!p0 s1  }
0x670: {  	[bflag:$0x3] =	sbarrier.arrive $0xFFFF  }
0x671: {  	_ =	shalt  }

</sc_bundles>
